<compile_context>
chip_gen: v7x
topology: tpu7x:2x2x1
jax: 0.10.2.dev20260603
libtpu: 0.0.44.dev20260713+nightly
codegen_flags: <defaults>
</compile_context>

<pallas_src>
import functools

import jax
import jax.numpy as jnp
from jax import lax
from jax.experimental import pallas as pl
from jax.experimental.pallas import tpu as pltpu
from jax.experimental.pallas import tpu_sc as plsc

N = 10000
D_FEAT = 256
EMBED = 128
K = 32
M = N * K + N
M_PAD = 331776

NPAD = 10240
KNN_B = 200
MLP_B = 2048
OUT_B = 4096

N_WORKERS = 32
CPW = M_PAD // N_WORKERS
CHUNK = 64
N_CHUNKS = CPW // CHUNK



NCH = 128
CSZ = NPAD // NCH
TOPC = 8


def _knn_body(pos_ref, posall_ref, idx_ref):
    blk = pl.program_id(0)
    B = KNN_B
    rpx = pos_ref[:, 0:1][:, :, None]
    rpy = pos_ref[:, 1:2][:, :, None]
    cpx = posall_ref[0:1, :].reshape(1, CSZ, NCH)
    cpy = posall_ref[1:2, :].reshape(1, CSZ, NCH)
    rsq = rpx * rpx + rpy * rpy
    csq = cpx * cpx + cpy * cpy
    bpx = rpx.astype(jnp.bfloat16).astype(jnp.float32)
    bpy = rpy.astype(jnp.bfloat16).astype(jnp.float32)
    bcx = cpx.astype(jnp.bfloat16).astype(jnp.float32)
    bcy = cpy.astype(jnp.bfloat16).astype(jnp.float32)
    d2 = rsq + csq - 2.0 * (bpx * bcx + bpy * bcy)
    gcol = (lax.broadcasted_iota(jnp.int32, (B, CSZ, NCH), 2)
            + NCH * lax.broadcasted_iota(jnp.int32, (B, CSZ, NCH), 1))
    rowid = lax.broadcasted_iota(jnp.int32, (B, CSZ, NCH), 0) + blk * B
    d2 = jnp.where(gcol == rowid, 1e30, d2)

    miota = lax.broadcasted_iota(jnp.int32, (B, TOPC, NCH), 1)

    def phase_a(j, carry):
        d2c, cv, ci = carry
        m = jnp.min(d2c, axis=1)
        am = jnp.min(jnp.where(d2c <= m[:, None, :], gcol, NPAD), axis=1)
        d2c = jnp.where(gcol == am[:, None, :], 1e30, d2c)
        cv = jnp.where(miota == j, m[:, None, :], cv)
        ci = jnp.where(miota == j, am[:, None, :], ci)
        return d2c, cv, ci

    _, cv, ci = lax.fori_loop(
        0, TOPC, phase_a,
        (d2, jnp.full((B, TOPC, NCH), 1e30, jnp.float32),
         jnp.full((B, TOPC, NCH), NPAD, jnp.int32)))

    kid = lax.broadcasted_iota(jnp.int32, (B, K), 1)

    def phase_b(j, carry):
        cvv, acc = carry
        m = jnp.min(cvv, axis=(1, 2))
        sel = cvv <= m[:, None, None]
        am = jnp.min(jnp.where(sel, ci, NPAD), axis=(1, 2))
        acc = jnp.where(kid == j, am[:, None], acc)
        cvv = jnp.where(ci == am[:, None, None], 1e30, cvv)
        return cvv, acc

    _, idx = lax.fori_loop(0, K, phase_b,
                           (cv, jnp.zeros((B, K), jnp.int32)))
    idx_ref[...] = idx


def _knn(pos8, posall):
    return pl.pallas_call(
        _knn_body,
        grid=(N // KNN_B,),
        in_specs=[
            pl.BlockSpec((KNN_B, 8), lambda i: (i, 0)),
            pl.BlockSpec((8, NPAD), lambda i: (0, 0)),
        ],
        out_specs=pl.BlockSpec((KNN_B, K), lambda i: (i, 0)),
        out_shape=jax.ShapeDtypeStruct((N, K), jnp.int32),
    )(pos8, posall)



def _norm_body(x_ref, o_ref):
    ssq = jnp.sum(x_ref[...] * x_ref[...], axis=1, keepdims=True)
    inv = 1.0 / jnp.maximum(jnp.sqrt(ssq), 1e-8)
    o_ref[...] = jnp.broadcast_to(inv, o_ref.shape)


def _norms(x):
    return pl.pallas_call(
        _norm_body,
        grid=(N // KNN_B,),
        in_specs=[pl.BlockSpec((KNN_B, D_FEAT), lambda i: (i, 0))],
        out_specs=pl.BlockSpec((KNN_B, 8), lambda i: (i, 0)),
        out_shape=jax.ShapeDtypeStruct((N, 8), jnp.float32),
    )(x)



def _sc_edge_body(x_hbm, cols_hbm, src_hbm, tgt_hbm, out_hbm,
                  sidx, tidx, xs, xt, colv, ob, sem, sem2):
    wid = lax.axis_index("s") * 2 + lax.axis_index("c")
    base0 = wid * CPW
    lane = lax.iota(jnp.int32, 16)

    for c in range(9):
        pltpu.sync_copy(cols_hbm[c], colv[c])

    def chunk_body(ch, carry):
        base = base0 + ch * CHUNK
        pltpu.sync_copy(src_hbm.at[pl.ds(base, CHUNK)], sidx)
        pltpu.sync_copy(tgt_hbm.at[pl.ds(base, CHUNK)], tidx)
        cp1 = pltpu.async_copy(x_hbm.at[sidx], xs, sem)
        cp2 = pltpu.async_copy(x_hbm.at[tidx], xt, sem2)
        cp1.wait()
        cp2.wait()

        def grp(g, carry2):
            rows = g * 16 + lane
            si = sidx[pl.ds(g * 16, 16)]
            ti = tidx[pl.ds(g * 16, 16)]

            def scol(c):
                return plsc.load_gather(colv[c], [si])

            def tcol(c):
                return plsc.load_gather(colv[c], [ti])

            s0, s1, s2, s3 = scol(0), scol(1), scol(2), scol(3)
            s4, s5, s6, s7, s8 = scol(4), scol(5), scol(6), scol(7), scol(8)
            t0, t1, t2, t3 = tcol(0), tcol(1), tcol(2), tcol(3)
            t4, t5, t6, t7, t8 = tcol(4), tcol(5), tcol(6), tcol(7), tcol(8)

            wsum = s5 + t5
            f1 = 2.0 * (s6 - t6) / wsum
            f2 = 2.0 * (s7 - t7) / wsum
            r3 = s5 / t5
            r4 = s4 / t4
            ix1 = jnp.maximum(s0, t0)
            iy1 = jnp.maximum(s1, t1)
            ix2 = jnp.minimum(s2, t2)
            iy2 = jnp.minimum(s3, t3)
            inter = jnp.maximum(ix2 - ix1, 0.0) * jnp.maximum(iy2 - iy1, 0.0)
            sa = s4 * s5
            ta = t4 * t5
            union = sa + ta - inter
            invu = 1.0 / (union + 1e-8)
            ixc = (ix1 + ix2) * 0.5
            iyc = (iy1 + iy2) * 0.5
            uxc = (s6 * sa + t6 * ta) * invu
            uyc = (s7 * sa + t7 * ta) * invu
            dist2 = (ixc - uxc) * (ixc - uxc) + (iyc - uyc) * (iyc - uyc)
            f5 = 1.0 - (inter * invu - dist2 * invu)

            dots = jnp.zeros((16,), jnp.float32)
            for e in range(16):
                row = g * 16 + e
                acc = jnp.zeros((16,), jnp.float32)
                for kk in range(D_FEAT // 16):
                    a = xs[row, pl.ds(kk * 16, 16)]
                    b = xt[row, pl.ds(kk * 16, 16)]
                    acc = acc + a * b
                d = jnp.sum(acc)
                dots = jnp.where(lane == e, d, dots)
            f6 = 1.0 - dots * s8 * t8

            obase = rows * 8
            plsc.store_scatter(ob, [obase + 0], f1)
            plsc.store_scatter(ob, [obase + 1], f2)
            plsc.store_scatter(ob, [obase + 2], r3)
            plsc.store_scatter(ob, [obase + 3], r4)
            plsc.store_scatter(ob, [obase + 4], f5)
            plsc.store_scatter(ob, [obase + 5], f6)
            zero = jnp.zeros((16,), jnp.float32)
            plsc.store_scatter(ob, [obase + 6], zero)
            plsc.store_scatter(ob, [obase + 7], zero)
            return carry2

        lax.fori_loop(0, CHUNK // 16, grp, 0)
        pltpu.sync_copy(ob, out_hbm.at[pl.ds(base * 8, CHUNK * 8)])
        return carry

    lax.fori_loop(0, N_CHUNKS, chunk_body, 0)


def _sc_edge_features(x, info_cols, src, tgt):
    mesh = plsc.VectorSubcoreMesh(core_axis_name="c", subcore_axis_name="s")
    kern = functools.partial(
        pl.kernel,
        mesh=mesh,
        compiler_params=pltpu.CompilerParams(needs_layout_passes=False),
        out_type=jax.ShapeDtypeStruct((M_PAD * 8,), jnp.float32),
        scratch_types=[
            pltpu.VMEM((CHUNK,), jnp.int32),
            pltpu.VMEM((CHUNK,), jnp.int32),
            pltpu.VMEM((CHUNK, D_FEAT), jnp.float32),
            pltpu.VMEM((CHUNK, D_FEAT), jnp.float32),
            [pltpu.VMEM((N,), jnp.float32) for _ in range(9)],
            pltpu.VMEM((CHUNK * 8,), jnp.float32),
            pltpu.SemaphoreType.DMA,
            pltpu.SemaphoreType.DMA,
        ],
    )(_sc_edge_body)
    return kern(x, info_cols, src, tgt)



def _logt(r):
    ci = lax.broadcasted_iota(jnp.int32, r.shape, 1)
    sel = (ci == 2) | (ci == 3)
    lg = jnp.log(jnp.where(sel, jnp.maximum(r, 1e-30), 1.0))
    return jnp.where(sel, lg, r)


def _stats1_body(raw_ref, a_ref, b1_ref, st_ref):
    blk = pl.program_id(0)
    h = jnp.dot(_logt(raw_ref[...]), a_ref[...],
                preferred_element_type=jnp.float32) + b1_ref[0:1, :]
    rowid = lax.broadcasted_iota(jnp.int32, h.shape, 0) + blk * MLP_B
    hm = jnp.where(rowid < M, h, 0.0)
    s = jnp.sum(hm, axis=0, keepdims=True)
    q = jnp.sum(hm * hm, axis=0, keepdims=True)

    @pl.when(blk == 0)
    def _():
        st_ref[...] = jnp.zeros_like(st_ref)

    st_ref[0:1, :] += s
    st_ref[1:2, :] += q


def _stats1(raw, a, b1r):
    return pl.pallas_call(
        _stats1_body,
        grid=(M_PAD // MLP_B,),
        in_specs=[
            pl.BlockSpec((MLP_B, 8), lambda i: (i, 0)),
            pl.BlockSpec((8, EMBED), lambda i: (0, 0)),
            pl.BlockSpec((8, EMBED), lambda i: (0, 0)),
        ],
        out_specs=pl.BlockSpec((8, EMBED), lambda i: (0, 0)),
        out_shape=jax.ShapeDtypeStruct((8, EMBED), jnp.float32),
    )(raw, a, b1r)


def _pass2_body(raw_ref, a1_ref, c1_ref, w2_ref, b2_ref, h2_ref, st_ref):
    blk = pl.program_id(0)
    z = jnp.maximum(
        jnp.dot(_logt(raw_ref[...]), a1_ref[...],
                preferred_element_type=jnp.float32) + c1_ref[0:1, :], 0.0)
    h2 = jnp.dot(z, w2_ref[...], preferred_element_type=jnp.float32) + b2_ref[0:1, :]
    h2_ref[...] = h2
    rowid = lax.broadcasted_iota(jnp.int32, h2.shape, 0) + blk * MLP_B
    hm = jnp.where(rowid < M, h2, 0.0)
    s = jnp.sum(hm, axis=0, keepdims=True)
    q = jnp.sum(hm * hm, axis=0, keepdims=True)

    @pl.when(blk == 0)
    def _():
        st_ref[...] = jnp.zeros_like(st_ref)

    st_ref[0:1, :] += s
    st_ref[1:2, :] += q


def _pass2(raw, a1f, c1r, w2t, b2r):
    return pl.pallas_call(
        _pass2_body,
        grid=(M_PAD // MLP_B,),
        in_specs=[
            pl.BlockSpec((MLP_B, 8), lambda i: (i, 0)),
            pl.BlockSpec((8, EMBED), lambda i: (0, 0)),
            pl.BlockSpec((8, EMBED), lambda i: (0, 0)),
            pl.BlockSpec((EMBED, EMBED), lambda i: (0, 0)),
            pl.BlockSpec((8, EMBED), lambda i: (0, 0)),
        ],
        out_specs=[
            pl.BlockSpec((MLP_B, EMBED), lambda i: (i, 0)),
            pl.BlockSpec((8, EMBED), lambda i: (0, 0)),
        ],
        out_shape=[
            jax.ShapeDtypeStruct((M_PAD, EMBED), jnp.float32),
            jax.ShapeDtypeStruct((8, EMBED), jnp.float32),
        ],
    )(raw, a1f, c1r, w2t, b2r)


def _pass3_body(h2_ref, p_ref, o_ref):
    o_ref[...] = jnp.maximum(h2_ref[...] * p_ref[0:1, :] + p_ref[1:2, :], 0.0)


def _pass3(h2, p):
    return pl.pallas_call(
        _pass3_body,
        grid=(M_PAD // OUT_B,),
        in_specs=[
            pl.BlockSpec((OUT_B, EMBED), lambda i: (i, 0)),
            pl.BlockSpec((8, EMBED), lambda i: (0, 0)),
        ],
        out_specs=pl.BlockSpec((OUT_B, EMBED), lambda i: (i, 0)),
        out_shape=jax.ShapeDtypeStruct((M_PAD, EMBED), jnp.float32),
    )(h2, p)



@jax.jit
def _run(x, location_info, W1, b1, g1, be1, W2, b2, g2, be2):
    pos = location_info[:, -2:]
    pos8 = jnp.pad(pos, ((0, 0), (0, 6)))
    posall = jnp.full((8, NPAD), 1e6, jnp.float32)
    posall = posall.at[0, :N].set(pos[:, 0])
    posall = posall.at[1, :N].set(pos[:, 1])

    idx = _knn(pos8, posall)
    invn = _norms(x)

    ar = jnp.arange(N, dtype=jnp.int32)
    src = jnp.concatenate([idx.reshape(-1), ar,
                           jnp.zeros((M_PAD - M,), jnp.int32)])
    tgt = jnp.concatenate([jnp.repeat(ar, K), ar,
                           jnp.zeros((M_PAD - M,), jnp.int32)])
    info_cols = [location_info[:, c] for c in range(8)] + [invn[:, 0]]

    raw = _sc_edge_features(x, info_cols, src, tgt).reshape(M_PAD, 8)

    W1p = jnp.pad(W1, ((0, 0), (0, 2)))
    b1r = jnp.broadcast_to(b1[None, :], (8, EMBED))
    st1 = _stats1(raw, W1p.T, b1r)
    mu1 = st1[0] / M
    var1 = st1[1] / M - mu1 * mu1
    sc1 = g1 / jnp.sqrt(var1 + 1e-5)
    a1f = (W1p * sc1[:, None]).T
    c1 = (b1 - mu1) * sc1 + be1
    c1r = jnp.broadcast_to(c1[None, :], (8, EMBED))
    b2r = jnp.broadcast_to(b2[None, :], (8, EMBED))

    h2, st2 = _pass2(raw, a1f, c1r, W2.T, b2r)
    mu2 = st2[0] / M
    var2 = st2[1] / M - mu2 * mu2
    sc2 = g2 / jnp.sqrt(var2 + 1e-5)
    sh2 = be2 - mu2 * sc2
    p = jnp.concatenate([sc2[None, :], sh2[None, :],
                         jnp.zeros((6, EMBED), jnp.float32)], axis=0)

    out = _pass3(h2, p)
    return out[:M]


def kernel(x, location_info, k, W1, b1, g1, be1, W2, b2, g2, be2):
    return _run(x, location_info, W1, b1, g1, be1, W2, b2, g2, be2)

# --- scband reference (transcript-rebuilt; emitter-appended) ---
"""Pipeline reference for scband-edge-encoder-68745246540468 (READ-ONLY COPY).

The authoritative reference and input builder live on the scoring server;
editing this copy changes nothing except your own understanding.
"""

import jax, jax.numpy as jnp
import numpy as np

N = 10000
D_FEAT = 256
EMBED = 128
K = 32


def knn_edges(pos, k):
    # Euclidean kNN, self-loops appended, directed (source_to_target)
    n = pos.shape[0]
    sq = jnp.sum(pos * pos, axis=1)
    d2 = sq[:, None] + sq[None, :] - 2.0 * (pos @ pos.T)
    d2 = d2.at[jnp.arange(n), jnp.arange(n)].set(jnp.inf)
    _, idx = jax.lax.top_k(-d2, K)  # [n, k] nearest sources per target
    idx = idx + (k - K) * 0
    tgt = jnp.repeat(jnp.arange(n), K)
    src = idx.reshape(-1)
    ar = jnp.arange(n)
    edge_index = jnp.concatenate([jnp.stack([src, tgt]), jnp.stack([ar, ar])], axis=1)
    return edge_index


def _cos_sim(a, b, eps=1e-8):
    na = jnp.maximum(jnp.linalg.norm(a, axis=1), eps)
    nb = jnp.maximum(jnp.linalg.norm(b, axis=1), eps)
    return jnp.sum(a * b, axis=1) / (na * nb)


def _diou(s, t):
    inter_x1 = jnp.maximum(s[:, 0], t[:, 0])
    inter_y1 = jnp.maximum(s[:, 1], t[:, 1])
    inter_x2 = jnp.minimum(s[:, 2], t[:, 2])
    inter_y2 = jnp.minimum(s[:, 3], t[:, 3])
    inter_area = jnp.clip(inter_x2 - inter_x1, 0, None) * jnp.clip(inter_y2 - inter_y1, 0, None)
    sa = s[:, 4] * s[:, 5]
    ta = t[:, 4] * t[:, 5]
    union = sa + ta - inter_area
    ixc = (inter_x1 + inter_x2) / 2
    iyc = (inter_y1 + inter_y2) / 2
    uxc = (s[:, 6] * sa + t[:, 6] * ta) / (union + 1e-8)
    uyc = (s[:, 7] * sa + t[:, 7] * ta) / (union + 1e-8)
    dist = jnp.sqrt((ixc - uxc) ** 2 + (iyc - uyc) ** 2)
    return inter_area / (union + 1e-8) - dist ** 2 / (union + 1e-8)


def compute_edge_attr(x, info, edge_index):
    si, ti = edge_index[0], edge_index[1]
    sx, tx = x[si], x[ti]
    s, t = info[si], info[ti]
    f1 = 2 * (s[:, -2] - t[:, -2]) / (s[:, -3] + t[:, -3])
    f2 = 2 * (s[:, -1] - t[:, -1]) / (s[:, -3] + t[:, -3])
    f3 = jnp.log(s[:, -3] / t[:, -3])
    f4 = jnp.log(s[:, -4] / t[:, -4])
    f5 = 1 - _diou(s, t)
    f6 = 1 - _cos_sim(sx, tx)
    return jnp.stack([f1, f2, f3, f4, f5, f6], axis=1)


def _bn(h, g, b, eps=1e-5):
    mu = jnp.mean(h, axis=0)
    var = jnp.var(h, axis=0)
    return (h - mu) / jnp.sqrt(var + eps) * g + b


def setup_inputs(seed: int = 0) -> dict:
    key = jax.random.key(seed)
    ks = jax.random.split(key, 6)
    x = jax.random.normal(ks[0], (N, D_FEAT), dtype=jnp.float32)
    location_info = jax.random.uniform(ks[1], (N, 8), dtype=jnp.float32, minval=0.05, maxval=1.0)
    W1 = jax.random.normal(ks[2], (EMBED, 6), dtype=jnp.float32) * np.sqrt(2.0 / 6.0)
    b1 = jnp.zeros((EMBED,), jnp.float32)
    g1 = jnp.ones((EMBED,), jnp.float32)
    be1 = jnp.zeros((EMBED,), jnp.float32)
    W2 = jax.random.normal(ks[3], (EMBED, EMBED), dtype=jnp.float32) * np.sqrt(2.0 / EMBED)
    b2 = jnp.zeros((EMBED,), jnp.float32)
    g2 = jnp.ones((EMBED,), jnp.float32)
    be2 = jnp.zeros((EMBED,), jnp.float32)
    return {"x": x, "location_info": location_info, "k": K,
            "W1": W1, "b1": b1, "g1": g1, "be1": be1,
            "W2": W2, "b2": b2, "g2": g2, "be2": be2}


def reference(x, location_info, k, W1, b1, g1, be1, W2, b2, g2, be2):
    edge_index = knn_edges(location_info[:, -2:], k)
    raw = compute_edge_attr(x, location_info, edge_index)
    h = raw @ W1.T + b1
    h = jax.nn.relu(_bn(h, g1, be1))
    h = h @ W2.T + b2
    h = jax.nn.relu(_bn(h, g2, be2))
    return h

if __name__ == "__main__":
    import jax
    _d = setup_inputs()
    print(jax.jit(kernel)(*tuple(_d.values())))

</pallas_src>

<mosaic_0001>
#map = affine_map<(d0, d1) -> (0, 0)>
#map1 = affine_map<(d0, d1) -> (0)>
module attributes {stable_mosaic.version = 14 : i64} {
  func.func @_sc_edge_body(%arg0: i32, %arg1: i32, %arg2: memref<10000x256xf32, #tpu.memory_space<hbm>>, %arg3: memref<10000xf32, #tpu.memory_space<hbm>>, %arg4: memref<10000xf32, #tpu.memory_space<hbm>>, %arg5: memref<10000xf32, #tpu.memory_space<hbm>>, %arg6: memref<10000xf32, #tpu.memory_space<hbm>>, %arg7: memref<10000xf32, #tpu.memory_space<hbm>>, %arg8: memref<10000xf32, #tpu.memory_space<hbm>>, %arg9: memref<10000xf32, #tpu.memory_space<hbm>>, %arg10: memref<10000xf32, #tpu.memory_space<hbm>>, %arg11: memref<10000xf32, #tpu.memory_space<hbm>>, %arg12: memref<331776xi32, #tpu.memory_space<hbm>>, %arg13: memref<331776xi32, #tpu.memory_space<hbm>>, %arg14: memref<2654208xf32, #tpu.memory_space<hbm>>, %arg15: memref<64xi32, #tpu.memory_space<vmem>>, %arg16: memref<64xi32, #tpu.memory_space<vmem>>, %arg17: memref<64x256xf32, #tpu.memory_space<vmem>>, %arg18: memref<64x256xf32, #tpu.memory_space<vmem>>, %arg19: memref<10000xf32, #tpu.memory_space<vmem>>, %arg20: memref<10000xf32, #tpu.memory_space<vmem>>, %arg21: memref<10000xf32, #tpu.memory_space<vmem>>, %arg22: memref<10000xf32, #tpu.memory_space<vmem>>, %arg23: memref<10000xf32, #tpu.memory_space<vmem>>, %arg24: memref<10000xf32, #tpu.memory_space<vmem>>, %arg25: memref<10000xf32, #tpu.memory_space<vmem>>, %arg26: memref<10000xf32, #tpu.memory_space<vmem>>, %arg27: memref<10000xf32, #tpu.memory_space<vmem>>, %arg28: memref<512xf32, #tpu.memory_space<vmem>>, %arg29: memref<!tpu.dma_semaphore, #tpu.memory_space<semaphore_mem>>, %arg30: memref<!tpu.dma_semaphore, #tpu.memory_space<semaphore_mem>>) attributes {dimension_semantics = [#tpu.dimension_semantics<core_parallel>, #tpu.dimension_semantics<subcore_parallel>], iteration_bounds = array<i64: 2, 16>, scalar_prefetch = 0 : i64, scratch_operands = 16 : i64, tpu.core_type = #tpu.core_type<sc_vector_subcore>, window_params = [{transform_indices = #map}, {transform_indices = #map1}, {transform_indices = #map1}, {transform_indices = #map1}, {transform_indices = #map1}, {transform_indices = #map1}, {transform_indices = #map1}, {transform_indices = #map1}, {transform_indices = #map1}, {transform_indices = #map1}, {transform_indices = #map1}, {transform_indices = #map1}, {transform_indices = #map1}]} {
    %mul3A = arith.constant 2 : i32
    %mul3A_0 = arith.muli %arg1, %mul3A : i32
    %add3A = arith.addi %mul3A_0, %arg0 : i32
    %mul3A_1 = arith.constant 10368 : i32
    %mul3A_2 = arith.muli %add3A, %mul3A_1 : i32
    %iota3A = tpu.iota {dimensions = array<i32: 0>} : vector<16xi32>
    "tpu.region"() ({
      %run_scoped3A = tpu.sem_alloc : memref<!tpu.dma_semaphore, #tpu.memory_space<semaphore_mem>>
      tpu.enqueue_dma source(%arg3 : memref<10000xf32, #tpu.memory_space<hbm>>) target(%arg19 : memref<10000xf32, #tpu.memory_space<vmem>>) target_semaphore(%run_scoped3A : memref<!tpu.dma_semaphore, #tpu.memory_space<semaphore_mem>>)
      tpu.wait_dma2 semaphore(%run_scoped3A : memref<!tpu.dma_semaphore, #tpu.memory_space<semaphore_mem>>) src(%arg3 : memref<10000xf32, #tpu.memory_space<hbm>>) dst(%arg19 : memref<10000xf32, #tpu.memory_space<vmem>>)
      tpu.yield
    }) : () -> ()
    "tpu.region"() ({
      %run_scoped3A = tpu.sem_alloc : memref<!tpu.dma_semaphore, #tpu.memory_space<semaphore_mem>>
      tpu.enqueue_dma source(%arg4 : memref<10000xf32, #tpu.memory_space<hbm>>) target(%arg20 : memref<10000xf32, #tpu.memory_space<vmem>>) target_semaphore(%run_scoped3A : memref<!tpu.dma_semaphore, #tpu.memory_space<semaphore_mem>>)
      tpu.wait_dma2 semaphore(%run_scoped3A : memref<!tpu.dma_semaphore, #tpu.memory_space<semaphore_mem>>) src(%arg4 : memref<10000xf32, #tpu.memory_space<hbm>>) dst(%arg20 : memref<10000xf32, #tpu.memory_space<vmem>>)
      tpu.yield
    }) : () -> ()
    "tpu.region"() ({
      %run_scoped3A = tpu.sem_alloc : memref<!tpu.dma_semaphore, #tpu.memory_space<semaphore_mem>>
      tpu.enqueue_dma source(%arg5 : memref<10000xf32, #tpu.memory_space<hbm>>) target(%arg21 : memref<10000xf32, #tpu.memory_space<vmem>>) target_semaphore(%run_scoped3A : memref<!tpu.dma_semaphore, #tpu.memory_space<semaphore_mem>>)
      tpu.wait_dma2 semaphore(%run_scoped3A : memref<!tpu.dma_semaphore, #tpu.memory_space<semaphore_mem>>) src(%arg5 : memref<10000xf32, #tpu.memory_space<hbm>>) dst(%arg21 : memref<10000xf32, #tpu.memory_space<vmem>>)
      tpu.yield
    }) : () -> ()
    "tpu.region"() ({
      %run_scoped3A = tpu.sem_alloc : memref<!tpu.dma_semaphore, #tpu.memory_space<semaphore_mem>>
      tpu.enqueue_dma source(%arg6 : memref<10000xf32, #tpu.memory_space<hbm>>) target(%arg22 : memref<10000xf32, #tpu.memory_space<vmem>>) target_semaphore(%run_scoped3A : memref<!tpu.dma_semaphore, #tpu.memory_space<semaphore_mem>>)
      tpu.wait_dma2 semaphore(%run_scoped3A : memref<!tpu.dma_semaphore, #tpu.memory_space<semaphore_mem>>) src(%arg6 : memref<10000xf32, #tpu.memory_space<hbm>>) dst(%arg22 : memref<10000xf32, #tpu.memory_space<vmem>>)
      tpu.yield
    }) : () -> ()
    "tpu.region"() ({
      %run_scoped3A = tpu.sem_alloc : memref<!tpu.dma_semaphore, #tpu.memory_space<semaphore_mem>>
      tpu.enqueue_dma source(%arg7 : memref<10000xf32, #tpu.memory_space<hbm>>) target(%arg23 : memref<10000xf32, #tpu.memory_space<vmem>>) target_semaphore(%run_scoped3A : memref<!tpu.dma_semaphore, #tpu.memory_space<semaphore_mem>>)
      tpu.wait_dma2 semaphore(%run_scoped3A : memref<!tpu.dma_semaphore, #tpu.memory_space<semaphore_mem>>) src(%arg7 : memref<10000xf32, #tpu.memory_space<hbm>>) dst(%arg23 : memref<10000xf32, #tpu.memory_space<vmem>>)
      tpu.yield
    }) : () -> ()
    "tpu.region"() ({
      %run_scoped3A = tpu.sem_alloc : memref<!tpu.dma_semaphore, #tpu.memory_space<semaphore_mem>>
      tpu.enqueue_dma source(%arg8 : memref<10000xf32, #tpu.memory_space<hbm>>) target(%arg24 : memref<10000xf32, #tpu.memory_space<vmem>>) target_semaphore(%run_scoped3A : memref<!tpu.dma_semaphore, #tpu.memory_space<semaphore_mem>>)
      tpu.wait_dma2 semaphore(%run_scoped3A : memref<!tpu.dma_semaphore, #tpu.memory_space<semaphore_mem>>) src(%arg8 : memref<10000xf32, #tpu.memory_space<hbm>>) dst(%arg24 : memref<10000xf32, #tpu.memory_space<vmem>>)
      tpu.yield
    }) : () -> ()
    "tpu.region"() ({
      %run_scoped3A = tpu.sem_alloc : memref<!tpu.dma_semaphore, #tpu.memory_space<semaphore_mem>>
      tpu.enqueue_dma source(%arg9 : memref<10000xf32, #tpu.memory_space<hbm>>) target(%arg25 : memref<10000xf32, #tpu.memory_space<vmem>>) target_semaphore(%run_scoped3A : memref<!tpu.dma_semaphore, #tpu.memory_space<semaphore_mem>>)
      tpu.wait_dma2 semaphore(%run_scoped3A : memref<!tpu.dma_semaphore, #tpu.memory_space<semaphore_mem>>) src(%arg9 : memref<10000xf32, #tpu.memory_space<hbm>>) dst(%arg25 : memref<10000xf32, #tpu.memory_space<vmem>>)
      tpu.yield
    }) : () -> ()
    "tpu.region"() ({
      %run_scoped3A = tpu.sem_alloc : memref<!tpu.dma_semaphore, #tpu.memory_space<semaphore_mem>>
      tpu.enqueue_dma source(%arg10 : memref<10000xf32, #tpu.memory_space<hbm>>) target(%arg26 : memref<10000xf32, #tpu.memory_space<vmem>>) target_semaphore(%run_scoped3A : memref<!tpu.dma_semaphore, #tpu.memory_space<semaphore_mem>>)
      tpu.wait_dma2 semaphore(%run_scoped3A : memref<!tpu.dma_semaphore, #tpu.memory_space<semaphore_mem>>) src(%arg10 : memref<10000xf32, #tpu.memory_space<hbm>>) dst(%arg26 : memref<10000xf32, #tpu.memory_space<vmem>>)
      tpu.yield
    }) : () -> ()
    "tpu.region"() ({
      %run_scoped3A = tpu.sem_alloc : memref<!tpu.dma_semaphore, #tpu.memory_space<semaphore_mem>>
      tpu.enqueue_dma source(%arg11 : memref<10000xf32, #tpu.memory_space<hbm>>) target(%arg27 : memref<10000xf32, #tpu.memory_space<vmem>>) target_semaphore(%run_scoped3A : memref<!tpu.dma_semaphore, #tpu.memory_space<semaphore_mem>>)
      tpu.wait_dma2 semaphore(%run_scoped3A : memref<!tpu.dma_semaphore, #tpu.memory_space<semaphore_mem>>) src(%arg11 : memref<10000xf32, #tpu.memory_space<hbm>>) dst(%arg27 : memref<10000xf32, #tpu.memory_space<vmem>>)
      tpu.yield
    }) : () -> ()
    %scan3A = arith.constant 0 : i32
    %scan3A_3 = arith.constant 0 : i32
    %scan3A_4 = arith.constant 162 : i32
    %scan3A_5 = arith.addi %scan3A_3, %scan3A_4 : i32
    %scan3A_6 = arith.constant 1 : i32
    scf.for %scan3A_8 = %scan3A_3 to %scan3A_5 step %scan3A_6  : i32 {
      %mul3A_9 = arith.constant 64 : i32
      %mul3A_10 = arith.muli %scan3A_8, %mul3A_9 : i32
      %add3A_11 = arith.addi %mul3A_2, %mul3A_10 : i32
      "tpu.region"() ({
        %run_scoped3A = tpu.sem_alloc : memref<!tpu.dma_semaphore, #tpu.memory_space<semaphore_mem>>
        %dma_start3A_30 = tpu.memref_slice %arg12[%add3A_11] : memref<331776xi32, #tpu.memory_space<hbm>> -> memref<64xi32, #tpu.memory_space<hbm>>
        %dma_start3A_31 = tpu.memref_slice %arg12[%add3A_11] : memref<331776xi32, #tpu.memory_space<hbm>> -> memref<64xi32, #tpu.memory_space<hbm>>
        tpu.enqueue_dma source(%dma_start3A_31 : memref<64xi32, #tpu.memory_space<hbm>>) target(%arg15 : memref<64xi32, #tpu.memory_space<vmem>>) target_semaphore(%run_scoped3A : memref<!tpu.dma_semaphore, #tpu.memory_space<semaphore_mem>>)
        %dma_wait3A_32 = tpu.memref_slice %arg12[%add3A_11] : memref<331776xi32, #tpu.memory_space<hbm>> -> memref<64xi32, #tpu.memory_space<hbm>>
        %dma_wait3A_33 = tpu.memref_slice %arg12[%add3A_11] : memref<331776xi32, #tpu.memory_space<hbm>> -> memref<64xi32, #tpu.memory_space<hbm>>
        tpu.wait_dma2 semaphore(%run_scoped3A : memref<!tpu.dma_semaphore, #tpu.memory_space<semaphore_mem>>) src(%dma_wait3A_33 : memref<64xi32, #tpu.memory_space<hbm>>) dst(%arg15 : memref<64xi32, #tpu.memory_space<vmem>>)
        tpu.yield
      }) : () -> ()
      "tpu.region"() ({
        %run_scoped3A = tpu.sem_alloc : memref<!tpu.dma_semaphore, #tpu.memory_space<semaphore_mem>>
        %dma_start3A_30 = tpu.memref_slice %arg13[%add3A_11] : memref<331776xi32, #tpu.memory_space<hbm>> -> memref<64xi32, #tpu.memory_space<hbm>>
        %dma_start3A_31 = tpu.memref_slice %arg13[%add3A_11] : memref<331776xi32, #tpu.memory_space<hbm>> -> memref<64xi32, #tpu.memory_space<hbm>>
        tpu.enqueue_dma source(%dma_start3A_31 : memref<64xi32, #tpu.memory_space<hbm>>) target(%arg16 : memref<64xi32, #tpu.memory_space<vmem>>) target_semaphore(%run_scoped3A : memref<!tpu.dma_semaphore, #tpu.memory_space<semaphore_mem>>)
        %dma_wait3A_32 = tpu.memref_slice %arg13[%add3A_11] : memref<331776xi32, #tpu.memory_space<hbm>> -> memref<64xi32, #tpu.memory_space<hbm>>
        %dma_wait3A_33 = tpu.memref_slice %arg13[%add3A_11] : memref<331776xi32, #tpu.memory_space<hbm>> -> memref<64xi32, #tpu.memory_space<hbm>>
        tpu.wait_dma2 semaphore(%run_scoped3A : memref<!tpu.dma_semaphore, #tpu.memory_space<semaphore_mem>>) src(%dma_wait3A_33 : memref<64xi32, #tpu.memory_space<hbm>>) dst(%arg16 : memref<64xi32, #tpu.memory_space<vmem>>)
        tpu.yield
      }) : () -> ()
      %dma_start3A = arith.constant 0 : i32
      %dma_start3A_12 = arith.constant 0 : i32
      %dma_start3A_13 = tpu.memref_slice %arg2[%dma_start3A, %dma_start3A_12] : memref<10000x256xf32, #tpu.memory_space<hbm>> -> memref<10000x256xf32, #tpu.memory_space<hbm>>
      tpu.enqueue_indirect_dma source(%dma_start3A_13 : memref<10000x256xf32, #tpu.memory_space<hbm>>) target(%arg17 : memref<64x256xf32, #tpu.memory_space<vmem>>) offsets(%arg15 : memref<64xi32, #tpu.memory_space<vmem>>) semaphore(%arg29 : memref<!tpu.dma_semaphore, #tpu.memory_space<semaphore_mem>>)
      %dma_start3A_14 = arith.constant 0 : i32
      %dma_start3A_15 = arith.constant 0 : i32
      %dma_start3A_16 = tpu.memref_slice %arg2[%dma_start3A_14, %dma_start3A_15] : memref<10000x256xf32, #tpu.memory_space<hbm>> -> memref<10000x256xf32, #tpu.memory_space<hbm>>
      tpu.enqueue_indirect_dma source(%dma_start3A_16 : memref<10000x256xf32, #tpu.memory_space<hbm>>) target(%arg18 : memref<64x256xf32, #tpu.memory_space<vmem>>) offsets(%arg16 : memref<64xi32, #tpu.memory_space<vmem>>) semaphore(%arg30 : memref<!tpu.dma_semaphore, #tpu.memory_space<semaphore_mem>>)
      %dma_wait3A = arith.constant 0 : i32
      %dma_wait3A_17 = arith.constant 0 : i32
      %dma_wait3A_18 = tpu.memref_slice %arg2[%dma_wait3A, %dma_wait3A_17] : memref<10000x256xf32, #tpu.memory_space<hbm>> -> memref<10000x256xf32, #tpu.memory_space<hbm>>
      tpu.wait_indirect_dma semaphore(%arg29 : memref<!tpu.dma_semaphore, #tpu.memory_space<semaphore_mem>>) src(%dma_wait3A_18 : memref<10000x256xf32, #tpu.memory_space<hbm>>) dst(%arg17 : memref<64x256xf32, #tpu.memory_space<vmem>>)
      %dma_wait3A_19 = arith.constant 0 : i32
      %dma_wait3A_20 = arith.constant 0 : i32
      %dma_wait3A_21 = tpu.memref_slice %arg2[%dma_wait3A_19, %dma_wait3A_20] : memref<10000x256xf32, #tpu.memory_space<hbm>> -> memref<10000x256xf32, #tpu.memory_space<hbm>>
      tpu.wait_indirect_dma semaphore(%arg30 : memref<!tpu.dma_semaphore, #tpu.memory_space<semaphore_mem>>) src(%dma_wait3A_21 : memref<10000x256xf32, #tpu.memory_space<hbm>>) dst(%arg18 : memref<64x256xf32, #tpu.memory_space<vmem>>)
      %scan3A_22 = arith.constant 0 : i32
      %scan3A_23 = arith.constant 0 : i32
      %scan3A_24 = arith.constant 4 : i32
      %scan3A_25 = arith.addi %scan3A_23, %scan3A_24 : i32
      %scan3A_26 = arith.constant 1 : i32
      scf.for %scan3A_30 = %scan3A_23 to %scan3A_25 step %scan3A_26  : i32 {
        %mul3A_31 = arith.constant 16 : i32
        %mul3A_32 = arith.muli %scan3A_30, %mul3A_31 : i32
        %add3A_33 = vector.broadcast %mul3A_32 : i32 to vector<16xi32>
        %add3A_34 = arith.addi %add3A_33, %iota3A : vector<16xi32>
        %mul3A_35 = arith.constant 16 : i32
        %mul3A_36 = arith.muli %scan3A_30, %mul3A_35 : i32
        %get3A = arith.index_cast %mul3A_36 : i32 to index
        %get3A_37 = tpu.vector_load %arg15[%get3A] {strides = array<i32>} : memref<64xi32, #tpu.memory_space<vmem>>, vector<16xi32>,
        %mul3A_38 = arith.constant 16 : i32
        %mul3A_39 = arith.muli %scan3A_30, %mul3A_38 : i32
        %get3A_40 = arith.index_cast %mul3A_39 : i32 to index
        %get3A_41 = tpu.vector_load %arg16[%get3A_40] {strides = array<i32>} : memref<64xi32, #tpu.memory_space<vmem>>, vector<16xi32>,
        %gather3A = tpu.vector_load_idx %arg19[%get3A_37] : memref<10000xf32, #tpu.memory_space<vmem>>[vector<16xi32>], vector<16xf32>,
        %gather3A_42 = tpu.vector_load_idx %arg20[%get3A_37] : memref<10000xf32, #tpu.memory_space<vmem>>[vector<16xi32>], vector<16xf32>,
        %gather3A_43 = tpu.vector_load_idx %arg21[%get3A_37] : memref<10000xf32, #tpu.memory_space<vmem>>[vector<16xi32>], vector<16xf32>,
        %gather3A_44 = tpu.vector_load_idx %arg22[%get3A_37] : memref<10000xf32, #tpu.memory_space<vmem>>[vector<16xi32>], vector<16xf32>,
        %gather3A_45 = tpu.vector_load_idx %arg23[%get3A_37] : memref<10000xf32, #tpu.memory_space<vmem>>[vector<16xi32>], vector<16xf32>,
        %gather3A_46 = tpu.vector_load_idx %arg24[%get3A_37] : memref<10000xf32, #tpu.memory_space<vmem>>[vector<16xi32>], vector<16xf32>,
        %gather3A_47 = tpu.vector_load_idx %arg25[%get3A_37] : memref<10000xf32, #tpu.memory_space<vmem>>[vector<16xi32>], vector<16xf32>,
        %gather3A_48 = tpu.vector_load_idx %arg26[%get3A_37] : memref<10000xf32, #tpu.memory_space<vmem>>[vector<16xi32>], vector<16xf32>,
        %gather3A_49 = tpu.vector_load_idx %arg27[%get3A_37] : memref<10000xf32, #tpu.memory_space<vmem>>[vector<16xi32>], vector<16xf32>,
        %gather3A_50 = tpu.vector_load_idx %arg19[%get3A_41] : memref<10000xf32, #tpu.memory_space<vmem>>[vector<16xi32>], vector<16xf32>,
        %gather3A_51 = tpu.vector_load_idx %arg20[%get3A_41] : memref<10000xf32, #tpu.memory_space<vmem>>[vector<16xi32>], vector<16xf32>,
        %gather3A_52 = tpu.vector_load_idx %arg21[%get3A_41] : memref<10000xf32, #tpu.memory_space<vmem>>[vector<16xi32>], vector<16xf32>,
        %gather3A_53 = tpu.vector_load_idx %arg22[%get3A_41] : memref<10000xf32, #tpu.memory_space<vmem>>[vector<16xi32>], vector<16xf32>,
        %gather3A_54 = tpu.vector_load_idx %arg23[%get3A_41] : memref<10000xf32, #tpu.memory_space<vmem>>[vector<16xi32>], vector<16xf32>,
        %gather3A_55 = tpu.vector_load_idx %arg24[%get3A_41] : memref<10000xf32, #tpu.memory_space<vmem>>[vector<16xi32>], vector<16xf32>,
        %gather3A_56 = tpu.vector_load_idx %arg25[%get3A_41] : memref<10000xf32, #tpu.memory_space<vmem>>[vector<16xi32>], vector<16xf32>,
        %gather3A_57 = tpu.vector_load_idx %arg26[%get3A_41] : memref<10000xf32, #tpu.memory_space<vmem>>[vector<16xi32>], vector<16xf32>,
        %gather3A_58 = tpu.vector_load_idx %arg27[%get3A_41] : memref<10000xf32, #tpu.memory_space<vmem>>[vector<16xi32>], vector<16xf32>,
        %add3A_59 = arith.addf %gather3A_46, %gather3A_55 : vector<16xf32>
        %sub3A = arith.subf %gather3A_47, %gather3A_56 : vector<16xf32>
        %mul3A_60 = arith.constant 2.000000e+00 : f32
        %mul3A_61 = vector.broadcast %mul3A_60 : f32 to vector<16xf32>
        %mul3A_62 = arith.mulf %mul3A_61, %sub3A : vector<16xf32>
        %div3A = arith.divf %mul3A_62, %add3A_59 : vector<16xf32>
        %sub3A_63 = arith.subf %gather3A_48, %gather3A_57 : vector<16xf32>
        %mul3A_64 = arith.constant 2.000000e+00 : f32
        %mul3A_65 = vector.broadcast %mul3A_64 : f32 to vector<16xf32>
        %mul3A_66 = arith.mulf %mul3A_65, %sub3A_63 : vector<16xf32>
        %div3A_67 = arith.divf %mul3A_66, %add3A_59 : vector<16xf32>
        %div3A_68 = arith.divf %gather3A_46, %gather3A_55 : vector<16xf32>
        %div3A_69 = arith.divf %gather3A_45, %gather3A_54 : vector<16xf32>
        %max3A = arith.maximumf %gather3A, %gather3A_50 : vector<16xf32>
        %max3A_70 = arith.maximumf %gather3A_42, %gather3A_51 : vector<16xf32>
        %min3A = arith.minimumf %gather3A_43, %gather3A_52 : vector<16xf32>
        %min3A_71 = arith.minimumf %gather3A_44, %gather3A_53 : vector<16xf32>
        %sub3A_72 = arith.subf %min3A, %max3A : vector<16xf32>
        %max3A_73 = arith.constant 0.000000e+00 : f32
        %max3A_74 = vector.broadcast %max3A_73 : f32 to vector<16xf32>
        %max3A_75 = arith.maximumf %sub3A_72, %max3A_74 : vector<16xf32>
        %sub3A_76 = arith.subf %min3A_71, %max3A_70 : vector<16xf32>
        %max3A_77 = arith.constant 0.000000e+00 : f32
        %max3A_78 = vector.broadcast %max3A_77 : f32 to vector<16xf32>
        %max3A_79 = arith.maximumf %sub3A_76, %max3A_78 : vector<16xf32>
        %mul3A_80 = arith.mulf %max3A_75, %max3A_79 : vector<16xf32>
        %mul3A_81 = arith.mulf %gather3A_45, %gather3A_46 : vector<16xf32>
        %mul3A_82 = arith.mulf %gather3A_54, %gather3A_55 : vector<16xf32>
        %add3A_83 = arith.addf %mul3A_81, %mul3A_82 : vector<16xf32>
        %sub3A_84 = arith.subf %add3A_83, %mul3A_80 : vector<16xf32>
        %add3A_85 = arith.constant 9.99999993E-9 : f32
        %add3A_86 = vector.broadcast %add3A_85 : f32 to vector<16xf32>
        %add3A_87 = arith.addf %sub3A_84, %add3A_86 : vector<16xf32>
        %div3A_88 = arith.constant 1.000000e+00 : f32
        %div3A_89 = vector.broadcast %div3A_88 : f32 to vector<16xf32>
        %div3A_90 = arith.divf %div3A_89, %add3A_87 : vector<16xf32>
        %add3A_91 = arith.addf %max3A, %min3A : vector<16xf32>
        %mul3A_92 = arith.constant 5.000000e-01 : f32
        %mul3A_93 = vector.broadcast %mul3A_92 : f32 to vector<16xf32>
        %mul3A_94 = arith.mulf %add3A_91, %mul3A_93 : vector<16xf32>
        %add3A_95 = arith.addf %max3A_70, %min3A_71 : vector<16xf32>
        %mul3A_96 = arith.constant 5.000000e-01 : f32
        %mul3A_97 = vector.broadcast %mul3A_96 : f32 to vector<16xf32>
        %mul3A_98 = arith.mulf %add3A_95, %mul3A_97 : vector<16xf32>
        %mul3A_99 = arith.mulf %gather3A_47, %mul3A_81 : vector<16xf32>
        %mul3A_100 = arith.mulf %gather3A_56, %mul3A_82 : vector<16xf32>
        %add3A_101 = arith.addf %mul3A_99, %mul3A_100 : vector<16xf32>
        %mul3A_102 = arith.mulf %add3A_101, %div3A_90 : vector<16xf32>
        %mul3A_103 = arith.mulf %gather3A_48, %mul3A_81 : vector<16xf32>
        %mul3A_104 = arith.mulf %gather3A_57, %mul3A_82 : vector<16xf32>
        %add3A_105 = arith.addf %mul3A_103, %mul3A_104 : vector<16xf32>
        %mul3A_106 = arith.mulf %add3A_105, %div3A_90 : vector<16xf32>
        %sub3A_107 = arith.subf %mul3A_94, %mul3A_102 : vector<16xf32>
        %sub3A_108 = arith.subf %mul3A_94, %mul3A_102 : vector<16xf32>
        %mul3A_109 = arith.mulf %sub3A_107, %sub3A_108 : vector<16xf32>
        %sub3A_110 = arith.subf %mul3A_98, %mul3A_106 : vector<16xf32>
        %sub3A_111 = arith.subf %mul3A_98, %mul3A_106 : vector<16xf32>
        %mul3A_112 = arith.mulf %sub3A_110, %sub3A_111 : vector<16xf32>
        %add3A_113 = arith.addf %mul3A_109, %mul3A_112 : vector<16xf32>
        %mul3A_114 = arith.mulf %mul3A_80, %div3A_90 : vector<16xf32>
        %mul3A_115 = arith.mulf %add3A_113, %div3A_90 : vector<16xf32>
        %sub3A_116 = arith.subf %mul3A_114, %mul3A_115 : vector<16xf32>
        %sub3A_117 = arith.constant 1.000000e+00 : f32
        %sub3A_118 = vector.broadcast %sub3A_117 : f32 to vector<16xf32>
        %sub3A_119 = arith.subf %sub3A_118, %sub3A_116 : vector<16xf32>
        %broadcast_in_dim3A = arith.constant 0.000000e+00 : f32
        %broadcast_in_dim3A_120 = vector.broadcast %broadcast_in_dim3A : f32 to vector<16xf32>
        %mul3A_121 = arith.constant 16 : i32
        %mul3A_122 = arith.muli %scan3A_30, %mul3A_121 : i32
        %add3A_123 = arith.constant 0 : i32
        %add3A_124 = arith.addi %mul3A_122, %add3A_123 : i32
        %broadcast_in_dim3A_125 = arith.constant 0.000000e+00 : f32
        %broadcast_in_dim3A_126 = vector.broadcast %broadcast_in_dim3A_125 : f32 to vector<16xf32>
        %get3A_127 = arith.index_cast %add3A_124 : i32 to index
        %get3A_128 = arith.constant 0 : index
        %get3A_129 = tpu.vector_load %arg17[%get3A_127, %get3A_128] {strides = array<i32>} : memref<64x256xf32, #tpu.memory_space<vmem>>, vector<16xf32>,
        %get3A_130 = arith.index_cast %add3A_124 : i32 to index
        %get3A_131 = arith.constant 0 : index
        %get3A_132 = tpu.vector_load %arg18[%get3A_130, %get3A_131] {strides = array<i32>} : memref<64x256xf32, #tpu.memory_space<vmem>>, vector<16xf32>,
        %mul3A_133 = arith.mulf %get3A_129, %get3A_132 : vector<16xf32>
        %add3A_134 = arith.addf %broadcast_in_dim3A_126, %mul3A_133 : vector<16xf32>
        %get3A_135 = arith.index_cast %add3A_124 : i32 to index
        %get3A_136 = arith.constant 16 : index
        %get3A_137 = tpu.vector_load %arg17[%get3A_135, %get3A_136] {strides = array<i32>} : memref<64x256xf32, #tpu.memory_space<vmem>>, vector<16xf32>,
        %get3A_138 = arith.index_cast %add3A_124 : i32 to index
        %get3A_139 = arith.constant 16 : index
        %get3A_140 = tpu.vector_load %arg18[%get3A_138, %get3A_139] {strides = array<i32>} : memref<64x256xf32, #tpu.memory_space<vmem>>, vector<16xf32>,
        %mul3A_141 = arith.mulf %get3A_137, %get3A_140 : vector<16xf32>
        %add3A_142 = arith.addf %add3A_134, %mul3A_141 : vector<16xf32>
        %get3A_143 = arith.index_cast %add3A_124 : i32 to index
        %get3A_144 = arith.constant 32 : index
        %get3A_145 = tpu.vector_load %arg17[%get3A_143, %get3A_144] {strides = array<i32>} : memref<64x256xf32, #tpu.memory_space<vmem>>, vector<16xf32>,
        %get3A_146 = arith.index_cast %add3A_124 : i32 to index
        %get3A_147 = arith.constant 32 : index
        %get3A_148 = tpu.vector_load %arg18[%get3A_146, %get3A_147] {strides = array<i32>} : memref<64x256xf32, #tpu.memory_space<vmem>>, vector<16xf32>,
        %mul3A_149 = arith.mulf %get3A_145, %get3A_148 : vector<16xf32>
        %add3A_150 = arith.addf %add3A_142, %mul3A_149 : vector<16xf32>
        %get3A_151 = arith.index_cast %add3A_124 : i32 to index
        %get3A_152 = arith.constant 48 : index
        %get3A_153 = tpu.vector_load %arg17[%get3A_151, %get3A_152] {strides = array<i32>} : memref<64x256xf32, #tpu.memory_space<vmem>>, vector<16xf32>,
        %get3A_154 = arith.index_cast %add3A_124 : i32 to index
        %get3A_155 = arith.constant 48 : index
        %get3A_156 = tpu.vector_load %arg18[%get3A_154, %get3A_155] {strides = array<i32>} : memref<64x256xf32, #tpu.memory_space<vmem>>, vector<16xf32>,
        %mul3A_157 = arith.mulf %get3A_153, %get3A_156 : vector<16xf32>
        %add3A_158 = arith.addf %add3A_150, %mul3A_157 : vector<16xf32>
        %get3A_159 = arith.index_cast %add3A_124 : i32 to index
        %get3A_160 = arith.constant 64 : index
        %get3A_161 = tpu.vector_load %arg17[%get3A_159, %get3A_160] {strides = array<i32>} : memref<64x256xf32, #tpu.memory_space<vmem>>, vector<16xf32>,
        %get3A_162 = arith.index_cast %add3A_124 : i32 to index
        %get3A_163 = arith.constant 64 : index
        %get3A_164 = tpu.vector_load %arg18[%get3A_162, %get3A_163] {strides = array<i32>} : memref<64x256xf32, #tpu.memory_space<vmem>>, vector<16xf32>,
        %mul3A_165 = arith.mulf %get3A_161, %get3A_164 : vector<16xf32>
        %add3A_166 = arith.addf %add3A_158, %mul3A_165 : vector<16xf32>
        %get3A_167 = arith.index_cast %add3A_124 : i32 to index
        %get3A_168 = arith.constant 80 : index
        %get3A_169 = tpu.vector_load %arg17[%get3A_167, %get3A_168] {strides = array<i32>} : memref<64x256xf32, #tpu.memory_space<vmem>>, vector<16xf32>,
        %get3A_170 = arith.index_cast %add3A_124 : i32 to index
        %get3A_171 = arith.constant 80 : index
        %get3A_172 = tpu.vector_load %arg18[%get3A_170, %get3A_171] {strides = array<i32>} : memref<64x256xf32, #tpu.memory_space<vmem>>, vector<16xf32>,
        %mul3A_173 = arith.mulf %get3A_169, %get3A_172 : vector<16xf32>
        %add3A_174 = arith.addf %add3A_166, %mul3A_173 : vector<16xf32>
        %get3A_175 = arith.index_cast %add3A_124 : i32 to index
        %get3A_176 = arith.constant 96 : index
        %get3A_177 = tpu.vector_load %arg17[%get3A_175, %get3A_176] {strides = array<i32>} : memref<64x256xf32, #tpu.memory_space<vmem>>, vector<16xf32>,
        %get3A_178 = arith.index_cast %add3A_124 : i32 to index
        %get3A_179 = arith.constant 96 : index
        %get3A_180 = tpu.vector_load %arg18[%get3A_178, %get3A_179] {strides = array<i32>} : memref<64x256xf32, #tpu.memory_space<vmem>>, vector<16xf32>,
        %mul3A_181 = arith.mulf %get3A_177, %get3A_180 : vector<16xf32>
        %add3A_182 = arith.addf %add3A_174, %mul3A_181 : vector<16xf32>
        %get3A_183 = arith.index_cast %add3A_124 : i32 to index
        %get3A_184 = arith.constant 112 : index
        %get3A_185 = tpu.vector_load %arg17[%get3A_183, %get3A_184] {strides = array<i32>} : memref<64x256xf32, #tpu.memory_space<vmem>>, vector<16xf32>,
        %get3A_186 = arith.index_cast %add3A_124 : i32 to index
        %get3A_187 = arith.constant 112 : index
        %get3A_188 = tpu.vector_load %arg18[%get3A_186, %get3A_187] {strides = array<i32>} : memref<64x256xf32, #tpu.memory_space<vmem>>, vector<16xf32>,
        %mul3A_189 = arith.mulf %get3A_185, %get3A_188 : vector<16xf32>
        %add3A_190 = arith.addf %add3A_182, %mul3A_189 : vector<16xf32>
        %get3A_191 = arith.index_cast %add3A_124 : i32 to index
        %get3A_192 = arith.constant 128 : index
        %get3A_193 = tpu.vector_load %arg17[%get3A_191, %get3A_192] {strides = array<i32>} : memref<64x256xf32, #tpu.memory_space<vmem>>, vector<16xf32>,
        %get3A_194 = arith.index_cast %add3A_124 : i32 to index
        %get3A_195 = arith.constant 128 : index
        %get3A_196 = tpu.vector_load %arg18[%get3A_194, %get3A_195] {strides = array<i32>} : memref<64x256xf32, #tpu.memory_space<vmem>>, vector<16xf32>,
        %mul3A_197 = arith.mulf %get3A_193, %get3A_196 : vector<16xf32>
        %add3A_198 = arith.addf %add3A_190, %mul3A_197 : vector<16xf32>
        %get3A_199 = arith.index_cast %add3A_124 : i32 to index
        %get3A_200 = arith.constant 144 : index
        %get3A_201 = tpu.vector_load %arg17[%get3A_199, %get3A_200] {strides = array<i32>} : memref<64x256xf32, #tpu.memory_space<vmem>>, vector<16xf32>,
        %get3A_202 = arith.index_cast %add3A_124 : i32 to index
        %get3A_203 = arith.constant 144 : index
        %get3A_204 = tpu.vector_load %arg18[%get3A_202, %get3A_203] {strides = array<i32>} : memref<64x256xf32, #tpu.memory_space<vmem>>, vector<16xf32>,
        %mul3A_205 = arith.mulf %get3A_201, %get3A_204 : vector<16xf32>
        %add3A_206 = arith.addf %add3A_198, %mul3A_205 : vector<16xf32>
        %get3A_207 = arith.index_cast %add3A_124 : i32 to index
        %get3A_208 = arith.constant 160 : index
        %get3A_209 = tpu.vector_load %arg17[%get3A_207, %get3A_208] {strides = array<i32>} : memref<64x256xf32, #tpu.memory_space<vmem>>, vector<16xf32>,
        %get3A_210 = arith.index_cast %add3A_124 : i32 to index
        %get3A_211 = arith.constant 160 : index
        %get3A_212 = tpu.vector_load %arg18[%get3A_210, %get3A_211] {strides = array<i32>} : memref<64x256xf32, #tpu.memory_space<vmem>>, vector<16xf32>,
        %mul3A_213 = arith.mulf %get3A_209, %get3A_212 : vector<16xf32>
        %add3A_214 = arith.addf %add3A_206, %mul3A_213 : vector<16xf32>
        %get3A_215 = arith.index_cast %add3A_124 : i32 to index
        %get3A_216 = arith.constant 176 : index
        %get3A_217 = tpu.vector_load %arg17[%get3A_215, %get3A_216] {strides = array<i32>} : memref<64x256xf32, #tpu.memory_space<vmem>>, vector<16xf32>,
        %get3A_218 = arith.index_cast %add3A_124 : i32 to index
        %get3A_219 = arith.constant 176 : index
        %get3A_220 = tpu.vector_load %arg18[%get3A_218, %get3A_219] {strides = array<i32>} : memref<64x256xf32, #tpu.memory_space<vmem>>, vector<16xf32>,
        %mul3A_221 = arith.mulf %get3A_217, %get3A_220 : vector<16xf32>
        %add3A_222 = arith.addf %add3A_214, %mul3A_221 : vector<16xf32>
        %get3A_223 = arith.index_cast %add3A_124 : i32 to index
        %get3A_224 = arith.constant 192 : index
        %get3A_225 = tpu.vector_load %arg17[%get3A_223, %get3A_224] {strides = array<i32>} : memref<64x256xf32, #tpu.memory_space<vmem>>, vector<16xf32>,
        %get3A_226 = arith.index_cast %add3A_124 : i32 to index
        %get3A_227 = arith.constant 192 : index
        %get3A_228 = tpu.vector_load %arg18[%get3A_226, %get3A_227] {strides = array<i32>} : memref<64x256xf32, #tpu.memory_space<vmem>>, vector<16xf32>,
        %mul3A_229 = arith.mulf %get3A_225, %get3A_228 : vector<16xf32>
        %add3A_230 = arith.addf %add3A_222, %mul3A_229 : vector<16xf32>
        %get3A_231 = arith.index_cast %add3A_124 : i32 to index
        %get3A_232 = arith.constant 208 : index
        %get3A_233 = tpu.vector_load %arg17[%get3A_231, %get3A_232] {strides = array<i32>} : memref<64x256xf32, #tpu.memory_space<vmem>>, vector<16xf32>,
        %get3A_234 = arith.index_cast %add3A_124 : i32 to index
        %get3A_235 = arith.constant 208 : index
        %get3A_236 = tpu.vector_load %arg18[%get3A_234, %get3A_235] {strides = array<i32>} : memref<64x256xf32, #tpu.memory_space<vmem>>, vector<16xf32>,
        %mul3A_237 = arith.mulf %get3A_233, %get3A_236 : vector<16xf32>
        %add3A_238 = arith.addf %add3A_230, %mul3A_237 : vector<16xf32>
        %get3A_239 = arith.index_cast %add3A_124 : i32 to index
        %get3A_240 = arith.constant 224 : index
        %get3A_241 = tpu.vector_load %arg17[%get3A_239, %get3A_240] {strides = array<i32>} : memref<64x256xf32, #tpu.memory_space<vmem>>, vector<16xf32>,
        %get3A_242 = arith.index_cast %add3A_124 : i32 to index
        %get3A_243 = arith.constant 224 : index
        %get3A_244 = tpu.vector_load %arg18[%get3A_242, %get3A_243] {strides = array<i32>} : memref<64x256xf32, #tpu.memory_space<vmem>>, vector<16xf32>,
        %mul3A_245 = arith.mulf %get3A_241, %get3A_244 : vector<16xf32>
        %add3A_246 = arith.addf %add3A_238, %mul3A_245 : vector<16xf32>
        %get3A_247 = arith.index_cast %add3A_124 : i32 to index
        %get3A_248 = arith.constant 240 : index
        %get3A_249 = tpu.vector_load %arg17[%get3A_247, %get3A_248] {strides = array<i32>} : memref<64x256xf32, #tpu.memory_space<vmem>>, vector<16xf32>,
        %get3A_250 = arith.index_cast %add3A_124 : i32 to index
        %get3A_251 = arith.constant 240 : index
        %get3A_252 = tpu.vector_load %arg18[%get3A_250, %get3A_251] {strides = array<i32>} : memref<64x256xf32, #tpu.memory_space<vmem>>, vector<16xf32>,
        %mul3A_253 = arith.mulf %get3A_249, %get3A_252 : vector<16xf32>
        %add3A_254 = arith.addf %add3A_246, %mul3A_253 : vector<16xf32>
        %reduce_sum3A = arith.constant true
        %reduce_sum3A_255 = vector.broadcast %reduce_sum3A : i1 to vector<16xi1>
        %reduce_sum3A_256 = tpu.scan <sum>, %add3A_254 masked %reduce_sum3A_255 : vector<16xf32>, vector<16xi1> -> vector<16xf32>
        %reduce_sum3A_257 = vector.extract %reduce_sum3A_256[15] : f32 from vector<16xf32>
        %eq3A = arith.constant 0 : i32
        %eq3A_258 = vector.broadcast %eq3A : i32 to vector<16xi32>
        %eq3A_259 = arith.cmpi eq, %iota3A, %eq3A_258 : vector<16xi32>
        %broadcast_in_dim3A_260 = vector.broadcast %reduce_sum3A_257 : f32 to vector<16xf32>
        %select_n3A = arith.select %eq3A_259, %broadcast_in_dim3A_260, %broadcast_in_dim3A_120 : vector<16xi1>, vector<16xf32>
        %mul3A_261 = arith.constant 16 : i32
        %mul3A_262 = arith.muli %scan3A_30, %mul3A_261 : i32
        %add3A_263 = arith.constant 1 : i32
        %add3A_264 = arith.addi %mul3A_262, %add3A_263 : i32
        %broadcast_in_dim3A_265 = arith.constant 0.000000e+00 : f32
        %broadcast_in_dim3A_266 = vector.broadcast %broadcast_in_dim3A_265 : f32 to vector<16xf32>
        %get3A_267 = arith.index_cast %add3A_264 : i32 to index
        %get3A_268 = arith.constant 0 : index
        %get3A_269 = tpu.vector_load %arg17[%get3A_267, %get3A_268] {strides = array<i32>} : memref<64x256xf32, #tpu.memory_space<vmem>>, vector<16xf32>,
        %get3A_270 = arith.index_cast %add3A_264 : i32 to index
        %get3A_271 = arith.constant 0 : index
        %get3A_272 = tpu.vector_load %arg18[%get3A_270, %get3A_271] {strides = array<i32>} : memref<64x256xf32, #tpu.memory_space<vmem>>, vector<16xf32>,
        %mul3A_273 = arith.mulf %get3A_269, %get3A_272 : vector<16xf32>
        %add3A_274 = arith.addf %broadcast_in_dim3A_266, %mul3A_273 : vector<16xf32>
        %get3A_275 = arith.index_cast %add3A_264 : i32 to index
        %get3A_276 = arith.constant 16 : index
        %get3A_277 = tpu.vector_load %arg17[%get3A_275, %get3A_276] {strides = array<i32>} : memref<64x256xf32, #tpu.memory_space<vmem>>, vector<16xf32>,
        %get3A_278 = arith.index_cast %add3A_264 : i32 to index
        %get3A_279 = arith.constant 16 : index
        %get3A_280 = tpu.vector_load %arg18[%get3A_278, %get3A_279] {strides = array<i32>} : memref<64x256xf32, #tpu.memory_space<vmem>>, vector<16xf32>,
        %mul3A_281 = arith.mulf %get3A_277, %get3A_280 : vector<16xf32>
        %add3A_282 = arith.addf %add3A_274, %mul3A_281 : vector<16xf32>
        %get3A_283 = arith.index_cast %add3A_264 : i32 to index
        %get3A_284 = arith.constant 32 : index
        %get3A_285 = tpu.vector_load %arg17[%get3A_283, %get3A_284] {strides = array<i32>} : memref<64x256xf32, #tpu.memory_space<vmem>>, vector<16xf32>,
        %get3A_286 = arith.index_cast %add3A_264 : i32 to index
        %get3A_287 = arith.constant 32 : index
        %get3A_288 = tpu.vector_load %arg18[%get3A_286, %get3A_287] {strides = array<i32>} : memref<64x256xf32, #tpu.memory_space<vmem>>, vector<16xf32>,
        %mul3A_289 = arith.mulf %get3A_285, %get3A_288 : vector<16xf32>
        %add3A_290 = arith.addf %add3A_282, %mul3A_289 : vector<16xf32>
        %get3A_291 = arith.index_cast %add3A_264 : i32 to index
        %get3A_292 = arith.constant 48 : index
        %get3A_293 = tpu.vector_load %arg17[%get3A_291, %get3A_292] {strides = array<i32>} : memref<64x256xf32, #tpu.memory_space<vmem>>, vector<16xf32>,
        %get3A_294 = arith.index_cast %add3A_264 : i32 to index
        %get3A_295 = arith.constant 48 : index
        %get3A_296 = tpu.vector_load %arg18[%get3A_294, %get3A_295] {strides = array<i32>} : memref<64x256xf32, #tpu.memory_space<vmem>>, vector<16xf32>,
        %mul3A_297 = arith.mulf %get3A_293, %get3A_296 : vector<16xf32>
        %add3A_298 = arith.addf %add3A_290, %mul3A_297 : vector<16xf32>
        %get3A_299 = arith.index_cast %add3A_264 : i32 to index
        %get3A_300 = arith.constant 64 : index
        %get3A_301 = tpu.vector_load %arg17[%get3A_299, %get3A_300] {strides = array<i32>} : memref<64x256xf32, #tpu.memory_space<vmem>>, vector<16xf32>,
        %get3A_302 = arith.index_cast %add3A_264 : i32 to index
        %get3A_303 = arith.constant 64 : index
        %get3A_304 = tpu.vector_load %arg18[%get3A_302, %get3A_303] {strides = array<i32>} : memref<64x256xf32, #tpu.memory_space<vmem>>, vector<16xf32>,
        %mul3A_305 = arith.mulf %get3A_301, %get3A_304 : vector<16xf32>
        %add3A_306 = arith.addf %add3A_298, %mul3A_305 : vector<16xf32>
        %get3A_307 = arith.index_cast %add3A_264 : i32 to index
        %get3A_308 = arith.constant 80 : index
        %get3A_309 = tpu.vector_load %arg17[%get3A_307, %get3A_308] {strides = array<i32>} : memref<64x256xf32, #tpu.memory_space<vmem>>, vector<16xf32>,
        %get3A_310 = arith.index_cast %add3A_264 : i32 to index
        %get3A_311 = arith.constant 80 : index
        %get3A_312 = tpu.vector_load %arg18[%get3A_310, %get3A_311] {strides = array<i32>} : memref<64x256xf32, #tpu.memory_space<vmem>>, vector<16xf32>,
        %mul3A_313 = arith.mulf %get3A_309, %get3A_312 : vector<16xf32>
        %add3A_314 = arith.addf %add3A_306, %mul3A_313 : vector<16xf32>
        %get3A_315 = arith.index_cast %add3A_264 : i32 to index
        %get3A_316 = arith.constant 96 : index
        %get3A_317 = tpu.vector_load %arg17[%get3A_315, %get3A_316] {strides = array<i32>} : memref<64x256xf32, #tpu.memory_space<vmem>>, vector<16xf32>,
        %get3A_318 = arith.index_cast %add3A_264 : i32 to index
        %get3A_319 = arith.constant 96 : index
        %get3A_320 = tpu.vector_load %arg18[%get3A_318, %get3A_319] {strides = array<i32>} : memref<64x256xf32, #tpu.memory_space<vmem>>, vector<16xf32>,
        %mul3A_321 = arith.mulf %get3A_317, %get3A_320 : vector<16xf32>
        %add3A_322 = arith.addf %add3A_314, %mul3A_321 : vector<16xf32>
        %get3A_323 = arith.index_cast %add3A_264 : i32 to index
        %get3A_324 = arith.constant 112 : index
        %get3A_325 = tpu.vector_load %arg17[%get3A_323, %get3A_324] {strides = array<i32>} : memref<64x256xf32, #tpu.memory_space<vmem>>, vector<16xf32>,
        %get3A_326 = arith.index_cast %add3A_264 : i32 to index
        %get3A_327 = arith.constant 112 : index
        %get3A_328 = tpu.vector_load %arg18[%get3A_326, %get3A_327] {strides = array<i32>} : memref<64x256xf32, #tpu.memory_space<vmem>>, vector<16xf32>,
        %mul3A_329 = arith.mulf %get3A_325, %get3A_328 : vector<16xf32>
        %add3A_330 = arith.addf %add3A_322, %mul3A_329 : vector<16xf32>
        %get3A_331 = arith.index_cast %add3A_264 : i32 to index
        %get3A_332 = arith.constant 128 : index
        %get3A_333 = tpu.vector_load %arg17[%get3A_331, %get3A_332] {strides = array<i32>} : memref<64x256xf32, #tpu.memory_space<vmem>>, vector<16xf32>,
        %get3A_334 = arith.index_cast %add3A_264 : i32 to index
        %get3A_335 = arith.constant 128 : index
        %get3A_336 = tpu.vector_load %arg18[%get3A_334, %get3A_335] {strides = array<i32>} : memref<64x256xf32, #tpu.memory_space<vmem>>, vector<16xf32>,
        %mul3A_337 = arith.mulf %get3A_333, %get3A_336 : vector<16xf32>
        %add3A_338 = arith.addf %add3A_330, %mul3A_337 : vector<16xf32>
        %get3A_339 = arith.index_cast %add3A_264 : i32 to index
        %get3A_340 = arith.constant 144 : index
        %get3A_341 = tpu.vector_load %arg17[%get3A_339, %get3A_340] {strides = array<i32>} : memref<64x256xf32, #tpu.memory_space<vmem>>, vector<16xf32>,
        %get3A_342 = arith.index_cast %add3A_264 : i32 to index
        %get3A_343 = arith.constant 144 : index
        %get3A_344 = tpu.vector_load %arg18[%get3A_342, %get3A_343] {strides = array<i32>} : memref<64x256xf32, #tpu.memory_space<vmem>>, vector<16xf32>,
        %mul3A_345 = arith.mulf %get3A_341, %get3A_344 : vector<16xf32>
        %add3A_346 = arith.addf %add3A_338, %mul3A_345 : vector<16xf32>
        %get3A_347 = arith.index_cast %add3A_264 : i32 to index
        %get3A_348 = arith.constant 160 : index
        %get3A_349 = tpu.vector_load %arg17[%get3A_347, %get3A_348] {strides = array<i32>} : memref<64x256xf32, #tpu.memory_space<vmem>>, vector<16xf32>,
        %get3A_350 = arith.index_cast %add3A_264 : i32 to index
        %get3A_351 = arith.constant 160 : index
        %get3A_352 = tpu.vector_load %arg18[%get3A_350, %get3A_351] {strides = array<i32>} : memref<64x256xf32, #tpu.memory_space<vmem>>, vector<16xf32>,
        %mul3A_353 = arith.mulf %get3A_349, %get3A_352 : vector<16xf32>
        %add3A_354 = arith.addf %add3A_346, %mul3A_353 : vector<16xf32>
        %get3A_355 = arith.index_cast %add3A_264 : i32 to index
        %get3A_356 = arith.constant 176 : index
        %get3A_357 = tpu.vector_load %arg17[%get3A_355, %get3A_356] {strides = array<i32>} : memref<64x256xf32, #tpu.memory_space<vmem>>, vector<16xf32>,
        %get3A_358 = arith.index_cast %add3A_264 : i32 to index
        %get3A_359 = arith.constant 176 : index
        %get3A_360 = tpu.vector_load %arg18[%get3A_358, %get3A_359] {strides = array<i32>} : memref<64x256xf32, #tpu.memory_space<vmem>>, vector<16xf32>,
        %mul3A_361 = arith.mulf %get3A_357, %get3A_360 : vector<16xf32>
        %add3A_362 = arith.addf %add3A_354, %mul3A_361 : vector<16xf32>
        %get3A_363 = arith.index_cast %add3A_264 : i32 to index
        %get3A_364 = arith.constant 192 : index
        %get3A_365 = tpu.vector_load %arg17[%get3A_363, %get3A_364] {strides = array<i32>} : memref<64x256xf32, #tpu.memory_space<vmem>>, vector<16xf32>,
        %get3A_366 = arith.index_cast %add3A_264 : i32 to index
        %get3A_367 = arith.constant 192 : index
        %get3A_368 = tpu.vector_load %arg18[%get3A_366, %get3A_367] {strides = array<i32>} : memref<64x256xf32, #tpu.memory_space<vmem>>, vector<16xf32>,
        %mul3A_369 = arith.mulf %get3A_365, %get3A_368 : vector<16xf32>
        %add3A_370 = arith.addf %add3A_362, %mul3A_369 : vector<16xf32>
        %get3A_371 = arith.index_cast %add3A_264 : i32 to index
        %get3A_372 = arith.constant 208 : index
        %get3A_373 = tpu.vector_load %arg17[%get3A_371, %get3A_372] {strides = array<i32>} : memref<64x256xf32, #tpu.memory_space<vmem>>, vector<16xf32>,
        %get3A_374 = arith.index_cast %add3A_264 : i32 to index
        %get3A_375 = arith.constant 208 : index
        %get3A_376 = tpu.vector_load %arg18[%get3A_374, %get3A_375] {strides = array<i32>} : memref<64x256xf32, #tpu.memory_space<vmem>>, vector<16xf32>,
        %mul3A_377 = arith.mulf %get3A_373, %get3A_376 : vector<16xf32>
        %add3A_378 = arith.addf %add3A_370, %mul3A_377 : vector<16xf32>
        %get3A_379 = arith.index_cast %add3A_264 : i32 to index
        %get3A_380 = arith.constant 224 : index
        %get3A_381 = tpu.vector_load %arg17[%get3A_379, %get3A_380] {strides = array<i32>} : memref<64x256xf32, #tpu.memory_space<vmem>>, vector<16xf32>,
        %get3A_382 = arith.index_cast %add3A_264 : i32 to index
        %get3A_383 = arith.constant 224 : index
        %get3A_384 = tpu.vector_load %arg18[%get3A_382, %get3A_383] {strides = array<i32>} : memref<64x256xf32, #tpu.memory_space<vmem>>, vector<16xf32>,
        %mul3A_385 = arith.mulf %get3A_381, %get3A_384 : vector<16xf32>
        %add3A_386 = arith.addf %add3A_378, %mul3A_385 : vector<16xf32>
        %get3A_387 = arith.index_cast %add3A_264 : i32 to index
        %get3A_388 = arith.constant 240 : index
        %get3A_389 = tpu.vector_load %arg17[%get3A_387, %get3A_388] {strides = array<i32>} : memref<64x256xf32, #tpu.memory_space<vmem>>, vector<16xf32>,
        %get3A_390 = arith.index_cast %add3A_264 : i32 to index
        %get3A_391 = arith.constant 240 : index
        %get3A_392 = tpu.vector_load %arg18[%get3A_390, %get3A_391] {strides = array<i32>} : memref<64x256xf32, #tpu.memory_space<vmem>>, vector<16xf32>,
        %mul3A_393 = arith.mulf %get3A_389, %get3A_392 : vector<16xf32>
        %add3A_394 = arith.addf %add3A_386, %mul3A_393 : vector<16xf32>
        %reduce_sum3A_395 = arith.constant true
        %reduce_sum3A_396 = vector.broadcast %reduce_sum3A_395 : i1 to vector<16xi1>
        %reduce_sum3A_397 = tpu.scan <sum>, %add3A_394 masked %reduce_sum3A_396 : vector<16xf32>, vector<16xi1> -> vector<16xf32>
        %reduce_sum3A_398 = vector.extract %reduce_sum3A_397[15] : f32 from vector<16xf32>
        %eq3A_399 = arith.constant 1 : i32
        %eq3A_400 = vector.broadcast %eq3A_399 : i32 to vector<16xi32>
        %eq3A_401 = arith.cmpi eq, %iota3A, %eq3A_400 : vector<16xi32>
        %broadcast_in_dim3A_402 = vector.broadcast %reduce_sum3A_398 : f32 to vector<16xf32>
        %select_n3A_403 = arith.select %eq3A_401, %broadcast_in_dim3A_402, %select_n3A : vector<16xi1>, vector<16xf32>
        %mul3A_404 = arith.constant 16 : i32
        %mul3A_405 = arith.muli %scan3A_30, %mul3A_404 : i32
        %add3A_406 = arith.constant 2 : i32
        %add3A_407 = arith.addi %mul3A_405, %add3A_406 : i32
        %broadcast_in_dim3A_408 = arith.constant 0.000000e+00 : f32
        %broadcast_in_dim3A_409 = vector.broadcast %broadcast_in_dim3A_408 : f32 to vector<16xf32>
        %get3A_410 = arith.index_cast %add3A_407 : i32 to index
        %get3A_411 = arith.constant 0 : index
        %get3A_412 = tpu.vector_load %arg17[%get3A_410, %get3A_411] {strides = array<i32>} : memref<64x256xf32, #tpu.memory_space<vmem>>, vector<16xf32>,
        %get3A_413 = arith.index_cast %add3A_407 : i32 to index
        %get3A_414 = arith.constant 0 : index
        %get3A_415 = tpu.vector_load %arg18[%get3A_413, %get3A_414] {strides = array<i32>} : memref<64x256xf32, #tpu.memory_space<vmem>>, vector<16xf32>,
        %mul3A_416 = arith.mulf %get3A_412, %get3A_415 : vector<16xf32>
        %add3A_417 = arith.addf %broadcast_in_dim3A_409, %mul3A_416 : vector<16xf32>
        %get3A_418 = arith.index_cast %add3A_407 : i32 to index
        %get3A_419 = arith.constant 16 : index
        %get3A_420 = tpu.vector_load %arg17[%get3A_418, %get3A_419] {strides = array<i32>} : memref<64x256xf32, #tpu.memory_space<vmem>>, vector<16xf32>,
        %get3A_421 = arith.index_cast %add3A_407 : i32 to index
        %get3A_422 = arith.constant 16 : index
        %get3A_423 = tpu.vector_load %arg18[%get3A_421, %get3A_422] {strides = array<i32>} : memref<64x256xf32, #tpu.memory_space<vmem>>, vector<16xf32>,
        %mul3A_424 = arith.mulf %get3A_420, %get3A_423 : vector<16xf32>
        %add3A_425 = arith.addf %add3A_417, %mul3A_424 : vector<16xf32>
        %get3A_426 = arith.index_cast %add3A_407 : i32 to index
        %get3A_427 = arith.constant 32 : index
        %get3A_428 = tpu.vector_load %arg17[%get3A_426, %get3A_427] {strides = array<i32>} : memref<64x256xf32, #tpu.memory_space<vmem>>, vector<16xf32>,
        %get3A_429 = arith.index_cast %add3A_407 : i32 to index
        %get3A_430 = arith.constant 32 : index
        %get3A_431 = tpu.vector_load %arg18[%get3A_429, %get3A_430] {strides = array<i32>} : memref<64x256xf32, #tpu.memory_space<vmem>>, vector<16xf32>,
        %mul3A_432 = arith.mulf %get3A_428, %get3A_431 : vector<16xf32>
        %add3A_433 = arith.addf %add3A_425, %mul3A_432 : vector<16xf32>
        %get3A_434 = arith.index_cast %add3A_407 : i32 to index
        %get3A_435 = arith.constant 48 : index
        %get3A_436 = tpu.vector_load %arg17[%get3A_434, %get3A_435] {strides = array<i32>} : memref<64x256xf32, #tpu.memory_space<vmem>>, vector<16xf32>,
        %get3A_437 = arith.index_cast %add3A_407 : i32 to index
        %get3A_438 = arith.constant 48 : index
        %get3A_439 = tpu.vector_load %arg18[%get3A_437, %get3A_438] {strides = array<i32>} : memref<64x256xf32, #tpu.memory_space<vmem>>, vector<16xf32>,
        %mul3A_440 = arith.mulf %get3A_436, %get3A_439 : vector<16xf32>
        %add3A_441 = arith.addf %add3A_433, %mul3A_440 : vector<16xf32>
        %get3A_442 = arith.index_cast %add3A_407 : i32 to index
        %get3A_443 = arith.constant 64 : index
        %get3A_444 = tpu.vector_load %arg17[%get3A_442, %get3A_443] {strides = array<i32>} : memref<64x256xf32, #tpu.memory_space<vmem>>, vector<16xf32>,
        %get3A_445 = arith.index_cast %add3A_407 : i32 to index
        %get3A_446 = arith.constant 64 : index
        %get3A_447 = tpu.vector_load %arg18[%get3A_445, %get3A_446] {strides = array<i32>} : memref<64x256xf32, #tpu.memory_space<vmem>>, vector<16xf32>,
        %mul3A_448 = arith.mulf %get3A_444, %get3A_447 : vector<16xf32>
        %add3A_449 = arith.addf %add3A_441, %mul3A_448 : vector<16xf32>
        %get3A_450 = arith.index_cast %add3A_407 : i32 to index
        %get3A_451 = arith.constant 80 : index
        %get3A_452 = tpu.vector_load %arg17[%get3A_450, %get3A_451] {strides = array<i32>} : memref<64x256xf32, #tpu.memory_space<vmem>>, vector<16xf32>,
        %get3A_453 = arith.index_cast %add3A_407 : i32 to index
        %get3A_454 = arith.constant 80 : index
        %get3A_455 = tpu.vector_load %arg18[%get3A_453, %get3A_454] {strides = array<i32>} : memref<64x256xf32, #tpu.memory_space<vmem>>, vector<16xf32>,
        %mul3A_456 = arith.mulf %get3A_452, %get3A_455 : vector<16xf32>
        %add3A_457 = arith.addf %add3A_449, %mul3A_456 : vector<16xf32>
        %get3A_458 = arith.index_cast %add3A_407 : i32 to index
        %get3A_459 = arith.constant 96 : index
        %get3A_460 = tpu.vector_load %arg17[%get3A_458, %get3A_459] {strides = array<i32>} : memref<64x256xf32, #tpu.memory_space<vmem>>, vector<16xf32>,
        %get3A_461 = arith.index_cast %add3A_407 : i32 to index
        %get3A_462 = arith.constant 96 : index
        %get3A_463 = tpu.vector_load %arg18[%get3A_461, %get3A_462] {strides = array<i32>} : memref<64x256xf32, #tpu.memory_space<vmem>>, vector<16xf32>,
        %mul3A_464 = arith.mulf %get3A_460, %get3A_463 : vector<16xf32>
        %add3A_465 = arith.addf %add3A_457, %mul3A_464 : vector<16xf32>
        %get3A_466 = arith.index_cast %add3A_407 : i32 to index
        %get3A_467 = arith.constant 112 : index
        %get3A_468 = tpu.vector_load %arg17[%get3A_466, %get3A_467] {strides = array<i32>} : memref<64x256xf32, #tpu.memory_space<vmem>>, vector<16xf32>,
        %get3A_469 = arith.index_cast %add3A_407 : i32 to index
        %get3A_470 = arith.constant 112 : index
        %get3A_471 = tpu.vector_load %arg18[%get3A_469, %get3A_470] {strides = array<i32>} : memref<64x256xf32, #tpu.memory_space<vmem>>, vector<16xf32>,
        %mul3A_472 = arith.mulf %get3A_468, %get3A_471 : vector<16xf32>
        %add3A_473 = arith.addf %add3A_465, %mul3A_472 : vector<16xf32>
        %get3A_474 = arith.index_cast %add3A_407 : i32 to index
        %get3A_475 = arith.constant 128 : index
        %get3A_476 = tpu.vector_load %arg17[%get3A_474, %get3A_475] {strides = array<i32>} : memref<64x256xf32, #tpu.memory_space<vmem>>, vector<16xf32>,
        %get3A_477 = arith.index_cast %add3A_407 : i32 to index
        %get3A_478 = arith.constant 128 : index
        %get3A_479 = tpu.vector_load %arg18[%get3A_477, %get3A_478] {strides = array<i32>} : memref<64x256xf32, #tpu.memory_space<vmem>>, vector<16xf32>,
        %mul3A_480 = arith.mulf %get3A_476, %get3A_479 : vector<16xf32>
        %add3A_481 = arith.addf %add3A_473, %mul3A_480 : vector<16xf32>
        %get3A_482 = arith.index_cast %add3A_407 : i32 to index
        %get3A_483 = arith.constant 144 : index
        %get3A_484 = tpu.vector_load %arg17[%get3A_482, %get3A_483] {strides = array<i32>} : memref<64x256xf32, #tpu.memory_space<vmem>>, vector<16xf32>,
        %get3A_485 = arith.index_cast %add3A_407 : i32 to index
        %get3A_486 = arith.constant 144 : index
        %get3A_487 = tpu.vector_load %arg18[%get3A_485, %get3A_486] {strides = array<i32>} : memref<64x256xf32, #tpu.memory_space<vmem>>, vector<16xf32>,
        %mul3A_488 = arith.mulf %get3A_484, %get3A_487 : vector<16xf32>
        %add3A_489 = arith.addf %add3A_481, %mul3A_488 : vector<16xf32>
        %get3A_490 = arith.index_cast %add3A_407 : i32 to index
        %get3A_491 = arith.constant 160 : index
        %get3A_492 = tpu.vector_load %arg17[%get3A_490, %get3A_491] {strides = array<i32>} : memref<64x256xf32, #tpu.memory_space<vmem>>, vector<16xf32>,
        %get3A_493 = arith.index_cast %add3A_407 : i32 to index
        %get3A_494 = arith.constant 160 : index
        %get3A_495 = tpu.vector_load %arg18[%get3A_493, %get3A_494] {strides = array<i32>} : memref<64x256xf32, #tpu.memory_space<vmem>>, vector<16xf32>,
        %mul3A_496 = arith.mulf %get3A_492, %get3A_495 : vector<16xf32>
        %add3A_497 = arith.addf %add3A_489, %mul3A_496 : vector<16xf32>
        %get3A_498 = arith.index_cast %add3A_407 : i32 to index
        %get3A_499 = arith.constant 176 : index
        %get3A_500 = tpu.vector_load %arg17[%get3A_498, %get3A_499] {strides = array<i32>} : memref<64x256xf32, #tpu.memory_space<vmem>>, vector<16xf32>,
        %get3A_501 = arith.index_cast %add3A_407 : i32 to index
        %get3A_502 = arith.constant 176 : index
        %get3A_503 = tpu.vector_load %arg18[%get3A_501, %get3A_502] {strides = array<i32>} : memref<64x256xf32, #tpu.memory_space<vmem>>, vector<16xf32>,
        %mul3A_504 = arith.mulf %get3A_500, %get3A_503 : vector<16xf32>
        %add3A_505 = arith.addf %add3A_497, %mul3A_504 : vector<16xf32>
        %get3A_506 = arith.index_cast %add3A_407 : i32 to index
        %get3A_507 = arith.constant 192 : index
        %get3A_508 = tpu.vector_load %arg17[%get3A_506, %get3A_507] {strides = array<i32>} : memref<64x256xf32, #tpu.memory_space<vmem>>, vector<16xf32>,
        %get3A_509 = arith.index_cast %add3A_407 : i32 to index
        %get3A_510 = arith.constant 192 : index
        %get3A_511 = tpu.vector_load %arg18[%get3A_509, %get3A_510] {strides = array<i32>} : memref<64x256xf32, #tpu.memory_space<vmem>>, vector<16xf32>,
        %mul3A_512 = arith.mulf %get3A_508, %get3A_511 : vector<16xf32>
        %add3A_513 = arith.addf %add3A_505, %mul3A_512 : vector<16xf32>
        %get3A_514 = arith.index_cast %add3A_407 : i32 to index
        %get3A_515 = arith.constant 208 : index
        %get3A_516 = tpu.vector_load %arg17[%get3A_514, %get3A_515] {strides = array<i32>} : memref<64x256xf32, #tpu.memory_space<vmem>>, vector<16xf32>,
        %get3A_517 = arith.index_cast %add3A_407 : i32 to index
        %get3A_518 = arith.constant 208 : index
        %get3A_519 = tpu.vector_load %arg18[%get3A_517, %get3A_518] {strides = array<i32>} : memref<64x256xf32, #tpu.memory_space<vmem>>, vector<16xf32>,
        %mul3A_520 = arith.mulf %get3A_516, %get3A_519 : vector<16xf32>
        %add3A_521 = arith.addf %add3A_513, %mul3A_520 : vector<16xf32>
        %get3A_522 = arith.index_cast %add3A_407 : i32 to index
        %get3A_523 = arith.constant 224 : index
        %get3A_524 = tpu.vector_load %arg17[%get3A_522, %get3A_523] {strides = array<i32>} : memref<64x256xf32, #tpu.memory_space<vmem>>, vector<16xf32>,
        %get3A_525 = arith.index_cast %add3A_407 : i32 to index
        %get3A_526 = arith.constant 224 : index
        %get3A_527 = tpu.vector_load %arg18[%get3A_525, %get3A_526] {strides = array<i32>} : memref<64x256xf32, #tpu.memory_space<vmem>>, vector<16xf32>,
        %mul3A_528 = arith.mulf %get3A_524, %get3A_527 : vector<16xf32>
        %add3A_529 = arith.addf %add3A_521, %mul3A_528 : vector<16xf32>
        %get3A_530 = arith.index_cast %add3A_407 : i32 to index
        %get3A_531 = arith.constant 240 : index
        %get3A_532 = tpu.vector_load %arg17[%get3A_530, %get3A_531] {strides = array<i32>} : memref<64x256xf32, #tpu.memory_space<vmem>>, vector<16xf32>,
        %get3A_533 = arith.index_cast %add3A_407 : i32 to index
        %get3A_534 = arith.constant 240 : index
        %get3A_535 = tpu.vector_load %arg18[%get3A_533, %get3A_534] {strides = array<i32>} : memref<64x256xf32, #tpu.memory_space<vmem>>, vector<16xf32>,
        %mul3A_536 = arith.mulf %get3A_532, %get3A_535 : vector<16xf32>
        %add3A_537 = arith.addf %add3A_529, %mul3A_536 : vector<16xf32>
        %reduce_sum3A_538 = arith.constant true
        %reduce_sum3A_539 = vector.broadcast %reduce_sum3A_538 : i1 to vector<16xi1>
        %reduce_sum3A_540 = tpu.scan <sum>, %add3A_537 masked %reduce_sum3A_539 : vector<16xf32>, vector<16xi1> -> vector<16xf32>
        %reduce_sum3A_541 = vector.extract %reduce_sum3A_540[15] : f32 from vector<16xf32>
        %eq3A_542 = arith.constant 2 : i32
        %eq3A_543 = vector.broadcast %eq3A_542 : i32 to vector<16xi32>
        %eq3A_544 = arith.cmpi eq, %iota3A, %eq3A_543 : vector<16xi32>
        %broadcast_in_dim3A_545 = vector.broadcast %reduce_sum3A_541 : f32 to vector<16xf32>
        %select_n3A_546 = arith.select %eq3A_544, %broadcast_in_dim3A_545, %select_n3A_403 : vector<16xi1>, vector<16xf32>
        %mul3A_547 = arith.constant 16 : i32
        %mul3A_548 = arith.muli %scan3A_30, %mul3A_547 : i32
        %add3A_549 = arith.constant 3 : i32
        %add3A_550 = arith.addi %mul3A_548, %add3A_549 : i32
        %broadcast_in_dim3A_551 = arith.constant 0.000000e+00 : f32
        %broadcast_in_dim3A_552 = vector.broadcast %broadcast_in_dim3A_551 : f32 to vector<16xf32>
        %get3A_553 = arith.index_cast %add3A_550 : i32 to index
        %get3A_554 = arith.constant 0 : index
        %get3A_555 = tpu.vector_load %arg17[%get3A_553, %get3A_554] {strides = array<i32>} : memref<64x256xf32, #tpu.memory_space<vmem>>, vector<16xf32>,
        %get3A_556 = arith.index_cast %add3A_550 : i32 to index
        %get3A_557 = arith.constant 0 : index
        %get3A_558 = tpu.vector_load %arg18[%get3A_556, %get3A_557] {strides = array<i32>} : memref<64x256xf32, #tpu.memory_space<vmem>>, vector<16xf32>,
        %mul3A_559 = arith.mulf %get3A_555, %get3A_558 : vector<16xf32>
        %add3A_560 = arith.addf %broadcast_in_dim3A_552, %mul3A_559 : vector<16xf32>
        %get3A_561 = arith.index_cast %add3A_550 : i32 to index
        %get3A_562 = arith.constant 16 : index
        %get3A_563 = tpu.vector_load %arg17[%get3A_561, %get3A_562] {strides = array<i32>} : memref<64x256xf32, #tpu.memory_space<vmem>>, vector<16xf32>,
        %get3A_564 = arith.index_cast %add3A_550 : i32 to index
        %get3A_565 = arith.constant 16 : index
        %get3A_566 = tpu.vector_load %arg18[%get3A_564, %get3A_565] {strides = array<i32>} : memref<64x256xf32, #tpu.memory_space<vmem>>, vector<16xf32>,
        %mul3A_567 = arith.mulf %get3A_563, %get3A_566 : vector<16xf32>
        %add3A_568 = arith.addf %add3A_560, %mul3A_567 : vector<16xf32>
        %get3A_569 = arith.index_cast %add3A_550 : i32 to index
        %get3A_570 = arith.constant 32 : index
        %get3A_571 = tpu.vector_load %arg17[%get3A_569, %get3A_570] {strides = array<i32>} : memref<64x256xf32, #tpu.memory_space<vmem>>, vector<16xf32>,
        %get3A_572 = arith.index_cast %add3A_550 : i32 to index
        %get3A_573 = arith.constant 32 : index
        %get3A_574 = tpu.vector_load %arg18[%get3A_572, %get3A_573] {strides = array<i32>} : memref<64x256xf32, #tpu.memory_space<vmem>>, vector<16xf32>,
        %mul3A_575 = arith.mulf %get3A_571, %get3A_574 : vector<16xf32>
        %add3A_576 = arith.addf %add3A_568, %mul3A_575 : vector<16xf32>
        %get3A_577 = arith.index_cast %add3A_550 : i32 to index
        %get3A_578 = arith.constant 48 : index
        %get3A_579 = tpu.vector_load %arg17[%get3A_577, %get3A_578] {strides = array<i32>} : memref<64x256xf32, #tpu.memory_space<vmem>>, vector<16xf32>,
        %get3A_580 = arith.index_cast %add3A_550 : i32 to index
        %get3A_581 = arith.constant 48 : index
        %get3A_582 = tpu.vector_load %arg18[%get3A_580, %get3A_581] {strides = array<i32>} : memref<64x256xf32, #tpu.memory_space<vmem>>, vector<16xf32>,
        %mul3A_583 = arith.mulf %get3A_579, %get3A_582 : vector<16xf32>
        %add3A_584 = arith.addf %add3A_576, %mul3A_583 : vector<16xf32>
        %get3A_585 = arith.index_cast %add3A_550 : i32 to index
        %get3A_586 = arith.constant 64 : index
        %get3A_587 = tpu.vector_load %arg17[%get3A_585, %get3A_586] {strides = array<i32>} : memref<64x256xf32, #tpu.memory_space<vmem>>, vector<16xf32>,
        %get3A_588 = arith.index_cast %add3A_550 : i32 to index
        %get3A_589 = arith.constant 64 : index
        %get3A_590 = tpu.vector_load %arg18[%get3A_588, %get3A_589] {strides = array<i32>} : memref<64x256xf32, #tpu.memory_space<vmem>>, vector<16xf32>,
        %mul3A_591 = arith.mulf %get3A_587, %get3A_590 : vector<16xf32>
        %add3A_592 = arith.addf %add3A_584, %mul3A_591 : vector<16xf32>
        %get3A_593 = arith.index_cast %add3A_550 : i32 to index
        %get3A_594 = arith.constant 80 : index
        %get3A_595 = tpu.vector_load %arg17[%get3A_593, %get3A_594] {strides = array<i32>} : memref<64x256xf32, #tpu.memory_space<vmem>>, vector<16xf32>,
        %get3A_596 = arith.index_cast %add3A_550 : i32 to index
        %get3A_597 = arith.constant 80 : index
        %get3A_598 = tpu.vector_load %arg18[%get3A_596, %get3A_597] {strides = array<i32>} : memref<64x256xf32, #tpu.memory_space<vmem>>, vector<16xf32>,
        %mul3A_599 = arith.mulf %get3A_595, %get3A_598 : vector<16xf32>
        %add3A_600 = arith.addf %add3A_592, %mul3A_599 : vector<16xf32>
        %get3A_601 = arith.index_cast %add3A_550 : i32 to index
        %get3A_602 = arith.constant 96 : index
        %get3A_603 = tpu.vector_load %arg17[%get3A_601, %get3A_602] {strides = array<i32>} : memref<64x256xf32, #tpu.memory_space<vmem>>, vector<16xf32>,
        %get3A_604 = arith.index_cast %add3A_550 : i32 to index
        %get3A_605 = arith.constant 96 : index
        %get3A_606 = tpu.vector_load %arg18[%get3A_604, %get3A_605] {strides = array<i32>} : memref<64x256xf32, #tpu.memory_space<vmem>>, vector<16xf32>,
        %mul3A_607 = arith.mulf %get3A_603, %get3A_606 : vector<16xf32>
        %add3A_608 = arith.addf %add3A_600, %mul3A_607 : vector<16xf32>
        %get3A_609 = arith.index_cast %add3A_550 : i32 to index
        %get3A_610 = arith.constant 112 : index
        %get3A_611 = tpu.vector_load %arg17[%get3A_609, %get3A_610] {strides = array<i32>} : memref<64x256xf32, #tpu.memory_space<vmem>>, vector<16xf32>,
        %get3A_612 = arith.index_cast %add3A_550 : i32 to index
        %get3A_613 = arith.constant 112 : index
        %get3A_614 = tpu.vector_load %arg18[%get3A_612, %get3A_613] {strides = array<i32>} : memref<64x256xf32, #tpu.memory_space<vmem>>, vector<16xf32>,
        %mul3A_615 = arith.mulf %get3A_611, %get3A_614 : vector<16xf32>
        %add3A_616 = arith.addf %add3A_608, %mul3A_615 : vector<16xf32>
        %get3A_617 = arith.index_cast %add3A_550 : i32 to index
        %get3A_618 = arith.constant 128 : index
        %get3A_619 = tpu.vector_load %arg17[%get3A_617, %get3A_618] {strides = array<i32>} : memref<64x256xf32, #tpu.memory_space<vmem>>, vector<16xf32>,
        %get3A_620 = arith.index_cast %add3A_550 : i32 to index
        %get3A_621 = arith.constant 128 : index
        %get3A_622 = tpu.vector_load %arg18[%get3A_620, %get3A_621] {strides = array<i32>} : memref<64x256xf32, #tpu.memory_space<vmem>>, vector<16xf32>,
        %mul3A_623 = arith.mulf %get3A_619, %get3A_622 : vector<16xf32>
        %add3A_624 = arith.addf %add3A_616, %mul3A_623 : vector<16xf32>
        %get3A_625 = arith.index_cast %add3A_550 : i32 to index
        %get3A_626 = arith.constant 144 : index
        %get3A_627 = tpu.vector_load %arg17[%get3A_625, %get3A_626] {strides = array<i32>} : memref<64x256xf32, #tpu.memory_space<vmem>>, vector<16xf32>,
        %get3A_628 = arith.index_cast %add3A_550 : i32 to index
        %get3A_629 = arith.constant 144 : index
        %get3A_630 = tpu.vector_load %arg18[%get3A_628, %get3A_629] {strides = array<i32>} : memref<64x256xf32, #tpu.memory_space<vmem>>, vector<16xf32>,
        %mul3A_631 = arith.mulf %get3A_627, %get3A_630 : vector<16xf32>
        %add3A_632 = arith.addf %add3A_624, %mul3A_631 : vector<16xf32>
        %get3A_633 = arith.index_cast %add3A_550 : i32 to index
        %get3A_634 = arith.constant 160 : index
        %get3A_635 = tpu.vector_load %arg17[%get3A_633, %get3A_634] {strides = array<i32>} : memref<64x256xf32, #tpu.memory_space<vmem>>, vector<16xf32>,
        %get3A_636 = arith.index_cast %add3A_550 : i32 to index
        %get3A_637 = arith.constant 160 : index
        %get3A_638 = tpu.vector_load %arg18[%get3A_636, %get3A_637] {strides = array<i32>} : memref<64x256xf32, #tpu.memory_space<vmem>>, vector<16xf32>,
        %mul3A_639 = arith.mulf %get3A_635, %get3A_638 : vector<16xf32>
        %add3A_640 = arith.addf %add3A_632, %mul3A_639 : vector<16xf32>
        %get3A_641 = arith.index_cast %add3A_550 : i32 to index
        %get3A_642 = arith.constant 176 : index
        %get3A_643 = tpu.vector_load %arg17[%get3A_641, %get3A_642] {strides = array<i32>} : memref<64x256xf32, #tpu.memory_space<vmem>>, vector<16xf32>,
        %get3A_644 = arith.index_cast %add3A_550 : i32 to index
        %get3A_645 = arith.constant 176 : index
        %get3A_646 = tpu.vector_load %arg18[%get3A_644, %get3A_645] {strides = array<i32>} : memref<64x256xf32, #tpu.memory_space<vmem>>, vector<16xf32>,
        %mul3A_647 = arith.mulf %get3A_643, %get3A_646 : vector<16xf32>
        %add3A_648 = arith.addf %add3A_640, %mul3A_647 : vector<16xf32>
        %get3A_649 = arith.index_cast %add3A_550 : i32 to index
        %get3A_650 = arith.constant 192 : index
        %get3A_651 = tpu.vector_load %arg17[%get3A_649, %get3A_650] {strides = array<i32>} : memref<64x256xf32, #tpu.memory_space<vmem>>, vector<16xf32>,
        %get3A_652 = arith.index_cast %add3A_550 : i32 to index
        %get3A_653 = arith.constant 192 : index
        %get3A_654 = tpu.vector_load %arg18[%get3A_652, %get3A_653] {strides = array<i32>} : memref<64x256xf32, #tpu.memory_space<vmem>>, vector<16xf32>,
        %mul3A_655 = arith.mulf %get3A_651, %get3A_654 : vector<16xf32>
        %add3A_656 = arith.addf %add3A_648, %mul3A_655 : vector<16xf32>
        %get3A_657 = arith.index_cast %add3A_550 : i32 to index
        %get3A_658 = arith.constant 208 : index
        %get3A_659 = tpu.vector_load %arg17[%get3A_657, %get3A_658] {strides = array<i32>} : memref<64x256xf32, #tpu.memory_space<vmem>>, vector<16xf32>,
        %get3A_660 = arith.index_cast %add3A_550 : i32 to index
        %get3A_661 = arith.constant 208 : index
        %get3A_662 = tpu.vector_load %arg18[%get3A_660, %get3A_661] {strides = array<i32>} : memref<64x256xf32, #tpu.memory_space<vmem>>, vector<16xf32>,
        %mul3A_663 = arith.mulf %get3A_659, %get3A_662 : vector<16xf32>
        %add3A_664 = arith.addf %add3A_656, %mul3A_663 : vector<16xf32>
        %get3A_665 = arith.index_cast %add3A_550 : i32 to index
        %get3A_666 = arith.constant 224 : index
        %get3A_667 = tpu.vector_load %arg17[%get3A_665, %get3A_666] {strides = array<i32>} : memref<64x256xf32, #tpu.memory_space<vmem>>, vector<16xf32>,
        %get3A_668 = arith.index_cast %add3A_550 : i32 to index
        %get3A_669 = arith.constant 224 : index
        %get3A_670 = tpu.vector_load %arg18[%get3A_668, %get3A_669] {strides = array<i32>} : memref<64x256xf32, #tpu.memory_space<vmem>>, vector<16xf32>,
        %mul3A_671 = arith.mulf %get3A_667, %get3A_670 : vector<16xf32>
        %add3A_672 = arith.addf %add3A_664, %mul3A_671 : vector<16xf32>
        %get3A_673 = arith.index_cast %add3A_550 : i32 to index
        %get3A_674 = arith.constant 240 : index
        %get3A_675 = tpu.vector_load %arg17[%get3A_673, %get3A_674] {strides = array<i32>} : memref<64x256xf32, #tpu.memory_space<vmem>>, vector<16xf32>,
        %get3A_676 = arith.index_cast %add3A_550 : i32 to index
        %get3A_677 = arith.constant 240 : index
        %get3A_678 = tpu.vector_load %arg18[%get3A_676, %get3A_677] {strides = array<i32>} : memref<64x256xf32, #tpu.memory_space<vmem>>, vector<16xf32>,
        %mul3A_679 = arith.mulf %get3A_675, %get3A_678 : vector<16xf32>
        %add3A_680 = arith.addf %add3A_672, %mul3A_679 : vector<16xf32>
        %reduce_sum3A_681 = arith.constant true
        %reduce_sum3A_682 = vector.broadcast %reduce_sum3A_681 : i1 to vector<16xi1>
        %reduce_sum3A_683 = tpu.scan <sum>, %add3A_680 masked %reduce_sum3A_682 : vector<16xf32>, vector<16xi1> -> vector<16xf32>
        %reduce_sum3A_684 = vector.extract %reduce_sum3A_683[15] : f32 from vector<16xf32>
        %eq3A_685 = arith.constant 3 : i32
        %eq3A_686 = vector.broadcast %eq3A_685 : i32 to vector<16xi32>
        %eq3A_687 = arith.cmpi eq, %iota3A, %eq3A_686 : vector<16xi32>
        %broadcast_in_dim3A_688 = vector.broadcast %reduce_sum3A_684 : f32 to vector<16xf32>
        %select_n3A_689 = arith.select %eq3A_687, %broadcast_in_dim3A_688, %select_n3A_546 : vector<16xi1>, vector<16xf32>
        %mul3A_690 = arith.constant 16 : i32
        %mul3A_691 = arith.muli %scan3A_30, %mul3A_690 : i32
        %add3A_692 = arith.constant 4 : i32
        %add3A_693 = arith.addi %mul3A_691, %add3A_692 : i32
        %broadcast_in_dim3A_694 = arith.constant 0.000000e+00 : f32
        %broadcast_in_dim3A_695 = vector.broadcast %broadcast_in_dim3A_694 : f32 to vector<16xf32>
        %get3A_696 = arith.index_cast %add3A_693 : i32 to index
        %get3A_697 = arith.constant 0 : index
        %get3A_698 = tpu.vector_load %arg17[%get3A_696, %get3A_697] {strides = array<i32>} : memref<64x256xf32, #tpu.memory_space<vmem>>, vector<16xf32>,
        %get3A_699 = arith.index_cast %add3A_693 : i32 to index
        %get3A_700 = arith.constant 0 : index
        %get3A_701 = tpu.vector_load %arg18[%get3A_699, %get3A_700] {strides = array<i32>} : memref<64x256xf32, #tpu.memory_space<vmem>>, vector<16xf32>,
        %mul3A_702 = arith.mulf %get3A_698, %get3A_701 : vector<16xf32>
        %add3A_703 = arith.addf %broadcast_in_dim3A_695, %mul3A_702 : vector<16xf32>
        %get3A_704 = arith.index_cast %add3A_693 : i32 to index
        %get3A_705 = arith.constant 16 : index
        %get3A_706 = tpu.vector_load %arg17[%get3A_704, %get3A_705] {strides = array<i32>} : memref<64x256xf32, #tpu.memory_space<vmem>>, vector<16xf32>,
        %get3A_707 = arith.index_cast %add3A_693 : i32 to index
        %get3A_708 = arith.constant 16 : index
        %get3A_709 = tpu.vector_load %arg18[%get3A_707, %get3A_708] {strides = array<i32>} : memref<64x256xf32, #tpu.memory_space<vmem>>, vector<16xf32>,
        %mul3A_710 = arith.mulf %get3A_706, %get3A_709 : vector<16xf32>
        %add3A_711 = arith.addf %add3A_703, %mul3A_710 : vector<16xf32>
        %get3A_712 = arith.index_cast %add3A_693 : i32 to index
        %get3A_713 = arith.constant 32 : index
        %get3A_714 = tpu.vector_load %arg17[%get3A_712, %get3A_713] {strides = array<i32>} : memref<64x256xf32, #tpu.memory_space<vmem>>, vector<16xf32>,
        %get3A_715 = arith.index_cast %add3A_693 : i32 to index
        %get3A_716 = arith.constant 32 : index
        %get3A_717 = tpu.vector_load %arg18[%get3A_715, %get3A_716] {strides = array<i32>} : memref<64x256xf32, #tpu.memory_space<vmem>>, vector<16xf32>,
        %mul3A_718 = arith.mulf %get3A_714, %get3A_717 : vector<16xf32>
        %add3A_719 = arith.addf %add3A_711, %mul3A_718 : vector<16xf32>
        %get3A_720 = arith.index_cast %add3A_693 : i32 to index
        %get3A_721 = arith.constant 48 : index
        %get3A_722 = tpu.vector_load %arg17[%get3A_720, %get3A_721] {strides = array<i32>} : memref<64x256xf32, #tpu.memory_space<vmem>>, vector<16xf32>,
        %get3A_723 = arith.index_cast %add3A_693 : i32 to index
        %get3A_724 = arith.constant 48 : index
        %get3A_725 = tpu.vector_load %arg18[%get3A_723, %get3A_724] {strides = array<i32>} : memref<64x256xf32, #tpu.memory_space<vmem>>, vector<16xf32>,
        %mul3A_726 = arith.mulf %get3A_722, %get3A_725 : vector<16xf32>
        %add3A_727 = arith.addf %add3A_719, %mul3A_726 : vector<16xf32>
        %get3A_728 = arith.index_cast %add3A_693 : i32 to index
        %get3A_729 = arith.constant 64 : index
        %get3A_730 = tpu.vector_load %arg17[%get3A_728, %get3A_729] {strides = array<i32>} : memref<64x256xf32, #tpu.memory_space<vmem>>, vector<16xf32>,
        %get3A_731 = arith.index_cast %add3A_693 : i32 to index
        %get3A_732 = arith.constant 64 : index
        %get3A_733 = tpu.vector_load %arg18[%get3A_731, %get3A_732] {strides = array<i32>} : memref<64x256xf32, #tpu.memory_space<vmem>>, vector<16xf32>,
        %mul3A_734 = arith.mulf %get3A_730, %get3A_733 : vector<16xf32>
        %add3A_735 = arith.addf %add3A_727, %mul3A_734 : vector<16xf32>
        %get3A_736 = arith.index_cast %add3A_693 : i32 to index
        %get3A_737 = arith.constant 80 : index
        %get3A_738 = tpu.vector_load %arg17[%get3A_736, %get3A_737] {strides = array<i32>} : memref<64x256xf32, #tpu.memory_space<vmem>>, vector<16xf32>,
        %get3A_739 = arith.index_cast %add3A_693 : i32 to index
        %get3A_740 = arith.constant 80 : index
        %get3A_741 = tpu.vector_load %arg18[%get3A_739, %get3A_740] {strides = array<i32>} : memref<64x256xf32, #tpu.memory_space<vmem>>, vector<16xf32>,
        %mul3A_742 = arith.mulf %get3A_738, %get3A_741 : vector<16xf32>
        %add3A_743 = arith.addf %add3A_735, %mul3A_742 : vector<16xf32>
        %get3A_744 = arith.index_cast %add3A_693 : i32 to index
        %get3A_745 = arith.constant 96 : index
        %get3A_746 = tpu.vector_load %arg17[%get3A_744, %get3A_745] {strides = array<i32>} : memref<64x256xf32, #tpu.memory_space<vmem>>, vector<16xf32>,
        %get3A_747 = arith.index_cast %add3A_693 : i32 to index
        %get3A_748 = arith.constant 96 : index
        %get3A_749 = tpu.vector_load %arg18[%get3A_747, %get3A_748] {strides = array<i32>} : memref<64x256xf32, #tpu.memory_space<vmem>>, vector<16xf32>,
        %mul3A_750 = arith.mulf %get3A_746, %get3A_749 : vector<16xf32>
        %add3A_751 = arith.addf %add3A_743, %mul3A_750 : vector<16xf32>
        %get3A_752 = arith.index_cast %add3A_693 : i32 to index
        %get3A_753 = arith.constant 112 : index
        %get3A_754 = tpu.vector_load %arg17[%get3A_752, %get3A_753] {strides = array<i32>} : memref<64x256xf32, #tpu.memory_space<vmem>>, vector<16xf32>,
        %get3A_755 = arith.index_cast %add3A_693 : i32 to index
        %get3A_756 = arith.constant 112 : index
        %get3A_757 = tpu.vector_load %arg18[%get3A_755, %get3A_756] {strides = array<i32>} : memref<64x256xf32, #tpu.memory_space<vmem>>, vector<16xf32>,
        %mul3A_758 = arith.mulf %get3A_754, %get3A_757 : vector<16xf32>
        %add3A_759 = arith.addf %add3A_751, %mul3A_758 : vector<16xf32>
        %get3A_760 = arith.index_cast %add3A_693 : i32 to index
        %get3A_761 = arith.constant 128 : index
        %get3A_762 = tpu.vector_load %arg17[%get3A_760, %get3A_761] {strides = array<i32>} : memref<64x256xf32, #tpu.memory_space<vmem>>, vector<16xf32>,
        %get3A_763 = arith.index_cast %add3A_693 : i32 to index
        %get3A_764 = arith.constant 128 : index
        %get3A_765 = tpu.vector_load %arg18[%get3A_763, %get3A_764] {strides = array<i32>} : memref<64x256xf32, #tpu.memory_space<vmem>>, vector<16xf32>,
        %mul3A_766 = arith.mulf %get3A_762, %get3A_765 : vector<16xf32>
        %add3A_767 = arith.addf %add3A_759, %mul3A_766 : vector<16xf32>
        %get3A_768 = arith.index_cast %add3A_693 : i32 to index
        %get3A_769 = arith.constant 144 : index
        %get3A_770 = tpu.vector_load %arg17[%get3A_768, %get3A_769] {strides = array<i32>} : memref<64x256xf32, #tpu.memory_space<vmem>>, vector<16xf32>,
        %get3A_771 = arith.index_cast %add3A_693 : i32 to index
        %get3A_772 = arith.constant 144 : index
        %get3A_773 = tpu.vector_load %arg18[%get3A_771, %get3A_772] {strides = array<i32>} : memref<64x256xf32, #tpu.memory_space<vmem>>, vector<16xf32>,
        %mul3A_774 = arith.mulf %get3A_770, %get3A_773 : vector<16xf32>
        %add3A_775 = arith.addf %add3A_767, %mul3A_774 : vector<16xf32>
        %get3A_776 = arith.index_cast %add3A_693 : i32 to index
        %get3A_777 = arith.constant 160 : index
        %get3A_778 = tpu.vector_load %arg17[%get3A_776, %get3A_777] {strides = array<i32>} : memref<64x256xf32, #tpu.memory_space<vmem>>, vector<16xf32>,
        %get3A_779 = arith.index_cast %add3A_693 : i32 to index
        %get3A_780 = arith.constant 160 : index
        %get3A_781 = tpu.vector_load %arg18[%get3A_779, %get3A_780] {strides = array<i32>} : memref<64x256xf32, #tpu.memory_space<vmem>>, vector<16xf32>,
        %mul3A_782 = arith.mulf %get3A_778, %get3A_781 : vector<16xf32>
        %add3A_783 = arith.addf %add3A_775, %mul3A_782 : vector<16xf32>
        %get3A_784 = arith.index_cast %add3A_693 : i32 to index
        %get3A_785 = arith.constant 176 : index
        %get3A_786 = tpu.vector_load %arg17[%get3A_784, %get3A_785] {strides = array<i32>} : memref<64x256xf32, #tpu.memory_space<vmem>>, vector<16xf32>,
        %get3A_787 = arith.index_cast %add3A_693 : i32 to index
        %get3A_788 = arith.constant 176 : index
        %get3A_789 = tpu.vector_load %arg18[%get3A_787, %get3A_788] {strides = array<i32>} : memref<64x256xf32, #tpu.memory_space<vmem>>, vector<16xf32>,
        %mul3A_790 = arith.mulf %get3A_786, %get3A_789 : vector<16xf32>
        %add3A_791 = arith.addf %add3A_783, %mul3A_790 : vector<16xf32>
        %get3A_792 = arith.index_cast %add3A_693 : i32 to index
        %get3A_793 = arith.constant 192 : index
        %get3A_794 = tpu.vector_load %arg17[%get3A_792, %get3A_793] {strides = array<i32>} : memref<64x256xf32, #tpu.memory_space<vmem>>, vector<16xf32>,
        %get3A_795 = arith.index_cast %add3A_693 : i32 to index
        %get3A_796 = arith.constant 192 : index
        %get3A_797 = tpu.vector_load %arg18[%get3A_795, %get3A_796] {strides = array<i32>} : memref<64x256xf32, #tpu.memory_space<vmem>>, vector<16xf32>,
        %mul3A_798 = arith.mulf %get3A_794, %get3A_797 : vector<16xf32>
        %add3A_799 = arith.addf %add3A_791, %mul3A_798 : vector<16xf32>
        %get3A_800 = arith.index_cast %add3A_693 : i32 to index
        %get3A_801 = arith.constant 208 : index
        %get3A_802 = tpu.vector_load %arg17[%get3A_800, %get3A_801] {strides = array<i32>} : memref<64x256xf32, #tpu.memory_space<vmem>>, vector<16xf32>,
        %get3A_803 = arith.index_cast %add3A_693 : i32 to index
        %get3A_804 = arith.constant 208 : index
        %get3A_805 = tpu.vector_load %arg18[%get3A_803, %get3A_804] {strides = array<i32>} : memref<64x256xf32, #tpu.memory_space<vmem>>, vector<16xf32>,
        %mul3A_806 = arith.mulf %get3A_802, %get3A_805 : vector<16xf32>
        %add3A_807 = arith.addf %add3A_799, %mul3A_806 : vector<16xf32>
        %get3A_808 = arith.index_cast %add3A_693 : i32 to index
        %get3A_809 = arith.constant 224 : index
        %get3A_810 = tpu.vector_load %arg17[%get3A_808, %get3A_809] {strides = array<i32>} : memref<64x256xf32, #tpu.memory_space<vmem>>, vector<16xf32>,
        %get3A_811 = arith.index_cast %add3A_693 : i32 to index
        %get3A_812 = arith.constant 224 : index
        %get3A_813 = tpu.vector_load %arg18[%get3A_811, %get3A_812] {strides = array<i32>} : memref<64x256xf32, #tpu.memory_space<vmem>>, vector<16xf32>,
        %mul3A_814 = arith.mulf %get3A_810, %get3A_813 : vector<16xf32>
        %add3A_815 = arith.addf %add3A_807, %mul3A_814 : vector<16xf32>
        %get3A_816 = arith.index_cast %add3A_693 : i32 to index
        %get3A_817 = arith.constant 240 : index
        %get3A_818 = tpu.vector_load %arg17[%get3A_816, %get3A_817] {strides = array<i32>} : memref<64x256xf32, #tpu.memory_space<vmem>>, vector<16xf32>,
        %get3A_819 = arith.index_cast %add3A_693 : i32 to index
        %get3A_820 = arith.constant 240 : index
        %get3A_821 = tpu.vector_load %arg18[%get3A_819, %get3A_820] {strides = array<i32>} : memref<64x256xf32, #tpu.memory_space<vmem>>, vector<16xf32>,
        %mul3A_822 = arith.mulf %get3A_818, %get3A_821 : vector<16xf32>
        %add3A_823 = arith.addf %add3A_815, %mul3A_822 : vector<16xf32>
        %reduce_sum3A_824 = arith.constant true
        %reduce_sum3A_825 = vector.broadcast %reduce_sum3A_824 : i1 to vector<16xi1>
        %reduce_sum3A_826 = tpu.scan <sum>, %add3A_823 masked %reduce_sum3A_825 : vector<16xf32>, vector<16xi1> -> vector<16xf32>
        %reduce_sum3A_827 = vector.extract %reduce_sum3A_826[15] : f32 from vector<16xf32>
        %eq3A_828 = arith.constant 4 : i32
        %eq3A_829 = vector.broadcast %eq3A_828 : i32 to vector<16xi32>
        %eq3A_830 = arith.cmpi eq, %iota3A, %eq3A_829 : vector<16xi32>
        %broadcast_in_dim3A_831 = vector.broadcast %reduce_sum3A_827 : f32 to vector<16xf32>
        %select_n3A_832 = arith.select %eq3A_830, %broadcast_in_dim3A_831, %select_n3A_689 : vector<16xi1>, vector<16xf32>
        %mul3A_833 = arith.constant 16 : i32
        %mul3A_834 = arith.muli %scan3A_30, %mul3A_833 : i32
        %add3A_835 = arith.constant 5 : i32
        %add3A_836 = arith.addi %mul3A_834, %add3A_835 : i32
        %broadcast_in_dim3A_837 = arith.constant 0.000000e+00 : f32
        %broadcast_in_dim3A_838 = vector.broadcast %broadcast_in_dim3A_837 : f32 to vector<16xf32>
        %get3A_839 = arith.index_cast %add3A_836 : i32 to index
        %get3A_840 = arith.constant 0 : index
        %get3A_841 = tpu.vector_load %arg17[%get3A_839, %get3A_840] {strides = array<i32>} : memref<64x256xf32, #tpu.memory_space<vmem>>, vector<16xf32>,
        %get3A_842 = arith.index_cast %add3A_836 : i32 to index
        %get3A_843 = arith.constant 0 : index
        %get3A_844 = tpu.vector_load %arg18[%get3A_842, %get3A_843] {strides = array<i32>} : memref<64x256xf32, #tpu.memory_space<vmem>>, vector<16xf32>,
        %mul3A_845 = arith.mulf %get3A_841, %get3A_844 : vector<16xf32>
        %add3A_846 = arith.addf %broadcast_in_dim3A_838, %mul3A_845 : vector<16xf32>
        %get3A_847 = arith.index_cast %add3A_836 : i32 to index
        %get3A_848 = arith.constant 16 : index
        %get3A_849 = tpu.vector_load %arg17[%get3A_847, %get3A_848] {strides = array<i32>} : memref<64x256xf32, #tpu.memory_space<vmem>>, vector<16xf32>,
        %get3A_850 = arith.index_cast %add3A_836 : i32 to index
        %get3A_851 = arith.constant 16 : index
        %get3A_852 = tpu.vector_load %arg18[%get3A_850, %get3A_851] {strides = array<i32>} : memref<64x256xf32, #tpu.memory_space<vmem>>, vector<16xf32>,
        %mul3A_853 = arith.mulf %get3A_849, %get3A_852 : vector<16xf32>
        %add3A_854 = arith.addf %add3A_846, %mul3A_853 : vector<16xf32>
        %get3A_855 = arith.index_cast %add3A_836 : i32 to index
        %get3A_856 = arith.constant 32 : index
        %get3A_857 = tpu.vector_load %arg17[%get3A_855, %get3A_856] {strides = array<i32>} : memref<64x256xf32, #tpu.memory_space<vmem>>, vector<16xf32>,
        %get3A_858 = arith.index_cast %add3A_836 : i32 to index
        %get3A_859 = arith.constant 32 : index
        %get3A_860 = tpu.vector_load %arg18[%get3A_858, %get3A_859] {strides = array<i32>} : memref<64x256xf32, #tpu.memory_space<vmem>>, vector<16xf32>,
        %mul3A_861 = arith.mulf %get3A_857, %get3A_860 : vector<16xf32>
        %add3A_862 = arith.addf %add3A_854, %mul3A_861 : vector<16xf32>
        %get3A_863 = arith.index_cast %add3A_836 : i32 to index
        %get3A_864 = arith.constant 48 : index
        %get3A_865 = tpu.vector_load %arg17[%get3A_863, %get3A_864] {strides = array<i32>} : memref<64x256xf32, #tpu.memory_space<vmem>>, vector<16xf32>,
        %get3A_866 = arith.index_cast %add3A_836 : i32 to index
        %get3A_867 = arith.constant 48 : index
        %get3A_868 = tpu.vector_load %arg18[%get3A_866, %get3A_867] {strides = array<i32>} : memref<64x256xf32, #tpu.memory_space<vmem>>, vector<16xf32>,
        %mul3A_869 = arith.mulf %get3A_865, %get3A_868 : vector<16xf32>
        %add3A_870 = arith.addf %add3A_862, %mul3A_869 : vector<16xf32>
        %get3A_871 = arith.index_cast %add3A_836 : i32 to index
        %get3A_872 = arith.constant 64 : index
        %get3A_873 = tpu.vector_load %arg17[%get3A_871, %get3A_872] {strides = array<i32>} : memref<64x256xf32, #tpu.memory_space<vmem>>, vector<16xf32>,
        %get3A_874 = arith.index_cast %add3A_836 : i32 to index
        %get3A_875 = arith.constant 64 : index
        %get3A_876 = tpu.vector_load %arg18[%get3A_874, %get3A_875] {strides = array<i32>} : memref<64x256xf32, #tpu.memory_space<vmem>>, vector<16xf32>,
        %mul3A_877 = arith.mulf %get3A_873, %get3A_876 : vector<16xf32>
        %add3A_878 = arith.addf %add3A_870, %mul3A_877 : vector<16xf32>
        %get3A_879 = arith.index_cast %add3A_836 : i32 to index
        %get3A_880 = arith.constant 80 : index
        %get3A_881 = tpu.vector_load %arg17[%get3A_879, %get3A_880] {strides = array<i32>} : memref<64x256xf32, #tpu.memory_space<vmem>>, vector<16xf32>,
        %get3A_882 = arith.index_cast %add3A_836 : i32 to index
        %get3A_883 = arith.constant 80 : index
        %get3A_884 = tpu.vector_load %arg18[%get3A_882, %get3A_883] {strides = array<i32>} : memref<64x256xf32, #tpu.memory_space<vmem>>, vector<16xf32>,
        %mul3A_885 = arith.mulf %get3A_881, %get3A_884 : vector<16xf32>
        %add3A_886 = arith.addf %add3A_878, %mul3A_885 : vector<16xf32>
        %get3A_887 = arith.index_cast %add3A_836 : i32 to index
        %get3A_888 = arith.constant 96 : index
        %get3A_889 = tpu.vector_load %arg17[%get3A_887, %get3A_888] {strides = array<i32>} : memref<64x256xf32, #tpu.memory_space<vmem>>, vector<16xf32>,
        %get3A_890 = arith.index_cast %add3A_836 : i32 to index
        %get3A_891 = arith.constant 96 : index
        %get3A_892 = tpu.vector_load %arg18[%get3A_890, %get3A_891] {strides = array<i32>} : memref<64x256xf32, #tpu.memory_space<vmem>>, vector<16xf32>,
        %mul3A_893 = arith.mulf %get3A_889, %get3A_892 : vector<16xf32>
        %add3A_894 = arith.addf %add3A_886, %mul3A_893 : vector<16xf32>
        %get3A_895 = arith.index_cast %add3A_836 : i32 to index
        %get3A_896 = arith.constant 112 : index
        %get3A_897 = tpu.vector_load %arg17[%get3A_895, %get3A_896] {strides = array<i32>} : memref<64x256xf32, #tpu.memory_space<vmem>>, vector<16xf32>,
        %get3A_898 = arith.index_cast %add3A_836 : i32 to index
        %get3A_899 = arith.constant 112 : index
        %get3A_900 = tpu.vector_load %arg18[%get3A_898, %get3A_899] {strides = array<i32>} : memref<64x256xf32, #tpu.memory_space<vmem>>, vector<16xf32>,
        %mul3A_901 = arith.mulf %get3A_897, %get3A_900 : vector<16xf32>
        %add3A_902 = arith.addf %add3A_894, %mul3A_901 : vector<16xf32>
        %get3A_903 = arith.index_cast %add3A_836 : i32 to index
        %get3A_904 = arith.constant 128 : index
        %get3A_905 = tpu.vector_load %arg17[%get3A_903, %get3A_904] {strides = array<i32>} : memref<64x256xf32, #tpu.memory_space<vmem>>, vector<16xf32>,
        %get3A_906 = arith.index_cast %add3A_836 : i32 to index
        %get3A_907 = arith.constant 128 : index
        %get3A_908 = tpu.vector_load %arg18[%get3A_906, %get3A_907] {strides = array<i32>} : memref<64x256xf32, #tpu.memory_space<vmem>>, vector<16xf32>,
        %mul3A_909 = arith.mulf %get3A_905, %get3A_908 : vector<16xf32>
        %add3A_910 = arith.addf %add3A_902, %mul3A_909 : vector<16xf32>
        %get3A_911 = arith.index_cast %add3A_836 : i32 to index
        %get3A_912 = arith.constant 144 : index
        %get3A_913 = tpu.vector_load %arg17[%get3A_911, %get3A_912] {strides = array<i32>} : memref<64x256xf32, #tpu.memory_space<vmem>>, vector<16xf32>,
        %get3A_914 = arith.index_cast %add3A_836 : i32 to index
        %get3A_915 = arith.constant 144 : index
        %get3A_916 = tpu.vector_load %arg18[%get3A_914, %get3A_915] {strides = array<i32>} : memref<64x256xf32, #tpu.memory_space<vmem>>, vector<16xf32>,
        %mul3A_917 = arith.mulf %get3A_913, %get3A_916 : vector<16xf32>
        %add3A_918 = arith.addf %add3A_910, %mul3A_917 : vector<16xf32>
        %get3A_919 = arith.index_cast %add3A_836 : i32 to index
        %get3A_920 = arith.constant 160 : index
        %get3A_921 = tpu.vector_load %arg17[%get3A_919, %get3A_920] {strides = array<i32>} : memref<64x256xf32, #tpu.memory_space<vmem>>, vector<16xf32>,
        %get3A_922 = arith.index_cast %add3A_836 : i32 to index
        %get3A_923 = arith.constant 160 : index
        %get3A_924 = tpu.vector_load %arg18[%get3A_922, %get3A_923] {strides = array<i32>} : memref<64x256xf32, #tpu.memory_space<vmem>>, vector<16xf32>,
        %mul3A_925 = arith.mulf %get3A_921, %get3A_924 : vector<16xf32>
        %add3A_926 = arith.addf %add3A_918, %mul3A_925 : vector<16xf32>
        %get3A_927 = arith.index_cast %add3A_836 : i32 to index
        %get3A_928 = arith.constant 176 : index
        %get3A_929 = tpu.vector_load %arg17[%get3A_927, %get3A_928] {strides = array<i32>} : memref<64x256xf32, #tpu.memory_space<vmem>>, vector<16xf32>,
        %get3A_930 = arith.index_cast %add3A_836 : i32 to index
        %get3A_931 = arith.constant 176 : index
        %get3A_932 = tpu.vector_load %arg18[%get3A_930, %get3A_931] {strides = array<i32>} : memref<64x256xf32, #tpu.memory_space<vmem>>, vector<16xf32>,
        %mul3A_933 = arith.mulf %get3A_929, %get3A_932 : vector<16xf32>
        %add3A_934 = arith.addf %add3A_926, %mul3A_933 : vector<16xf32>
        %get3A_935 = arith.index_cast %add3A_836 : i32 to index
        %get3A_936 = arith.constant 192 : index
        %get3A_937 = tpu.vector_load %arg17[%get3A_935, %get3A_936] {strides = array<i32>} : memref<64x256xf32, #tpu.memory_space<vmem>>, vector<16xf32>,
        %get3A_938 = arith.index_cast %add3A_836 : i32 to index
        %get3A_939 = arith.constant 192 : index
        %get3A_940 = tpu.vector_load %arg18[%get3A_938, %get3A_939] {strides = array<i32>} : memref<64x256xf32, #tpu.memory_space<vmem>>, vector<16xf32>,
        %mul3A_941 = arith.mulf %get3A_937, %get3A_940 : vector<16xf32>
        %add3A_942 = arith.addf %add3A_934, %mul3A_941 : vector<16xf32>
        %get3A_943 = arith.index_cast %add3A_836 : i32 to index
        %get3A_944 = arith.constant 208 : index
        %get3A_945 = tpu.vector_load %arg17[%get3A_943, %get3A_944] {strides = array<i32>} : memref<64x256xf32, #tpu.memory_space<vmem>>, vector<16xf32>,
        %get3A_946 = arith.index_cast %add3A_836 : i32 to index
        %get3A_947 = arith.constant 208 : index
        %get3A_948 = tpu.vector_load %arg18[%get3A_946, %get3A_947] {strides = array<i32>} : memref<64x256xf32, #tpu.memory_space<vmem>>, vector<16xf32>,
        %mul3A_949 = arith.mulf %get3A_945, %get3A_948 : vector<16xf32>
        %add3A_950 = arith.addf %add3A_942, %mul3A_949 : vector<16xf32>
        %get3A_951 = arith.index_cast %add3A_836 : i32 to index
        %get3A_952 = arith.constant 224 : index
        %get3A_953 = tpu.vector_load %arg17[%get3A_951, %get3A_952] {strides = array<i32>} : memref<64x256xf32, #tpu.memory_space<vmem>>, vector<16xf32>,
        %get3A_954 = arith.index_cast %add3A_836 : i32 to index
        %get3A_955 = arith.constant 224 : index
        %get3A_956 = tpu.vector_load %arg18[%get3A_954, %get3A_955] {strides = array<i32>} : memref<64x256xf32, #tpu.memory_space<vmem>>, vector<16xf32>,
        %mul3A_957 = arith.mulf %get3A_953, %get3A_956 : vector<16xf32>
        %add3A_958 = arith.addf %add3A_950, %mul3A_957 : vector<16xf32>
        %get3A_959 = arith.index_cast %add3A_836 : i32 to index
        %get3A_960 = arith.constant 240 : index
        %get3A_961 = tpu.vector_load %arg17[%get3A_959, %get3A_960] {strides = array<i32>} : memref<64x256xf32, #tpu.memory_space<vmem>>, vector<16xf32>,
        %get3A_962 = arith.index_cast %add3A_836 : i32 to index
        %get3A_963 = arith.constant 240 : index
        %get3A_964 = tpu.vector_load %arg18[%get3A_962, %get3A_963] {strides = array<i32>} : memref<64x256xf32, #tpu.memory_space<vmem>>, vector<16xf32>,
        %mul3A_965 = arith.mulf %get3A_961, %get3A_964 : vector<16xf32>
        %add3A_966 = arith.addf %add3A_958, %mul3A_965 : vector<16xf32>
        %reduce_sum3A_967 = arith.constant true
        %reduce_sum3A_968 = vector.broadcast %reduce_sum3A_967 : i1 to vector<16xi1>
        %reduce_sum3A_969 = tpu.scan <sum>, %add3A_966 masked %reduce_sum3A_968 : vector<16xf32>, vector<16xi1> -> vector<16xf32>
        %reduce_sum3A_970 = vector.extract %reduce_sum3A_969[15] : f32 from vector<16xf32>
        %eq3A_971 = arith.constant 5 : i32
        %eq3A_972 = vector.broadcast %eq3A_971 : i32 to vector<16xi32>
        %eq3A_973 = arith.cmpi eq, %iota3A, %eq3A_972 : vector<16xi32>
        %broadcast_in_dim3A_974 = vector.broadcast %reduce_sum3A_970 : f32 to vector<16xf32>
        %select_n3A_975 = arith.select %eq3A_973, %broadcast_in_dim3A_974, %select_n3A_832 : vector<16xi1>, vector<16xf32>
        %mul3A_976 = arith.constant 16 : i32
        %mul3A_977 = arith.muli %scan3A_30, %mul3A_976 : i32
        %add3A_978 = arith.constant 6 : i32
        %add3A_979 = arith.addi %mul3A_977, %add3A_978 : i32
        %broadcast_in_dim3A_980 = arith.constant 0.000000e+00 : f32
        %broadcast_in_dim3A_981 = vector.broadcast %broadcast_in_dim3A_980 : f32 to vector<16xf32>
        %get3A_982 = arith.index_cast %add3A_979 : i32 to index
        %get3A_983 = arith.constant 0 : index
        %get3A_984 = tpu.vector_load %arg17[%get3A_982, %get3A_983] {strides = array<i32>} : memref<64x256xf32, #tpu.memory_space<vmem>>, vector<16xf32>,
        %get3A_985 = arith.index_cast %add3A_979 : i32 to index
        %get3A_986 = arith.constant 0 : index
        %get3A_987 = tpu.vector_load %arg18[%get3A_985, %get3A_986] {strides = array<i32>} : memref<64x256xf32, #tpu.memory_space<vmem>>, vector<16xf32>,
        %mul3A_988 = arith.mulf %get3A_984, %get3A_987 : vector<16xf32>
        %add3A_989 = arith.addf %broadcast_in_dim3A_981, %mul3A_988 : vector<16xf32>
        %get3A_990 = arith.index_cast %add3A_979 : i32 to index
        %get3A_991 = arith.constant 16 : index
        %get3A_992 = tpu.vector_load %arg17[%get3A_990, %get3A_991] {strides = array<i32>} : memref<64x256xf32, #tpu.memory_space<vmem>>, vector<16xf32>,
        %get3A_993 = arith.index_cast %add3A_979 : i32 to index
        %get3A_994 = arith.constant 16 : index
        %get3A_995 = tpu.vector_load %arg18[%get3A_993, %get3A_994] {strides = array<i32>} : memref<64x256xf32, #tpu.memory_space<vmem>>, vector<16xf32>,
        %mul3A_996 = arith.mulf %get3A_992, %get3A_995 : vector<16xf32>
        %add3A_997 = arith.addf %add3A_989, %mul3A_996 : vector<16xf32>
        %get3A_998 = arith.index_cast %add3A_979 : i32 to index
        %get3A_999 = arith.constant 32 : index
        %get3A_1000 = tpu.vector_load %arg17[%get3A_998, %get3A_999] {strides = array<i32>} : memref<64x256xf32, #tpu.memory_space<vmem>>, vector<16xf32>,
        %get3A_1001 = arith.index_cast %add3A_979 : i32 to index
        %get3A_1002 = arith.constant 32 : index
        %get3A_1003 = tpu.vector_load %arg18[%get3A_1001, %get3A_1002] {strides = array<i32>} : memref<64x256xf32, #tpu.memory_space<vmem>>, vector<16xf32>,
        %mul3A_1004 = arith.mulf %get3A_1000, %get3A_1003 : vector<16xf32>
        %add3A_1005 = arith.addf %add3A_997, %mul3A_1004 : vector<16xf32>
        %get3A_1006 = arith.index_cast %add3A_979 : i32 to index
        %get3A_1007 = arith.constant 48 : index
        %get3A_1008 = tpu.vector_load %arg17[%get3A_1006, %get3A_1007] {strides = array<i32>} : memref<64x256xf32, #tpu.memory_space<vmem>>, vector<16xf32>,
        %get3A_1009 = arith.index_cast %add3A_979 : i32 to index
        %get3A_1010 = arith.constant 48 : index
        %get3A_1011 = tpu.vector_load %arg18[%get3A_1009, %get3A_1010] {strides = array<i32>} : memref<64x256xf32, #tpu.memory_space<vmem>>, vector<16xf32>,
        %mul3A_1012 = arith.mulf %get3A_1008, %get3A_1011 : vector<16xf32>
        %add3A_1013 = arith.addf %add3A_1005, %mul3A_1012 : vector<16xf32>
        %get3A_1014 = arith.index_cast %add3A_979 : i32 to index
        %get3A_1015 = arith.constant 64 : index
        %get3A_1016 = tpu.vector_load %arg17[%get3A_1014, %get3A_1015] {strides = array<i32>} : memref<64x256xf32, #tpu.memory_space<vmem>>, vector<16xf32>,
        %get3A_1017 = arith.index_cast %add3A_979 : i32 to index
        %get3A_1018 = arith.constant 64 : index
        %get3A_1019 = tpu.vector_load %arg18[%get3A_1017, %get3A_1018] {strides = array<i32>} : memref<64x256xf32, #tpu.memory_space<vmem>>, vector<16xf32>,
        %mul3A_1020 = arith.mulf %get3A_1016, %get3A_1019 : vector<16xf32>
        %add3A_1021 = arith.addf %add3A_1013, %mul3A_1020 : vector<16xf32>
        %get3A_1022 = arith.index_cast %add3A_979 : i32 to index
        %get3A_1023 = arith.constant 80 : index
        %get3A_1024 = tpu.vector_load %arg17[%get3A_1022, %get3A_1023] {strides = array<i32>} : memref<64x256xf32, #tpu.memory_space<vmem>>, vector<16xf32>,
        %get3A_1025 = arith.index_cast %add3A_979 : i32 to index
        %get3A_1026 = arith.constant 80 : index
        %get3A_1027 = tpu.vector_load %arg18[%get3A_1025, %get3A_1026] {strides = array<i32>} : memref<64x256xf32, #tpu.memory_space<vmem>>, vector<16xf32>,
        %mul3A_1028 = arith.mulf %get3A_1024, %get3A_1027 : vector<16xf32>
        %add3A_1029 = arith.addf %add3A_1021, %mul3A_1028 : vector<16xf32>
        %get3A_1030 = arith.index_cast %add3A_979 : i32 to index
        %get3A_1031 = arith.constant 96 : index
        %get3A_1032 = tpu.vector_load %arg17[%get3A_1030, %get3A_1031] {strides = array<i32>} : memref<64x256xf32, #tpu.memory_space<vmem>>, vector<16xf32>,
        %get3A_1033 = arith.index_cast %add3A_979 : i32 to index
        %get3A_1034 = arith.constant 96 : index
        %get3A_1035 = tpu.vector_load %arg18[%get3A_1033, %get3A_1034] {strides = array<i32>} : memref<64x256xf32, #tpu.memory_space<vmem>>, vector<16xf32>,
        %mul3A_1036 = arith.mulf %get3A_1032, %get3A_1035 : vector<16xf32>
        %add3A_1037 = arith.addf %add3A_1029, %mul3A_1036 : vector<16xf32>
        %get3A_1038 = arith.index_cast %add3A_979 : i32 to index
        %get3A_1039 = arith.constant 112 : index
        %get3A_1040 = tpu.vector_load %arg17[%get3A_1038, %get3A_1039] {strides = array<i32>} : memref<64x256xf32, #tpu.memory_space<vmem>>, vector<16xf32>,
        %get3A_1041 = arith.index_cast %add3A_979 : i32 to index
        %get3A_1042 = arith.constant 112 : index
        %get3A_1043 = tpu.vector_load %arg18[%get3A_1041, %get3A_1042] {strides = array<i32>} : memref<64x256xf32, #tpu.memory_space<vmem>>, vector<16xf32>,
        %mul3A_1044 = arith.mulf %get3A_1040, %get3A_1043 : vector<16xf32>
        %add3A_1045 = arith.addf %add3A_1037, %mul3A_1044 : vector<16xf32>
        %get3A_1046 = arith.index_cast %add3A_979 : i32 to index
        %get3A_1047 = arith.constant 128 : index
        %get3A_1048 = tpu.vector_load %arg17[%get3A_1046, %get3A_1047] {strides = array<i32>} : memref<64x256xf32, #tpu.memory_space<vmem>>, vector<16xf32>,
        %get3A_1049 = arith.index_cast %add3A_979 : i32 to index
        %get3A_1050 = arith.constant 128 : index
        %get3A_1051 = tpu.vector_load %arg18[%get3A_1049, %get3A_1050] {strides = array<i32>} : memref<64x256xf32, #tpu.memory_space<vmem>>, vector<16xf32>,
        %mul3A_1052 = arith.mulf %get3A_1048, %get3A_1051 : vector<16xf32>
        %add3A_1053 = arith.addf %add3A_1045, %mul3A_1052 : vector<16xf32>
        %get3A_1054 = arith.index_cast %add3A_979 : i32 to index
        %get3A_1055 = arith.constant 144 : index
        %get3A_1056 = tpu.vector_load %arg17[%get3A_1054, %get3A_1055] {strides = array<i32>} : memref<64x256xf32, #tpu.memory_space<vmem>>, vector<16xf32>,
        %get3A_1057 = arith.index_cast %add3A_979 : i32 to index
        %get3A_1058 = arith.constant 144 : index
        %get3A_1059 = tpu.vector_load %arg18[%get3A_1057, %get3A_1058] {strides = array<i32>} : memref<64x256xf32, #tpu.memory_space<vmem>>, vector<16xf32>,
        %mul3A_1060 = arith.mulf %get3A_1056, %get3A_1059 : vector<16xf32>
        %add3A_1061 = arith.addf %add3A_1053, %mul3A_1060 : vector<16xf32>
        %get3A_1062 = arith.index_cast %add3A_979 : i32 to index
        %get3A_1063 = arith.constant 160 : index
        %get3A_1064 = tpu.vector_load %arg17[%get3A_1062, %get3A_1063] {strides = array<i32>} : memref<64x256xf32, #tpu.memory_space<vmem>>, vector<16xf32>,
        %get3A_1065 = arith.index_cast %add3A_979 : i32 to index
        %get3A_1066 = arith.constant 160 : index
        %get3A_1067 = tpu.vector_load %arg18[%get3A_1065, %get3A_1066] {strides = array<i32>} : memref<64x256xf32, #tpu.memory_space<vmem>>, vector<16xf32>,
        %mul3A_1068 = arith.mulf %get3A_1064, %get3A_1067 : vector<16xf32>
        %add3A_1069 = arith.addf %add3A_1061, %mul3A_1068 : vector<16xf32>
        %get3A_1070 = arith.index_cast %add3A_979 : i32 to index
        %get3A_1071 = arith.constant 176 : index
        %get3A_1072 = tpu.vector_load %arg17[%get3A_1070, %get3A_1071] {strides = array<i32>} : memref<64x256xf32, #tpu.memory_space<vmem>>, vector<16xf32>,
        %get3A_1073 = arith.index_cast %add3A_979 : i32 to index
        %get3A_1074 = arith.constant 176 : index
        %get3A_1075 = tpu.vector_load %arg18[%get3A_1073, %get3A_1074] {strides = array<i32>} : memref<64x256xf32, #tpu.memory_space<vmem>>, vector<16xf32>,
        %mul3A_1076 = arith.mulf %get3A_1072, %get3A_1075 : vector<16xf32>
        %add3A_1077 = arith.addf %add3A_1069, %mul3A_1076 : vector<16xf32>
        %get3A_1078 = arith.index_cast %add3A_979 : i32 to index
        %get3A_1079 = arith.constant 192 : index
        %get3A_1080 = tpu.vector_load %arg17[%get3A_1078, %get3A_1079] {strides = array<i32>} : memref<64x256xf32, #tpu.memory_space<vmem>>, vector<16xf32>,
        %get3A_1081 = arith.index_cast %add3A_979 : i32 to index
        %get3A_1082 = arith.constant 192 : index
        %get3A_1083 = tpu.vector_load %arg18[%get3A_1081, %get3A_1082] {strides = array<i32>} : memref<64x256xf32, #tpu.memory_space<vmem>>, vector<16xf32>,
        %mul3A_1084 = arith.mulf %get3A_1080, %get3A_1083 : vector<16xf32>
        %add3A_1085 = arith.addf %add3A_1077, %mul3A_1084 : vector<16xf32>
        %get3A_1086 = arith.index_cast %add3A_979 : i32 to index
        %get3A_1087 = arith.constant 208 : index
        %get3A_1088 = tpu.vector_load %arg17[%get3A_1086, %get3A_1087] {strides = array<i32>} : memref<64x256xf32, #tpu.memory_space<vmem>>, vector<16xf32>,
        %get3A_1089 = arith.index_cast %add3A_979 : i32 to index
        %get3A_1090 = arith.constant 208 : index
        %get3A_1091 = tpu.vector_load %arg18[%get3A_1089, %get3A_1090] {strides = array<i32>} : memref<64x256xf32, #tpu.memory_space<vmem>>, vector<16xf32>,
        %mul3A_1092 = arith.mulf %get3A_1088, %get3A_1091 : vector<16xf32>
        %add3A_1093 = arith.addf %add3A_1085, %mul3A_1092 : vector<16xf32>
        %get3A_1094 = arith.index_cast %add3A_979 : i32 to index
        %get3A_1095 = arith.constant 224 : index
        %get3A_1096 = tpu.vector_load %arg17[%get3A_1094, %get3A_1095] {strides = array<i32>} : memref<64x256xf32, #tpu.memory_space<vmem>>, vector<16xf32>,
        %get3A_1097 = arith.index_cast %add3A_979 : i32 to index
        %get3A_1098 = arith.constant 224 : index
        %get3A_1099 = tpu.vector_load %arg18[%get3A_1097, %get3A_1098] {strides = array<i32>} : memref<64x256xf32, #tpu.memory_space<vmem>>, vector<16xf32>,
        %mul3A_1100 = arith.mulf %get3A_1096, %get3A_1099 : vector<16xf32>
        %add3A_1101 = arith.addf %add3A_1093, %mul3A_1100 : vector<16xf32>
        %get3A_1102 = arith.index_cast %add3A_979 : i32 to index
        %get3A_1103 = arith.constant 240 : index
        %get3A_1104 = tpu.vector_load %arg17[%get3A_1102, %get3A_1103] {strides = array<i32>} : memref<64x256xf32, #tpu.memory_space<vmem>>, vector<16xf32>,
        %get3A_1105 = arith.index_cast %add3A_979 : i32 to index
        %get3A_1106 = arith.constant 240 : index
        %get3A_1107 = tpu.vector_load %arg18[%get3A_1105, %get3A_1106] {strides = array<i32>} : memref<64x256xf32, #tpu.memory_space<vmem>>, vector<16xf32>,
        %mul3A_1108 = arith.mulf %get3A_1104, %get3A_1107 : vector<16xf32>
        %add3A_1109 = arith.addf %add3A_1101, %mul3A_1108 : vector<16xf32>
        %reduce_sum3A_1110 = arith.constant true
        %reduce_sum3A_1111 = vector.broadcast %reduce_sum3A_1110 : i1 to vector<16xi1>
        %reduce_sum3A_1112 = tpu.scan <sum>, %add3A_1109 masked %reduce_sum3A_1111 : vector<16xf32>, vector<16xi1> -> vector<16xf32>
        %reduce_sum3A_1113 = vector.extract %reduce_sum3A_1112[15] : f32 from vector<16xf32>
        %eq3A_1114 = arith.constant 6 : i32
        %eq3A_1115 = vector.broadcast %eq3A_1114 : i32 to vector<16xi32>
        %eq3A_1116 = arith.cmpi eq, %iota3A, %eq3A_1115 : vector<16xi32>
        %broadcast_in_dim3A_1117 = vector.broadcast %reduce_sum3A_1113 : f32 to vector<16xf32>
        %select_n3A_1118 = arith.select %eq3A_1116, %broadcast_in_dim3A_1117, %select_n3A_975 : vector<16xi1>, vector<16xf32>
        %mul3A_1119 = arith.constant 16 : i32
        %mul3A_1120 = arith.muli %scan3A_30, %mul3A_1119 : i32
        %add3A_1121 = arith.constant 7 : i32
        %add3A_1122 = arith.addi %mul3A_1120, %add3A_1121 : i32
        %broadcast_in_dim3A_1123 = arith.constant 0.000000e+00 : f32
        %broadcast_in_dim3A_1124 = vector.broadcast %broadcast_in_dim3A_1123 : f32 to vector<16xf32>
        %get3A_1125 = arith.index_cast %add3A_1122 : i32 to index
        %get3A_1126 = arith.constant 0 : index
        %get3A_1127 = tpu.vector_load %arg17[%get3A_1125, %get3A_1126] {strides = array<i32>} : memref<64x256xf32, #tpu.memory_space<vmem>>, vector<16xf32>,
        %get3A_1128 = arith.index_cast %add3A_1122 : i32 to index
        %get3A_1129 = arith.constant 0 : index
        %get3A_1130 = tpu.vector_load %arg18[%get3A_1128, %get3A_1129] {strides = array<i32>} : memref<64x256xf32, #tpu.memory_space<vmem>>, vector<16xf32>,
        %mul3A_1131 = arith.mulf %get3A_1127, %get3A_1130 : vector<16xf32>
        %add3A_1132 = arith.addf %broadcast_in_dim3A_1124, %mul3A_1131 : vector<16xf32>
        %get3A_1133 = arith.index_cast %add3A_1122 : i32 to index
        %get3A_1134 = arith.constant 16 : index
        %get3A_1135 = tpu.vector_load %arg17[%get3A_1133, %get3A_1134] {strides = array<i32>} : memref<64x256xf32, #tpu.memory_space<vmem>>, vector<16xf32>,
        %get3A_1136 = arith.index_cast %add3A_1122 : i32 to index
        %get3A_1137 = arith.constant 16 : index
        %get3A_1138 = tpu.vector_load %arg18[%get3A_1136, %get3A_1137] {strides = array<i32>} : memref<64x256xf32, #tpu.memory_space<vmem>>, vector<16xf32>,
        %mul3A_1139 = arith.mulf %get3A_1135, %get3A_1138 : vector<16xf32>
        %add3A_1140 = arith.addf %add3A_1132, %mul3A_1139 : vector<16xf32>
        %get3A_1141 = arith.index_cast %add3A_1122 : i32 to index
        %get3A_1142 = arith.constant 32 : index
        %get3A_1143 = tpu.vector_load %arg17[%get3A_1141, %get3A_1142] {strides = array<i32>} : memref<64x256xf32, #tpu.memory_space<vmem>>, vector<16xf32>,
        %get3A_1144 = arith.index_cast %add3A_1122 : i32 to index
        %get3A_1145 = arith.constant 32 : index
        %get3A_1146 = tpu.vector_load %arg18[%get3A_1144, %get3A_1145] {strides = array<i32>} : memref<64x256xf32, #tpu.memory_space<vmem>>, vector<16xf32>,
        %mul3A_1147 = arith.mulf %get3A_1143, %get3A_1146 : vector<16xf32>
        %add3A_1148 = arith.addf %add3A_1140, %mul3A_1147 : vector<16xf32>
        %get3A_1149 = arith.index_cast %add3A_1122 : i32 to index
        %get3A_1150 = arith.constant 48 : index
        %get3A_1151 = tpu.vector_load %arg17[%get3A_1149, %get3A_1150] {strides = array<i32>} : memref<64x256xf32, #tpu.memory_space<vmem>>, vector<16xf32>,
        %get3A_1152 = arith.index_cast %add3A_1122 : i32 to index
        %get3A_1153 = arith.constant 48 : index
        %get3A_1154 = tpu.vector_load %arg18[%get3A_1152, %get3A_1153] {strides = array<i32>} : memref<64x256xf32, #tpu.memory_space<vmem>>, vector<16xf32>,
        %mul3A_1155 = arith.mulf %get3A_1151, %get3A_1154 : vector<16xf32>
        %add3A_1156 = arith.addf %add3A_1148, %mul3A_1155 : vector<16xf32>
        %get3A_1157 = arith.index_cast %add3A_1122 : i32 to index
        %get3A_1158 = arith.constant 64 : index
        %get3A_1159 = tpu.vector_load %arg17[%get3A_1157, %get3A_1158] {strides = array<i32>} : memref<64x256xf32, #tpu.memory_space<vmem>>, vector<16xf32>,
        %get3A_1160 = arith.index_cast %add3A_1122 : i32 to index
        %get3A_1161 = arith.constant 64 : index
        %get3A_1162 = tpu.vector_load %arg18[%get3A_1160, %get3A_1161] {strides = array<i32>} : memref<64x256xf32, #tpu.memory_space<vmem>>, vector<16xf32>,
        %mul3A_1163 = arith.mulf %get3A_1159, %get3A_1162 : vector<16xf32>
        %add3A_1164 = arith.addf %add3A_1156, %mul3A_1163 : vector<16xf32>
        %get3A_1165 = arith.index_cast %add3A_1122 : i32 to index
        %get3A_1166 = arith.constant 80 : index
        %get3A_1167 = tpu.vector_load %arg17[%get3A_1165, %get3A_1166] {strides = array<i32>} : memref<64x256xf32, #tpu.memory_space<vmem>>, vector<16xf32>,
        %get3A_1168 = arith.index_cast %add3A_1122 : i32 to index
        %get3A_1169 = arith.constant 80 : index
        %get3A_1170 = tpu.vector_load %arg18[%get3A_1168, %get3A_1169] {strides = array<i32>} : memref<64x256xf32, #tpu.memory_space<vmem>>, vector<16xf32>,
        %mul3A_1171 = arith.mulf %get3A_1167, %get3A_1170 : vector<16xf32>
        %add3A_1172 = arith.addf %add3A_1164, %mul3A_1171 : vector<16xf32>
        %get3A_1173 = arith.index_cast %add3A_1122 : i32 to index
        %get3A_1174 = arith.constant 96 : index
        %get3A_1175 = tpu.vector_load %arg17[%get3A_1173, %get3A_1174] {strides = array<i32>} : memref<64x256xf32, #tpu.memory_space<vmem>>, vector<16xf32>,
        %get3A_1176 = arith.index_cast %add3A_1122 : i32 to index
        %get3A_1177 = arith.constant 96 : index
        %get3A_1178 = tpu.vector_load %arg18[%get3A_1176, %get3A_1177] {strides = array<i32>} : memref<64x256xf32, #tpu.memory_space<vmem>>, vector<16xf32>,
        %mul3A_1179 = arith.mulf %get3A_1175, %get3A_1178 : vector<16xf32>
        %add3A_1180 = arith.addf %add3A_1172, %mul3A_1179 : vector<16xf32>
        %get3A_1181 = arith.index_cast %add3A_1122 : i32 to index
        %get3A_1182 = arith.constant 112 : index
        %get3A_1183 = tpu.vector_load %arg17[%get3A_1181, %get3A_1182] {strides = array<i32>} : memref<64x256xf32, #tpu.memory_space<vmem>>, vector<16xf32>,
        %get3A_1184 = arith.index_cast %add3A_1122 : i32 to index
        %get3A_1185 = arith.constant 112 : index
        %get3A_1186 = tpu.vector_load %arg18[%get3A_1184, %get3A_1185] {strides = array<i32>} : memref<64x256xf32, #tpu.memory_space<vmem>>, vector<16xf32>,
        %mul3A_1187 = arith.mulf %get3A_1183, %get3A_1186 : vector<16xf32>
        %add3A_1188 = arith.addf %add3A_1180, %mul3A_1187 : vector<16xf32>
        %get3A_1189 = arith.index_cast %add3A_1122 : i32 to index
        %get3A_1190 = arith.constant 128 : index
        %get3A_1191 = tpu.vector_load %arg17[%get3A_1189, %get3A_1190] {strides = array<i32>} : memref<64x256xf32, #tpu.memory_space<vmem>>, vector<16xf32>,
        %get3A_1192 = arith.index_cast %add3A_1122 : i32 to index
        %get3A_1193 = arith.constant 128 : index
        %get3A_1194 = tpu.vector_load %arg18[%get3A_1192, %get3A_1193] {strides = array<i32>} : memref<64x256xf32, #tpu.memory_space<vmem>>, vector<16xf32>,
        %mul3A_1195 = arith.mulf %get3A_1191, %get3A_1194 : vector<16xf32>
        %add3A_1196 = arith.addf %add3A_1188, %mul3A_1195 : vector<16xf32>
        %get3A_1197 = arith.index_cast %add3A_1122 : i32 to index
        %get3A_1198 = arith.constant 144 : index
        %get3A_1199 = tpu.vector_load %arg17[%get3A_1197, %get3A_1198] {strides = array<i32>} : memref<64x256xf32, #tpu.memory_space<vmem>>, vector<16xf32>,
        %get3A_1200 = arith.index_cast %add3A_1122 : i32 to index
        %get3A_1201 = arith.constant 144 : index
        %get3A_1202 = tpu.vector_load %arg18[%get3A_1200, %get3A_1201] {strides = array<i32>} : memref<64x256xf32, #tpu.memory_space<vmem>>, vector<16xf32>,
        %mul3A_1203 = arith.mulf %get3A_1199, %get3A_1202 : vector<16xf32>
        %add3A_1204 = arith.addf %add3A_1196, %mul3A_1203 : vector<16xf32>
        %get3A_1205 = arith.index_cast %add3A_1122 : i32 to index
        %get3A_1206 = arith.constant 160 : index
        %get3A_1207 = tpu.vector_load %arg17[%get3A_1205, %get3A_1206] {strides = array<i32>} : memref<64x256xf32, #tpu.memory_space<vmem>>, vector<16xf32>,
        %get3A_1208 = arith.index_cast %add3A_1122 : i32 to index
        %get3A_1209 = arith.constant 160 : index
        %get3A_1210 = tpu.vector_load %arg18[%get3A_1208, %get3A_1209] {strides = array<i32>} : memref<64x256xf32, #tpu.memory_space<vmem>>, vector<16xf32>,
        %mul3A_1211 = arith.mulf %get3A_1207, %get3A_1210 : vector<16xf32>
        %add3A_1212 = arith.addf %add3A_1204, %mul3A_1211 : vector<16xf32>
        %get3A_1213 = arith.index_cast %add3A_1122 : i32 to index
        %get3A_1214 = arith.constant 176 : index
        %get3A_1215 = tpu.vector_load %arg17[%get3A_1213, %get3A_1214] {strides = array<i32>} : memref<64x256xf32, #tpu.memory_space<vmem>>, vector<16xf32>,
        %get3A_1216 = arith.index_cast %add3A_1122 : i32 to index
        %get3A_1217 = arith.constant 176 : index
        %get3A_1218 = tpu.vector_load %arg18[%get3A_1216, %get3A_1217] {strides = array<i32>} : memref<64x256xf32, #tpu.memory_space<vmem>>, vector<16xf32>,
        %mul3A_1219 = arith.mulf %get3A_1215, %get3A_1218 : vector<16xf32>
        %add3A_1220 = arith.addf %add3A_1212, %mul3A_1219 : vector<16xf32>
        %get3A_1221 = arith.index_cast %add3A_1122 : i32 to index
        %get3A_1222 = arith.constant 192 : index
        %get3A_1223 = tpu.vector_load %arg17[%get3A_1221, %get3A_1222] {strides = array<i32>} : memref<64x256xf32, #tpu.memory_space<vmem>>, vector<16xf32>,
        %get3A_1224 = arith.index_cast %add3A_1122 : i32 to index
        %get3A_1225 = arith.constant 192 : index
        %get3A_1226 = tpu.vector_load %arg18[%get3A_1224, %get3A_1225] {strides = array<i32>} : memref<64x256xf32, #tpu.memory_space<vmem>>, vector<16xf32>,
        %mul3A_1227 = arith.mulf %get3A_1223, %get3A_1226 : vector<16xf32>
        %add3A_1228 = arith.addf %add3A_1220, %mul3A_1227 : vector<16xf32>
        %get3A_1229 = arith.index_cast %add3A_1122 : i32 to index
        %get3A_1230 = arith.constant 208 : index
        %get3A_1231 = tpu.vector_load %arg17[%get3A_1229, %get3A_1230] {strides = array<i32>} : memref<64x256xf32, #tpu.memory_space<vmem>>, vector<16xf32>,
        %get3A_1232 = arith.index_cast %add3A_1122 : i32 to index
        %get3A_1233 = arith.constant 208 : index
        %get3A_1234 = tpu.vector_load %arg18[%get3A_1232, %get3A_1233] {strides = array<i32>} : memref<64x256xf32, #tpu.memory_space<vmem>>, vector<16xf32>,
        %mul3A_1235 = arith.mulf %get3A_1231, %get3A_1234 : vector<16xf32>
        %add3A_1236 = arith.addf %add3A_1228, %mul3A_1235 : vector<16xf32>
        %get3A_1237 = arith.index_cast %add3A_1122 : i32 to index
        %get3A_1238 = arith.constant 224 : index
        %get3A_1239 = tpu.vector_load %arg17[%get3A_1237, %get3A_1238] {strides = array<i32>} : memref<64x256xf32, #tpu.memory_space<vmem>>, vector<16xf32>,
        %get3A_1240 = arith.index_cast %add3A_1122 : i32 to index
        %get3A_1241 = arith.constant 224 : index
        %get3A_1242 = tpu.vector_load %arg18[%get3A_1240, %get3A_1241] {strides = array<i32>} : memref<64x256xf32, #tpu.memory_space<vmem>>, vector<16xf32>,
        %mul3A_1243 = arith.mulf %get3A_1239, %get3A_1242 : vector<16xf32>
        %add3A_1244 = arith.addf %add3A_1236, %mul3A_1243 : vector<16xf32>
        %get3A_1245 = arith.index_cast %add3A_1122 : i32 to index
        %get3A_1246 = arith.constant 240 : index
        %get3A_1247 = tpu.vector_load %arg17[%get3A_1245, %get3A_1246] {strides = array<i32>} : memref<64x256xf32, #tpu.memory_space<vmem>>, vector<16xf32>,
        %get3A_1248 = arith.index_cast %add3A_1122 : i32 to index
        %get3A_1249 = arith.constant 240 : index
        %get3A_1250 = tpu.vector_load %arg18[%get3A_1248, %get3A_1249] {strides = array<i32>} : memref<64x256xf32, #tpu.memory_space<vmem>>, vector<16xf32>,
        %mul3A_1251 = arith.mulf %get3A_1247, %get3A_1250 : vector<16xf32>
        %add3A_1252 = arith.addf %add3A_1244, %mul3A_1251 : vector<16xf32>
        %reduce_sum3A_1253 = arith.constant true
        %reduce_sum3A_1254 = vector.broadcast %reduce_sum3A_1253 : i1 to vector<16xi1>
        %reduce_sum3A_1255 = tpu.scan <sum>, %add3A_1252 masked %reduce_sum3A_1254 : vector<16xf32>, vector<16xi1> -> vector<16xf32>
        %reduce_sum3A_1256 = vector.extract %reduce_sum3A_1255[15] : f32 from vector<16xf32>
        %eq3A_1257 = arith.constant 7 : i32
        %eq3A_1258 = vector.broadcast %eq3A_1257 : i32 to vector<16xi32>
        %eq3A_1259 = arith.cmpi eq, %iota3A, %eq3A_1258 : vector<16xi32>
        %broadcast_in_dim3A_1260 = vector.broadcast %reduce_sum3A_1256 : f32 to vector<16xf32>
        %select_n3A_1261 = arith.select %eq3A_1259, %broadcast_in_dim3A_1260, %select_n3A_1118 : vector<16xi1>, vector<16xf32>
        %mul3A_1262 = arith.constant 16 : i32
        %mul3A_1263 = arith.muli %scan3A_30, %mul3A_1262 : i32
        %add3A_1264 = arith.constant 8 : i32
        %add3A_1265 = arith.addi %mul3A_1263, %add3A_1264 : i32
        %broadcast_in_dim3A_1266 = arith.constant 0.000000e+00 : f32
        %broadcast_in_dim3A_1267 = vector.broadcast %broadcast_in_dim3A_1266 : f32 to vector<16xf32>
        %get3A_1268 = arith.index_cast %add3A_1265 : i32 to index
        %get3A_1269 = arith.constant 0 : index
        %get3A_1270 = tpu.vector_load %arg17[%get3A_1268, %get3A_1269] {strides = array<i32>} : memref<64x256xf32, #tpu.memory_space<vmem>>, vector<16xf32>,
        %get3A_1271 = arith.index_cast %add3A_1265 : i32 to index
        %get3A_1272 = arith.constant 0 : index
        %get3A_1273 = tpu.vector_load %arg18[%get3A_1271, %get3A_1272] {strides = array<i32>} : memref<64x256xf32, #tpu.memory_space<vmem>>, vector<16xf32>,
        %mul3A_1274 = arith.mulf %get3A_1270, %get3A_1273 : vector<16xf32>
        %add3A_1275 = arith.addf %broadcast_in_dim3A_1267, %mul3A_1274 : vector<16xf32>
        %get3A_1276 = arith.index_cast %add3A_1265 : i32 to index
        %get3A_1277 = arith.constant 16 : index
        %get3A_1278 = tpu.vector_load %arg17[%get3A_1276, %get3A_1277] {strides = array<i32>} : memref<64x256xf32, #tpu.memory_space<vmem>>, vector<16xf32>,
        %get3A_1279 = arith.index_cast %add3A_1265 : i32 to index
        %get3A_1280 = arith.constant 16 : index
        %get3A_1281 = tpu.vector_load %arg18[%get3A_1279, %get3A_1280] {strides = array<i32>} : memref<64x256xf32, #tpu.memory_space<vmem>>, vector<16xf32>,
        %mul3A_1282 = arith.mulf %get3A_1278, %get3A_1281 : vector<16xf32>
        %add3A_1283 = arith.addf %add3A_1275, %mul3A_1282 : vector<16xf32>
        %get3A_1284 = arith.index_cast %add3A_1265 : i32 to index
        %get3A_1285 = arith.constant 32 : index
        %get3A_1286 = tpu.vector_load %arg17[%get3A_1284, %get3A_1285] {strides = array<i32>} : memref<64x256xf32, #tpu.memory_space<vmem>>, vector<16xf32>,
        %get3A_1287 = arith.index_cast %add3A_1265 : i32 to index
        %get3A_1288 = arith.constant 32 : index
        %get3A_1289 = tpu.vector_load %arg18[%get3A_1287, %get3A_1288] {strides = array<i32>} : memref<64x256xf32, #tpu.memory_space<vmem>>, vector<16xf32>,
        %mul3A_1290 = arith.mulf %get3A_1286, %get3A_1289 : vector<16xf32>
        %add3A_1291 = arith.addf %add3A_1283, %mul3A_1290 : vector<16xf32>
        %get3A_1292 = arith.index_cast %add3A_1265 : i32 to index
        %get3A_1293 = arith.constant 48 : index
        %get3A_1294 = tpu.vector_load %arg17[%get3A_1292, %get3A_1293] {strides = array<i32>} : memref<64x256xf32, #tpu.memory_space<vmem>>, vector<16xf32>,
        %get3A_1295 = arith.index_cast %add3A_1265 : i32 to index
        %get3A_1296 = arith.constant 48 : index
        %get3A_1297 = tpu.vector_load %arg18[%get3A_1295, %get3A_1296] {strides = array<i32>} : memref<64x256xf32, #tpu.memory_space<vmem>>, vector<16xf32>,
        %mul3A_1298 = arith.mulf %get3A_1294, %get3A_1297 : vector<16xf32>
        %add3A_1299 = arith.addf %add3A_1291, %mul3A_1298 : vector<16xf32>
        %get3A_1300 = arith.index_cast %add3A_1265 : i32 to index
        %get3A_1301 = arith.constant 64 : index
        %get3A_1302 = tpu.vector_load %arg17[%get3A_1300, %get3A_1301] {strides = array<i32>} : memref<64x256xf32, #tpu.memory_space<vmem>>, vector<16xf32>,
        %get3A_1303 = arith.index_cast %add3A_1265 : i32 to index
        %get3A_1304 = arith.constant 64 : index
        %get3A_1305 = tpu.vector_load %arg18[%get3A_1303, %get3A_1304] {strides = array<i32>} : memref<64x256xf32, #tpu.memory_space<vmem>>, vector<16xf32>,
        %mul3A_1306 = arith.mulf %get3A_1302, %get3A_1305 : vector<16xf32>
        %add3A_1307 = arith.addf %add3A_1299, %mul3A_1306 : vector<16xf32>
        %get3A_1308 = arith.index_cast %add3A_1265 : i32 to index
        %get3A_1309 = arith.constant 80 : index
        %get3A_1310 = tpu.vector_load %arg17[%get3A_1308, %get3A_1309] {strides = array<i32>} : memref<64x256xf32, #tpu.memory_space<vmem>>, vector<16xf32>,
        %get3A_1311 = arith.index_cast %add3A_1265 : i32 to index
        %get3A_1312 = arith.constant 80 : index
        %get3A_1313 = tpu.vector_load %arg18[%get3A_1311, %get3A_1312] {strides = array<i32>} : memref<64x256xf32, #tpu.memory_space<vmem>>, vector<16xf32>,
        %mul3A_1314 = arith.mulf %get3A_1310, %get3A_1313 : vector<16xf32>
        %add3A_1315 = arith.addf %add3A_1307, %mul3A_1314 : vector<16xf32>
        %get3A_1316 = arith.index_cast %add3A_1265 : i32 to index
        %get3A_1317 = arith.constant 96 : index
        %get3A_1318 = tpu.vector_load %arg17[%get3A_1316, %get3A_1317] {strides = array<i32>} : memref<64x256xf32, #tpu.memory_space<vmem>>, vector<16xf32>,
        %get3A_1319 = arith.index_cast %add3A_1265 : i32 to index
        %get3A_1320 = arith.constant 96 : index
        %get3A_1321 = tpu.vector_load %arg18[%get3A_1319, %get3A_1320] {strides = array<i32>} : memref<64x256xf32, #tpu.memory_space<vmem>>, vector<16xf32>,
        %mul3A_1322 = arith.mulf %get3A_1318, %get3A_1321 : vector<16xf32>
        %add3A_1323 = arith.addf %add3A_1315, %mul3A_1322 : vector<16xf32>
        %get3A_1324 = arith.index_cast %add3A_1265 : i32 to index
        %get3A_1325 = arith.constant 112 : index
        %get3A_1326 = tpu.vector_load %arg17[%get3A_1324, %get3A_1325] {strides = array<i32>} : memref<64x256xf32, #tpu.memory_space<vmem>>, vector<16xf32>,
        %get3A_1327 = arith.index_cast %add3A_1265 : i32 to index
        %get3A_1328 = arith.constant 112 : index
        %get3A_1329 = tpu.vector_load %arg18[%get3A_1327, %get3A_1328] {strides = array<i32>} : memref<64x256xf32, #tpu.memory_space<vmem>>, vector<16xf32>,
        %mul3A_1330 = arith.mulf %get3A_1326, %get3A_1329 : vector<16xf32>
        %add3A_1331 = arith.addf %add3A_1323, %mul3A_1330 : vector<16xf32>
        %get3A_1332 = arith.index_cast %add3A_1265 : i32 to index
        %get3A_1333 = arith.constant 128 : index
        %get3A_1334 = tpu.vector_load %arg17[%get3A_1332, %get3A_1333] {strides = array<i32>} : memref<64x256xf32, #tpu.memory_space<vmem>>, vector<16xf32>,
        %get3A_1335 = arith.index_cast %add3A_1265 : i32 to index
        %get3A_1336 = arith.constant 128 : index
        %get3A_1337 = tpu.vector_load %arg18[%get3A_1335, %get3A_1336] {strides = array<i32>} : memref<64x256xf32, #tpu.memory_space<vmem>>, vector<16xf32>,
        %mul3A_1338 = arith.mulf %get3A_1334, %get3A_1337 : vector<16xf32>
        %add3A_1339 = arith.addf %add3A_1331, %mul3A_1338 : vector<16xf32>
        %get3A_1340 = arith.index_cast %add3A_1265 : i32 to index
        %get3A_1341 = arith.constant 144 : index
        %get3A_1342 = tpu.vector_load %arg17[%get3A_1340, %get3A_1341] {strides = array<i32>} : memref<64x256xf32, #tpu.memory_space<vmem>>, vector<16xf32>,
        %get3A_1343 = arith.index_cast %add3A_1265 : i32 to index
        %get3A_1344 = arith.constant 144 : index
        %get3A_1345 = tpu.vector_load %arg18[%get3A_1343, %get3A_1344] {strides = array<i32>} : memref<64x256xf32, #tpu.memory_space<vmem>>, vector<16xf32>,
        %mul3A_1346 = arith.mulf %get3A_1342, %get3A_1345 : vector<16xf32>
        %add3A_1347 = arith.addf %add3A_1339, %mul3A_1346 : vector<16xf32>
        %get3A_1348 = arith.index_cast %add3A_1265 : i32 to index
        %get3A_1349 = arith.constant 160 : index
        %get3A_1350 = tpu.vector_load %arg17[%get3A_1348, %get3A_1349] {strides = array<i32>} : memref<64x256xf32, #tpu.memory_space<vmem>>, vector<16xf32>,
        %get3A_1351 = arith.index_cast %add3A_1265 : i32 to index
        %get3A_1352 = arith.constant 160 : index
        %get3A_1353 = tpu.vector_load %arg18[%get3A_1351, %get3A_1352] {strides = array<i32>} : memref<64x256xf32, #tpu.memory_space<vmem>>, vector<16xf32>,
        %mul3A_1354 = arith.mulf %get3A_1350, %get3A_1353 : vector<16xf32>
        %add3A_1355 = arith.addf %add3A_1347, %mul3A_1354 : vector<16xf32>
        %get3A_1356 = arith.index_cast %add3A_1265 : i32 to index
        %get3A_1357 = arith.constant 176 : index
        %get3A_1358 = tpu.vector_load %arg17[%get3A_1356, %get3A_1357] {strides = array<i32>} : memref<64x256xf32, #tpu.memory_space<vmem>>, vector<16xf32>,
        %get3A_1359 = arith.index_cast %add3A_1265 : i32 to index
        %get3A_1360 = arith.constant 176 : index
        %get3A_1361 = tpu.vector_load %arg18[%get3A_1359, %get3A_1360] {strides = array<i32>} : memref<64x256xf32, #tpu.memory_space<vmem>>, vector<16xf32>,
        %mul3A_1362 = arith.mulf %get3A_1358, %get3A_1361 : vector<16xf32>
        %add3A_1363 = arith.addf %add3A_1355, %mul3A_1362 : vector<16xf32>
        %get3A_1364 = arith.index_cast %add3A_1265 : i32 to index
        %get3A_1365 = arith.constant 192 : index
        %get3A_1366 = tpu.vector_load %arg17[%get3A_1364, %get3A_1365] {strides = array<i32>} : memref<64x256xf32, #tpu.memory_space<vmem>>, vector<16xf32>,
        %get3A_1367 = arith.index_cast %add3A_1265 : i32 to index
        %get3A_1368 = arith.constant 192 : index
        %get3A_1369 = tpu.vector_load %arg18[%get3A_1367, %get3A_1368] {strides = array<i32>} : memref<64x256xf32, #tpu.memory_space<vmem>>, vector<16xf32>,
        %mul3A_1370 = arith.mulf %get3A_1366, %get3A_1369 : vector<16xf32>
        %add3A_1371 = arith.addf %add3A_1363, %mul3A_1370 : vector<16xf32>
        %get3A_1372 = arith.index_cast %add3A_1265 : i32 to index
        %get3A_1373 = arith.constant 208 : index
        %get3A_1374 = tpu.vector_load %arg17[%get3A_1372, %get3A_1373] {strides = array<i32>} : memref<64x256xf32, #tpu.memory_space<vmem>>, vector<16xf32>,
        %get3A_1375 = arith.index_cast %add3A_1265 : i32 to index
        %get3A_1376 = arith.constant 208 : index
        %get3A_1377 = tpu.vector_load %arg18[%get3A_1375, %get3A_1376] {strides = array<i32>} : memref<64x256xf32, #tpu.memory_space<vmem>>, vector<16xf32>,
        %mul3A_1378 = arith.mulf %get3A_1374, %get3A_1377 : vector<16xf32>
        %add3A_1379 = arith.addf %add3A_1371, %mul3A_1378 : vector<16xf32>
        %get3A_1380 = arith.index_cast %add3A_1265 : i32 to index
        %get3A_1381 = arith.constant 224 : index
        %get3A_1382 = tpu.vector_load %arg17[%get3A_1380, %get3A_1381] {strides = array<i32>} : memref<64x256xf32, #tpu.memory_space<vmem>>, vector<16xf32>,
        %get3A_1383 = arith.index_cast %add3A_1265 : i32 to index
        %get3A_1384 = arith.constant 224 : index
        %get3A_1385 = tpu.vector_load %arg18[%get3A_1383, %get3A_1384] {strides = array<i32>} : memref<64x256xf32, #tpu.memory_space<vmem>>, vector<16xf32>,
        %mul3A_1386 = arith.mulf %get3A_1382, %get3A_1385 : vector<16xf32>
        %add3A_1387 = arith.addf %add3A_1379, %mul3A_1386 : vector<16xf32>
        %get3A_1388 = arith.index_cast %add3A_1265 : i32 to index
        %get3A_1389 = arith.constant 240 : index
        %get3A_1390 = tpu.vector_load %arg17[%get3A_1388, %get3A_1389] {strides = array<i32>} : memref<64x256xf32, #tpu.memory_space<vmem>>, vector<16xf32>,
        %get3A_1391 = arith.index_cast %add3A_1265 : i32 to index
        %get3A_1392 = arith.constant 240 : index
        %get3A_1393 = tpu.vector_load %arg18[%get3A_1391, %get3A_1392] {strides = array<i32>} : memref<64x256xf32, #tpu.memory_space<vmem>>, vector<16xf32>,
        %mul3A_1394 = arith.mulf %get3A_1390, %get3A_1393 : vector<16xf32>
        %add3A_1395 = arith.addf %add3A_1387, %mul3A_1394 : vector<16xf32>
        %reduce_sum3A_1396 = arith.constant true
        %reduce_sum3A_1397 = vector.broadcast %reduce_sum3A_1396 : i1 to vector<16xi1>
        %reduce_sum3A_1398 = tpu.scan <sum>, %add3A_1395 masked %reduce_sum3A_1397 : vector<16xf32>, vector<16xi1> -> vector<16xf32>
        %reduce_sum3A_1399 = vector.extract %reduce_sum3A_1398[15] : f32 from vector<16xf32>
        %eq3A_1400 = arith.constant 8 : i32
        %eq3A_1401 = vector.broadcast %eq3A_1400 : i32 to vector<16xi32>
        %eq3A_1402 = arith.cmpi eq, %iota3A, %eq3A_1401 : vector<16xi32>
        %broadcast_in_dim3A_1403 = vector.broadcast %reduce_sum3A_1399 : f32 to vector<16xf32>
        %select_n3A_1404 = arith.select %eq3A_1402, %broadcast_in_dim3A_1403, %select_n3A_1261 : vector<16xi1>, vector<16xf32>
        %mul3A_1405 = arith.constant 16 : i32
        %mul3A_1406 = arith.muli %scan3A_30, %mul3A_1405 : i32
        %add3A_1407 = arith.constant 9 : i32
        %add3A_1408 = arith.addi %mul3A_1406, %add3A_1407 : i32
        %broadcast_in_dim3A_1409 = arith.constant 0.000000e+00 : f32
        %broadcast_in_dim3A_1410 = vector.broadcast %broadcast_in_dim3A_1409 : f32 to vector<16xf32>
        %get3A_1411 = arith.index_cast %add3A_1408 : i32 to index
        %get3A_1412 = arith.constant 0 : index
        %get3A_1413 = tpu.vector_load %arg17[%get3A_1411, %get3A_1412] {strides = array<i32>} : memref<64x256xf32, #tpu.memory_space<vmem>>, vector<16xf32>,
        %get3A_1414 = arith.index_cast %add3A_1408 : i32 to index
        %get3A_1415 = arith.constant 0 : index
        %get3A_1416 = tpu.vector_load %arg18[%get3A_1414, %get3A_1415] {strides = array<i32>} : memref<64x256xf32, #tpu.memory_space<vmem>>, vector<16xf32>,
        %mul3A_1417 = arith.mulf %get3A_1413, %get3A_1416 : vector<16xf32>
        %add3A_1418 = arith.addf %broadcast_in_dim3A_1410, %mul3A_1417 : vector<16xf32>
        %get3A_1419 = arith.index_cast %add3A_1408 : i32 to index
        %get3A_1420 = arith.constant 16 : index
        %get3A_1421 = tpu.vector_load %arg17[%get3A_1419, %get3A_1420] {strides = array<i32>} : memref<64x256xf32, #tpu.memory_space<vmem>>, vector<16xf32>,
        %get3A_1422 = arith.index_cast %add3A_1408 : i32 to index
        %get3A_1423 = arith.constant 16 : index
        %get3A_1424 = tpu.vector_load %arg18[%get3A_1422, %get3A_1423] {strides = array<i32>} : memref<64x256xf32, #tpu.memory_space<vmem>>, vector<16xf32>,
        %mul3A_1425 = arith.mulf %get3A_1421, %get3A_1424 : vector<16xf32>
        %add3A_1426 = arith.addf %add3A_1418, %mul3A_1425 : vector<16xf32>
        %get3A_1427 = arith.index_cast %add3A_1408 : i32 to index
        %get3A_1428 = arith.constant 32 : index
        %get3A_1429 = tpu.vector_load %arg17[%get3A_1427, %get3A_1428] {strides = array<i32>} : memref<64x256xf32, #tpu.memory_space<vmem>>, vector<16xf32>,
        %get3A_1430 = arith.index_cast %add3A_1408 : i32 to index
        %get3A_1431 = arith.constant 32 : index
        %get3A_1432 = tpu.vector_load %arg18[%get3A_1430, %get3A_1431] {strides = array<i32>} : memref<64x256xf32, #tpu.memory_space<vmem>>, vector<16xf32>,
        %mul3A_1433 = arith.mulf %get3A_1429, %get3A_1432 : vector<16xf32>
        %add3A_1434 = arith.addf %add3A_1426, %mul3A_1433 : vector<16xf32>
        %get3A_1435 = arith.index_cast %add3A_1408 : i32 to index
        %get3A_1436 = arith.constant 48 : index
        %get3A_1437 = tpu.vector_load %arg17[%get3A_1435, %get3A_1436] {strides = array<i32>} : memref<64x256xf32, #tpu.memory_space<vmem>>, vector<16xf32>,
        %get3A_1438 = arith.index_cast %add3A_1408 : i32 to index
        %get3A_1439 = arith.constant 48 : index
        %get3A_1440 = tpu.vector_load %arg18[%get3A_1438, %get3A_1439] {strides = array<i32>} : memref<64x256xf32, #tpu.memory_space<vmem>>, vector<16xf32>,
        %mul3A_1441 = arith.mulf %get3A_1437, %get3A_1440 : vector<16xf32>
        %add3A_1442 = arith.addf %add3A_1434, %mul3A_1441 : vector<16xf32>
        %get3A_1443 = arith.index_cast %add3A_1408 : i32 to index
        %get3A_1444 = arith.constant 64 : index
        %get3A_1445 = tpu.vector_load %arg17[%get3A_1443, %get3A_1444] {strides = array<i32>} : memref<64x256xf32, #tpu.memory_space<vmem>>, vector<16xf32>,
        %get3A_1446 = arith.index_cast %add3A_1408 : i32 to index
        %get3A_1447 = arith.constant 64 : index
        %get3A_1448 = tpu.vector_load %arg18[%get3A_1446, %get3A_1447] {strides = array<i32>} : memref<64x256xf32, #tpu.memory_space<vmem>>, vector<16xf32>,
        %mul3A_1449 = arith.mulf %get3A_1445, %get3A_1448 : vector<16xf32>
        %add3A_1450 = arith.addf %add3A_1442, %mul3A_1449 : vector<16xf32>
        %get3A_1451 = arith.index_cast %add3A_1408 : i32 to index
        %get3A_1452 = arith.constant 80 : index
        %get3A_1453 = tpu.vector_load %arg17[%get3A_1451, %get3A_1452] {strides = array<i32>} : memref<64x256xf32, #tpu.memory_space<vmem>>, vector<16xf32>,
        %get3A_1454 = arith.index_cast %add3A_1408 : i32 to index
        %get3A_1455 = arith.constant 80 : index
        %get3A_1456 = tpu.vector_load %arg18[%get3A_1454, %get3A_1455] {strides = array<i32>} : memref<64x256xf32, #tpu.memory_space<vmem>>, vector<16xf32>,
        %mul3A_1457 = arith.mulf %get3A_1453, %get3A_1456 : vector<16xf32>
        %add3A_1458 = arith.addf %add3A_1450, %mul3A_1457 : vector<16xf32>
        %get3A_1459 = arith.index_cast %add3A_1408 : i32 to index
        %get3A_1460 = arith.constant 96 : index
        %get3A_1461 = tpu.vector_load %arg17[%get3A_1459, %get3A_1460] {strides = array<i32>} : memref<64x256xf32, #tpu.memory_space<vmem>>, vector<16xf32>,
        %get3A_1462 = arith.index_cast %add3A_1408 : i32 to index
        %get3A_1463 = arith.constant 96 : index
        %get3A_1464 = tpu.vector_load %arg18[%get3A_1462, %get3A_1463] {strides = array<i32>} : memref<64x256xf32, #tpu.memory_space<vmem>>, vector<16xf32>,
        %mul3A_1465 = arith.mulf %get3A_1461, %get3A_1464 : vector<16xf32>
        %add3A_1466 = arith.addf %add3A_1458, %mul3A_1465 : vector<16xf32>
        %get3A_1467 = arith.index_cast %add3A_1408 : i32 to index
        %get3A_1468 = arith.constant 112 : index
        %get3A_1469 = tpu.vector_load %arg17[%get3A_1467, %get3A_1468] {strides = array<i32>} : memref<64x256xf32, #tpu.memory_space<vmem>>, vector<16xf32>,
        %get3A_1470 = arith.index_cast %add3A_1408 : i32 to index
        %get3A_1471 = arith.constant 112 : index
        %get3A_1472 = tpu.vector_load %arg18[%get3A_1470, %get3A_1471] {strides = array<i32>} : memref<64x256xf32, #tpu.memory_space<vmem>>, vector<16xf32>,
        %mul3A_1473 = arith.mulf %get3A_1469, %get3A_1472 : vector<16xf32>
        %add3A_1474 = arith.addf %add3A_1466, %mul3A_1473 : vector<16xf32>
        %get3A_1475 = arith.index_cast %add3A_1408 : i32 to index
        %get3A_1476 = arith.constant 128 : index
        %get3A_1477 = tpu.vector_load %arg17[%get3A_1475, %get3A_1476] {strides = array<i32>} : memref<64x256xf32, #tpu.memory_space<vmem>>, vector<16xf32>,
        %get3A_1478 = arith.index_cast %add3A_1408 : i32 to index
        %get3A_1479 = arith.constant 128 : index
        %get3A_1480 = tpu.vector_load %arg18[%get3A_1478, %get3A_1479] {strides = array<i32>} : memref<64x256xf32, #tpu.memory_space<vmem>>, vector<16xf32>,
        %mul3A_1481 = arith.mulf %get3A_1477, %get3A_1480 : vector<16xf32>
        %add3A_1482 = arith.addf %add3A_1474, %mul3A_1481 : vector<16xf32>
        %get3A_1483 = arith.index_cast %add3A_1408 : i32 to index
        %get3A_1484 = arith.constant 144 : index
        %get3A_1485 = tpu.vector_load %arg17[%get3A_1483, %get3A_1484] {strides = array<i32>} : memref<64x256xf32, #tpu.memory_space<vmem>>, vector<16xf32>,
        %get3A_1486 = arith.index_cast %add3A_1408 : i32 to index
        %get3A_1487 = arith.constant 144 : index
        %get3A_1488 = tpu.vector_load %arg18[%get3A_1486, %get3A_1487] {strides = array<i32>} : memref<64x256xf32, #tpu.memory_space<vmem>>, vector<16xf32>,
        %mul3A_1489 = arith.mulf %get3A_1485, %get3A_1488 : vector<16xf32>
        %add3A_1490 = arith.addf %add3A_1482, %mul3A_1489 : vector<16xf32>
        %get3A_1491 = arith.index_cast %add3A_1408 : i32 to index
        %get3A_1492 = arith.constant 160 : index
        %get3A_1493 = tpu.vector_load %arg17[%get3A_1491, %get3A_1492] {strides = array<i32>} : memref<64x256xf32, #tpu.memory_space<vmem>>, vector<16xf32>,
        %get3A_1494 = arith.index_cast %add3A_1408 : i32 to index
        %get3A_1495 = arith.constant 160 : index
        %get3A_1496 = tpu.vector_load %arg18[%get3A_1494, %get3A_1495] {strides = array<i32>} : memref<64x256xf32, #tpu.memory_space<vmem>>, vector<16xf32>,
        %mul3A_1497 = arith.mulf %get3A_1493, %get3A_1496 : vector<16xf32>
        %add3A_1498 = arith.addf %add3A_1490, %mul3A_1497 : vector<16xf32>
        %get3A_1499 = arith.index_cast %add3A_1408 : i32 to index
        %get3A_1500 = arith.constant 176 : index
        %get3A_1501 = tpu.vector_load %arg17[%get3A_1499, %get3A_1500] {strides = array<i32>} : memref<64x256xf32, #tpu.memory_space<vmem>>, vector<16xf32>,
        %get3A_1502 = arith.index_cast %add3A_1408 : i32 to index
        %get3A_1503 = arith.constant 176 : index
        %get3A_1504 = tpu.vector_load %arg18[%get3A_1502, %get3A_1503] {strides = array<i32>} : memref<64x256xf32, #tpu.memory_space<vmem>>, vector<16xf32>,
        %mul3A_1505 = arith.mulf %get3A_1501, %get3A_1504 : vector<16xf32>
        %add3A_1506 = arith.addf %add3A_1498, %mul3A_1505 : vector<16xf32>
        %get3A_1507 = arith.index_cast %add3A_1408 : i32 to index
        %get3A_1508 = arith.constant 192 : index
        %get3A_1509 = tpu.vector_load %arg17[%get3A_1507, %get3A_1508] {strides = array<i32>} : memref<64x256xf32, #tpu.memory_space<vmem>>, vector<16xf32>,
        %get3A_1510 = arith.index_cast %add3A_1408 : i32 to index
        %get3A_1511 = arith.constant 192 : index
        %get3A_1512 = tpu.vector_load %arg18[%get3A_1510, %get3A_1511] {strides = array<i32>} : memref<64x256xf32, #tpu.memory_space<vmem>>, vector<16xf32>,
        %mul3A_1513 = arith.mulf %get3A_1509, %get3A_1512 : vector<16xf32>
        %add3A_1514 = arith.addf %add3A_1506, %mul3A_1513 : vector<16xf32>
        %get3A_1515 = arith.index_cast %add3A_1408 : i32 to index
        %get3A_1516 = arith.constant 208 : index
        %get3A_1517 = tpu.vector_load %arg17[%get3A_1515, %get3A_1516] {strides = array<i32>} : memref<64x256xf32, #tpu.memory_space<vmem>>, vector<16xf32>,
        %get3A_1518 = arith.index_cast %add3A_1408 : i32 to index
        %get3A_1519 = arith.constant 208 : index
        %get3A_1520 = tpu.vector_load %arg18[%get3A_1518, %get3A_1519] {strides = array<i32>} : memref<64x256xf32, #tpu.memory_space<vmem>>, vector<16xf32>,
        %mul3A_1521 = arith.mulf %get3A_1517, %get3A_1520 : vector<16xf32>
        %add3A_1522 = arith.addf %add3A_1514, %mul3A_1521 : vector<16xf32>
        %get3A_1523 = arith.index_cast %add3A_1408 : i32 to index
        %get3A_1524 = arith.constant 224 : index
        %get3A_1525 = tpu.vector_load %arg17[%get3A_1523, %get3A_1524] {strides = array<i32>} : memref<64x256xf32, #tpu.memory_space<vmem>>, vector<16xf32>,
        %get3A_1526 = arith.index_cast %add3A_1408 : i32 to index
        %get3A_1527 = arith.constant 224 : index
        %get3A_1528 = tpu.vector_load %arg18[%get3A_1526, %get3A_1527] {strides = array<i32>} : memref<64x256xf32, #tpu.memory_space<vmem>>, vector<16xf32>,
        %mul3A_1529 = arith.mulf %get3A_1525, %get3A_1528 : vector<16xf32>
        %add3A_1530 = arith.addf %add3A_1522, %mul3A_1529 : vector<16xf32>
        %get3A_1531 = arith.index_cast %add3A_1408 : i32 to index
        %get3A_1532 = arith.constant 240 : index
        %get3A_1533 = tpu.vector_load %arg17[%get3A_1531, %get3A_1532] {strides = array<i32>} : memref<64x256xf32, #tpu.memory_space<vmem>>, vector<16xf32>,
        %get3A_1534 = arith.index_cast %add3A_1408 : i32 to index
        %get3A_1535 = arith.constant 240 : index
        %get3A_1536 = tpu.vector_load %arg18[%get3A_1534, %get3A_1535] {strides = array<i32>} : memref<64x256xf32, #tpu.memory_space<vmem>>, vector<16xf32>,
        %mul3A_1537 = arith.mulf %get3A_1533, %get3A_1536 : vector<16xf32>
        %add3A_1538 = arith.addf %add3A_1530, %mul3A_1537 : vector<16xf32>
        %reduce_sum3A_1539 = arith.constant true
        %reduce_sum3A_1540 = vector.broadcast %reduce_sum3A_1539 : i1 to vector<16xi1>
        %reduce_sum3A_1541 = tpu.scan <sum>, %add3A_1538 masked %reduce_sum3A_1540 : vector<16xf32>, vector<16xi1> -> vector<16xf32>
        %reduce_sum3A_1542 = vector.extract %reduce_sum3A_1541[15] : f32 from vector<16xf32>
        %eq3A_1543 = arith.constant 9 : i32
        %eq3A_1544 = vector.broadcast %eq3A_1543 : i32 to vector<16xi32>
        %eq3A_1545 = arith.cmpi eq, %iota3A, %eq3A_1544 : vector<16xi32>
        %broadcast_in_dim3A_1546 = vector.broadcast %reduce_sum3A_1542 : f32 to vector<16xf32>
        %select_n3A_1547 = arith.select %eq3A_1545, %broadcast_in_dim3A_1546, %select_n3A_1404 : vector<16xi1>, vector<16xf32>
        %mul3A_1548 = arith.constant 16 : i32
        %mul3A_1549 = arith.muli %scan3A_30, %mul3A_1548 : i32
        %add3A_1550 = arith.constant 10 : i32
        %add3A_1551 = arith.addi %mul3A_1549, %add3A_1550 : i32
        %broadcast_in_dim3A_1552 = arith.constant 0.000000e+00 : f32
        %broadcast_in_dim3A_1553 = vector.broadcast %broadcast_in_dim3A_1552 : f32 to vector<16xf32>
        %get3A_1554 = arith.index_cast %add3A_1551 : i32 to index
        %get3A_1555 = arith.constant 0 : index
        %get3A_1556 = tpu.vector_load %arg17[%get3A_1554, %get3A_1555] {strides = array<i32>} : memref<64x256xf32, #tpu.memory_space<vmem>>, vector<16xf32>,
        %get3A_1557 = arith.index_cast %add3A_1551 : i32 to index
        %get3A_1558 = arith.constant 0 : index
        %get3A_1559 = tpu.vector_load %arg18[%get3A_1557, %get3A_1558] {strides = array<i32>} : memref<64x256xf32, #tpu.memory_space<vmem>>, vector<16xf32>,
        %mul3A_1560 = arith.mulf %get3A_1556, %get3A_1559 : vector<16xf32>
        %add3A_1561 = arith.addf %broadcast_in_dim3A_1553, %mul3A_1560 : vector<16xf32>
        %get3A_1562 = arith.index_cast %add3A_1551 : i32 to index
        %get3A_1563 = arith.constant 16 : index
        %get3A_1564 = tpu.vector_load %arg17[%get3A_1562, %get3A_1563] {strides = array<i32>} : memref<64x256xf32, #tpu.memory_space<vmem>>, vector<16xf32>,
        %get3A_1565 = arith.index_cast %add3A_1551 : i32 to index
        %get3A_1566 = arith.constant 16 : index
        %get3A_1567 = tpu.vector_load %arg18[%get3A_1565, %get3A_1566] {strides = array<i32>} : memref<64x256xf32, #tpu.memory_space<vmem>>, vector<16xf32>,
        %mul3A_1568 = arith.mulf %get3A_1564, %get3A_1567 : vector<16xf32>
        %add3A_1569 = arith.addf %add3A_1561, %mul3A_1568 : vector<16xf32>
        %get3A_1570 = arith.index_cast %add3A_1551 : i32 to index
        %get3A_1571 = arith.constant 32 : index
        %get3A_1572 = tpu.vector_load %arg17[%get3A_1570, %get3A_1571] {strides = array<i32>} : memref<64x256xf32, #tpu.memory_space<vmem>>, vector<16xf32>,
        %get3A_1573 = arith.index_cast %add3A_1551 : i32 to index
        %get3A_1574 = arith.constant 32 : index
        %get3A_1575 = tpu.vector_load %arg18[%get3A_1573, %get3A_1574] {strides = array<i32>} : memref<64x256xf32, #tpu.memory_space<vmem>>, vector<16xf32>,
        %mul3A_1576 = arith.mulf %get3A_1572, %get3A_1575 : vector<16xf32>
        %add3A_1577 = arith.addf %add3A_1569, %mul3A_1576 : vector<16xf32>
        %get3A_1578 = arith.index_cast %add3A_1551 : i32 to index
        %get3A_1579 = arith.constant 48 : index
        %get3A_1580 = tpu.vector_load %arg17[%get3A_1578, %get3A_1579] {strides = array<i32>} : memref<64x256xf32, #tpu.memory_space<vmem>>, vector<16xf32>,
        %get3A_1581 = arith.index_cast %add3A_1551 : i32 to index
        %get3A_1582 = arith.constant 48 : index
        %get3A_1583 = tpu.vector_load %arg18[%get3A_1581, %get3A_1582] {strides = array<i32>} : memref<64x256xf32, #tpu.memory_space<vmem>>, vector<16xf32>,
        %mul3A_1584 = arith.mulf %get3A_1580, %get3A_1583 : vector<16xf32>
        %add3A_1585 = arith.addf %add3A_1577, %mul3A_1584 : vector<16xf32>
        %get3A_1586 = arith.index_cast %add3A_1551 : i32 to index
        %get3A_1587 = arith.constant 64 : index
        %get3A_1588 = tpu.vector_load %arg17[%get3A_1586, %get3A_1587] {strides = array<i32>} : memref<64x256xf32, #tpu.memory_space<vmem>>, vector<16xf32>,
        %get3A_1589 = arith.index_cast %add3A_1551 : i32 to index
        %get3A_1590 = arith.constant 64 : index
        %get3A_1591 = tpu.vector_load %arg18[%get3A_1589, %get3A_1590] {strides = array<i32>} : memref<64x256xf32, #tpu.memory_space<vmem>>, vector<16xf32>,
        %mul3A_1592 = arith.mulf %get3A_1588, %get3A_1591 : vector<16xf32>
        %add3A_1593 = arith.addf %add3A_1585, %mul3A_1592 : vector<16xf32>
        %get3A_1594 = arith.index_cast %add3A_1551 : i32 to index
        %get3A_1595 = arith.constant 80 : index
        %get3A_1596 = tpu.vector_load %arg17[%get3A_1594, %get3A_1595] {strides = array<i32>} : memref<64x256xf32, #tpu.memory_space<vmem>>, vector<16xf32>,
        %get3A_1597 = arith.index_cast %add3A_1551 : i32 to index
        %get3A_1598 = arith.constant 80 : index
        %get3A_1599 = tpu.vector_load %arg18[%get3A_1597, %get3A_1598] {strides = array<i32>} : memref<64x256xf32, #tpu.memory_space<vmem>>, vector<16xf32>,
        %mul3A_1600 = arith.mulf %get3A_1596, %get3A_1599 : vector<16xf32>
        %add3A_1601 = arith.addf %add3A_1593, %mul3A_1600 : vector<16xf32>
        %get3A_1602 = arith.index_cast %add3A_1551 : i32 to index
        %get3A_1603 = arith.constant 96 : index
        %get3A_1604 = tpu.vector_load %arg17[%get3A_1602, %get3A_1603] {strides = array<i32>} : memref<64x256xf32, #tpu.memory_space<vmem>>, vector<16xf32>,
        %get3A_1605 = arith.index_cast %add3A_1551 : i32 to index
        %get3A_1606 = arith.constant 96 : index
        %get3A_1607 = tpu.vector_load %arg18[%get3A_1605, %get3A_1606] {strides = array<i32>} : memref<64x256xf32, #tpu.memory_space<vmem>>, vector<16xf32>,
        %mul3A_1608 = arith.mulf %get3A_1604, %get3A_1607 : vector<16xf32>
        %add3A_1609 = arith.addf %add3A_1601, %mul3A_1608 : vector<16xf32>
        %get3A_1610 = arith.index_cast %add3A_1551 : i32 to index
        %get3A_1611 = arith.constant 112 : index
        %get3A_1612 = tpu.vector_load %arg17[%get3A_1610, %get3A_1611] {strides = array<i32>} : memref<64x256xf32, #tpu.memory_space<vmem>>, vector<16xf32>,
        %get3A_1613 = arith.index_cast %add3A_1551 : i32 to index
        %get3A_1614 = arith.constant 112 : index
        %get3A_1615 = tpu.vector_load %arg18[%get3A_1613, %get3A_1614] {strides = array<i32>} : memref<64x256xf32, #tpu.memory_space<vmem>>, vector<16xf32>,
        %mul3A_1616 = arith.mulf %get3A_1612, %get3A_1615 : vector<16xf32>
        %add3A_1617 = arith.addf %add3A_1609, %mul3A_1616 : vector<16xf32>
        %get3A_1618 = arith.index_cast %add3A_1551 : i32 to index
        %get3A_1619 = arith.constant 128 : index
        %get3A_1620 = tpu.vector_load %arg17[%get3A_1618, %get3A_1619] {strides = array<i32>} : memref<64x256xf32, #tpu.memory_space<vmem>>, vector<16xf32>,
        %get3A_1621 = arith.index_cast %add3A_1551 : i32 to index
        %get3A_1622 = arith.constant 128 : index
        %get3A_1623 = tpu.vector_load %arg18[%get3A_1621, %get3A_1622] {strides = array<i32>} : memref<64x256xf32, #tpu.memory_space<vmem>>, vector<16xf32>,
        %mul3A_1624 = arith.mulf %get3A_1620, %get3A_1623 : vector<16xf32>
        %add3A_1625 = arith.addf %add3A_1617, %mul3A_1624 : vector<16xf32>
        %get3A_1626 = arith.index_cast %add3A_1551 : i32 to index
        %get3A_1627 = arith.constant 144 : index
        %get3A_1628 = tpu.vector_load %arg17[%get3A_1626, %get3A_1627] {strides = array<i32>} : memref<64x256xf32, #tpu.memory_space<vmem>>, vector<16xf32>,
        %get3A_1629 = arith.index_cast %add3A_1551 : i32 to index
        %get3A_1630 = arith.constant 144 : index
        %get3A_1631 = tpu.vector_load %arg18[%get3A_1629, %get3A_1630] {strides = array<i32>} : memref<64x256xf32, #tpu.memory_space<vmem>>, vector<16xf32>,
        %mul3A_1632 = arith.mulf %get3A_1628, %get3A_1631 : vector<16xf32>
        %add3A_1633 = arith.addf %add3A_1625, %mul3A_1632 : vector<16xf32>
        %get3A_1634 = arith.index_cast %add3A_1551 : i32 to index
        %get3A_1635 = arith.constant 160 : index
        %get3A_1636 = tpu.vector_load %arg17[%get3A_1634, %get3A_1635] {strides = array<i32>} : memref<64x256xf32, #tpu.memory_space<vmem>>, vector<16xf32>,
        %get3A_1637 = arith.index_cast %add3A_1551 : i32 to index
        %get3A_1638 = arith.constant 160 : index
        %get3A_1639 = tpu.vector_load %arg18[%get3A_1637, %get3A_1638] {strides = array<i32>} : memref<64x256xf32, #tpu.memory_space<vmem>>, vector<16xf32>,
        %mul3A_1640 = arith.mulf %get3A_1636, %get3A_1639 : vector<16xf32>
        %add3A_1641 = arith.addf %add3A_1633, %mul3A_1640 : vector<16xf32>
        %get3A_1642 = arith.index_cast %add3A_1551 : i32 to index
        %get3A_1643 = arith.constant 176 : index
        %get3A_1644 = tpu.vector_load %arg17[%get3A_1642, %get3A_1643] {strides = array<i32>} : memref<64x256xf32, #tpu.memory_space<vmem>>, vector<16xf32>,
        %get3A_1645 = arith.index_cast %add3A_1551 : i32 to index
        %get3A_1646 = arith.constant 176 : index
        %get3A_1647 = tpu.vector_load %arg18[%get3A_1645, %get3A_1646] {strides = array<i32>} : memref<64x256xf32, #tpu.memory_space<vmem>>, vector<16xf32>,
        %mul3A_1648 = arith.mulf %get3A_1644, %get3A_1647 : vector<16xf32>
        %add3A_1649 = arith.addf %add3A_1641, %mul3A_1648 : vector<16xf32>
        %get3A_1650 = arith.index_cast %add3A_1551 : i32 to index
        %get3A_1651 = arith.constant 192 : index
        %get3A_1652 = tpu.vector_load %arg17[%get3A_1650, %get3A_1651] {strides = array<i32>} : memref<64x256xf32, #tpu.memory_space<vmem>>, vector<16xf32>,
        %get3A_1653 = arith.index_cast %add3A_1551 : i32 to index
        %get3A_1654 = arith.constant 192 : index
        %get3A_1655 = tpu.vector_load %arg18[%get3A_1653, %get3A_1654] {strides = array<i32>} : memref<64x256xf32, #tpu.memory_space<vmem>>, vector<16xf32>,
        %mul3A_1656 = arith.mulf %get3A_1652, %get3A_1655 : vector<16xf32>
        %add3A_1657 = arith.addf %add3A_1649, %mul3A_1656 : vector<16xf32>
        %get3A_1658 = arith.index_cast %add3A_1551 : i32 to index
        %get3A_1659 = arith.constant 208 : index
        %get3A_1660 = tpu.vector_load %arg17[%get3A_1658, %get3A_1659] {strides = array<i32>} : memref<64x256xf32, #tpu.memory_space<vmem>>, vector<16xf32>,
        %get3A_1661 = arith.index_cast %add3A_1551 : i32 to index
        %get3A_1662 = arith.constant 208 : index
        %get3A_1663 = tpu.vector_load %arg18[%get3A_1661, %get3A_1662] {strides = array<i32>} : memref<64x256xf32, #tpu.memory_space<vmem>>, vector<16xf32>,
        %mul3A_1664 = arith.mulf %get3A_1660, %get3A_1663 : vector<16xf32>
        %add3A_1665 = arith.addf %add3A_1657, %mul3A_1664 : vector<16xf32>
        %get3A_1666 = arith.index_cast %add3A_1551 : i32 to index
        %get3A_1667 = arith.constant 224 : index
        %get3A_1668 = tpu.vector_load %arg17[%get3A_1666, %get3A_1667] {strides = array<i32>} : memref<64x256xf32, #tpu.memory_space<vmem>>, vector<16xf32>,
        %get3A_1669 = arith.index_cast %add3A_1551 : i32 to index
        %get3A_1670 = arith.constant 224 : index
        %get3A_1671 = tpu.vector_load %arg18[%get3A_1669, %get3A_1670] {strides = array<i32>} : memref<64x256xf32, #tpu.memory_space<vmem>>, vector<16xf32>,
        %mul3A_1672 = arith.mulf %get3A_1668, %get3A_1671 : vector<16xf32>
        %add3A_1673 = arith.addf %add3A_1665, %mul3A_1672 : vector<16xf32>
        %get3A_1674 = arith.index_cast %add3A_1551 : i32 to index
        %get3A_1675 = arith.constant 240 : index
        %get3A_1676 = tpu.vector_load %arg17[%get3A_1674, %get3A_1675] {strides = array<i32>} : memref<64x256xf32, #tpu.memory_space<vmem>>, vector<16xf32>,
        %get3A_1677 = arith.index_cast %add3A_1551 : i32 to index
        %get3A_1678 = arith.constant 240 : index
        %get3A_1679 = tpu.vector_load %arg18[%get3A_1677, %get3A_1678] {strides = array<i32>} : memref<64x256xf32, #tpu.memory_space<vmem>>, vector<16xf32>,
        %mul3A_1680 = arith.mulf %get3A_1676, %get3A_1679 : vector<16xf32>
        %add3A_1681 = arith.addf %add3A_1673, %mul3A_1680 : vector<16xf32>
        %reduce_sum3A_1682 = arith.constant true
        %reduce_sum3A_1683 = vector.broadcast %reduce_sum3A_1682 : i1 to vector<16xi1>
        %reduce_sum3A_1684 = tpu.scan <sum>, %add3A_1681 masked %reduce_sum3A_1683 : vector<16xf32>, vector<16xi1> -> vector<16xf32>
        %reduce_sum3A_1685 = vector.extract %reduce_sum3A_1684[15] : f32 from vector<16xf32>
        %eq3A_1686 = arith.constant 10 : i32
        %eq3A_1687 = vector.broadcast %eq3A_1686 : i32 to vector<16xi32>
        %eq3A_1688 = arith.cmpi eq, %iota3A, %eq3A_1687 : vector<16xi32>
        %broadcast_in_dim3A_1689 = vector.broadcast %reduce_sum3A_1685 : f32 to vector<16xf32>
        %select_n3A_1690 = arith.select %eq3A_1688, %broadcast_in_dim3A_1689, %select_n3A_1547 : vector<16xi1>, vector<16xf32>
        %mul3A_1691 = arith.constant 16 : i32
        %mul3A_1692 = arith.muli %scan3A_30, %mul3A_1691 : i32
        %add3A_1693 = arith.constant 11 : i32
        %add3A_1694 = arith.addi %mul3A_1692, %add3A_1693 : i32
        %broadcast_in_dim3A_1695 = arith.constant 0.000000e+00 : f32
        %broadcast_in_dim3A_1696 = vector.broadcast %broadcast_in_dim3A_1695 : f32 to vector<16xf32>
        %get3A_1697 = arith.index_cast %add3A_1694 : i32 to index
        %get3A_1698 = arith.constant 0 : index
        %get3A_1699 = tpu.vector_load %arg17[%get3A_1697, %get3A_1698] {strides = array<i32>} : memref<64x256xf32, #tpu.memory_space<vmem>>, vector<16xf32>,
        %get3A_1700 = arith.index_cast %add3A_1694 : i32 to index
        %get3A_1701 = arith.constant 0 : index
        %get3A_1702 = tpu.vector_load %arg18[%get3A_1700, %get3A_1701] {strides = array<i32>} : memref<64x256xf32, #tpu.memory_space<vmem>>, vector<16xf32>,
        %mul3A_1703 = arith.mulf %get3A_1699, %get3A_1702 : vector<16xf32>
        %add3A_1704 = arith.addf %broadcast_in_dim3A_1696, %mul3A_1703 : vector<16xf32>
        %get3A_1705 = arith.index_cast %add3A_1694 : i32 to index
        %get3A_1706 = arith.constant 16 : index
        %get3A_1707 = tpu.vector_load %arg17[%get3A_1705, %get3A_1706] {strides = array<i32>} : memref<64x256xf32, #tpu.memory_space<vmem>>, vector<16xf32>,
        %get3A_1708 = arith.index_cast %add3A_1694 : i32 to index
        %get3A_1709 = arith.constant 16 : index
        %get3A_1710 = tpu.vector_load %arg18[%get3A_1708, %get3A_1709] {strides = array<i32>} : memref<64x256xf32, #tpu.memory_space<vmem>>, vector<16xf32>,
        %mul3A_1711 = arith.mulf %get3A_1707, %get3A_1710 : vector<16xf32>
        %add3A_1712 = arith.addf %add3A_1704, %mul3A_1711 : vector<16xf32>
        %get3A_1713 = arith.index_cast %add3A_1694 : i32 to index
        %get3A_1714 = arith.constant 32 : index
        %get3A_1715 = tpu.vector_load %arg17[%get3A_1713, %get3A_1714] {strides = array<i32>} : memref<64x256xf32, #tpu.memory_space<vmem>>, vector<16xf32>,
        %get3A_1716 = arith.index_cast %add3A_1694 : i32 to index
        %get3A_1717 = arith.constant 32 : index
        %get3A_1718 = tpu.vector_load %arg18[%get3A_1716, %get3A_1717] {strides = array<i32>} : memref<64x256xf32, #tpu.memory_space<vmem>>, vector<16xf32>,
        %mul3A_1719 = arith.mulf %get3A_1715, %get3A_1718 : vector<16xf32>
        %add3A_1720 = arith.addf %add3A_1712, %mul3A_1719 : vector<16xf32>
        %get3A_1721 = arith.index_cast %add3A_1694 : i32 to index
        %get3A_1722 = arith.constant 48 : index
        %get3A_1723 = tpu.vector_load %arg17[%get3A_1721, %get3A_1722] {strides = array<i32>} : memref<64x256xf32, #tpu.memory_space<vmem>>, vector<16xf32>,
        %get3A_1724 = arith.index_cast %add3A_1694 : i32 to index
        %get3A_1725 = arith.constant 48 : index
        %get3A_1726 = tpu.vector_load %arg18[%get3A_1724, %get3A_1725] {strides = array<i32>} : memref<64x256xf32, #tpu.memory_space<vmem>>, vector<16xf32>,
        %mul3A_1727 = arith.mulf %get3A_1723, %get3A_1726 : vector<16xf32>
        %add3A_1728 = arith.addf %add3A_1720, %mul3A_1727 : vector<16xf32>
        %get3A_1729 = arith.index_cast %add3A_1694 : i32 to index
        %get3A_1730 = arith.constant 64 : index
        %get3A_1731 = tpu.vector_load %arg17[%get3A_1729, %get3A_1730] {strides = array<i32>} : memref<64x256xf32, #tpu.memory_space<vmem>>, vector<16xf32>,
        %get3A_1732 = arith.index_cast %add3A_1694 : i32 to index
        %get3A_1733 = arith.constant 64 : index
        %get3A_1734 = tpu.vector_load %arg18[%get3A_1732, %get3A_1733] {strides = array<i32>} : memref<64x256xf32, #tpu.memory_space<vmem>>, vector<16xf32>,
        %mul3A_1735 = arith.mulf %get3A_1731, %get3A_1734 : vector<16xf32>
        %add3A_1736 = arith.addf %add3A_1728, %mul3A_1735 : vector<16xf32>
        %get3A_1737 = arith.index_cast %add3A_1694 : i32 to index
        %get3A_1738 = arith.constant 80 : index
        %get3A_1739 = tpu.vector_load %arg17[%get3A_1737, %get3A_1738] {strides = array<i32>} : memref<64x256xf32, #tpu.memory_space<vmem>>, vector<16xf32>,
        %get3A_1740 = arith.index_cast %add3A_1694 : i32 to index
        %get3A_1741 = arith.constant 80 : index
        %get3A_1742 = tpu.vector_load %arg18[%get3A_1740, %get3A_1741] {strides = array<i32>} : memref<64x256xf32, #tpu.memory_space<vmem>>, vector<16xf32>,
        %mul3A_1743 = arith.mulf %get3A_1739, %get3A_1742 : vector<16xf32>
        %add3A_1744 = arith.addf %add3A_1736, %mul3A_1743 : vector<16xf32>
        %get3A_1745 = arith.index_cast %add3A_1694 : i32 to index
        %get3A_1746 = arith.constant 96 : index
        %get3A_1747 = tpu.vector_load %arg17[%get3A_1745, %get3A_1746] {strides = array<i32>} : memref<64x256xf32, #tpu.memory_space<vmem>>, vector<16xf32>,
        %get3A_1748 = arith.index_cast %add3A_1694 : i32 to index
        %get3A_1749 = arith.constant 96 : index
        %get3A_1750 = tpu.vector_load %arg18[%get3A_1748, %get3A_1749] {strides = array<i32>} : memref<64x256xf32, #tpu.memory_space<vmem>>, vector<16xf32>,
        %mul3A_1751 = arith.mulf %get3A_1747, %get3A_1750 : vector<16xf32>
        %add3A_1752 = arith.addf %add3A_1744, %mul3A_1751 : vector<16xf32>
        %get3A_1753 = arith.index_cast %add3A_1694 : i32 to index
        %get3A_1754 = arith.constant 112 : index
        %get3A_1755 = tpu.vector_load %arg17[%get3A_1753, %get3A_1754] {strides = array<i32>} : memref<64x256xf32, #tpu.memory_space<vmem>>, vector<16xf32>,
        %get3A_1756 = arith.index_cast %add3A_1694 : i32 to index
        %get3A_1757 = arith.constant 112 : index
        %get3A_1758 = tpu.vector_load %arg18[%get3A_1756, %get3A_1757] {strides = array<i32>} : memref<64x256xf32, #tpu.memory_space<vmem>>, vector<16xf32>,
        %mul3A_1759 = arith.mulf %get3A_1755, %get3A_1758 : vector<16xf32>
        %add3A_1760 = arith.addf %add3A_1752, %mul3A_1759 : vector<16xf32>
        %get3A_1761 = arith.index_cast %add3A_1694 : i32 to index
        %get3A_1762 = arith.constant 128 : index
        %get3A_1763 = tpu.vector_load %arg17[%get3A_1761, %get3A_1762] {strides = array<i32>} : memref<64x256xf32, #tpu.memory_space<vmem>>, vector<16xf32>,
        %get3A_1764 = arith.index_cast %add3A_1694 : i32 to index
        %get3A_1765 = arith.constant 128 : index
        %get3A_1766 = tpu.vector_load %arg18[%get3A_1764, %get3A_1765] {strides = array<i32>} : memref<64x256xf32, #tpu.memory_space<vmem>>, vector<16xf32>,
        %mul3A_1767 = arith.mulf %get3A_1763, %get3A_1766 : vector<16xf32>
        %add3A_1768 = arith.addf %add3A_1760, %mul3A_1767 : vector<16xf32>
        %get3A_1769 = arith.index_cast %add3A_1694 : i32 to index
        %get3A_1770 = arith.constant 144 : index
        %get3A_1771 = tpu.vector_load %arg17[%get3A_1769, %get3A_1770] {strides = array<i32>} : memref<64x256xf32, #tpu.memory_space<vmem>>, vector<16xf32>,
        %get3A_1772 = arith.index_cast %add3A_1694 : i32 to index
        %get3A_1773 = arith.constant 144 : index
        %get3A_1774 = tpu.vector_load %arg18[%get3A_1772, %get3A_1773] {strides = array<i32>} : memref<64x256xf32, #tpu.memory_space<vmem>>, vector<16xf32>,
        %mul3A_1775 = arith.mulf %get3A_1771, %get3A_1774 : vector<16xf32>
        %add3A_1776 = arith.addf %add3A_1768, %mul3A_1775 : vector<16xf32>
        %get3A_1777 = arith.index_cast %add3A_1694 : i32 to index
        %get3A_1778 = arith.constant 160 : index
        %get3A_1779 = tpu.vector_load %arg17[%get3A_1777, %get3A_1778] {strides = array<i32>} : memref<64x256xf32, #tpu.memory_space<vmem>>, vector<16xf32>,
        %get3A_1780 = arith.index_cast %add3A_1694 : i32 to index
        %get3A_1781 = arith.constant 160 : index
        %get3A_1782 = tpu.vector_load %arg18[%get3A_1780, %get3A_1781] {strides = array<i32>} : memref<64x256xf32, #tpu.memory_space<vmem>>, vector<16xf32>,
        %mul3A_1783 = arith.mulf %get3A_1779, %get3A_1782 : vector<16xf32>
        %add3A_1784 = arith.addf %add3A_1776, %mul3A_1783 : vector<16xf32>
        %get3A_1785 = arith.index_cast %add3A_1694 : i32 to index
        %get3A_1786 = arith.constant 176 : index
        %get3A_1787 = tpu.vector_load %arg17[%get3A_1785, %get3A_1786] {strides = array<i32>} : memref<64x256xf32, #tpu.memory_space<vmem>>, vector<16xf32>,
        %get3A_1788 = arith.index_cast %add3A_1694 : i32 to index
        %get3A_1789 = arith.constant 176 : index
        %get3A_1790 = tpu.vector_load %arg18[%get3A_1788, %get3A_1789] {strides = array<i32>} : memref<64x256xf32, #tpu.memory_space<vmem>>, vector<16xf32>,
        %mul3A_1791 = arith.mulf %get3A_1787, %get3A_1790 : vector<16xf32>
        %add3A_1792 = arith.addf %add3A_1784, %mul3A_1791 : vector<16xf32>
        %get3A_1793 = arith.index_cast %add3A_1694 : i32 to index
        %get3A_1794 = arith.constant 192 : index
        %get3A_1795 = tpu.vector_load %arg17[%get3A_1793, %get3A_1794] {strides = array<i32>} : memref<64x256xf32, #tpu.memory_space<vmem>>, vector<16xf32>,
        %get3A_1796 = arith.index_cast %add3A_1694 : i32 to index
        %get3A_1797 = arith.constant 192 : index
        %get3A_1798 = tpu.vector_load %arg18[%get3A_1796, %get3A_1797] {strides = array<i32>} : memref<64x256xf32, #tpu.memory_space<vmem>>, vector<16xf32>,
        %mul3A_1799 = arith.mulf %get3A_1795, %get3A_1798 : vector<16xf32>
        %add3A_1800 = arith.addf %add3A_1792, %mul3A_1799 : vector<16xf32>
        %get3A_1801 = arith.index_cast %add3A_1694 : i32 to index
        %get3A_1802 = arith.constant 208 : index
        %get3A_1803 = tpu.vector_load %arg17[%get3A_1801, %get3A_1802] {strides = array<i32>} : memref<64x256xf32, #tpu.memory_space<vmem>>, vector<16xf32>,
        %get3A_1804 = arith.index_cast %add3A_1694 : i32 to index
        %get3A_1805 = arith.constant 208 : index
        %get3A_1806 = tpu.vector_load %arg18[%get3A_1804, %get3A_1805] {strides = array<i32>} : memref<64x256xf32, #tpu.memory_space<vmem>>, vector<16xf32>,
        %mul3A_1807 = arith.mulf %get3A_1803, %get3A_1806 : vector<16xf32>
        %add3A_1808 = arith.addf %add3A_1800, %mul3A_1807 : vector<16xf32>
        %get3A_1809 = arith.index_cast %add3A_1694 : i32 to index
        %get3A_1810 = arith.constant 224 : index
        %get3A_1811 = tpu.vector_load %arg17[%get3A_1809, %get3A_1810] {strides = array<i32>} : memref<64x256xf32, #tpu.memory_space<vmem>>, vector<16xf32>,
        %get3A_1812 = arith.index_cast %add3A_1694 : i32 to index
        %get3A_1813 = arith.constant 224 : index
        %get3A_1814 = tpu.vector_load %arg18[%get3A_1812, %get3A_1813] {strides = array<i32>} : memref<64x256xf32, #tpu.memory_space<vmem>>, vector<16xf32>,
        %mul3A_1815 = arith.mulf %get3A_1811, %get3A_1814 : vector<16xf32>
        %add3A_1816 = arith.addf %add3A_1808, %mul3A_1815 : vector<16xf32>
        %get3A_1817 = arith.index_cast %add3A_1694 : i32 to index
        %get3A_1818 = arith.constant 240 : index
        %get3A_1819 = tpu.vector_load %arg17[%get3A_1817, %get3A_1818] {strides = array<i32>} : memref<64x256xf32, #tpu.memory_space<vmem>>, vector<16xf32>,
        %get3A_1820 = arith.index_cast %add3A_1694 : i32 to index
        %get3A_1821 = arith.constant 240 : index
        %get3A_1822 = tpu.vector_load %arg18[%get3A_1820, %get3A_1821] {strides = array<i32>} : memref<64x256xf32, #tpu.memory_space<vmem>>, vector<16xf32>,
        %mul3A_1823 = arith.mulf %get3A_1819, %get3A_1822 : vector<16xf32>
        %add3A_1824 = arith.addf %add3A_1816, %mul3A_1823 : vector<16xf32>
        %reduce_sum3A_1825 = arith.constant true
        %reduce_sum3A_1826 = vector.broadcast %reduce_sum3A_1825 : i1 to vector<16xi1>
        %reduce_sum3A_1827 = tpu.scan <sum>, %add3A_1824 masked %reduce_sum3A_1826 : vector<16xf32>, vector<16xi1> -> vector<16xf32>
        %reduce_sum3A_1828 = vector.extract %reduce_sum3A_1827[15] : f32 from vector<16xf32>
        %eq3A_1829 = arith.constant 11 : i32
        %eq3A_1830 = vector.broadcast %eq3A_1829 : i32 to vector<16xi32>
        %eq3A_1831 = arith.cmpi eq, %iota3A, %eq3A_1830 : vector<16xi32>
        %broadcast_in_dim3A_1832 = vector.broadcast %reduce_sum3A_1828 : f32 to vector<16xf32>
        %select_n3A_1833 = arith.select %eq3A_1831, %broadcast_in_dim3A_1832, %select_n3A_1690 : vector<16xi1>, vector<16xf32>
        %mul3A_1834 = arith.constant 16 : i32
        %mul3A_1835 = arith.muli %scan3A_30, %mul3A_1834 : i32
        %add3A_1836 = arith.constant 12 : i32
        %add3A_1837 = arith.addi %mul3A_1835, %add3A_1836 : i32
        %broadcast_in_dim3A_1838 = arith.constant 0.000000e+00 : f32
        %broadcast_in_dim3A_1839 = vector.broadcast %broadcast_in_dim3A_1838 : f32 to vector<16xf32>
        %get3A_1840 = arith.index_cast %add3A_1837 : i32 to index
        %get3A_1841 = arith.constant 0 : index
        %get3A_1842 = tpu.vector_load %arg17[%get3A_1840, %get3A_1841] {strides = array<i32>} : memref<64x256xf32, #tpu.memory_space<vmem>>, vector<16xf32>,
        %get3A_1843 = arith.index_cast %add3A_1837 : i32 to index
        %get3A_1844 = arith.constant 0 : index
        %get3A_1845 = tpu.vector_load %arg18[%get3A_1843, %get3A_1844] {strides = array<i32>} : memref<64x256xf32, #tpu.memory_space<vmem>>, vector<16xf32>,
        %mul3A_1846 = arith.mulf %get3A_1842, %get3A_1845 : vector<16xf32>
        %add3A_1847 = arith.addf %broadcast_in_dim3A_1839, %mul3A_1846 : vector<16xf32>
        %get3A_1848 = arith.index_cast %add3A_1837 : i32 to index
        %get3A_1849 = arith.constant 16 : index
        %get3A_1850 = tpu.vector_load %arg17[%get3A_1848, %get3A_1849] {strides = array<i32>} : memref<64x256xf32, #tpu.memory_space<vmem>>, vector<16xf32>,
        %get3A_1851 = arith.index_cast %add3A_1837 : i32 to index
        %get3A_1852 = arith.constant 16 : index
        %get3A_1853 = tpu.vector_load %arg18[%get3A_1851, %get3A_1852] {strides = array<i32>} : memref<64x256xf32, #tpu.memory_space<vmem>>, vector<16xf32>,
        %mul3A_1854 = arith.mulf %get3A_1850, %get3A_1853 : vector<16xf32>
        %add3A_1855 = arith.addf %add3A_1847, %mul3A_1854 : vector<16xf32>
        %get3A_1856 = arith.index_cast %add3A_1837 : i32 to index
        %get3A_1857 = arith.constant 32 : index
        %get3A_1858 = tpu.vector_load %arg17[%get3A_1856, %get3A_1857] {strides = array<i32>} : memref<64x256xf32, #tpu.memory_space<vmem>>, vector<16xf32>,
        %get3A_1859 = arith.index_cast %add3A_1837 : i32 to index
        %get3A_1860 = arith.constant 32 : index
        %get3A_1861 = tpu.vector_load %arg18[%get3A_1859, %get3A_1860] {strides = array<i32>} : memref<64x256xf32, #tpu.memory_space<vmem>>, vector<16xf32>,
        %mul3A_1862 = arith.mulf %get3A_1858, %get3A_1861 : vector<16xf32>
        %add3A_1863 = arith.addf %add3A_1855, %mul3A_1862 : vector<16xf32>
        %get3A_1864 = arith.index_cast %add3A_1837 : i32 to index
        %get3A_1865 = arith.constant 48 : index
        %get3A_1866 = tpu.vector_load %arg17[%get3A_1864, %get3A_1865] {strides = array<i32>} : memref<64x256xf32, #tpu.memory_space<vmem>>, vector<16xf32>,
        %get3A_1867 = arith.index_cast %add3A_1837 : i32 to index
        %get3A_1868 = arith.constant 48 : index
        %get3A_1869 = tpu.vector_load %arg18[%get3A_1867, %get3A_1868] {strides = array<i32>} : memref<64x256xf32, #tpu.memory_space<vmem>>, vector<16xf32>,
        %mul3A_1870 = arith.mulf %get3A_1866, %get3A_1869 : vector<16xf32>
        %add3A_1871 = arith.addf %add3A_1863, %mul3A_1870 : vector<16xf32>
        %get3A_1872 = arith.index_cast %add3A_1837 : i32 to index
        %get3A_1873 = arith.constant 64 : index
        %get3A_1874 = tpu.vector_load %arg17[%get3A_1872, %get3A_1873] {strides = array<i32>} : memref<64x256xf32, #tpu.memory_space<vmem>>, vector<16xf32>,
        %get3A_1875 = arith.index_cast %add3A_1837 : i32 to index
        %get3A_1876 = arith.constant 64 : index
        %get3A_1877 = tpu.vector_load %arg18[%get3A_1875, %get3A_1876] {strides = array<i32>} : memref<64x256xf32, #tpu.memory_space<vmem>>, vector<16xf32>,
        %mul3A_1878 = arith.mulf %get3A_1874, %get3A_1877 : vector<16xf32>
        %add3A_1879 = arith.addf %add3A_1871, %mul3A_1878 : vector<16xf32>
        %get3A_1880 = arith.index_cast %add3A_1837 : i32 to index
        %get3A_1881 = arith.constant 80 : index
        %get3A_1882 = tpu.vector_load %arg17[%get3A_1880, %get3A_1881] {strides = array<i32>} : memref<64x256xf32, #tpu.memory_space<vmem>>, vector<16xf32>,
        %get3A_1883 = arith.index_cast %add3A_1837 : i32 to index
        %get3A_1884 = arith.constant 80 : index
        %get3A_1885 = tpu.vector_load %arg18[%get3A_1883, %get3A_1884] {strides = array<i32>} : memref<64x256xf32, #tpu.memory_space<vmem>>, vector<16xf32>,
        %mul3A_1886 = arith.mulf %get3A_1882, %get3A_1885 : vector<16xf32>
        %add3A_1887 = arith.addf %add3A_1879, %mul3A_1886 : vector<16xf32>
        %get3A_1888 = arith.index_cast %add3A_1837 : i32 to index
        %get3A_1889 = arith.constant 96 : index
        %get3A_1890 = tpu.vector_load %arg17[%get3A_1888, %get3A_1889] {strides = array<i32>} : memref<64x256xf32, #tpu.memory_space<vmem>>, vector<16xf32>,
        %get3A_1891 = arith.index_cast %add3A_1837 : i32 to index
        %get3A_1892 = arith.constant 96 : index
        %get3A_1893 = tpu.vector_load %arg18[%get3A_1891, %get3A_1892] {strides = array<i32>} : memref<64x256xf32, #tpu.memory_space<vmem>>, vector<16xf32>,
        %mul3A_1894 = arith.mulf %get3A_1890, %get3A_1893 : vector<16xf32>
        %add3A_1895 = arith.addf %add3A_1887, %mul3A_1894 : vector<16xf32>
        %get3A_1896 = arith.index_cast %add3A_1837 : i32 to index
        %get3A_1897 = arith.constant 112 : index
        %get3A_1898 = tpu.vector_load %arg17[%get3A_1896, %get3A_1897] {strides = array<i32>} : memref<64x256xf32, #tpu.memory_space<vmem>>, vector<16xf32>,
        %get3A_1899 = arith.index_cast %add3A_1837 : i32 to index
        %get3A_1900 = arith.constant 112 : index
        %get3A_1901 = tpu.vector_load %arg18[%get3A_1899, %get3A_1900] {strides = array<i32>} : memref<64x256xf32, #tpu.memory_space<vmem>>, vector<16xf32>,
        %mul3A_1902 = arith.mulf %get3A_1898, %get3A_1901 : vector<16xf32>
        %add3A_1903 = arith.addf %add3A_1895, %mul3A_1902 : vector<16xf32>
        %get3A_1904 = arith.index_cast %add3A_1837 : i32 to index
        %get3A_1905 = arith.constant 128 : index
        %get3A_1906 = tpu.vector_load %arg17[%get3A_1904, %get3A_1905] {strides = array<i32>} : memref<64x256xf32, #tpu.memory_space<vmem>>, vector<16xf32>,
        %get3A_1907 = arith.index_cast %add3A_1837 : i32 to index
        %get3A_1908 = arith.constant 128 : index
        %get3A_1909 = tpu.vector_load %arg18[%get3A_1907, %get3A_1908] {strides = array<i32>} : memref<64x256xf32, #tpu.memory_space<vmem>>, vector<16xf32>,
        %mul3A_1910 = arith.mulf %get3A_1906, %get3A_1909 : vector<16xf32>
        %add3A_1911 = arith.addf %add3A_1903, %mul3A_1910 : vector<16xf32>
        %get3A_1912 = arith.index_cast %add3A_1837 : i32 to index
        %get3A_1913 = arith.constant 144 : index
        %get3A_1914 = tpu.vector_load %arg17[%get3A_1912, %get3A_1913] {strides = array<i32>} : memref<64x256xf32, #tpu.memory_space<vmem>>, vector<16xf32>,
        %get3A_1915 = arith.index_cast %add3A_1837 : i32 to index
        %get3A_1916 = arith.constant 144 : index
        %get3A_1917 = tpu.vector_load %arg18[%get3A_1915, %get3A_1916] {strides = array<i32>} : memref<64x256xf32, #tpu.memory_space<vmem>>, vector<16xf32>,
        %mul3A_1918 = arith.mulf %get3A_1914, %get3A_1917 : vector<16xf32>
        %add3A_1919 = arith.addf %add3A_1911, %mul3A_1918 : vector<16xf32>
        %get3A_1920 = arith.index_cast %add3A_1837 : i32 to index
        %get3A_1921 = arith.constant 160 : index
        %get3A_1922 = tpu.vector_load %arg17[%get3A_1920, %get3A_1921] {strides = array<i32>} : memref<64x256xf32, #tpu.memory_space<vmem>>, vector<16xf32>,
        %get3A_1923 = arith.index_cast %add3A_1837 : i32 to index
        %get3A_1924 = arith.constant 160 : index
        %get3A_1925 = tpu.vector_load %arg18[%get3A_1923, %get3A_1924] {strides = array<i32>} : memref<64x256xf32, #tpu.memory_space<vmem>>, vector<16xf32>,
        %mul3A_1926 = arith.mulf %get3A_1922, %get3A_1925 : vector<16xf32>
        %add3A_1927 = arith.addf %add3A_1919, %mul3A_1926 : vector<16xf32>
        %get3A_1928 = arith.index_cast %add3A_1837 : i32 to index
        %get3A_1929 = arith.constant 176 : index
        %get3A_1930 = tpu.vector_load %arg17[%get3A_1928, %get3A_1929] {strides = array<i32>} : memref<64x256xf32, #tpu.memory_space<vmem>>, vector<16xf32>,
        %get3A_1931 = arith.index_cast %add3A_1837 : i32 to index
        %get3A_1932 = arith.constant 176 : index
        %get3A_1933 = tpu.vector_load %arg18[%get3A_1931, %get3A_1932] {strides = array<i32>} : memref<64x256xf32, #tpu.memory_space<vmem>>, vector<16xf32>,
        %mul3A_1934 = arith.mulf %get3A_1930, %get3A_1933 : vector<16xf32>
        %add3A_1935 = arith.addf %add3A_1927, %mul3A_1934 : vector<16xf32>
        %get3A_1936 = arith.index_cast %add3A_1837 : i32 to index
        %get3A_1937 = arith.constant 192 : index
        %get3A_1938 = tpu.vector_load %arg17[%get3A_1936, %get3A_1937] {strides = array<i32>} : memref<64x256xf32, #tpu.memory_space<vmem>>, vector<16xf32>,
        %get3A_1939 = arith.index_cast %add3A_1837 : i32 to index
        %get3A_1940 = arith.constant 192 : index
        %get3A_1941 = tpu.vector_load %arg18[%get3A_1939, %get3A_1940] {strides = array<i32>} : memref<64x256xf32, #tpu.memory_space<vmem>>, vector<16xf32>,
        %mul3A_1942 = arith.mulf %get3A_1938, %get3A_1941 : vector<16xf32>
        %add3A_1943 = arith.addf %add3A_1935, %mul3A_1942 : vector<16xf32>
        %get3A_1944 = arith.index_cast %add3A_1837 : i32 to index
        %get3A_1945 = arith.constant 208 : index
        %get3A_1946 = tpu.vector_load %arg17[%get3A_1944, %get3A_1945] {strides = array<i32>} : memref<64x256xf32, #tpu.memory_space<vmem>>, vector<16xf32>,
        %get3A_1947 = arith.index_cast %add3A_1837 : i32 to index
        %get3A_1948 = arith.constant 208 : index
        %get3A_1949 = tpu.vector_load %arg18[%get3A_1947, %get3A_1948] {strides = array<i32>} : memref<64x256xf32, #tpu.memory_space<vmem>>, vector<16xf32>,
        %mul3A_1950 = arith.mulf %get3A_1946, %get3A_1949 : vector<16xf32>
        %add3A_1951 = arith.addf %add3A_1943, %mul3A_1950 : vector<16xf32>
        %get3A_1952 = arith.index_cast %add3A_1837 : i32 to index
        %get3A_1953 = arith.constant 224 : index
        %get3A_1954 = tpu.vector_load %arg17[%get3A_1952, %get3A_1953] {strides = array<i32>} : memref<64x256xf32, #tpu.memory_space<vmem>>, vector<16xf32>,
        %get3A_1955 = arith.index_cast %add3A_1837 : i32 to index
        %get3A_1956 = arith.constant 224 : index
        %get3A_1957 = tpu.vector_load %arg18[%get3A_1955, %get3A_1956] {strides = array<i32>} : memref<64x256xf32, #tpu.memory_space<vmem>>, vector<16xf32>,
        %mul3A_1958 = arith.mulf %get3A_1954, %get3A_1957 : vector<16xf32>
        %add3A_1959 = arith.addf %add3A_1951, %mul3A_1958 : vector<16xf32>
        %get3A_1960 = arith.index_cast %add3A_1837 : i32 to index
        %get3A_1961 = arith.constant 240 : index
        %get3A_1962 = tpu.vector_load %arg17[%get3A_1960, %get3A_1961] {strides = array<i32>} : memref<64x256xf32, #tpu.memory_space<vmem>>, vector<16xf32>,
        %get3A_1963 = arith.index_cast %add3A_1837 : i32 to index
        %get3A_1964 = arith.constant 240 : index
        %get3A_1965 = tpu.vector_load %arg18[%get3A_1963, %get3A_1964] {strides = array<i32>} : memref<64x256xf32, #tpu.memory_space<vmem>>, vector<16xf32>,
        %mul3A_1966 = arith.mulf %get3A_1962, %get3A_1965 : vector<16xf32>
        %add3A_1967 = arith.addf %add3A_1959, %mul3A_1966 : vector<16xf32>
        %reduce_sum3A_1968 = arith.constant true
        %reduce_sum3A_1969 = vector.broadcast %reduce_sum3A_1968 : i1 to vector<16xi1>
        %reduce_sum3A_1970 = tpu.scan <sum>, %add3A_1967 masked %reduce_sum3A_1969 : vector<16xf32>, vector<16xi1> -> vector<16xf32>
        %reduce_sum3A_1971 = vector.extract %reduce_sum3A_1970[15] : f32 from vector<16xf32>
        %eq3A_1972 = arith.constant 12 : i32
        %eq3A_1973 = vector.broadcast %eq3A_1972 : i32 to vector<16xi32>
        %eq3A_1974 = arith.cmpi eq, %iota3A, %eq3A_1973 : vector<16xi32>
        %broadcast_in_dim3A_1975 = vector.broadcast %reduce_sum3A_1971 : f32 to vector<16xf32>
        %select_n3A_1976 = arith.select %eq3A_1974, %broadcast_in_dim3A_1975, %select_n3A_1833 : vector<16xi1>, vector<16xf32>
        %mul3A_1977 = arith.constant 16 : i32
        %mul3A_1978 = arith.muli %scan3A_30, %mul3A_1977 : i32
        %add3A_1979 = arith.constant 13 : i32
        %add3A_1980 = arith.addi %mul3A_1978, %add3A_1979 : i32
        %broadcast_in_dim3A_1981 = arith.constant 0.000000e+00 : f32
        %broadcast_in_dim3A_1982 = vector.broadcast %broadcast_in_dim3A_1981 : f32 to vector<16xf32>
        %get3A_1983 = arith.index_cast %add3A_1980 : i32 to index
        %get3A_1984 = arith.constant 0 : index
        %get3A_1985 = tpu.vector_load %arg17[%get3A_1983, %get3A_1984] {strides = array<i32>} : memref<64x256xf32, #tpu.memory_space<vmem>>, vector<16xf32>,
        %get3A_1986 = arith.index_cast %add3A_1980 : i32 to index
        %get3A_1987 = arith.constant 0 : index
        %get3A_1988 = tpu.vector_load %arg18[%get3A_1986, %get3A_1987] {strides = array<i32>} : memref<64x256xf32, #tpu.memory_space<vmem>>, vector<16xf32>,
        %mul3A_1989 = arith.mulf %get3A_1985, %get3A_1988 : vector<16xf32>
        %add3A_1990 = arith.addf %broadcast_in_dim3A_1982, %mul3A_1989 : vector<16xf32>
        %get3A_1991 = arith.index_cast %add3A_1980 : i32 to index
        %get3A_1992 = arith.constant 16 : index
        %get3A_1993 = tpu.vector_load %arg17[%get3A_1991, %get3A_1992] {strides = array<i32>} : memref<64x256xf32, #tpu.memory_space<vmem>>, vector<16xf32>,
        %get3A_1994 = arith.index_cast %add3A_1980 : i32 to index
        %get3A_1995 = arith.constant 16 : index
        %get3A_1996 = tpu.vector_load %arg18[%get3A_1994, %get3A_1995] {strides = array<i32>} : memref<64x256xf32, #tpu.memory_space<vmem>>, vector<16xf32>,
        %mul3A_1997 = arith.mulf %get3A_1993, %get3A_1996 : vector<16xf32>
        %add3A_1998 = arith.addf %add3A_1990, %mul3A_1997 : vector<16xf32>
        %get3A_1999 = arith.index_cast %add3A_1980 : i32 to index
        %get3A_2000 = arith.constant 32 : index
        %get3A_2001 = tpu.vector_load %arg17[%get3A_1999, %get3A_2000] {strides = array<i32>} : memref<64x256xf32, #tpu.memory_space<vmem>>, vector<16xf32>,
        %get3A_2002 = arith.index_cast %add3A_1980 : i32 to index
        %get3A_2003 = arith.constant 32 : index
        %get3A_2004 = tpu.vector_load %arg18[%get3A_2002, %get3A_2003] {strides = array<i32>} : memref<64x256xf32, #tpu.memory_space<vmem>>, vector<16xf32>,
        %mul3A_2005 = arith.mulf %get3A_2001, %get3A_2004 : vector<16xf32>
        %add3A_2006 = arith.addf %add3A_1998, %mul3A_2005 : vector<16xf32>
        %get3A_2007 = arith.index_cast %add3A_1980 : i32 to index
        %get3A_2008 = arith.constant 48 : index
        %get3A_2009 = tpu.vector_load %arg17[%get3A_2007, %get3A_2008] {strides = array<i32>} : memref<64x256xf32, #tpu.memory_space<vmem>>, vector<16xf32>,
        %get3A_2010 = arith.index_cast %add3A_1980 : i32 to index
        %get3A_2011 = arith.constant 48 : index
        %get3A_2012 = tpu.vector_load %arg18[%get3A_2010, %get3A_2011] {strides = array<i32>} : memref<64x256xf32, #tpu.memory_space<vmem>>, vector<16xf32>,
        %mul3A_2013 = arith.mulf %get3A_2009, %get3A_2012 : vector<16xf32>
        %add3A_2014 = arith.addf %add3A_2006, %mul3A_2013 : vector<16xf32>
        %get3A_2015 = arith.index_cast %add3A_1980 : i32 to index
        %get3A_2016 = arith.constant 64 : index
        %get3A_2017 = tpu.vector_load %arg17[%get3A_2015, %get3A_2016] {strides = array<i32>} : memref<64x256xf32, #tpu.memory_space<vmem>>, vector<16xf32>,
        %get3A_2018 = arith.index_cast %add3A_1980 : i32 to index
        %get3A_2019 = arith.constant 64 : index
        %get3A_2020 = tpu.vector_load %arg18[%get3A_2018, %get3A_2019] {strides = array<i32>} : memref<64x256xf32, #tpu.memory_space<vmem>>, vector<16xf32>,
        %mul3A_2021 = arith.mulf %get3A_2017, %get3A_2020 : vector<16xf32>
        %add3A_2022 = arith.addf %add3A_2014, %mul3A_2021 : vector<16xf32>
        %get3A_2023 = arith.index_cast %add3A_1980 : i32 to index
        %get3A_2024 = arith.constant 80 : index
        %get3A_2025 = tpu.vector_load %arg17[%get3A_2023, %get3A_2024] {strides = array<i32>} : memref<64x256xf32, #tpu.memory_space<vmem>>, vector<16xf32>,
        %get3A_2026 = arith.index_cast %add3A_1980 : i32 to index
        %get3A_2027 = arith.constant 80 : index
        %get3A_2028 = tpu.vector_load %arg18[%get3A_2026, %get3A_2027] {strides = array<i32>} : memref<64x256xf32, #tpu.memory_space<vmem>>, vector<16xf32>,
        %mul3A_2029 = arith.mulf %get3A_2025, %get3A_2028 : vector<16xf32>
        %add3A_2030 = arith.addf %add3A_2022, %mul3A_2029 : vector<16xf32>
        %get3A_2031 = arith.index_cast %add3A_1980 : i32 to index
        %get3A_2032 = arith.constant 96 : index
        %get3A_2033 = tpu.vector_load %arg17[%get3A_2031, %get3A_2032] {strides = array<i32>} : memref<64x256xf32, #tpu.memory_space<vmem>>, vector<16xf32>,
        %get3A_2034 = arith.index_cast %add3A_1980 : i32 to index
        %get3A_2035 = arith.constant 96 : index
        %get3A_2036 = tpu.vector_load %arg18[%get3A_2034, %get3A_2035] {strides = array<i32>} : memref<64x256xf32, #tpu.memory_space<vmem>>, vector<16xf32>,
        %mul3A_2037 = arith.mulf %get3A_2033, %get3A_2036 : vector<16xf32>
        %add3A_2038 = arith.addf %add3A_2030, %mul3A_2037 : vector<16xf32>
        %get3A_2039 = arith.index_cast %add3A_1980 : i32 to index
        %get3A_2040 = arith.constant 112 : index
        %get3A_2041 = tpu.vector_load %arg17[%get3A_2039, %get3A_2040] {strides = array<i32>} : memref<64x256xf32, #tpu.memory_space<vmem>>, vector<16xf32>,
        %get3A_2042 = arith.index_cast %add3A_1980 : i32 to index
        %get3A_2043 = arith.constant 112 : index
        %get3A_2044 = tpu.vector_load %arg18[%get3A_2042, %get3A_2043] {strides = array<i32>} : memref<64x256xf32, #tpu.memory_space<vmem>>, vector<16xf32>,
        %mul3A_2045 = arith.mulf %get3A_2041, %get3A_2044 : vector<16xf32>
        %add3A_2046 = arith.addf %add3A_2038, %mul3A_2045 : vector<16xf32>
        %get3A_2047 = arith.index_cast %add3A_1980 : i32 to index
        %get3A_2048 = arith.constant 128 : index
        %get3A_2049 = tpu.vector_load %arg17[%get3A_2047, %get3A_2048] {strides = array<i32>} : memref<64x256xf32, #tpu.memory_space<vmem>>, vector<16xf32>,
        %get3A_2050 = arith.index_cast %add3A_1980 : i32 to index
        %get3A_2051 = arith.constant 128 : index
        %get3A_2052 = tpu.vector_load %arg18[%get3A_2050, %get3A_2051] {strides = array<i32>} : memref<64x256xf32, #tpu.memory_space<vmem>>, vector<16xf32>,
        %mul3A_2053 = arith.mulf %get3A_2049, %get3A_2052 : vector<16xf32>
        %add3A_2054 = arith.addf %add3A_2046, %mul3A_2053 : vector<16xf32>
        %get3A_2055 = arith.index_cast %add3A_1980 : i32 to index
        %get3A_2056 = arith.constant 144 : index
        %get3A_2057 = tpu.vector_load %arg17[%get3A_2055, %get3A_2056] {strides = array<i32>} : memref<64x256xf32, #tpu.memory_space<vmem>>, vector<16xf32>,
        %get3A_2058 = arith.index_cast %add3A_1980 : i32 to index
        %get3A_2059 = arith.constant 144 : index
        %get3A_2060 = tpu.vector_load %arg18[%get3A_2058, %get3A_2059] {strides = array<i32>} : memref<64x256xf32, #tpu.memory_space<vmem>>, vector<16xf32>,
        %mul3A_2061 = arith.mulf %get3A_2057, %get3A_2060 : vector<16xf32>
        %add3A_2062 = arith.addf %add3A_2054, %mul3A_2061 : vector<16xf32>
        %get3A_2063 = arith.index_cast %add3A_1980 : i32 to index
        %get3A_2064 = arith.constant 160 : index
        %get3A_2065 = tpu.vector_load %arg17[%get3A_2063, %get3A_2064] {strides = array<i32>} : memref<64x256xf32, #tpu.memory_space<vmem>>, vector<16xf32>,
        %get3A_2066 = arith.index_cast %add3A_1980 : i32 to index
        %get3A_2067 = arith.constant 160 : index
        %get3A_2068 = tpu.vector_load %arg18[%get3A_2066, %get3A_2067] {strides = array<i32>} : memref<64x256xf32, #tpu.memory_space<vmem>>, vector<16xf32>,
        %mul3A_2069 = arith.mulf %get3A_2065, %get3A_2068 : vector<16xf32>
        %add3A_2070 = arith.addf %add3A_2062, %mul3A_2069 : vector<16xf32>
        %get3A_2071 = arith.index_cast %add3A_1980 : i32 to index
        %get3A_2072 = arith.constant 176 : index
        %get3A_2073 = tpu.vector_load %arg17[%get3A_2071, %get3A_2072] {strides = array<i32>} : memref<64x256xf32, #tpu.memory_space<vmem>>, vector<16xf32>,
        %get3A_2074 = arith.index_cast %add3A_1980 : i32 to index
        %get3A_2075 = arith.constant 176 : index
        %get3A_2076 = tpu.vector_load %arg18[%get3A_2074, %get3A_2075] {strides = array<i32>} : memref<64x256xf32, #tpu.memory_space<vmem>>, vector<16xf32>,
        %mul3A_2077 = arith.mulf %get3A_2073, %get3A_2076 : vector<16xf32>
        %add3A_2078 = arith.addf %add3A_2070, %mul3A_2077 : vector<16xf32>
        %get3A_2079 = arith.index_cast %add3A_1980 : i32 to index
        %get3A_2080 = arith.constant 192 : index
        %get3A_2081 = tpu.vector_load %arg17[%get3A_2079, %get3A_2080] {strides = array<i32>} : memref<64x256xf32, #tpu.memory_space<vmem>>, vector<16xf32>,
        %get3A_2082 = arith.index_cast %add3A_1980 : i32 to index
        %get3A_2083 = arith.constant 192 : index
        %get3A_2084 = tpu.vector_load %arg18[%get3A_2082, %get3A_2083] {strides = array<i32>} : memref<64x256xf32, #tpu.memory_space<vmem>>, vector<16xf32>,
        %mul3A_2085 = arith.mulf %get3A_2081, %get3A_2084 : vector<16xf32>
        %add3A_2086 = arith.addf %add3A_2078, %mul3A_2085 : vector<16xf32>
        %get3A_2087 = arith.index_cast %add3A_1980 : i32 to index
        %get3A_2088 = arith.constant 208 : index
        %get3A_2089 = tpu.vector_load %arg17[%get3A_2087, %get3A_2088] {strides = array<i32>} : memref<64x256xf32, #tpu.memory_space<vmem>>, vector<16xf32>,
        %get3A_2090 = arith.index_cast %add3A_1980 : i32 to index
        %get3A_2091 = arith.constant 208 : index
        %get3A_2092 = tpu.vector_load %arg18[%get3A_2090, %get3A_2091] {strides = array<i32>} : memref<64x256xf32, #tpu.memory_space<vmem>>, vector<16xf32>,
        %mul3A_2093 = arith.mulf %get3A_2089, %get3A_2092 : vector<16xf32>
        %add3A_2094 = arith.addf %add3A_2086, %mul3A_2093 : vector<16xf32>
        %get3A_2095 = arith.index_cast %add3A_1980 : i32 to index
        %get3A_2096 = arith.constant 224 : index
        %get3A_2097 = tpu.vector_load %arg17[%get3A_2095, %get3A_2096] {strides = array<i32>} : memref<64x256xf32, #tpu.memory_space<vmem>>, vector<16xf32>,
        %get3A_2098 = arith.index_cast %add3A_1980 : i32 to index
        %get3A_2099 = arith.constant 224 : index
        %get3A_2100 = tpu.vector_load %arg18[%get3A_2098, %get3A_2099] {strides = array<i32>} : memref<64x256xf32, #tpu.memory_space<vmem>>, vector<16xf32>,
        %mul3A_2101 = arith.mulf %get3A_2097, %get3A_2100 : vector<16xf32>
        %add3A_2102 = arith.addf %add3A_2094, %mul3A_2101 : vector<16xf32>
        %get3A_2103 = arith.index_cast %add3A_1980 : i32 to index
        %get3A_2104 = arith.constant 240 : index
        %get3A_2105 = tpu.vector_load %arg17[%get3A_2103, %get3A_2104] {strides = array<i32>} : memref<64x256xf32, #tpu.memory_space<vmem>>, vector<16xf32>,
        %get3A_2106 = arith.index_cast %add3A_1980 : i32 to index
        %get3A_2107 = arith.constant 240 : index
        %get3A_2108 = tpu.vector_load %arg18[%get3A_2106, %get3A_2107] {strides = array<i32>} : memref<64x256xf32, #tpu.memory_space<vmem>>, vector<16xf32>,
        %mul3A_2109 = arith.mulf %get3A_2105, %get3A_2108 : vector<16xf32>
        %add3A_2110 = arith.addf %add3A_2102, %mul3A_2109 : vector<16xf32>
        %reduce_sum3A_2111 = arith.constant true
        %reduce_sum3A_2112 = vector.broadcast %reduce_sum3A_2111 : i1 to vector<16xi1>
        %reduce_sum3A_2113 = tpu.scan <sum>, %add3A_2110 masked %reduce_sum3A_2112 : vector<16xf32>, vector<16xi1> -> vector<16xf32>
        %reduce_sum3A_2114 = vector.extract %reduce_sum3A_2113[15] : f32 from vector<16xf32>
        %eq3A_2115 = arith.constant 13 : i32
        %eq3A_2116 = vector.broadcast %eq3A_2115 : i32 to vector<16xi32>
        %eq3A_2117 = arith.cmpi eq, %iota3A, %eq3A_2116 : vector<16xi32>
        %broadcast_in_dim3A_2118 = vector.broadcast %reduce_sum3A_2114 : f32 to vector<16xf32>
        %select_n3A_2119 = arith.select %eq3A_2117, %broadcast_in_dim3A_2118, %select_n3A_1976 : vector<16xi1>, vector<16xf32>
        %mul3A_2120 = arith.constant 16 : i32
        %mul3A_2121 = arith.muli %scan3A_30, %mul3A_2120 : i32
        %add3A_2122 = arith.constant 14 : i32
        %add3A_2123 = arith.addi %mul3A_2121, %add3A_2122 : i32
        %broadcast_in_dim3A_2124 = arith.constant 0.000000e+00 : f32
        %broadcast_in_dim3A_2125 = vector.broadcast %broadcast_in_dim3A_2124 : f32 to vector<16xf32>
        %get3A_2126 = arith.index_cast %add3A_2123 : i32 to index
        %get3A_2127 = arith.constant 0 : index
        %get3A_2128 = tpu.vector_load %arg17[%get3A_2126, %get3A_2127] {strides = array<i32>} : memref<64x256xf32, #tpu.memory_space<vmem>>, vector<16xf32>,
        %get3A_2129 = arith.index_cast %add3A_2123 : i32 to index
        %get3A_2130 = arith.constant 0 : index
        %get3A_2131 = tpu.vector_load %arg18[%get3A_2129, %get3A_2130] {strides = array<i32>} : memref<64x256xf32, #tpu.memory_space<vmem>>, vector<16xf32>,
        %mul3A_2132 = arith.mulf %get3A_2128, %get3A_2131 : vector<16xf32>
        %add3A_2133 = arith.addf %broadcast_in_dim3A_2125, %mul3A_2132 : vector<16xf32>
        %get3A_2134 = arith.index_cast %add3A_2123 : i32 to index
        %get3A_2135 = arith.constant 16 : index
        %get3A_2136 = tpu.vector_load %arg17[%get3A_2134, %get3A_2135] {strides = array<i32>} : memref<64x256xf32, #tpu.memory_space<vmem>>, vector<16xf32>,
        %get3A_2137 = arith.index_cast %add3A_2123 : i32 to index
        %get3A_2138 = arith.constant 16 : index
        %get3A_2139 = tpu.vector_load %arg18[%get3A_2137, %get3A_2138] {strides = array<i32>} : memref<64x256xf32, #tpu.memory_space<vmem>>, vector<16xf32>,
        %mul3A_2140 = arith.mulf %get3A_2136, %get3A_2139 : vector<16xf32>
        %add3A_2141 = arith.addf %add3A_2133, %mul3A_2140 : vector<16xf32>
        %get3A_2142 = arith.index_cast %add3A_2123 : i32 to index
        %get3A_2143 = arith.constant 32 : index
        %get3A_2144 = tpu.vector_load %arg17[%get3A_2142, %get3A_2143] {strides = array<i32>} : memref<64x256xf32, #tpu.memory_space<vmem>>, vector<16xf32>,
        %get3A_2145 = arith.index_cast %add3A_2123 : i32 to index
        %get3A_2146 = arith.constant 32 : index
        %get3A_2147 = tpu.vector_load %arg18[%get3A_2145, %get3A_2146] {strides = array<i32>} : memref<64x256xf32, #tpu.memory_space<vmem>>, vector<16xf32>,
        %mul3A_2148 = arith.mulf %get3A_2144, %get3A_2147 : vector<16xf32>
        %add3A_2149 = arith.addf %add3A_2141, %mul3A_2148 : vector<16xf32>
        %get3A_2150 = arith.index_cast %add3A_2123 : i32 to index
        %get3A_2151 = arith.constant 48 : index
        %get3A_2152 = tpu.vector_load %arg17[%get3A_2150, %get3A_2151] {strides = array<i32>} : memref<64x256xf32, #tpu.memory_space<vmem>>, vector<16xf32>,
        %get3A_2153 = arith.index_cast %add3A_2123 : i32 to index
        %get3A_2154 = arith.constant 48 : index
        %get3A_2155 = tpu.vector_load %arg18[%get3A_2153, %get3A_2154] {strides = array<i32>} : memref<64x256xf32, #tpu.memory_space<vmem>>, vector<16xf32>,
        %mul3A_2156 = arith.mulf %get3A_2152, %get3A_2155 : vector<16xf32>
        %add3A_2157 = arith.addf %add3A_2149, %mul3A_2156 : vector<16xf32>
        %get3A_2158 = arith.index_cast %add3A_2123 : i32 to index
        %get3A_2159 = arith.constant 64 : index
        %get3A_2160 = tpu.vector_load %arg17[%get3A_2158, %get3A_2159] {strides = array<i32>} : memref<64x256xf32, #tpu.memory_space<vmem>>, vector<16xf32>,
        %get3A_2161 = arith.index_cast %add3A_2123 : i32 to index
        %get3A_2162 = arith.constant 64 : index
        %get3A_2163 = tpu.vector_load %arg18[%get3A_2161, %get3A_2162] {strides = array<i32>} : memref<64x256xf32, #tpu.memory_space<vmem>>, vector<16xf32>,
        %mul3A_2164 = arith.mulf %get3A_2160, %get3A_2163 : vector<16xf32>
        %add3A_2165 = arith.addf %add3A_2157, %mul3A_2164 : vector<16xf32>
        %get3A_2166 = arith.index_cast %add3A_2123 : i32 to index
        %get3A_2167 = arith.constant 80 : index
        %get3A_2168 = tpu.vector_load %arg17[%get3A_2166, %get3A_2167] {strides = array<i32>} : memref<64x256xf32, #tpu.memory_space<vmem>>, vector<16xf32>,
        %get3A_2169 = arith.index_cast %add3A_2123 : i32 to index
        %get3A_2170 = arith.constant 80 : index
        %get3A_2171 = tpu.vector_load %arg18[%get3A_2169, %get3A_2170] {strides = array<i32>} : memref<64x256xf32, #tpu.memory_space<vmem>>, vector<16xf32>,
        %mul3A_2172 = arith.mulf %get3A_2168, %get3A_2171 : vector<16xf32>
        %add3A_2173 = arith.addf %add3A_2165, %mul3A_2172 : vector<16xf32>
        %get3A_2174 = arith.index_cast %add3A_2123 : i32 to index
        %get3A_2175 = arith.constant 96 : index
        %get3A_2176 = tpu.vector_load %arg17[%get3A_2174, %get3A_2175] {strides = array<i32>} : memref<64x256xf32, #tpu.memory_space<vmem>>, vector<16xf32>,
        %get3A_2177 = arith.index_cast %add3A_2123 : i32 to index
        %get3A_2178 = arith.constant 96 : index
        %get3A_2179 = tpu.vector_load %arg18[%get3A_2177, %get3A_2178] {strides = array<i32>} : memref<64x256xf32, #tpu.memory_space<vmem>>, vector<16xf32>,
        %mul3A_2180 = arith.mulf %get3A_2176, %get3A_2179 : vector<16xf32>
        %add3A_2181 = arith.addf %add3A_2173, %mul3A_2180 : vector<16xf32>
        %get3A_2182 = arith.index_cast %add3A_2123 : i32 to index
        %get3A_2183 = arith.constant 112 : index
        %get3A_2184 = tpu.vector_load %arg17[%get3A_2182, %get3A_2183] {strides = array<i32>} : memref<64x256xf32, #tpu.memory_space<vmem>>, vector<16xf32>,
        %get3A_2185 = arith.index_cast %add3A_2123 : i32 to index
        %get3A_2186 = arith.constant 112 : index
        %get3A_2187 = tpu.vector_load %arg18[%get3A_2185, %get3A_2186] {strides = array<i32>} : memref<64x256xf32, #tpu.memory_space<vmem>>, vector<16xf32>,
        %mul3A_2188 = arith.mulf %get3A_2184, %get3A_2187 : vector<16xf32>
        %add3A_2189 = arith.addf %add3A_2181, %mul3A_2188 : vector<16xf32>
        %get3A_2190 = arith.index_cast %add3A_2123 : i32 to index
        %get3A_2191 = arith.constant 128 : index
        %get3A_2192 = tpu.vector_load %arg17[%get3A_2190, %get3A_2191] {strides = array<i32>} : memref<64x256xf32, #tpu.memory_space<vmem>>, vector<16xf32>,
        %get3A_2193 = arith.index_cast %add3A_2123 : i32 to index
        %get3A_2194 = arith.constant 128 : index
        %get3A_2195 = tpu.vector_load %arg18[%get3A_2193, %get3A_2194] {strides = array<i32>} : memref<64x256xf32, #tpu.memory_space<vmem>>, vector<16xf32>,
        %mul3A_2196 = arith.mulf %get3A_2192, %get3A_2195 : vector<16xf32>
        %add3A_2197 = arith.addf %add3A_2189, %mul3A_2196 : vector<16xf32>
        %get3A_2198 = arith.index_cast %add3A_2123 : i32 to index
        %get3A_2199 = arith.constant 144 : index
        %get3A_2200 = tpu.vector_load %arg17[%get3A_2198, %get3A_2199] {strides = array<i32>} : memref<64x256xf32, #tpu.memory_space<vmem>>, vector<16xf32>,
        %get3A_2201 = arith.index_cast %add3A_2123 : i32 to index
        %get3A_2202 = arith.constant 144 : index
        %get3A_2203 = tpu.vector_load %arg18[%get3A_2201, %get3A_2202] {strides = array<i32>} : memref<64x256xf32, #tpu.memory_space<vmem>>, vector<16xf32>,
        %mul3A_2204 = arith.mulf %get3A_2200, %get3A_2203 : vector<16xf32>
        %add3A_2205 = arith.addf %add3A_2197, %mul3A_2204 : vector<16xf32>
        %get3A_2206 = arith.index_cast %add3A_2123 : i32 to index
        %get3A_2207 = arith.constant 160 : index
        %get3A_2208 = tpu.vector_load %arg17[%get3A_2206, %get3A_2207] {strides = array<i32>} : memref<64x256xf32, #tpu.memory_space<vmem>>, vector<16xf32>,
        %get3A_2209 = arith.index_cast %add3A_2123 : i32 to index
        %get3A_2210 = arith.constant 160 : index
        %get3A_2211 = tpu.vector_load %arg18[%get3A_2209, %get3A_2210] {strides = array<i32>} : memref<64x256xf32, #tpu.memory_space<vmem>>, vector<16xf32>,
        %mul3A_2212 = arith.mulf %get3A_2208, %get3A_2211 : vector<16xf32>
        %add3A_2213 = arith.addf %add3A_2205, %mul3A_2212 : vector<16xf32>
        %get3A_2214 = arith.index_cast %add3A_2123 : i32 to index
        %get3A_2215 = arith.constant 176 : index
        %get3A_2216 = tpu.vector_load %arg17[%get3A_2214, %get3A_2215] {strides = array<i32>} : memref<64x256xf32, #tpu.memory_space<vmem>>, vector<16xf32>,
        %get3A_2217 = arith.index_cast %add3A_2123 : i32 to index
        %get3A_2218 = arith.constant 176 : index
        %get3A_2219 = tpu.vector_load %arg18[%get3A_2217, %get3A_2218] {strides = array<i32>} : memref<64x256xf32, #tpu.memory_space<vmem>>, vector<16xf32>,
        %mul3A_2220 = arith.mulf %get3A_2216, %get3A_2219 : vector<16xf32>
        %add3A_2221 = arith.addf %add3A_2213, %mul3A_2220 : vector<16xf32>
        %get3A_2222 = arith.index_cast %add3A_2123 : i32 to index
        %get3A_2223 = arith.constant 192 : index
        %get3A_2224 = tpu.vector_load %arg17[%get3A_2222, %get3A_2223] {strides = array<i32>} : memref<64x256xf32, #tpu.memory_space<vmem>>, vector<16xf32>,
        %get3A_2225 = arith.index_cast %add3A_2123 : i32 to index
        %get3A_2226 = arith.constant 192 : index
        %get3A_2227 = tpu.vector_load %arg18[%get3A_2225, %get3A_2226] {strides = array<i32>} : memref<64x256xf32, #tpu.memory_space<vmem>>, vector<16xf32>,
        %mul3A_2228 = arith.mulf %get3A_2224, %get3A_2227 : vector<16xf32>
        %add3A_2229 = arith.addf %add3A_2221, %mul3A_2228 : vector<16xf32>
        %get3A_2230 = arith.index_cast %add3A_2123 : i32 to index
        %get3A_2231 = arith.constant 208 : index
        %get3A_2232 = tpu.vector_load %arg17[%get3A_2230, %get3A_2231] {strides = array<i32>} : memref<64x256xf32, #tpu.memory_space<vmem>>, vector<16xf32>,
        %get3A_2233 = arith.index_cast %add3A_2123 : i32 to index
        %get3A_2234 = arith.constant 208 : index
        %get3A_2235 = tpu.vector_load %arg18[%get3A_2233, %get3A_2234] {strides = array<i32>} : memref<64x256xf32, #tpu.memory_space<vmem>>, vector<16xf32>,
        %mul3A_2236 = arith.mulf %get3A_2232, %get3A_2235 : vector<16xf32>
        %add3A_2237 = arith.addf %add3A_2229, %mul3A_2236 : vector<16xf32>
        %get3A_2238 = arith.index_cast %add3A_2123 : i32 to index
        %get3A_2239 = arith.constant 224 : index
        %get3A_2240 = tpu.vector_load %arg17[%get3A_2238, %get3A_2239] {strides = array<i32>} : memref<64x256xf32, #tpu.memory_space<vmem>>, vector<16xf32>,
        %get3A_2241 = arith.index_cast %add3A_2123 : i32 to index
        %get3A_2242 = arith.constant 224 : index
        %get3A_2243 = tpu.vector_load %arg18[%get3A_2241, %get3A_2242] {strides = array<i32>} : memref<64x256xf32, #tpu.memory_space<vmem>>, vector<16xf32>,
        %mul3A_2244 = arith.mulf %get3A_2240, %get3A_2243 : vector<16xf32>
        %add3A_2245 = arith.addf %add3A_2237, %mul3A_2244 : vector<16xf32>
        %get3A_2246 = arith.index_cast %add3A_2123 : i32 to index
        %get3A_2247 = arith.constant 240 : index
        %get3A_2248 = tpu.vector_load %arg17[%get3A_2246, %get3A_2247] {strides = array<i32>} : memref<64x256xf32, #tpu.memory_space<vmem>>, vector<16xf32>,
        %get3A_2249 = arith.index_cast %add3A_2123 : i32 to index
        %get3A_2250 = arith.constant 240 : index
        %get3A_2251 = tpu.vector_load %arg18[%get3A_2249, %get3A_2250] {strides = array<i32>} : memref<64x256xf32, #tpu.memory_space<vmem>>, vector<16xf32>,
        %mul3A_2252 = arith.mulf %get3A_2248, %get3A_2251 : vector<16xf32>
        %add3A_2253 = arith.addf %add3A_2245, %mul3A_2252 : vector<16xf32>
        %reduce_sum3A_2254 = arith.constant true
        %reduce_sum3A_2255 = vector.broadcast %reduce_sum3A_2254 : i1 to vector<16xi1>
        %reduce_sum3A_2256 = tpu.scan <sum>, %add3A_2253 masked %reduce_sum3A_2255 : vector<16xf32>, vector<16xi1> -> vector<16xf32>
        %reduce_sum3A_2257 = vector.extract %reduce_sum3A_2256[15] : f32 from vector<16xf32>
        %eq3A_2258 = arith.constant 14 : i32
        %eq3A_2259 = vector.broadcast %eq3A_2258 : i32 to vector<16xi32>
        %eq3A_2260 = arith.cmpi eq, %iota3A, %eq3A_2259 : vector<16xi32>
        %broadcast_in_dim3A_2261 = vector.broadcast %reduce_sum3A_2257 : f32 to vector<16xf32>
        %select_n3A_2262 = arith.select %eq3A_2260, %broadcast_in_dim3A_2261, %select_n3A_2119 : vector<16xi1>, vector<16xf32>
        %mul3A_2263 = arith.constant 16 : i32
        %mul3A_2264 = arith.muli %scan3A_30, %mul3A_2263 : i32
        %add3A_2265 = arith.constant 15 : i32
        %add3A_2266 = arith.addi %mul3A_2264, %add3A_2265 : i32
        %broadcast_in_dim3A_2267 = arith.constant 0.000000e+00 : f32
        %broadcast_in_dim3A_2268 = vector.broadcast %broadcast_in_dim3A_2267 : f32 to vector<16xf32>
        %get3A_2269 = arith.index_cast %add3A_2266 : i32 to index
        %get3A_2270 = arith.constant 0 : index
        %get3A_2271 = tpu.vector_load %arg17[%get3A_2269, %get3A_2270] {strides = array<i32>} : memref<64x256xf32, #tpu.memory_space<vmem>>, vector<16xf32>,
        %get3A_2272 = arith.index_cast %add3A_2266 : i32 to index
        %get3A_2273 = arith.constant 0 : index
        %get3A_2274 = tpu.vector_load %arg18[%get3A_2272, %get3A_2273] {strides = array<i32>} : memref<64x256xf32, #tpu.memory_space<vmem>>, vector<16xf32>,
        %mul3A_2275 = arith.mulf %get3A_2271, %get3A_2274 : vector<16xf32>
        %add3A_2276 = arith.addf %broadcast_in_dim3A_2268, %mul3A_2275 : vector<16xf32>
        %get3A_2277 = arith.index_cast %add3A_2266 : i32 to index
        %get3A_2278 = arith.constant 16 : index
        %get3A_2279 = tpu.vector_load %arg17[%get3A_2277, %get3A_2278] {strides = array<i32>} : memref<64x256xf32, #tpu.memory_space<vmem>>, vector<16xf32>,
        %get3A_2280 = arith.index_cast %add3A_2266 : i32 to index
        %get3A_2281 = arith.constant 16 : index
        %get3A_2282 = tpu.vector_load %arg18[%get3A_2280, %get3A_2281] {strides = array<i32>} : memref<64x256xf32, #tpu.memory_space<vmem>>, vector<16xf32>,
        %mul3A_2283 = arith.mulf %get3A_2279, %get3A_2282 : vector<16xf32>
        %add3A_2284 = arith.addf %add3A_2276, %mul3A_2283 : vector<16xf32>
        %get3A_2285 = arith.index_cast %add3A_2266 : i32 to index
        %get3A_2286 = arith.constant 32 : index
        %get3A_2287 = tpu.vector_load %arg17[%get3A_2285, %get3A_2286] {strides = array<i32>} : memref<64x256xf32, #tpu.memory_space<vmem>>, vector<16xf32>,
        %get3A_2288 = arith.index_cast %add3A_2266 : i32 to index
        %get3A_2289 = arith.constant 32 : index
        %get3A_2290 = tpu.vector_load %arg18[%get3A_2288, %get3A_2289] {strides = array<i32>} : memref<64x256xf32, #tpu.memory_space<vmem>>, vector<16xf32>,
        %mul3A_2291 = arith.mulf %get3A_2287, %get3A_2290 : vector<16xf32>
        %add3A_2292 = arith.addf %add3A_2284, %mul3A_2291 : vector<16xf32>
        %get3A_2293 = arith.index_cast %add3A_2266 : i32 to index
        %get3A_2294 = arith.constant 48 : index
        %get3A_2295 = tpu.vector_load %arg17[%get3A_2293, %get3A_2294] {strides = array<i32>} : memref<64x256xf32, #tpu.memory_space<vmem>>, vector<16xf32>,
        %get3A_2296 = arith.index_cast %add3A_2266 : i32 to index
        %get3A_2297 = arith.constant 48 : index
        %get3A_2298 = tpu.vector_load %arg18[%get3A_2296, %get3A_2297] {strides = array<i32>} : memref<64x256xf32, #tpu.memory_space<vmem>>, vector<16xf32>,
        %mul3A_2299 = arith.mulf %get3A_2295, %get3A_2298 : vector<16xf32>
        %add3A_2300 = arith.addf %add3A_2292, %mul3A_2299 : vector<16xf32>
        %get3A_2301 = arith.index_cast %add3A_2266 : i32 to index
        %get3A_2302 = arith.constant 64 : index
        %get3A_2303 = tpu.vector_load %arg17[%get3A_2301, %get3A_2302] {strides = array<i32>} : memref<64x256xf32, #tpu.memory_space<vmem>>, vector<16xf32>,
        %get3A_2304 = arith.index_cast %add3A_2266 : i32 to index
        %get3A_2305 = arith.constant 64 : index
        %get3A_2306 = tpu.vector_load %arg18[%get3A_2304, %get3A_2305] {strides = array<i32>} : memref<64x256xf32, #tpu.memory_space<vmem>>, vector<16xf32>,
        %mul3A_2307 = arith.mulf %get3A_2303, %get3A_2306 : vector<16xf32>
        %add3A_2308 = arith.addf %add3A_2300, %mul3A_2307 : vector<16xf32>
        %get3A_2309 = arith.index_cast %add3A_2266 : i32 to index
        %get3A_2310 = arith.constant 80 : index
        %get3A_2311 = tpu.vector_load %arg17[%get3A_2309, %get3A_2310] {strides = array<i32>} : memref<64x256xf32, #tpu.memory_space<vmem>>, vector<16xf32>,
        %get3A_2312 = arith.index_cast %add3A_2266 : i32 to index
        %get3A_2313 = arith.constant 80 : index
        %get3A_2314 = tpu.vector_load %arg18[%get3A_2312, %get3A_2313] {strides = array<i32>} : memref<64x256xf32, #tpu.memory_space<vmem>>, vector<16xf32>,
        %mul3A_2315 = arith.mulf %get3A_2311, %get3A_2314 : vector<16xf32>
        %add3A_2316 = arith.addf %add3A_2308, %mul3A_2315 : vector<16xf32>
        %get3A_2317 = arith.index_cast %add3A_2266 : i32 to index
        %get3A_2318 = arith.constant 96 : index
        %get3A_2319 = tpu.vector_load %arg17[%get3A_2317, %get3A_2318] {strides = array<i32>} : memref<64x256xf32, #tpu.memory_space<vmem>>, vector<16xf32>,
        %get3A_2320 = arith.index_cast %add3A_2266 : i32 to index
        %get3A_2321 = arith.constant 96 : index
        %get3A_2322 = tpu.vector_load %arg18[%get3A_2320, %get3A_2321] {strides = array<i32>} : memref<64x256xf32, #tpu.memory_space<vmem>>, vector<16xf32>,
        %mul3A_2323 = arith.mulf %get3A_2319, %get3A_2322 : vector<16xf32>
        %add3A_2324 = arith.addf %add3A_2316, %mul3A_2323 : vector<16xf32>
        %get3A_2325 = arith.index_cast %add3A_2266 : i32 to index
        %get3A_2326 = arith.constant 112 : index
        %get3A_2327 = tpu.vector_load %arg17[%get3A_2325, %get3A_2326] {strides = array<i32>} : memref<64x256xf32, #tpu.memory_space<vmem>>, vector<16xf32>,
        %get3A_2328 = arith.index_cast %add3A_2266 : i32 to index
        %get3A_2329 = arith.constant 112 : index
        %get3A_2330 = tpu.vector_load %arg18[%get3A_2328, %get3A_2329] {strides = array<i32>} : memref<64x256xf32, #tpu.memory_space<vmem>>, vector<16xf32>,
        %mul3A_2331 = arith.mulf %get3A_2327, %get3A_2330 : vector<16xf32>
        %add3A_2332 = arith.addf %add3A_2324, %mul3A_2331 : vector<16xf32>
        %get3A_2333 = arith.index_cast %add3A_2266 : i32 to index
        %get3A_2334 = arith.constant 128 : index
        %get3A_2335 = tpu.vector_load %arg17[%get3A_2333, %get3A_2334] {strides = array<i32>} : memref<64x256xf32, #tpu.memory_space<vmem>>, vector<16xf32>,
        %get3A_2336 = arith.index_cast %add3A_2266 : i32 to index
        %get3A_2337 = arith.constant 128 : index
        %get3A_2338 = tpu.vector_load %arg18[%get3A_2336, %get3A_2337] {strides = array<i32>} : memref<64x256xf32, #tpu.memory_space<vmem>>, vector<16xf32>,
        %mul3A_2339 = arith.mulf %get3A_2335, %get3A_2338 : vector<16xf32>
        %add3A_2340 = arith.addf %add3A_2332, %mul3A_2339 : vector<16xf32>
        %get3A_2341 = arith.index_cast %add3A_2266 : i32 to index
        %get3A_2342 = arith.constant 144 : index
        %get3A_2343 = tpu.vector_load %arg17[%get3A_2341, %get3A_2342] {strides = array<i32>} : memref<64x256xf32, #tpu.memory_space<vmem>>, vector<16xf32>,
        %get3A_2344 = arith.index_cast %add3A_2266 : i32 to index
        %get3A_2345 = arith.constant 144 : index
        %get3A_2346 = tpu.vector_load %arg18[%get3A_2344, %get3A_2345] {strides = array<i32>} : memref<64x256xf32, #tpu.memory_space<vmem>>, vector<16xf32>,
        %mul3A_2347 = arith.mulf %get3A_2343, %get3A_2346 : vector<16xf32>
        %add3A_2348 = arith.addf %add3A_2340, %mul3A_2347 : vector<16xf32>
        %get3A_2349 = arith.index_cast %add3A_2266 : i32 to index
        %get3A_2350 = arith.constant 160 : index
        %get3A_2351 = tpu.vector_load %arg17[%get3A_2349, %get3A_2350] {strides = array<i32>} : memref<64x256xf32, #tpu.memory_space<vmem>>, vector<16xf32>,
        %get3A_2352 = arith.index_cast %add3A_2266 : i32 to index
        %get3A_2353 = arith.constant 160 : index
        %get3A_2354 = tpu.vector_load %arg18[%get3A_2352, %get3A_2353] {strides = array<i32>} : memref<64x256xf32, #tpu.memory_space<vmem>>, vector<16xf32>,
        %mul3A_2355 = arith.mulf %get3A_2351, %get3A_2354 : vector<16xf32>
        %add3A_2356 = arith.addf %add3A_2348, %mul3A_2355 : vector<16xf32>
        %get3A_2357 = arith.index_cast %add3A_2266 : i32 to index
        %get3A_2358 = arith.constant 176 : index
        %get3A_2359 = tpu.vector_load %arg17[%get3A_2357, %get3A_2358] {strides = array<i32>} : memref<64x256xf32, #tpu.memory_space<vmem>>, vector<16xf32>,
        %get3A_2360 = arith.index_cast %add3A_2266 : i32 to index
        %get3A_2361 = arith.constant 176 : index
        %get3A_2362 = tpu.vector_load %arg18[%get3A_2360, %get3A_2361] {strides = array<i32>} : memref<64x256xf32, #tpu.memory_space<vmem>>, vector<16xf32>,
        %mul3A_2363 = arith.mulf %get3A_2359, %get3A_2362 : vector<16xf32>
        %add3A_2364 = arith.addf %add3A_2356, %mul3A_2363 : vector<16xf32>
        %get3A_2365 = arith.index_cast %add3A_2266 : i32 to index
        %get3A_2366 = arith.constant 192 : index
        %get3A_2367 = tpu.vector_load %arg17[%get3A_2365, %get3A_2366] {strides = array<i32>} : memref<64x256xf32, #tpu.memory_space<vmem>>, vector<16xf32>,
        %get3A_2368 = arith.index_cast %add3A_2266 : i32 to index
        %get3A_2369 = arith.constant 192 : index
        %get3A_2370 = tpu.vector_load %arg18[%get3A_2368, %get3A_2369] {strides = array<i32>} : memref<64x256xf32, #tpu.memory_space<vmem>>, vector<16xf32>,
        %mul3A_2371 = arith.mulf %get3A_2367, %get3A_2370 : vector<16xf32>
        %add3A_2372 = arith.addf %add3A_2364, %mul3A_2371 : vector<16xf32>
        %get3A_2373 = arith.index_cast %add3A_2266 : i32 to index
        %get3A_2374 = arith.constant 208 : index
        %get3A_2375 = tpu.vector_load %arg17[%get3A_2373, %get3A_2374] {strides = array<i32>} : memref<64x256xf32, #tpu.memory_space<vmem>>, vector<16xf32>,
        %get3A_2376 = arith.index_cast %add3A_2266 : i32 to index
        %get3A_2377 = arith.constant 208 : index
        %get3A_2378 = tpu.vector_load %arg18[%get3A_2376, %get3A_2377] {strides = array<i32>} : memref<64x256xf32, #tpu.memory_space<vmem>>, vector<16xf32>,
        %mul3A_2379 = arith.mulf %get3A_2375, %get3A_2378 : vector<16xf32>
        %add3A_2380 = arith.addf %add3A_2372, %mul3A_2379 : vector<16xf32>
        %get3A_2381 = arith.index_cast %add3A_2266 : i32 to index
        %get3A_2382 = arith.constant 224 : index
        %get3A_2383 = tpu.vector_load %arg17[%get3A_2381, %get3A_2382] {strides = array<i32>} : memref<64x256xf32, #tpu.memory_space<vmem>>, vector<16xf32>,
        %get3A_2384 = arith.index_cast %add3A_2266 : i32 to index
        %get3A_2385 = arith.constant 224 : index
        %get3A_2386 = tpu.vector_load %arg18[%get3A_2384, %get3A_2385] {strides = array<i32>} : memref<64x256xf32, #tpu.memory_space<vmem>>, vector<16xf32>,
        %mul3A_2387 = arith.mulf %get3A_2383, %get3A_2386 : vector<16xf32>
        %add3A_2388 = arith.addf %add3A_2380, %mul3A_2387 : vector<16xf32>
        %get3A_2389 = arith.index_cast %add3A_2266 : i32 to index
        %get3A_2390 = arith.constant 240 : index
        %get3A_2391 = tpu.vector_load %arg17[%get3A_2389, %get3A_2390] {strides = array<i32>} : memref<64x256xf32, #tpu.memory_space<vmem>>, vector<16xf32>,
        %get3A_2392 = arith.index_cast %add3A_2266 : i32 to index
        %get3A_2393 = arith.constant 240 : index
        %get3A_2394 = tpu.vector_load %arg18[%get3A_2392, %get3A_2393] {strides = array<i32>} : memref<64x256xf32, #tpu.memory_space<vmem>>, vector<16xf32>,
        %mul3A_2395 = arith.mulf %get3A_2391, %get3A_2394 : vector<16xf32>
        %add3A_2396 = arith.addf %add3A_2388, %mul3A_2395 : vector<16xf32>
        %reduce_sum3A_2397 = arith.constant true
        %reduce_sum3A_2398 = vector.broadcast %reduce_sum3A_2397 : i1 to vector<16xi1>
        %reduce_sum3A_2399 = tpu.scan <sum>, %add3A_2396 masked %reduce_sum3A_2398 : vector<16xf32>, vector<16xi1> -> vector<16xf32>
        %reduce_sum3A_2400 = vector.extract %reduce_sum3A_2399[15] : f32 from vector<16xf32>
        %eq3A_2401 = arith.constant 15 : i32
        %eq3A_2402 = vector.broadcast %eq3A_2401 : i32 to vector<16xi32>
        %eq3A_2403 = arith.cmpi eq, %iota3A, %eq3A_2402 : vector<16xi32>
        %broadcast_in_dim3A_2404 = vector.broadcast %reduce_sum3A_2400 : f32 to vector<16xf32>
        %select_n3A_2405 = arith.select %eq3A_2403, %broadcast_in_dim3A_2404, %select_n3A_2262 : vector<16xi1>, vector<16xf32>
        %mul3A_2406 = arith.mulf %select_n3A_2405, %gather3A_49 : vector<16xf32>
        %mul3A_2407 = arith.mulf %mul3A_2406, %gather3A_58 : vector<16xf32>
        %sub3A_2408 = arith.constant 1.000000e+00 : f32
        %sub3A_2409 = vector.broadcast %sub3A_2408 : f32 to vector<16xf32>
        %sub3A_2410 = arith.subf %sub3A_2409, %mul3A_2407 : vector<16xf32>
        %mul3A_2411 = arith.constant 8 : i32
        %mul3A_2412 = vector.broadcast %mul3A_2411 : i32 to vector<16xi32>
        %mul3A_2413 = arith.muli %add3A_34, %mul3A_2412 : vector<16xi32>
        %add3A_2414 = arith.constant 0 : i32
        %add3A_2415 = vector.broadcast %add3A_2414 : i32 to vector<16xi32>
        %add3A_2416 = arith.addi %mul3A_2413, %add3A_2415 : vector<16xi32>
        tpu.vector_store_idx %arg28[%add3A_2416], %div3A : memref<512xf32, #tpu.memory_space<vmem>>[vector<16xi32>], vector<16xf32>,
        %add3A_2417 = arith.constant 1 : i32
        %add3A_2418 = vector.broadcast %add3A_2417 : i32 to vector<16xi32>
        %add3A_2419 = arith.addi %mul3A_2413, %add3A_2418 : vector<16xi32>
        tpu.vector_store_idx %arg28[%add3A_2419], %div3A_67 : memref<512xf32, #tpu.memory_space<vmem>>[vector<16xi32>], vector<16xf32>,
        %add3A_2420 = arith.constant 2 : i32
        %add3A_2421 = vector.broadcast %add3A_2420 : i32 to vector<16xi32>
        %add3A_2422 = arith.addi %mul3A_2413, %add3A_2421 : vector<16xi32>
        tpu.vector_store_idx %arg28[%add3A_2422], %div3A_68 : memref<512xf32, #tpu.memory_space<vmem>>[vector<16xi32>], vector<16xf32>,
        %add3A_2423 = arith.constant 3 : i32
        %add3A_2424 = vector.broadcast %add3A_2423 : i32 to vector<16xi32>
        %add3A_2425 = arith.addi %mul3A_2413, %add3A_2424 : vector<16xi32>
        tpu.vector_store_idx %arg28[%add3A_2425], %div3A_69 : memref<512xf32, #tpu.memory_space<vmem>>[vector<16xi32>], vector<16xf32>,
        %add3A_2426 = arith.constant 4 : i32
        %add3A_2427 = vector.broadcast %add3A_2426 : i32 to vector<16xi32>
        %add3A_2428 = arith.addi %mul3A_2413, %add3A_2427 : vector<16xi32>
        tpu.vector_store_idx %arg28[%add3A_2428], %sub3A_119 : memref<512xf32, #tpu.memory_space<vmem>>[vector<16xi32>], vector<16xf32>,
        %add3A_2429 = arith.constant 5 : i32
        %add3A_2430 = vector.broadcast %add3A_2429 : i32 to vector<16xi32>
        %add3A_2431 = arith.addi %mul3A_2413, %add3A_2430 : vector<16xi32>
        tpu.vector_store_idx %arg28[%add3A_2431], %sub3A_2410 : memref<512xf32, #tpu.memory_space<vmem>>[vector<16xi32>], vector<16xf32>,
        %broadcast_in_dim3A_2432 = arith.constant 0.000000e+00 : f32
        %broadcast_in_dim3A_2433 = vector.broadcast %broadcast_in_dim3A_2432 : f32 to vector<16xf32>
        %add3A_2434 = arith.constant 6 : i32
        %add3A_2435 = vector.broadcast %add3A_2434 : i32 to vector<16xi32>
        %add3A_2436 = arith.addi %mul3A_2413, %add3A_2435 : vector<16xi32>
        tpu.vector_store_idx %arg28[%add3A_2436], %broadcast_in_dim3A_2433 : memref<512xf32, #tpu.memory_space<vmem>>[vector<16xi32>], vector<16xf32>,
        %add3A_2437 = arith.constant 7 : i32
        %add3A_2438 = vector.broadcast %add3A_2437 : i32 to vector<16xi32>
        %add3A_2439 = arith.addi %mul3A_2413, %add3A_2438 : vector<16xi32>
        tpu.vector_store_idx %arg28[%add3A_2439], %broadcast_in_dim3A_2433 : memref<512xf32, #tpu.memory_space<vmem>>[vector<16xi32>], vector<16xf32>,
      }
      %scan3A_27 = arith.constant 4 : i32
      %mul3A_28 = arith.constant 8 : i32
      %mul3A_29 = arith.muli %add3A_11, %mul3A_28 : i32
      "tpu.region"() ({
        %run_scoped3A = tpu.sem_alloc : memref<!tpu.dma_semaphore, #tpu.memory_space<semaphore_mem>>
        %dma_start3A_30 = tpu.memref_slice %arg14[%mul3A_29] : memref<2654208xf32, #tpu.memory_space<hbm>> -> memref<512xf32, #tpu.memory_space<hbm>>
        %dma_start3A_31 = tpu.memref_slice %arg14[%mul3A_29] : memref<2654208xf32, #tpu.memory_space<hbm>> -> memref<512xf32, #tpu.memory_space<hbm>>
        tpu.enqueue_dma source(%arg28 : memref<512xf32, #tpu.memory_space<vmem>>) target(%dma_start3A_31 : memref<512xf32, #tpu.memory_space<hbm>>) target_semaphore(%run_scoped3A : memref<!tpu.dma_semaphore, #tpu.memory_space<semaphore_mem>>)
        %dma_wait3A_32 = tpu.memref_slice %arg14[%mul3A_29] : memref<2654208xf32, #tpu.memory_space<hbm>> -> memref<512xf32, #tpu.memory_space<hbm>>
        %dma_wait3A_33 = tpu.memref_slice %arg14[%mul3A_29] : memref<2654208xf32, #tpu.memory_space<hbm>> -> memref<512xf32, #tpu.memory_space<hbm>>
        tpu.wait_dma2 semaphore(%run_scoped3A : memref<!tpu.dma_semaphore, #tpu.memory_space<semaphore_mem>>) src(%arg28 : memref<512xf32, #tpu.memory_space<vmem>>) dst(%dma_wait3A_33 : memref<512xf32, #tpu.memory_space<hbm>>)
        tpu.yield
      }) : () -> ()
    }
    %scan3A_7 = arith.constant 162 : i32
    return
  }
}

module attributes {stable_mosaic.version = 14 : i64} {
  func.func @_knn_body(%arg0: i32, %arg1: memref<200x8xf32, #tpu.memory_space<vmem>>, %arg2: memref<8x10240xf32, #tpu.memory_space<vmem>>, %arg3: memref<200x32xi32, #tpu.memory_space<vmem>>) attributes {dimension_semantics = [#tpu.dimension_semantics<arbitrary>], iteration_bounds = array<i64: 50>, scalar_prefetch = 0 : i64, scratch_operands = 0 : i64, tpu.core_type = #tpu.core_type<tc>, window_params = [{transform_indices = @transform_0, window_bounds = array<i64: 200, 8>}, {pipeline_mode = #tpu.pipeline_mode<synchronous>, transform_indices = @transform_1, window_bounds = array<i64: 8, 10240>}, {transform_indices = @transform_2, window_bounds = array<i64: 200, 32>}]} {
    %get3A = arith.constant 0 : index
    %get3A_0 = arith.constant 0 : index
    %get3A_1 = vector.load %arg1[%get3A, %get3A_0] : memref<200x8xf32, #tpu.memory_space<vmem>>, vector<200x1xf32>
    %broadcast_in_dim3A = vector.shape_cast %get3A_1 : vector<200x1xf32> to vector<200x1x1xf32>
    %get3A_2 = arith.constant 0 : index
    %get3A_3 = arith.constant 1 : index
    %get3A_4 = vector.load %arg1[%get3A_2, %get3A_3] : memref<200x8xf32, #tpu.memory_space<vmem>>, vector<200x1xf32>
    %broadcast_in_dim3A_5 = vector.shape_cast %get3A_4 : vector<200x1xf32> to vector<200x1x1xf32>
    %get3A_6 = arith.constant 0 : index
    %get3A_7 = arith.constant 0 : index
    %get3A_8 = vector.load %arg2[%get3A_6, %get3A_7] : memref<8x10240xf32, #tpu.memory_space<vmem>>, vector<1x10240xf32>
    %reshape3A = vector.shape_cast %get3A_8 : vector<1x10240xf32> to vector<1x80x128xf32>
    %get3A_9 = arith.constant 1 : index
    %get3A_10 = arith.constant 0 : index
    %get3A_11 = vector.load %arg2[%get3A_9, %get3A_10] : memref<8x10240xf32, #tpu.memory_space<vmem>>, vector<1x10240xf32>
    %reshape3A_12 = vector.shape_cast %get3A_11 : vector<1x10240xf32> to vector<1x80x128xf32>
    %mul3A = arith.mulf %broadcast_in_dim3A, %broadcast_in_dim3A : vector<200x1x1xf32>
    %mul3A_13 = arith.mulf %broadcast_in_dim3A_5, %broadcast_in_dim3A_5 : vector<200x1x1xf32>
    %add3A = arith.addf %mul3A, %mul3A_13 : vector<200x1x1xf32>
    %mul3A_14 = arith.mulf %reshape3A, %reshape3A : vector<1x80x128xf32>
    %mul3A_15 = arith.mulf %reshape3A_12, %reshape3A_12 : vector<1x80x128xf32>
    %add3A_16 = arith.addf %mul3A_14, %mul3A_15 : vector<1x80x128xf32>
    %convert_element_type3A = arith.truncf %broadcast_in_dim3A : vector<200x1x1xf32> to vector<200x1x1xbf16>
    %convert_element_type3A_17 = arith.extf %convert_element_type3A : vector<200x1x1xbf16> to vector<200x1x1xf32>
    %convert_element_type3A_18 = arith.truncf %broadcast_in_dim3A_5 : vector<200x1x1xf32> to vector<200x1x1xbf16>
    %convert_element_type3A_19 = arith.extf %convert_element_type3A_18 : vector<200x1x1xbf16> to vector<200x1x1xf32>
    %convert_element_type3A_20 = arith.truncf %reshape3A : vector<1x80x128xf32> to vector<1x80x128xbf16>
    %convert_element_type3A_21 = arith.extf %convert_element_type3A_20 : vector<1x80x128xbf16> to vector<1x80x128xf32>
    %convert_element_type3A_22 = arith.truncf %reshape3A_12 : vector<1x80x128xf32> to vector<1x80x128xbf16>
    %convert_element_type3A_23 = arith.extf %convert_element_type3A_22 : vector<1x80x128xbf16> to vector<1x80x128xf32>
    %add3A_24 = vector.broadcast %add3A : vector<200x1x1xf32> to vector<200x80x128xf32>
    %add3A_25 = vector.broadcast %add3A_16 : vector<1x80x128xf32> to vector<200x80x128xf32>
    %add3A_26 = arith.addf %add3A_24, %add3A_25 : vector<200x80x128xf32>
    %mul3A_27 = vector.broadcast %convert_element_type3A_17 : vector<200x1x1xf32> to vector<200x80x128xf32>
    %mul3A_28 = vector.broadcast %convert_element_type3A_21 : vector<1x80x128xf32> to vector<200x80x128xf32>
    %mul3A_29 = arith.mulf %mul3A_27, %mul3A_28 : vector<200x80x128xf32>
    %mul3A_30 = vector.broadcast %convert_element_type3A_19 : vector<200x1x1xf32> to vector<200x80x128xf32>
    %mul3A_31 = vector.broadcast %convert_element_type3A_23 : vector<1x80x128xf32> to vector<200x80x128xf32>
    %mul3A_32 = arith.mulf %mul3A_30, %mul3A_31 : vector<200x80x128xf32>
    %add3A_33 = arith.addf %mul3A_29, %mul3A_32 : vector<200x80x128xf32>
    %mul3A_34 = arith.constant 2.000000e+00 : f32
    %mul3A_35 = vector.broadcast %mul3A_34 : f32 to vector<200x80x128xf32>
    %mul3A_36 = arith.mulf %mul3A_35, %add3A_33 : vector<200x80x128xf32>
    %sub3A = arith.subf %add3A_26, %mul3A_36 : vector<200x80x128xf32>
    %iota3A = tpu.iota {dimensions = array<i32: 2>} : vector<200x80x128xi32>
    %iota3A_37 = tpu.iota {dimensions = array<i32: 1>} : vector<200x80x128xi32>
    %mul3A_38 = arith.constant 128 : i32
    %mul3A_39 = vector.broadcast %mul3A_38 : i32 to vector<200x80x128xi32>
    %mul3A_40 = arith.muli %mul3A_39, %iota3A_37 : vector<200x80x128xi32>
    %add3A_41 = arith.addi %iota3A, %mul3A_40 : vector<200x80x128xi32>
    %iota3A_42 = tpu.iota {dimensions = array<i32: 0>} : vector<200x80x128xi32>
    %mul3A_43 = arith.constant 200 : i32
    %mul3A_44 = arith.muli %arg0, %mul3A_43 : i32
    %add3A_45 = vector.broadcast %mul3A_44 : i32 to vector<200x80x128xi32>
    %add3A_46 = arith.addi %iota3A_42, %add3A_45 : vector<200x80x128xi32>
    %eq3A = arith.cmpi eq, %add3A_41, %add3A_46 : vector<200x80x128xi32>
    %jit3A = arith.constant 1.000000e+30 : f32
    %broadcast_in_dim3A_47 = vector.broadcast %jit3A : f32 to vector<200x80x128xf32>
    %select_n3A = arith.select %eq3A, %broadcast_in_dim3A_47, %sub3A : vector<200x80x128xi1>, vector<200x80x128xf32>
    %iota3A_48 = tpu.iota {dimensions = array<i32: 1>} : vector<200x8x128xi32>
    %broadcast_in_dim3A_49 = arith.constant 1.000000e+30 : f32
    %broadcast_in_dim3A_50 = vector.broadcast %broadcast_in_dim3A_49 : f32 to vector<200x8x128xf32>
    %broadcast_in_dim3A_51 = arith.constant 10240 : i32
    %broadcast_in_dim3A_52 = vector.broadcast %broadcast_in_dim3A_51 : i32 to vector<200x8x128xi32>
    %scan3A = arith.constant 0 : i32
    %scan3A_53 = arith.constant 8 : i32
    %scan3A_54 = arith.addi %scan3A, %scan3A_53 : i32
    %scan3A_55 = arith.constant 1 : i32
    %scan3A_56:3 = scf.for %scan3A_69 = %scan3A to %scan3A_54 step %scan3A_55 iter_args(%scan3A_70 = %select_n3A, %scan3A_71 = %broadcast_in_dim3A_50, %scan3A_72 = %broadcast_in_dim3A_52) -> (vector<200x80x128xf32>, vector<200x8x128xf32>, vector<200x8x128xi32>)  : i32 {
      %reduce_min3A = arith.constant dense<0x7F800000> : vector<200x128xf32>
      %reduce_min3A_73 = vector.multi_reduction <minimumf>, %scan3A_70, %reduce_min3A [1] : vector<200x80x128xf32> to vector<200x128xf32>
      %broadcast_in_dim3A_74 = vector.shape_cast %reduce_min3A_73 : vector<200x128xf32> to vector<200x1x128xf32>
      %le3A = vector.broadcast %broadcast_in_dim3A_74 : vector<200x1x128xf32> to vector<200x80x128xf32>
      %le3A_75 = arith.cmpf ole, %scan3A_70, %le3A : vector<200x80x128xf32>
      %jit3A_76 = arith.constant 10240 : i32
      %broadcast_in_dim3A_77 = vector.broadcast %jit3A_76 : i32 to vector<200x80x128xi32>
      %select_n3A_78 = arith.select %le3A_75, %add3A_41, %broadcast_in_dim3A_77 : vector<200x80x128xi1>, vector<200x80x128xi32>
      %reduce_min3A_79 = arith.constant dense<2147483647> : vector<200x128xi32>
      %reduce_min3A_80 = vector.multi_reduction <minsi>, %select_n3A_78, %reduce_min3A_79 [1] : vector<200x80x128xi32> to vector<200x128xi32>
      %broadcast_in_dim3A_81 = vector.shape_cast %reduce_min3A_80 : vector<200x128xi32> to vector<200x1x128xi32>
      %eq3A_82 = vector.broadcast %broadcast_in_dim3A_81 : vector<200x1x128xi32> to vector<200x80x128xi32>
      %eq3A_83 = arith.cmpi eq, %add3A_41, %eq3A_82 : vector<200x80x128xi32>
      %jit3A_84 = arith.constant 1.000000e+30 : f32
      %broadcast_in_dim3A_85 = vector.broadcast %jit3A_84 : f32 to vector<200x80x128xf32>
      %select_n3A_86 = arith.select %eq3A_83, %broadcast_in_dim3A_85, %scan3A_70 : vector<200x80x128xi1>, vector<200x80x128xf32>
      %eq3A_87 = vector.broadcast %scan3A_69 : i32 to vector<200x8x128xi32>
      %eq3A_88 = arith.cmpi eq, %iota3A_48, %eq3A_87 : vector<200x8x128xi32>
      %broadcast_in_dim3A_89 = vector.shape_cast %reduce_min3A_73 : vector<200x128xf32> to vector<200x1x128xf32>
      %broadcast_in_dim3A_90 = vector.shape_cast %broadcast_in_dim3A_89 : vector<200x1x128xf32> to vector<200x1x128xf32>
      %broadcast_in_dim3A_91 = vector.broadcast %broadcast_in_dim3A_90 : vector<200x1x128xf32> to vector<200x8x128xf32>
      %select_n3A_92 = arith.select %eq3A_88, %broadcast_in_dim3A_91, %scan3A_71 : vector<200x8x128xi1>, vector<200x8x128xf32>
      %eq3A_93 = vector.broadcast %scan3A_69 : i32 to vector<200x8x128xi32>
      %eq3A_94 = arith.cmpi eq, %iota3A_48, %eq3A_93 : vector<200x8x128xi32>
      %broadcast_in_dim3A_95 = vector.shape_cast %reduce_min3A_80 : vector<200x128xi32> to vector<200x1x128xi32>
      %broadcast_in_dim3A_96 = vector.shape_cast %broadcast_in_dim3A_95 : vector<200x1x128xi32> to vector<200x1x128xi32>
      %broadcast_in_dim3A_97 = vector.broadcast %broadcast_in_dim3A_96 : vector<200x1x128xi32> to vector<200x8x128xi32>
      %select_n3A_98 = arith.select %eq3A_94, %broadcast_in_dim3A_97, %scan3A_72 : vector<200x8x128xi1>, vector<200x8x128xi32>
      scf.yield %select_n3A_86, %select_n3A_92, %select_n3A_98 : vector<200x80x128xf32>, vector<200x8x128xf32>, vector<200x8x128xi32>
    }
    %scan3A_57 = arith.constant 8 : i32
    %iota3A_58 = tpu.iota {dimensions = array<i32: 1>} : vector<200x32xi32>
    %broadcast_in_dim3A_59 = arith.constant 0 : i32
    %broadcast_in_dim3A_60 = vector.broadcast %broadcast_in_dim3A_59 : i32 to vector<200x32xi32>
    %scan3A_61 = arith.constant 0 : i32
    %scan3A_62 = arith.constant 32 : i32
    %scan3A_63 = arith.addi %scan3A_61, %scan3A_62 : i32
    %scan3A_64 = arith.constant 1 : i32
    %scan3A_65:2 = scf.for %scan3A_69 = %scan3A_61 to %scan3A_63 step %scan3A_64 iter_args(%scan3A_70 = %scan3A_56#1, %scan3A_71 = %broadcast_in_dim3A_60) -> (vector<200x8x128xf32>, vector<200x32xi32>)  : i32 {
      %reduce_min3A = arith.constant dense<0x7F800000> : vector<200xf32>
      %reduce_min3A_72 = vector.multi_reduction <minimumf>, %scan3A_70, %reduce_min3A [1, 2] : vector<200x8x128xf32> to vector<200xf32>
      %broadcast_in_dim3A_73 = vector.shape_cast %reduce_min3A_72 : vector<200xf32> to vector<200x1x1xf32>
      %le3A = vector.broadcast %broadcast_in_dim3A_73 : vector<200x1x1xf32> to vector<200x8x128xf32>
      %le3A_74 = arith.cmpf ole, %scan3A_70, %le3A : vector<200x8x128xf32>
      %jit3A_75 = arith.constant 10240 : i32
      %broadcast_in_dim3A_76 = vector.broadcast %jit3A_75 : i32 to vector<200x8x128xi32>
      %select_n3A_77 = arith.select %le3A_74, %scan3A_56#2, %broadcast_in_dim3A_76 : vector<200x8x128xi1>, vector<200x8x128xi32>
      %reduce_min3A_78 = arith.constant dense<2147483647> : vector<200xi32>
      %reduce_min3A_79 = vector.multi_reduction <minsi>, %select_n3A_77, %reduce_min3A_78 [1, 2] : vector<200x8x128xi32> to vector<200xi32>
      %eq3A_80 = vector.broadcast %scan3A_69 : i32 to vector<200x32xi32>
      %eq3A_81 = arith.cmpi eq, %iota3A_58, %eq3A_80 : vector<200x32xi32>
      %broadcast_in_dim3A_82 = vector.shape_cast %reduce_min3A_79 : vector<200xi32> to vector<200x1xi32>
      %broadcast_in_dim3A_83 = vector.shape_cast %broadcast_in_dim3A_82 : vector<200x1xi32> to vector<200x1xi32>
      %broadcast_in_dim3A_84 = vector.broadcast %broadcast_in_dim3A_83 : vector<200x1xi32> to vector<200x32xi32>
      %select_n3A_85 = arith.select %eq3A_81, %broadcast_in_dim3A_84, %scan3A_71 : vector<200x32xi1>, vector<200x32xi32>
      %broadcast_in_dim3A_86 = vector.shape_cast %reduce_min3A_79 : vector<200xi32> to vector<200x1x1xi32>
      %eq3A_87 = vector.broadcast %broadcast_in_dim3A_86 : vector<200x1x1xi32> to vector<200x8x128xi32>
      %eq3A_88 = arith.cmpi eq, %scan3A_56#2, %eq3A_87 : vector<200x8x128xi32>
      %jit3A_89 = arith.constant 1.000000e+30 : f32
      %broadcast_in_dim3A_90 = vector.broadcast %jit3A_89 : f32 to vector<200x8x128xf32>
      %select_n3A_91 = arith.select %eq3A_88, %broadcast_in_dim3A_90, %scan3A_70 : vector<200x8x128xi1>, vector<200x8x128xf32>
      scf.yield %select_n3A_91, %select_n3A_85 : vector<200x8x128xf32>, vector<200x32xi32>
    }
    %scan3A_66 = arith.constant 32 : i32
    %swap3A = arith.constant 0 : index
    %swap3A_67 = arith.constant 0 : index
    %swap3A_68 = vector.load %arg3[%swap3A, %swap3A_67] : memref<200x32xi32, #tpu.memory_space<vmem>>, vector<200x32xi32>
    tpu.vector_store %arg3[%swap3A, %swap3A_67], %scan3A_65#1 {strides = array<i32>} : memref<200x32xi32, #tpu.memory_space<vmem>>, vector<200x32xi32>,
    return
  }
  func.func @transform_0(%arg0: i32) -> (i32, i32) {
    %c0_i32 = arith.constant 0 : i32
    %c0_i32_0 = arith.constant 0 : i32
    return %arg0, %c0_i32 : i32, i32
  }
  func.func @transform_1(%arg0: i32) -> (i32, i32) {
    %c0_i32 = arith.constant 0 : i32
    %c0_i32_0 = arith.constant 0 : i32
    %c0_i32_1 = arith.constant 0 : i32
    return %c0_i32, %c0_i32_0 : i32, i32
  }
  func.func @transform_2(%arg0: i32) -> (i32, i32) {
    %c0_i32 = arith.constant 0 : i32
    %c0_i32_0 = arith.constant 0 : i32
    return %arg0, %c0_i32 : i32, i32
  }
}

module attributes {stable_mosaic.version = 14 : i64} {
  func.func @_norm_body(%arg0: i32, %arg1: memref<200x256xf32, #tpu.memory_space<vmem>>, %arg2: memref<200x8xf32, #tpu.memory_space<vmem>>) attributes {dimension_semantics = [#tpu.dimension_semantics<arbitrary>], iteration_bounds = array<i64: 50>, scalar_prefetch = 0 : i64, scratch_operands = 0 : i64, tpu.core_type = #tpu.core_type<tc>, window_params = [{transform_indices = @transform_0, window_bounds = array<i64: 200, 256>}, {transform_indices = @transform_1, window_bounds = array<i64: 200, 8>}]} {
    %get3A = arith.constant 0 : index
    %get3A_0 = arith.constant 0 : index
    %get3A_1 = vector.load %arg1[%get3A, %get3A_0] : memref<200x256xf32, #tpu.memory_space<vmem>>, vector<200x256xf32>
    %get3A_2 = arith.constant 0 : index
    %get3A_3 = arith.constant 0 : index
    %get3A_4 = vector.load %arg1[%get3A_2, %get3A_3] : memref<200x256xf32, #tpu.memory_space<vmem>>, vector<200x256xf32>
    %mul3A = arith.mulf %get3A_1, %get3A_4 : vector<200x256xf32>
    %reduce_sum3A = arith.constant dense<0.000000e+00> : vector<200xf32>
    %reduce_sum3A_5 = vector.multi_reduction <add>, %mul3A, %reduce_sum3A [1] : vector<200x256xf32> to vector<200xf32>
    %broadcast_in_dim3A = vector.shape_cast %reduce_sum3A_5 : vector<200xf32> to vector<200x1xf32>
    %sqrt3A = math.sqrt %broadcast_in_dim3A : vector<200x1xf32>
    %max3A = arith.constant 9.99999993E-9 : f32
    %max3A_6 = vector.broadcast %max3A : f32 to vector<200x1xf32>
    %max3A_7 = arith.maximumf %sqrt3A, %max3A_6 : vector<200x1xf32>
    %div3A = arith.constant 1.000000e+00 : f32
    %div3A_8 = vector.broadcast %div3A : f32 to vector<200x1xf32>
    %div3A_9 = arith.divf %div3A_8, %max3A_7 : vector<200x1xf32>
    %broadcast_in_dim3A_10 = vector.shape_cast %div3A_9 : vector<200x1xf32> to vector<200x1xf32>
    %broadcast_in_dim3A_11 = vector.broadcast %broadcast_in_dim3A_10 : vector<200x1xf32> to vector<200x8xf32>
    %swap3A = arith.constant 0 : index
    %swap3A_12 = arith.constant 0 : index
    %swap3A_13 = vector.load %arg2[%swap3A, %swap3A_12] : memref<200x8xf32, #tpu.memory_space<vmem>>, vector<200x8xf32>
    tpu.vector_store %arg2[%swap3A, %swap3A_12], %broadcast_in_dim3A_11 {strides = array<i32>} : memref<200x8xf32, #tpu.memory_space<vmem>>, vector<200x8xf32>,
    return
  }
  func.func @transform_0(%arg0: i32) -> (i32, i32) {
    %c0_i32 = arith.constant 0 : i32
    %c0_i32_0 = arith.constant 0 : i32
    return %arg0, %c0_i32 : i32, i32
  }
  func.func @transform_1(%arg0: i32) -> (i32, i32) {
    %c0_i32 = arith.constant 0 : i32
    %c0_i32_0 = arith.constant 0 : i32
    return %arg0, %c0_i32 : i32, i32
  }
}

module attributes {stable_mosaic.version = 14 : i64} {
  func.func @_stats1_body(%arg0: i32, %arg1: memref<2048x8xf32, #tpu.memory_space<vmem>>, %arg2: memref<8x128xf32, #tpu.memory_space<vmem>>, %arg3: memref<8x128xf32, #tpu.memory_space<vmem>>, %arg4: memref<8x128xf32, #tpu.memory_space<vmem>>) attributes {dimension_semantics = [#tpu.dimension_semantics<arbitrary>], iteration_bounds = array<i64: 162>, scalar_prefetch = 0 : i64, scratch_operands = 0 : i64, tpu.core_type = #tpu.core_type<tc>, window_params = [{transform_indices = @transform_0, window_bounds = array<i64: 2048, 8>}, {pipeline_mode = #tpu.pipeline_mode<synchronous>, transform_indices = @transform_1, window_bounds = array<i64: 8, 128>}, {pipeline_mode = #tpu.pipeline_mode<synchronous>, transform_indices = @transform_2, window_bounds = array<i64: 8, 128>}, {pipeline_mode = #tpu.pipeline_mode<synchronous>, transform_indices = @transform_3, window_bounds = array<i64: 8, 128>}]} {
    %get3A = arith.constant 0 : index
    %get3A_0 = arith.constant 0 : index
    %get3A_1 = vector.load %arg1[%get3A, %get3A_0] : memref<2048x8xf32, #tpu.memory_space<vmem>>, vector<2048x8xf32>
    %iota3A = tpu.iota {dimensions = array<i32: 1>} : vector<2048x8xi32>
    %eq3A = arith.constant 2 : i32
    %eq3A_2 = vector.broadcast %eq3A : i32 to vector<2048x8xi32>
    %eq3A_3 = arith.cmpi eq, %iota3A, %eq3A_2 : vector<2048x8xi32>
    %eq3A_4 = arith.constant 3 : i32
    %eq3A_5 = vector.broadcast %eq3A_4 : i32 to vector<2048x8xi32>
    %eq3A_6 = arith.cmpi eq, %iota3A, %eq3A_5 : vector<2048x8xi32>
    %or3A = arith.ori %eq3A_3, %eq3A_6 : vector<2048x8xi1>
    %max3A = arith.constant 1.000000e-30 : f32
    %max3A_7 = vector.broadcast %max3A : f32 to vector<2048x8xf32>
    %max3A_8 = arith.maximumf %get3A_1, %max3A_7 : vector<2048x8xf32>
    %jit3A = arith.constant 1.000000e+00 : f32
    %broadcast_in_dim3A = vector.broadcast %jit3A : f32 to vector<2048x8xf32>
    %select_n3A = arith.select %or3A, %max3A_8, %broadcast_in_dim3A : vector<2048x8xi1>, vector<2048x8xf32>
    %log3A = math.log %select_n3A : vector<2048x8xf32>
    %select_n3A_9 = arith.select %or3A, %log3A, %get3A_1 : vector<2048x8xi1>, vector<2048x8xf32>
    %get3A_10 = arith.constant 0 : index
    %get3A_11 = arith.constant 0 : index
    %get3A_12 = vector.load %arg2[%get3A_10, %get3A_11] : memref<8x128xf32, #tpu.memory_space<vmem>>, vector<8x128xf32>
    %dot_general3A = arith.constant dense<0.000000e+00> : vector<2048x128xf32>
    %dot_general3A_13 = tpu.matmul %select_n3A_9, %get3A_12, %dot_general3A {dimension_numbers = #tpu.dot_dimension_numbers<[1], [0], [0], [1], [0, 0, 1, 1], [], []>, transpose_lhs_hint = false} : vector<2048x8xf32>, vector<8x128xf32>, vector<2048x128xf32> -> vector<2048x128xf32>
    %get3A_14 = arith.constant 0 : index
    %get3A_15 = arith.constant 0 : index
    %get3A_16 = vector.load %arg3[%get3A_14, %get3A_15] : memref<8x128xf32, #tpu.memory_space<vmem>>, vector<1x128xf32>
    %add3A = vector.broadcast %get3A_16 : vector<1x128xf32> to vector<2048x128xf32>
    %add3A_17 = arith.addf %dot_general3A_13, %add3A : vector<2048x128xf32>
    %iota3A_18 = tpu.iota {dimensions = array<i32: 0>} : vector<2048x128xi32>
    %mul3A = arith.constant 2048 : i32
    %mul3A_19 = arith.muli %arg0, %mul3A : i32
    %add3A_20 = vector.broadcast %mul3A_19 : i32 to vector<2048x128xi32>
    %add3A_21 = arith.addi %iota3A_18, %add3A_20 : vector<2048x128xi32>
    %lt3A = arith.constant 330000 : i32
    %lt3A_22 = vector.broadcast %lt3A : i32 to vector<2048x128xi32>
    %lt3A_23 = arith.cmpi slt, %add3A_21, %lt3A_22 : vector<2048x128xi32>
    %jit3A_24 = arith.constant 0.000000e+00 : f32
    %broadcast_in_dim3A_25 = vector.broadcast %jit3A_24 : f32 to vector<2048x128xf32>
    %select_n3A_26 = arith.select %lt3A_23, %add3A_17, %broadcast_in_dim3A_25 : vector<2048x128xi1>, vector<2048x128xf32>
    %reduce_sum3A = arith.constant dense<0.000000e+00> : vector<128xf32>
    %reduce_sum3A_27 = vector.multi_reduction <add>, %select_n3A_26, %reduce_sum3A [0] : vector<2048x128xf32> to vector<128xf32>
    %broadcast_in_dim3A_28 = vector.shape_cast %reduce_sum3A_27 : vector<128xf32> to vector<1x128xf32>
    %mul3A_29 = arith.mulf %select_n3A_26, %select_n3A_26 : vector<2048x128xf32>
    %reduce_sum3A_30 = arith.constant dense<0.000000e+00> : vector<128xf32>
    %reduce_sum3A_31 = vector.multi_reduction <add>, %mul3A_29, %reduce_sum3A_30 [0] : vector<2048x128xf32> to vector<128xf32>
    %broadcast_in_dim3A_32 = vector.shape_cast %reduce_sum3A_31 : vector<128xf32> to vector<1x128xf32>
    %eq3A_33 = arith.constant 0 : i32
    %eq3A_34 = arith.cmpi eq, %arg0, %eq3A_33 : i32
    %convert_element_type3A = arith.extui %eq3A_34 : i1 to i32
    %cond3A = arith.constant 0 : i32
    %cond3A_35 = arith.cmpi ne, %convert_element_type3A, %cond3A : i32
    scf.if %cond3A_35 {
      %broadcast_in_dim3A_49 = arith.constant 0.000000e+00 : f32
      %broadcast_in_dim3A_50 = vector.broadcast %broadcast_in_dim3A_49 : f32 to vector<8x128xf32>
      %swap3A_51 = arith.constant 0 : index
      %swap3A_52 = arith.constant 0 : index
      %swap3A_53 = vector.load %arg4[%swap3A_51, %swap3A_52] : memref<8x128xf32, #tpu.memory_space<vmem>>, vector<8x128xf32>
      tpu.vector_store %arg4[%swap3A_51, %swap3A_52], %broadcast_in_dim3A_50 {strides = array<i32>} : memref<8x128xf32, #tpu.memory_space<vmem>>, vector<8x128xf32>,
    } else {
    }
    %get3A_36 = arith.constant 0 : index
    %get3A_37 = arith.constant 0 : index
    %get3A_38 = vector.load %arg4[%get3A_36, %get3A_37] : memref<8x128xf32, #tpu.memory_space<vmem>>, vector<1x128xf32>
    %add3A_39 = arith.addf %get3A_38, %broadcast_in_dim3A_28 : vector<1x128xf32>
    %swap3A = arith.constant 0 : index
    %swap3A_40 = arith.constant 0 : index
    %swap3A_41 = vector.load %arg4[%swap3A, %swap3A_40] : memref<8x128xf32, #tpu.memory_space<vmem>>, vector<1x128xf32>
    tpu.vector_store %arg4[%swap3A, %swap3A_40], %add3A_39 {strides = array<i32>} : memref<8x128xf32, #tpu.memory_space<vmem>>, vector<1x128xf32>,
    %get3A_42 = arith.constant 1 : index
    %get3A_43 = arith.constant 0 : index
    %get3A_44 = vector.load %arg4[%get3A_42, %get3A_43] : memref<8x128xf32, #tpu.memory_space<vmem>>, vector<1x128xf32>
    %add3A_45 = arith.addf %get3A_44, %broadcast_in_dim3A_32 : vector<1x128xf32>
    %swap3A_46 = arith.constant 1 : index
    %swap3A_47 = arith.constant 0 : index
    %swap3A_48 = vector.load %arg4[%swap3A_46, %swap3A_47] : memref<8x128xf32, #tpu.memory_space<vmem>>, vector<1x128xf32>
    tpu.vector_store %arg4[%swap3A_46, %swap3A_47], %add3A_45 {strides = array<i32>} : memref<8x128xf32, #tpu.memory_space<vmem>>, vector<1x128xf32>,
    return
  }
  func.func @transform_0(%arg0: i32) -> (i32, i32) {
    %c0_i32 = arith.constant 0 : i32
    %c0_i32_0 = arith.constant 0 : i32
    return %arg0, %c0_i32 : i32, i32
  }
  func.func @transform_1(%arg0: i32) -> (i32, i32) {
    %c0_i32 = arith.constant 0 : i32
    %c0_i32_0 = arith.constant 0 : i32
    %c0_i32_1 = arith.constant 0 : i32
    return %c0_i32, %c0_i32_0 : i32, i32
  }
  func.func @transform_2(%arg0: i32) -> (i32, i32) {
    %c0_i32 = arith.constant 0 : i32
    %c0_i32_0 = arith.constant 0 : i32
    %c0_i32_1 = arith.constant 0 : i32
    return %c0_i32, %c0_i32_0 : i32, i32
  }
  func.func @transform_3(%arg0: i32) -> (i32, i32) {
    %c0_i32 = arith.constant 0 : i32
    %c0_i32_0 = arith.constant 0 : i32
    %c0_i32_1 = arith.constant 0 : i32
    return %c0_i32, %c0_i32_0 : i32, i32
  }
}

module attributes {stable_mosaic.version = 14 : i64} {
  func.func @_pass2_body(%arg0: i32, %arg1: memref<2048x8xf32, #tpu.memory_space<vmem>>, %arg2: memref<8x128xf32, #tpu.memory_space<vmem>>, %arg3: memref<8x128xf32, #tpu.memory_space<vmem>>, %arg4: memref<128x128xf32, #tpu.memory_space<vmem>>, %arg5: memref<8x128xf32, #tpu.memory_space<vmem>>, %arg6: memref<2048x128xf32, #tpu.memory_space<vmem>>, %arg7: memref<8x128xf32, #tpu.memory_space<vmem>>) attributes {dimension_semantics = [#tpu.dimension_semantics<arbitrary>], iteration_bounds = array<i64: 162>, scalar_prefetch = 0 : i64, scratch_operands = 0 : i64, tpu.core_type = #tpu.core_type<tc>, window_params = [{transform_indices = @transform_0, window_bounds = array<i64: 2048, 8>}, {pipeline_mode = #tpu.pipeline_mode<synchronous>, transform_indices = @transform_1, window_bounds = array<i64: 8, 128>}, {pipeline_mode = #tpu.pipeline_mode<synchronous>, transform_indices = @transform_2, window_bounds = array<i64: 8, 128>}, {pipeline_mode = #tpu.pipeline_mode<synchronous>, transform_indices = @transform_3, window_bounds = array<i64: 128, 128>}, {pipeline_mode = #tpu.pipeline_mode<synchronous>, transform_indices = @transform_4, window_bounds = array<i64: 8, 128>}, {transform_indices = @transform_5, window_bounds = array<i64: 2048, 128>}, {pipeline_mode = #tpu.pipeline_mode<synchronous>, transform_indices = @transform_6, window_bounds = array<i64: 8, 128>}]} {
    %get3A = arith.constant 0 : index
    %get3A_0 = arith.constant 0 : index
    %get3A_1 = vector.load %arg1[%get3A, %get3A_0] : memref<2048x8xf32, #tpu.memory_space<vmem>>, vector<2048x8xf32>
    %iota3A = tpu.iota {dimensions = array<i32: 1>} : vector<2048x8xi32>
    %eq3A = arith.constant 2 : i32
    %eq3A_2 = vector.broadcast %eq3A : i32 to vector<2048x8xi32>
    %eq3A_3 = arith.cmpi eq, %iota3A, %eq3A_2 : vector<2048x8xi32>
    %eq3A_4 = arith.constant 3 : i32
    %eq3A_5 = vector.broadcast %eq3A_4 : i32 to vector<2048x8xi32>
    %eq3A_6 = arith.cmpi eq, %iota3A, %eq3A_5 : vector<2048x8xi32>
    %or3A = arith.ori %eq3A_3, %eq3A_6 : vector<2048x8xi1>
    %max3A = arith.constant 1.000000e-30 : f32
    %max3A_7 = vector.broadcast %max3A : f32 to vector<2048x8xf32>
    %max3A_8 = arith.maximumf %get3A_1, %max3A_7 : vector<2048x8xf32>
    %jit3A = arith.constant 1.000000e+00 : f32
    %broadcast_in_dim3A = vector.broadcast %jit3A : f32 to vector<2048x8xf32>
    %select_n3A = arith.select %or3A, %max3A_8, %broadcast_in_dim3A : vector<2048x8xi1>, vector<2048x8xf32>
    %log3A = math.log %select_n3A : vector<2048x8xf32>
    %select_n3A_9 = arith.select %or3A, %log3A, %get3A_1 : vector<2048x8xi1>, vector<2048x8xf32>
    %get3A_10 = arith.constant 0 : index
    %get3A_11 = arith.constant 0 : index
    %get3A_12 = vector.load %arg2[%get3A_10, %get3A_11] : memref<8x128xf32, #tpu.memory_space<vmem>>, vector<8x128xf32>
    %dot_general3A = arith.constant dense<0.000000e+00> : vector<2048x128xf32>
    %dot_general3A_13 = tpu.matmul %select_n3A_9, %get3A_12, %dot_general3A {dimension_numbers = #tpu.dot_dimension_numbers<[1], [0], [0], [1], [0, 0, 1, 1], [], []>, transpose_lhs_hint = false} : vector<2048x8xf32>, vector<8x128xf32>, vector<2048x128xf32> -> vector<2048x128xf32>
    %get3A_14 = arith.constant 0 : index
    %get3A_15 = arith.constant 0 : index
    %get3A_16 = vector.load %arg3[%get3A_14, %get3A_15] : memref<8x128xf32, #tpu.memory_space<vmem>>, vector<1x128xf32>
    %add3A = vector.broadcast %get3A_16 : vector<1x128xf32> to vector<2048x128xf32>
    %add3A_17 = arith.addf %dot_general3A_13, %add3A : vector<2048x128xf32>
    %max3A_18 = arith.constant 0.000000e+00 : f32
    %max3A_19 = vector.broadcast %max3A_18 : f32 to vector<2048x128xf32>
    %max3A_20 = arith.maximumf %add3A_17, %max3A_19 : vector<2048x128xf32>
    %get3A_21 = arith.constant 0 : index
    %get3A_22 = arith.constant 0 : index
    %get3A_23 = vector.load %arg4[%get3A_21, %get3A_22] : memref<128x128xf32, #tpu.memory_space<vmem>>, vector<128x128xf32>
    %dot_general3A_24 = arith.constant dense<0.000000e+00> : vector<2048x128xf32>
    %dot_general3A_25 = tpu.matmul %max3A_20, %get3A_23, %dot_general3A_24 {dimension_numbers = #tpu.dot_dimension_numbers<[1], [0], [0], [1], [0, 0, 1, 1], [], []>, transpose_lhs_hint = false} : vector<2048x128xf32>, vector<128x128xf32>, vector<2048x128xf32> -> vector<2048x128xf32>
    %get3A_26 = arith.constant 0 : index
    %get3A_27 = arith.constant 0 : index
    %get3A_28 = vector.load %arg5[%get3A_26, %get3A_27] : memref<8x128xf32, #tpu.memory_space<vmem>>, vector<1x128xf32>
    %add3A_29 = vector.broadcast %get3A_28 : vector<1x128xf32> to vector<2048x128xf32>
    %add3A_30 = arith.addf %dot_general3A_25, %add3A_29 : vector<2048x128xf32>
    %swap3A = arith.constant 0 : index
    %swap3A_31 = arith.constant 0 : index
    %swap3A_32 = vector.load %arg6[%swap3A, %swap3A_31] : memref<2048x128xf32, #tpu.memory_space<vmem>>, vector<2048x128xf32>
    tpu.vector_store %arg6[%swap3A, %swap3A_31], %add3A_30 {strides = array<i32>} : memref<2048x128xf32, #tpu.memory_space<vmem>>, vector<2048x128xf32>,
    %iota3A_33 = tpu.iota {dimensions = array<i32: 0>} : vector<2048x128xi32>
    %mul3A = arith.constant 2048 : i32
    %mul3A_34 = arith.muli %arg0, %mul3A : i32
    %add3A_35 = vector.broadcast %mul3A_34 : i32 to vector<2048x128xi32>
    %add3A_36 = arith.addi %iota3A_33, %add3A_35 : vector<2048x128xi32>
    %lt3A = arith.constant 330000 : i32
    %lt3A_37 = vector.broadcast %lt3A : i32 to vector<2048x128xi32>
    %lt3A_38 = arith.cmpi slt, %add3A_36, %lt3A_37 : vector<2048x128xi32>
    %jit3A_39 = arith.constant 0.000000e+00 : f32
    %broadcast_in_dim3A_40 = vector.broadcast %jit3A_39 : f32 to vector<2048x128xf32>
    %select_n3A_41 = arith.select %lt3A_38, %add3A_30, %broadcast_in_dim3A_40 : vector<2048x128xi1>, vector<2048x128xf32>
    %reduce_sum3A = arith.constant dense<0.000000e+00> : vector<128xf32>
    %reduce_sum3A_42 = vector.multi_reduction <add>, %select_n3A_41, %reduce_sum3A [0] : vector<2048x128xf32> to vector<128xf32>
    %broadcast_in_dim3A_43 = vector.shape_cast %reduce_sum3A_42 : vector<128xf32> to vector<1x128xf32>
    %mul3A_44 = arith.mulf %select_n3A_41, %select_n3A_41 : vector<2048x128xf32>
    %reduce_sum3A_45 = arith.constant dense<0.000000e+00> : vector<128xf32>
    %reduce_sum3A_46 = vector.multi_reduction <add>, %mul3A_44, %reduce_sum3A_45 [0] : vector<2048x128xf32> to vector<128xf32>
    %broadcast_in_dim3A_47 = vector.shape_cast %reduce_sum3A_46 : vector<128xf32> to vector<1x128xf32>
    %eq3A_48 = arith.constant 0 : i32
    %eq3A_49 = arith.cmpi eq, %arg0, %eq3A_48 : i32
    %convert_element_type3A = arith.extui %eq3A_49 : i1 to i32
    %cond3A = arith.constant 0 : i32
    %cond3A_50 = arith.cmpi ne, %convert_element_type3A, %cond3A : i32
    scf.if %cond3A_50 {
      %broadcast_in_dim3A_65 = arith.constant 0.000000e+00 : f32
      %broadcast_in_dim3A_66 = vector.broadcast %broadcast_in_dim3A_65 : f32 to vector<8x128xf32>
      %swap3A_67 = arith.constant 0 : index
      %swap3A_68 = arith.constant 0 : index
      %swap3A_69 = vector.load %arg7[%swap3A_67, %swap3A_68] : memref<8x128xf32, #tpu.memory_space<vmem>>, vector<8x128xf32>
      tpu.vector_store %arg7[%swap3A_67, %swap3A_68], %broadcast_in_dim3A_66 {strides = array<i32>} : memref<8x128xf32, #tpu.memory_space<vmem>>, vector<8x128xf32>,
    } else {
    }
    %get3A_51 = arith.constant 0 : index
    %get3A_52 = arith.constant 0 : index
    %get3A_53 = vector.load %arg7[%get3A_51, %get3A_52] : memref<8x128xf32, #tpu.memory_space<vmem>>, vector<1x128xf32>
    %add3A_54 = arith.addf %get3A_53, %broadcast_in_dim3A_43 : vector<1x128xf32>
    %swap3A_55 = arith.constant 0 : index
    %swap3A_56 = arith.constant 0 : index
    %swap3A_57 = vector.load %arg7[%swap3A_55, %swap3A_56] : memref<8x128xf32, #tpu.memory_space<vmem>>, vector<1x128xf32>
    tpu.vector_store %arg7[%swap3A_55, %swap3A_56], %add3A_54 {strides = array<i32>} : memref<8x128xf32, #tpu.memory_space<vmem>>, vector<1x128xf32>,
    %get3A_58 = arith.constant 1 : index
    %get3A_59 = arith.constant 0 : index
    %get3A_60 = vector.load %arg7[%get3A_58, %get3A_59] : memref<8x128xf32, #tpu.memory_space<vmem>>, vector<1x128xf32>
    %add3A_61 = arith.addf %get3A_60, %broadcast_in_dim3A_47 : vector<1x128xf32>
    %swap3A_62 = arith.constant 1 : index
    %swap3A_63 = arith.constant 0 : index
    %swap3A_64 = vector.load %arg7[%swap3A_62, %swap3A_63] : memref<8x128xf32, #tpu.memory_space<vmem>>, vector<1x128xf32>
    tpu.vector_store %arg7[%swap3A_62, %swap3A_63], %add3A_61 {strides = array<i32>} : memref<8x128xf32, #tpu.memory_space<vmem>>, vector<1x128xf32>,
    return
  }
  func.func @transform_0(%arg0: i32) -> (i32, i32) {
    %c0_i32 = arith.constant 0 : i32
    %c0_i32_0 = arith.constant 0 : i32
    return %arg0, %c0_i32 : i32, i32
  }
  func.func @transform_1(%arg0: i32) -> (i32, i32) {
    %c0_i32 = arith.constant 0 : i32
    %c0_i32_0 = arith.constant 0 : i32
    %c0_i32_1 = arith.constant 0 : i32
    return %c0_i32, %c0_i32_0 : i32, i32
  }
  func.func @transform_2(%arg0: i32) -> (i32, i32) {
    %c0_i32 = arith.constant 0 : i32
    %c0_i32_0 = arith.constant 0 : i32
    %c0_i32_1 = arith.constant 0 : i32
    return %c0_i32, %c0_i32_0 : i32, i32
  }
  func.func @transform_3(%arg0: i32) -> (i32, i32) {
    %c0_i32 = arith.constant 0 : i32
    %c0_i32_0 = arith.constant 0 : i32
    %c0_i32_1 = arith.constant 0 : i32
    return %c0_i32, %c0_i32_0 : i32, i32
  }
  func.func @transform_4(%arg0: i32) -> (i32, i32) {
    %c0_i32 = arith.constant 0 : i32
    %c0_i32_0 = arith.constant 0 : i32
    %c0_i32_1 = arith.constant 0 : i32
    return %c0_i32, %c0_i32_0 : i32, i32
  }
  func.func @transform_5(%arg0: i32) -> (i32, i32) {
    %c0_i32 = arith.constant 0 : i32
    %c0_i32_0 = arith.constant 0 : i32
    return %arg0, %c0_i32 : i32, i32
  }
  func.func @transform_6(%arg0: i32) -> (i32, i32) {
    %c0_i32 = arith.constant 0 : i32
    %c0_i32_0 = arith.constant 0 : i32
    %c0_i32_1 = arith.constant 0 : i32
    return %c0_i32, %c0_i32_0 : i32, i32
  }
}

module attributes {stable_mosaic.version = 14 : i64} {
  func.func @_pass3_body(%arg0: i32, %arg1: memref<4096x128xf32, #tpu.memory_space<vmem>>, %arg2: memref<8x128xf32, #tpu.memory_space<vmem>>, %arg3: memref<4096x128xf32, #tpu.memory_space<vmem>>) attributes {dimension_semantics = [#tpu.dimension_semantics<arbitrary>], iteration_bounds = array<i64: 81>, scalar_prefetch = 0 : i64, scratch_operands = 0 : i64, tpu.core_type = #tpu.core_type<tc>, window_params = [{transform_indices = @transform_0, window_bounds = array<i64: 4096, 128>}, {pipeline_mode = #tpu.pipeline_mode<synchronous>, transform_indices = @transform_1, window_bounds = array<i64: 8, 128>}, {transform_indices = @transform_2, window_bounds = array<i64: 4096, 128>}]} {
    %get3A = arith.constant 0 : index
    %get3A_0 = arith.constant 0 : index
    %get3A_1 = vector.load %arg1[%get3A, %get3A_0] : memref<4096x128xf32, #tpu.memory_space<vmem>>, vector<4096x128xf32>
    %get3A_2 = arith.constant 0 : index
    %get3A_3 = arith.constant 0 : index
    %get3A_4 = vector.load %arg2[%get3A_2, %get3A_3] : memref<8x128xf32, #tpu.memory_space<vmem>>, vector<1x128xf32>
    %mul3A = vector.broadcast %get3A_4 : vector<1x128xf32> to vector<4096x128xf32>
    %mul3A_5 = arith.mulf %get3A_1, %mul3A : vector<4096x128xf32>
    %get3A_6 = arith.constant 1 : index
    %get3A_7 = arith.constant 0 : index
    %get3A_8 = vector.load %arg2[%get3A_6, %get3A_7] : memref<8x128xf32, #tpu.memory_space<vmem>>, vector<1x128xf32>
    %add3A = vector.broadcast %get3A_8 : vector<1x128xf32> to vector<4096x128xf32>
    %add3A_9 = arith.addf %mul3A_5, %add3A : vector<4096x128xf32>
    %max3A = arith.constant 0.000000e+00 : f32
    %max3A_10 = vector.broadcast %max3A : f32 to vector<4096x128xf32>
    %max3A_11 = arith.maximumf %add3A_9, %max3A_10 : vector<4096x128xf32>
    %swap3A = arith.constant 0 : index
    %swap3A_12 = arith.constant 0 : index
    %swap3A_13 = vector.load %arg3[%swap3A, %swap3A_12] : memref<4096x128xf32, #tpu.memory_space<vmem>>, vector<4096x128xf32>
    tpu.vector_store %arg3[%swap3A, %swap3A_12], %max3A_11 {strides = array<i32>} : memref<4096x128xf32, #tpu.memory_space<vmem>>, vector<4096x128xf32>,
    return
  }
  func.func @transform_0(%arg0: i32) -> (i32, i32) {
    %c0_i32 = arith.constant 0 : i32
    %c0_i32_0 = arith.constant 0 : i32
    return %arg0, %c0_i32 : i32, i32
  }
  func.func @transform_1(%arg0: i32) -> (i32, i32) {
    %c0_i32 = arith.constant 0 : i32
    %c0_i32_0 = arith.constant 0 : i32
    %c0_i32_1 = arith.constant 0 : i32
    return %c0_i32, %c0_i32_0 : i32, i32
  }
  func.func @transform_2(%arg0: i32) -> (i32, i32) {
    %c0_i32 = arith.constant 0 : i32
    %c0_i32_0 = arith.constant 0 : i32
    return %arg0, %c0_i32 : i32, i32
  }
}

</mosaic_0001>

<sc_bundles>
// kernel: _run.8.cloned.1.call-start
scs
__scs_entry_jumppad:
0x0: {  	(pc) =	sbr.rel $0x88, $3  }
0x1: {  	(tag) =	ssettag $0x0;
	lr =	simm.s32 $0x1  }
0x2: {  	[smem:$0x3F97] =	sst lr;
	_ =	strace $0xD0000000  }
0x3: {  	_ = 	snop  }
0x4: {  	_ = 	snop  }
0x5: {  	_ = 	snop  }
0x6: {  	_ = 	snop  }
0x7: {  	_ = 	snop  }
__scs_overlays_trampoline_lowered:
0x8: {  	[smem:$0x3FA6] =	sst s0  }
0x9: {  	[smem:$0x3FA7] =	sst s1  }
0xa: {  	[smem:$0x3FA8] =	sst s2  }
0xb: {  	[smem:$0x3FA9] =	sst s3  }
0xc: {  	[smem:$0x3FAA] =	sst s4  }
0xd: {  	[smem:$0x3FAB] =	sst s5  }
0xe: {  	[smem:$0x3FAC] =	sst s6  }
0xf: {  	[smem:$0x3FAD] =	sst s7  }
0x10: {  	[smem:$0x3FAE] =	sst s8  }
0x11: {  	[smem:$0x3FAF] =	sst s9;
	s0 =	simm.s32 @!p0 $0x0  }
0x12: {  	s1 =	sld [smem:$0x3F95];
	s0 =	simm.s32 @p0 $0x1  }
0x13: {  	[smem:$0x3FB0] =	sst s0;
	s0 =	simm.s32 @!p1 $0x0  }
0x14: {  	s2 =	sld [smem:$0x3F94];
	s0 =	simm.s32 @p1 $0x1  }
0x15: {  	[smem:$0x3FB1] =	sst s0;
	s0 =	simm.s32 @!p2 $0x0  }
0x16: {  	s3 =	sld [smem:$0x3FDB];
	s0 =	simm.s32 @p2 $0x1  }
0x17: {  	s4 =	simm.s32 $0x1BF5;
	[smem:$0x3FB3] =	sst s0  }
0x18: {  	s0 =	sld [smem:$0x3F96];
	_ =	swait.ge [sflag:s4], $0x0  }
0x19: {  	s7 =	sld [smem:$0x3F97]  }
0x1a: {  	s8 =	sadd.s32 $0xFFFFE003, lr  }
0x1b: {  	s9 =	sadd.s32 $0xFFFFFEF7, lr;
	s5 =	simm.s32 $0xFFFFFFFF;
	p2 =	slt.u32 s8, $0xFFFFF086  }
0x1c: {  	p1 =	slt.u32 s9, $0xF7A;
	s5 =	simm.s32 @!p2 $0x0  }
0x1d: {  	s5 =	simm.s32 @p1 $0x1;
	p0 =	seq.s32 s7, s2  }
0x1e: {  	s7 =	smul.u32 @!p0 $0xF7A, s2;
	p2 =	seq.s32 @!p0 s5, $0x0  }
0x1f: {  	s9 =	smul.u32 $0xF7A, s1;
	s8 =	simm.s32 @!p0 $0x1BF5;
	p2 =	por !p2, p0  }
0x20: {  	[sflag:s8] =	ssyncset.s32 @!p0 $0xFFFFF086;
	s6 =	sadd.s32 @!p0 s3, s7;
	s7 =	simm.s32 @!p0 $0x108  }
0x21: {  	s3 =	sadd.s32 s3, s9;
	s6 =	sadd.s32 @!p0 $0x88, s6;
	s7 =	simm.s32 @p2 $0x1082  }
0x22: {  	[simem:s7], [sflag:s8] =	dma.local @!p0 [hbm:s6], $0xF7A  }
0x23: {  	s9 =	sor.u32 $0xD0000000, s2;
	s6 =	simm.s32 $0x108;
	_ =	swait.ge @!p0 [sflag:s8], $0x0  }
0x24: {  	s3 =	sadd.s32 $0x88, s3;
	s6 =	simm.s32 @!p1 $0x1082;
	[sflag:s4] =	ssyncset.s32 $0xFFFFF086  }
0x25: {  	[simem:s6], [sflag:s4] =	dma.local [hbm:s3], $0xF7A  }
0x26: {  	[smem:$0x3F97] =	sst s1;
	(tag) =	ssettag s2;
	_ =	strace s9  }
0x27: {  	s1 =	sld [smem:$0x3FA7]  }
0x28: {  	s2 =	sld [smem:$0x3FA8]  }
0x29: {  	s4 =	sld [smem:$0x3FAA]  }
0x2a: {  	p0 =	seq.s32 s5, $0x0;
	s5 =	sld [smem:$0x3FAB]  }
0x2b: {  	s6 =	sld [smem:$0x3FAC]  }
0x2c: {  	s7 =	sld [smem:$0x3FAD]  }
0x2d: {  	s3 =	simm.s32 $0x108;
	s8 =	sld [smem:$0x3FAE]  }
0x2e: {  	s3 =	simm.s32 @!p0 $0x1082;
	s9 =	sld [smem:$0x3FAF]  }
0x2f: {  	lr =	sadd.s32 s0, s3;
	s0 =	sld [smem:$0x3FA6]  }
0x30: {  	s3 =	sld [smem:$0x3FA9]  }
0x31: {  	[smem:$0x3FB2] =	sst s10  }
0x32: {  	s10 =	sld [smem:$0x3FB0];
	_ =	sdelay $0x3  }
0x33: {  	p0 =	seq.s32 s10, $0x1;
	s10 =	sld [smem:$0x3FB2];
	_ =	sdelay $0x3  }
0x34: {  	[smem:$0x3FB2] =	sst s10  }
0x35: {  	s10 =	sld [smem:$0x3FB1];
	_ =	sdelay $0x3  }
0x36: {  	p1 =	seq.s32 s10, $0x1;
	s10 =	sld [smem:$0x3FB2];
	_ =	sdelay $0x3  }
0x37: {  	[smem:$0x3FB2] =	sst s10  }
0x38: {  	s10 =	sld [smem:$0x3FB3]  }
0x39: {  	_ = 	snop;
	(pc) =	sbr.ind lr, $3  }
0x3a: {  	_ = 	snop  }
0x3b: {  	_ = 	snop  }
0x3c: {  	p2 =	seq.s32 s10, $0x1;
	s10 =	sld [smem:$0x3FB2]  }
0x3d: {  	_ =	shalt  }
0x3e: {  	_ =	shalt  }
0x3f: {  	_ =	shalt  }
0x40: {  	_ =	shalt  }
0x41: {  	_ =	shalt  }
0x42: {  	_ =	shalt  }
0x43: {  	_ =	shalt  }
0x44: {  	_ =	shalt  }
0x45: {  	_ =	shalt  }
0x46: {  	_ =	shalt  }
0x47: {  	_ =	shalt  }
0x48: {  	_ =	shalt  }
0x49: {  	_ =	shalt  }
0x4a: {  	_ =	shalt  }
0x4b: {  	_ =	shalt  }
0x4c: {  	_ =	shalt  }
0x4d: {  	_ =	shalt  }
0x4e: {  	_ =	shalt  }
0x4f: {  	_ =	shalt  }
0x50: {  	_ =	shalt  }
0x51: {  	_ =	shalt  }
0x52: {  	_ =	shalt  }
0x53: {  	_ =	shalt  }
0x54: {  	_ =	shalt  }
0x55: {  	_ =	shalt  }
0x56: {  	_ =	shalt  }
0x57: {  	_ =	shalt  }
0x58: {  	_ =	shalt  }
0x59: {  	_ =	shalt  }
0x5a: {  	_ =	shalt  }
0x5b: {  	_ =	shalt  }
0x5c: {  	_ =	shalt  }
0x5d: {  	_ =	shalt  }
0x5e: {  	_ =	shalt  }
0x5f: {  	_ =	shalt  }
0x60: {  	_ =	shalt  }
0x61: {  	_ =	shalt  }
0x62: {  	_ =	shalt  }
0x63: {  	_ =	shalt  }
0x64: {  	_ =	shalt  }
0x65: {  	_ =	shalt  }
0x66: {  	_ =	shalt  }
0x67: {  	_ =	shalt  }
0x68: {  	_ =	shalt  }
0x69: {  	_ =	shalt  }
0x6a: {  	_ =	shalt  }
0x6b: {  	_ =	shalt  }
0x6c: {  	_ =	shalt  }
0x6d: {  	_ =	shalt  }
0x6e: {  	_ =	shalt  }
0x6f: {  	_ =	shalt  }
0x70: {  	_ =	shalt  }
0x71: {  	_ =	shalt  }
0x72: {  	_ =	shalt  }
0x73: {  	_ =	shalt  }
0x74: {  	_ =	shalt  }
0x75: {  	_ =	shalt  }
0x76: {  	_ =	shalt  }
0x77: {  	_ =	shalt  }
0x78: {  	_ =	shalt  }
0x79: {  	_ =	shalt  }
0x7a: {  	_ =	shalt  }
0x7b: {  	_ =	shalt  }
0x7c: {  	_ =	shalt  }
0x7d: {  	_ =	shalt  }
0x7e: {  	_ =	shalt  }
0x7f: {  	_ =	shalt  }
0x80: {  	_ =	shalt  }
0x81: {  	_ =	shalt  }
0x82: {  	_ =	shalt  }
0x83: {  	_ =	shalt  }
0x84: {  	_ =	shalt  }
0x85: {  	_ =	shalt  }
0x86: {  	_ =	shalt  }
0x87: {  	_ =	shalt  }
.Lfunc_end0:
.L_simem_size_0:
called_computation_lowered:
.L_overlay_start_0:
0x88: {  	s2 =	sld [smem:$0x3FD9]  }
0x89: {  	s3 =	sld [smem:$0x3FFE];
	_ =	sdelay $0x1  }
0x8a: {  	s1 =	srdreg.scid  }
0x8b: {  	s0 =	sand.u32 $0x1, s1  }
0x8c: {  	s17 =	sshll.u32 s0, $0xA;
	s2 =	sadd.s32 s3, s2  }
0x8d: {  	s2 =	sadd.s32 s2, s17  }
0x8e: {  	[smem:$0x3FBE] =	sst s2  }
0x8f: {  	_ = 	snop  }
0x90: {  	s2 =	sld [smem:$0x3FC9]  }
0x91: {  	s18 =	sld [smem:$0x3FD0];
	(tm) =	ssettm $0x1  }
0x92: {  	s4 =	sld [smem:$0x3FFB];
	_ =	sdelay $0x3  }
0x93: {  	_ =	strace s4  }
0x94: {  	s4 =	sld [smem:$0x3FFC];
	_ =	sdelay $0x3  }
0x95: {  	_ =	strace s4  }
0x96: {  	s4 =	sld [smem:$0x3FFD];
	_ =	sdelay $0x3  }
0x97: {  	_ =	strace s4  }
0x98: {  	_ =	strace $0x8FFFFFFF  }
0x99: {  	s19 =	sld [smem:$0x3FDB];
	_ =	sdelay $0x1  }
0x9a: {  	s5 =	simm.s32 $_scs_section_size  }
0x9b: {  	s6 =	simm.s32 $_size__tile_overlayer_lowered;
	s7 =	simm.s32 $_tile_overlayer_lowered  }
0x9c: {  	s22 =	simm.s32 $0x1BFF;
	s21 =	sshll.u32 s7, $0x1;
	s4 =	sadd.s32 s5, s19  }
0x9d: {  	s8 =	simm.s32 $0x0;
	s20 =	sshll.u32 s6, $0x1;
	s6 =	sadd.s32 s21, s4  }
0x9e: {  	[timem:s8], [sflag:s22] =	dma.local [hbm:s6], s20  }
0x9f: {  	_ =	swait.ge [sflag:s22], s20  }
0xa0: {  	s5 =	ssub.s32 $0x0, s20;
	[sflag:s22] =	ssyncset.done $0x0  }
0xa1: {  	[sflag:s22] =	ssyncadd.s32 s5;
	_ =	sdelay $0x1  }
0xa2: {  	s23 =	simm.s32 $0x1B8B  }
0xa3: {  	_ =	swait.ge [sflag:s23], $0x1  }
0xa4: {  	[sflag:s23] =	ssyncset.done $0x0  }
0xa5: {  	s25 =	simm.s32 $0x1B8E;
	s24 =	sld [smem:$0x3FFE];
	[sflag:s23] =	ssyncadd.s32 $0xFFFFFFFF  }
0xa6: {  	s26 =	simm.s32 $execute0_lowered;
	[smem:$0x3FD2] =	sst s25  }
0xa7: {  	s6 =	sshll.u32 s26, $0x1;
	_ =	strace $0x80000046;
	[dreg:$0x1] =	wrdreg $0xFFFFFFFF  }
0xa8: {  	s28 =	simm.s32 $_size_execute0_lowered;
	s4 =	sadd.s32 s4, s6;
	[dreg:$0x0] =	wrdreg $0x0  }
0xa9: {  	s6 =	sshll.u32 s28, $0x1;
	[dreg:$0x2] =	wrdreg s4  }
0xaa: {  	[dreg:$0x3] =	wrdreg s6  }
0xab: {  	[dreg:$0x4] =	wrdreg $0xC0  }
0xac: {  	_ =	task [dreg:s8], $0x5FFFF  }
0xad: {  	[dreg:$0x1] =	wrdreg $0xFFFFFFFF  }
0xae: {  	[dreg:$0x0] =	wrdreg $0x60  }
0xaf: {  	[dreg:$0x2] =	wrdreg s2  }
0xb0: {  	[dreg:$0x3] =	wrdreg s24  }
0xb1: {  	[dreg:$0x4] =	wrdreg s18  }
0xb2: {  	[dreg:$0x5] =	wrdreg $0x9  }
0xb3: {  	_ =	task.clear_ibuf [dreg:s8], $0x6FFFF;
	_ =	strace $0x90000046  }
0xb4: {  	s29 =	simm.s32 $0x9;
	_ =	strace $0x80000048  }
0xb5: {  	_ =	swait.ge [sflag:s29], $0x1  }
0xb6: {  	[sflag:s29] =	ssyncadd.s32 $0xFFFFFFFF  }
0xb7: {  	_ =	strace $0x90000048  }
0xb8: {  	_ =	sfence  }
0xb9: {  	s30 =	sld [smem:$0x0];
	_ =	sdelay $0x2  }
0xba: {  	s31 =	sshll.u32 s1, $0xD;
	s1 =	sshrl.u32 s1, $0x2  }
0xbb: {  	s3 =	sand.u32 $0x4000, s31;
	s1 =	sadd.s32 s1, s30  }
0xbc: {  	s0 =	sor.u32 s3, s0;
	s1 =	sshll.u32 s1, $0x11  }
0xbd: {  	s0 =	sor.u32 s1, s0  }
0xbe: {  	s0 =	sadd.s32 $0x8F2B, s0  }
0xbf: {  	[sflag:s0] =	ssyncadd.remote.s32 $0x1  }
0xc0: {  	_ =	sfence.sel $0xFFFF  }
0xc1: {  	[dreg:$0x0] =	wrdreg $0xFFFFFFFF;
	(pc) =	sbr.abs _section_cstart, $3  }
0xc2: {  	[dreg:$0x1] =	wrdreg $0xFFFFFFFF  }
0xc3: {  	_ =	task.clear_ibuf [dreg:s8], $0x2FFFF;
	_ =	strace $0x9FFFFFFF  }
0xc4: {  	(tm) =	ssettm $0x7FFFFFFF  }
0xc5: {  	_ =	shalt  }
tec
execute0_lowered:
.L_overlay_start_1:
0x0: {  	(tag) =	ssettag $0x1  }
0x1: {  	s1 =	rddreg [dreg:$0x0]  }
0x2: {  	s6 =	rddreg [dreg:$0x1]  }
0x3: {  	s4 =	simm.s32 $0x0;
	s22 =	srdreg.scid;
	s5 =	stileid.u32  }
0x4: {  	s28 =	simm.s32 $0x1BD00;
	s8 =	simm.s32 $0x4100;
	s9 =	simm.s32 $0x4900  }
0x5: {  	s11 =	simm.s32 $0x5100;
	s12 =	simm.s32 $0x5900;
	s13 =	simm.s32 $0x6100  }
0x6: {  	s17 =	simm.s32 $0x6900;
	[smem:$0x7FF] =	sst s4;
	s0 =	sadd.s32 $0x2A00, s6  }
0x7: {  	s18 =	sadd.s32 $0x2400, s6;
	_ =	strace $0x80000047;
	[dreg:$0x4] =	wrdreg s0  }
0x8: {  	s29 =	simm.s32 $0x7900;
	s19 =	sadd.s32 $0x1E00, s6;
	[dreg:$0x5] =	wrdreg s18  }
0x9: {  	s30 =	simm.s32 $0x1;
	s20 =	sadd.s32 $0x1800, s6;
	[dreg:$0x6] =	wrdreg s19  }
0xa: {  	s31 =	simm.s32 $0x2;
	s21 =	sadd.s32 $0x1200, s6;
	[dreg:$0x7] =	wrdreg s20  }
0xb: {  	s2 =	sadd.s32 $0xC00, s6;
	s23 =	sadd.s32 $0x600, s6;
	[dreg:$0x8] =	wrdreg s21  }
0xc: {  	s24 =	sadd.s32 $0x17400, s6;
	s14 =	sadd.s32 $0x3000, s6;
	[dreg:$0x9] =	wrdreg s2  }
0xd: {  	v0 =	vlaneseq.u32;
	s5 =	sshll.u32 s5, $0x1;
	s15 =	sadd.s32 $0xD200, s6;
	[dreg:$0xa] =	wrdreg s23  }
0xe: {  	vm0 =	vmmov $0xffff;
	vm1 =	vmmov $0x1;
	vm2 =	vmmov $0x3;
	s0 =	sand.u32 $0x1, s22;
	[dreg:$0xb] =	wrdreg s24;
	s18 =	simm.s32 $0x8100  }
0xf: {  	vm3 =	vmmov $0x7;
	vm4 =	vmmov $0xf;
	vm5 =	vmmov $0x1f;
	s19 =	simm.s32 $0x3;
	s20 =	simm.s32 $0xA880;
	s21 =	simm.s32 $0xD000  }
0x10: {  	vm6 =	vmmov $0x3f;
	vm7 =	vmmov $0x7f;
	v2 =	vand.u32 $0x7, v0;
	s22 =	simm.s32 $0xF780;
	s23 =	simm.s32 $0x11F00;
	s25 =	ssub.s32 $0x2, s0  }
0x11: {  	v1 =	vshrl.u32 v0, $0x3;
	v63 =	vor.u32 $0x8, v0;
	v11 =	vmul.u32 $0x8, v0;
	s24 =	simm.s32 $0x14680;
	[tilespmem:$0x1FFC0] =	vst v2;
	s0 =	sor.u32 s0, s5;
	s3 =	sshrl.u32 s25, $0x1  }
0x12: {  	vm8 =	vmmov $0xff;
	vm9 =	vmmov $0x1ff;
	v1 =	vmul.u32 $0x8, v1;
	[tilespmem:$0x1FFE0] =	vst v63;
	s5 =	simm.s32 $0x0;
	s16 =	smul.u32 $0x2880, s0;
	s2 =	ssub.s32 s25, s3  }
0x13: {  	vm10 =	vmmov $0x3ff;
	vm11 =	vmmov $0x7ff;
	vm12 =	vmmov $0xfff;
	[tilespmem:$0x1FFF0] =	vst v11;
	s0 =	simm.s32 $0x1E480;
	s25 =	simm.s32 $0x16E00;
	s26 =	smax.u32 s2, $0x1  }
0x14: {  	vm13 =	vmmov $0x1fff;
	vm14 =	vmmov $0x3fff;
	vm15 =	vmmov $0x7fff;
	[tilespmem:$0x1FFD0] =	vst v1;
	s3 =	simm.s32 $0x7100;
	[dreg:$0xc] =	wrdreg s26;
	s26 =	simm.s32 $0x19580  }
.LBB2_1:
0x15: {  	[dreg:$0xd] =	wrdreg s5  }
0x16: {  	s2 =	rddreg [dreg:$0x4]  }
0x17: {  	[tilespmem:s18], [sflag:$0x3] =	stream.linear.gather [hbm4b:s2+s4], $0x2780, $0x38;
	[tilespmem:$0x1E680] =	vst v63  }
0x18: {  	_ =	swait.ge [sflag:s19], $0x2780  }
0x19: {  	[sflag:s19] =	ssyncset.done $0x0  }
0x1a: {  	s5 =	rddreg [dreg:$0x5];
	[sflag:s19] =	ssyncadd.s32 $0xFFFFD880  }
0x1b: {  	[tilespmem:s20], [sflag:$0x3] =	stream.linear.gather [hbm4b:s5+s4], $0x2780, $0x38;
	[tilespmem:$0x1E680] =	vst v63  }
0x1c: {  	_ =	swait.ge [sflag:s19], $0x2780  }
0x1d: {  	[sflag:s19] =	ssyncset.done $0x0  }
0x1e: {  	s6 =	rddreg [dreg:$0x6];
	[sflag:s19] =	ssyncadd.s32 $0xFFFFD880  }
0x1f: {  	[tilespmem:s21], [sflag:$0x3] =	stream.linear.gather [hbm4b:s6+s4], $0x2780, $0x38;
	[tilespmem:$0x1E680] =	vst v63  }
0x20: {  	_ =	swait.ge [sflag:s19], $0x2780  }
0x21: {  	[sflag:s19] =	ssyncset.done $0x0  }
0x22: {  	s7 =	rddreg [dreg:$0x7];
	[sflag:s19] =	ssyncadd.s32 $0xFFFFD880  }
0x23: {  	[tilespmem:s22], [sflag:$0x3] =	stream.linear.gather [hbm4b:s7+s4], $0x2780, $0x38;
	[tilespmem:$0x1E680] =	vst v63  }
0x24: {  	_ =	swait.ge [sflag:s19], $0x2780  }
0x25: {  	[sflag:s19] =	ssyncset.done $0x0  }
0x26: {  	s10 =	rddreg [dreg:$0x8];
	[sflag:s19] =	ssyncadd.s32 $0xFFFFD880  }
0x27: {  	[tilespmem:s23], [sflag:$0x3] =	stream.linear.gather [hbm4b:s10+s4], $0x2780, $0x38;
	[tilespmem:$0x1E680] =	vst v63  }
0x28: {  	_ =	swait.ge [sflag:s19], $0x2780  }
0x29: {  	[sflag:s19] =	ssyncset.done $0x0  }
0x2a: {  	s5 =	rddreg [dreg:$0x9];
	[sflag:s19] =	ssyncadd.s32 $0xFFFFD880  }
0x2b: {  	[tilespmem:s24], [sflag:$0x3] =	stream.linear.gather [hbm4b:s5+s4], $0x2780, $0x38;
	[tilespmem:$0x1E680] =	vst v63  }
0x2c: {  	_ =	swait.ge [sflag:s19], $0x2780  }
0x2d: {  	[sflag:s19] =	ssyncset.done $0x0  }
0x2e: {  	s6 =	rddreg [dreg:$0xa];
	[sflag:s19] =	ssyncadd.s32 $0xFFFFD880  }
0x2f: {  	[tilespmem:s25], [sflag:$0x3] =	stream.linear.gather [hbm4b:s6+s4], $0x2780, $0x38;
	[tilespmem:$0x1E680] =	vst v63  }
0x30: {  	_ =	swait.ge [sflag:s19], $0x2780  }
0x31: {  	[sflag:s19] =	ssyncset.done $0x0  }
0x32: {  	[sflag:s19] =	ssyncadd.s32 $0xFFFFD880  }
0x33: {  	s7 =	rddreg [dreg:$0x1]  }
0x34: {  	[tilespmem:s26], [sflag:$0x3] =	stream.linear.gather [hbm4b:s7+s4], $0x2780, $0x38;
	[tilespmem:$0x1E680] =	vst v63  }
0x35: {  	_ =	swait.ge [sflag:s19], $0x2780  }
0x36: {  	[sflag:s19] =	ssyncset.done $0x0  }
0x37: {  	s10 =	rddreg [dreg:$0xb];
	[sflag:s19] =	ssyncadd.s32 $0xFFFFD880  }
0x38: {  	[tilespmem:s28], [sflag:$0x3] =	stream.linear.gather [hbm4b:s10+s4], $0x2780, $0x38;
	[tilespmem:$0x1E680] =	vst v63  }
0x39: {  	_ =	swait.ge [sflag:s19], $0x2780  }
0x3a: {  	[sflag:s19] =	ssyncset.done $0x0  }
0x3b: {  	s10 =	simm.s32 $0x0;
	[sflag:s19] =	ssyncadd.s32 $0xFFFFD880  }
.LBB2_2:
0x3c: {  	s2 =	sshll.u32 s10, $0x6  }
0x3d: {  	s2 =	sadd.s32 s16, s2  }
0x3e: {  	s6 =	sshrl.u32 s2, $0x3  }
0x3f: {  	s5 =	simm.s32 $0x0;
	s7 =	sadd.s32 s14, s6  }
0x40: {  	[tilespmem:s5], [sflag:$0x3] =	stream.linear.gather [hbm4b:s7+s5], $0x40, $0x38;
	[tilespmem:$0x1E680] =	vst v63  }
0x41: {  	_ =	swait.ge [sflag:s19], $0x40  }
0x42: {  	[sflag:s19] =	ssyncset.done $0x0  }
0x43: {  	s6 =	sadd.s32 s15, s6;
	s7 =	simm.s32 $0x80;
	[sflag:s19] =	ssyncadd.s32 $0xFFFFFFC0  }
0x44: {  	[tilespmem:s7], [sflag:$0x3] =	stream.linear.gather [hbm4b:s6+s5], $0x40, $0x38;
	[tilespmem:$0x1E680] =	vst v63  }
0x45: {  	_ =	swait.ge [sflag:s19], $0x40  }
0x46: {  	[sflag:s19] =	ssyncset.done $0x0  }
0x47: {  	[sflag:s19] =	ssyncadd.s32 $0xFFFFFFC0  }
0x48: {  	v0 =	vld [tilespmem:$0x0];
	_ =	sdelay $0x2  }
0x49: {  	v2 =	vld [tilespmem:$0x1FFC0]  }
0x4a: {  	v3 =	vld [tilespmem:$0x1FFD0]  }
0x4b: {  	v4 =	vld [tilespmem:$0x1FFE0];
	v1 =	vshll.u32 v0, $0x1  }
0x4c: {  	v0 =	vand.u32 $0x7, v0;
	v1 =	vand.u32 $0xFFFFFFF0, v1  }
0x4d: {  	v0 =	vor.u32 v0, v1  }
0x4e: {  	v1 =	vperm.xlane v0, v2;
	_ =	sdelay $0x1  }
0x4f: {  	v0 =	vperm.xlane v0, v4;
	v1 =	vadd.s32 v3, v1;
	_ =	sdelay $0x1  }
0x50: {  	v0 =	vadd.s32 v3, v0;
	_ =	sdelay $0x1  }
0x51: {  	s7 =	simm.s32 $0x100  }
0x52: {  	[tilespmem:s7], [sflag:$0x1] =	stream.indirect_vreg.gather [hbm4b:s1+s5], $0x80, v1, vm0, $0xb8;
	[tilespmem:$0x1E680] =	vst v63  }
0x53: {  	s7 =	simm.s32 $0x900  }
0x54: {  	[tilespmem:s7], [sflag:$0x1] =	stream.indirect_vreg.gather [hbm4b:s1+s5], $0x80, v0, vm0, $0xb8;
	[tilespmem:$0x1E680] =	vst v63  }
0x55: {  	v0 =	vld [tilespmem:$0x10];
	_ =	sdelay $0x4  }
0x56: {  	v57 =	vshll.u32 v0, $0x1  }
0x57: {  	v0 =	vand.u32 $0x7, v0;
	v1 =	vand.u32 $0xFFFFFFF0, v57  }
0x58: {  	v0 =	vor.u32 v0, v1  }
0x59: {  	v1 =	vperm.xlane v0, v2;
	_ =	sdelay $0x1  }
0x5a: {  	v0 =	vperm.xlane v0, v4;
	v1 =	vadd.s32 v3, v1;
	_ =	sdelay $0x1  }
0x5b: {  	v0 =	vadd.s32 v3, v0;
	_ =	sdelay $0x1  }
0x5c: {  	s7 =	simm.s32 $0x1100  }
0x5d: {  	[tilespmem:s7], [sflag:$0x1] =	stream.indirect_vreg.gather [hbm4b:s1+s5], $0x80, v1, vm0, $0xb8;
	[tilespmem:$0x1E680] =	vst v63  }
0x5e: {  	s7 =	simm.s32 $0x1900  }
0x5f: {  	[tilespmem:s7], [sflag:$0x1] =	stream.indirect_vreg.gather [hbm4b:s1+s5], $0x80, v0, vm0, $0xb8;
	[tilespmem:$0x1E680] =	vst v63  }
0x60: {  	v0 =	vld [tilespmem:$0x20];
	_ =	sdelay $0x4  }
0x61: {  	v58 =	vshll.u32 v0, $0x1  }
0x62: {  	v0 =	vand.u32 $0x7, v0;
	v1 =	vand.u32 $0xFFFFFFF0, v58  }
0x63: {  	v0 =	vor.u32 v0, v1  }
0x64: {  	v1 =	vperm.xlane v0, v2;
	_ =	sdelay $0x1  }
0x65: {  	v0 =	vperm.xlane v0, v4;
	v1 =	vadd.s32 v3, v1;
	_ =	sdelay $0x1  }
0x66: {  	v0 =	vadd.s32 v3, v0;
	_ =	sdelay $0x1  }
0x67: {  	s7 =	simm.s32 $0x2100  }
0x68: {  	[tilespmem:s7], [sflag:$0x1] =	stream.indirect_vreg.gather [hbm4b:s1+s5], $0x80, v1, vm0, $0xb8;
	[tilespmem:$0x1E680] =	vst v63  }
0x69: {  	s7 =	simm.s32 $0x2900  }
0x6a: {  	[tilespmem:s7], [sflag:$0x1] =	stream.indirect_vreg.gather [hbm4b:s1+s5], $0x80, v0, vm0, $0xb8;
	[tilespmem:$0x1E680] =	vst v63  }
0x6b: {  	v0 =	vld [tilespmem:$0x30];
	_ =	sdelay $0x4  }
0x6c: {  	v59 =	vshll.u32 v0, $0x1  }
0x6d: {  	v0 =	vand.u32 $0x7, v0;
	v1 =	vand.u32 $0xFFFFFFF0, v59  }
0x6e: {  	v0 =	vor.u32 v0, v1  }
0x6f: {  	v1 =	vperm.xlane v0, v2;
	_ =	sdelay $0x1  }
0x70: {  	v0 =	vperm.xlane v0, v4;
	v1 =	vadd.s32 v3, v1;
	_ =	sdelay $0x1  }
0x71: {  	v0 =	vadd.s32 v3, v0;
	_ =	sdelay $0x1  }
0x72: {  	s7 =	simm.s32 $0x3100  }
0x73: {  	[tilespmem:s7], [sflag:$0x1] =	stream.indirect_vreg.gather [hbm4b:s1+s5], $0x80, v1, vm0, $0xb8;
	[tilespmem:$0x1E680] =	vst v63  }
0x74: {  	s7 =	simm.s32 $0x3900  }
0x75: {  	[tilespmem:s7], [sflag:$0x1] =	stream.indirect_vreg.gather [hbm4b:s1+s5], $0x80, v0, vm0, $0xb8;
	[tilespmem:$0x1E680] =	vst v63  }
0x76: {  	v0 =	vld [tilespmem:$0x80];
	_ =	sdelay $0x4  }
0x77: {  	v60 =	vshll.u32 v0, $0x1  }
0x78: {  	v0 =	vand.u32 $0x7, v0;
	v1 =	vand.u32 $0xFFFFFFF0, v60  }
0x79: {  	v0 =	vor.u32 v0, v1  }
0x7a: {  	v1 =	vperm.xlane v0, v2;
	_ =	sdelay $0x1  }
0x7b: {  	v0 =	vperm.xlane v0, v4;
	v1 =	vadd.s32 v3, v1;
	_ =	sdelay $0x1  }
0x7c: {  	v0 =	vadd.s32 v3, v0;
	_ =	sdelay $0x2  }
0x7d: {  	[tilespmem:s8], [sflag:$0x2] =	stream.indirect_vreg.gather [hbm4b:s1+s5], $0x80, v1, vm0, $0xb8;
	[tilespmem:$0x1E680] =	vst v63  }
0x7e: {  	_ = 	snop  }
0x7f: {  	[tilespmem:s9], [sflag:$0x2] =	stream.indirect_vreg.gather [hbm4b:s1+s5], $0x80, v0, vm0, $0xb8;
	[tilespmem:$0x1E680] =	vst v63  }
0x80: {  	v0 =	vld [tilespmem:$0x90];
	_ =	sdelay $0x4  }
0x81: {  	v61 =	vshll.u32 v0, $0x1  }
0x82: {  	v0 =	vand.u32 $0x7, v0;
	v1 =	vand.u32 $0xFFFFFFF0, v61  }
0x83: {  	v0 =	vor.u32 v0, v1  }
0x84: {  	v1 =	vperm.xlane v0, v2;
	_ =	sdelay $0x1  }
0x85: {  	v0 =	vperm.xlane v0, v4;
	v1 =	vadd.s32 v3, v1;
	_ =	sdelay $0x1  }
0x86: {  	v0 =	vadd.s32 v3, v0;
	_ =	sdelay $0x2  }
0x87: {  	[tilespmem:s11], [sflag:$0x2] =	stream.indirect_vreg.gather [hbm4b:s1+s5], $0x80, v1, vm0, $0xb8;
	[tilespmem:$0x1E680] =	vst v63  }
0x88: {  	_ = 	snop  }
0x89: {  	[tilespmem:s12], [sflag:$0x2] =	stream.indirect_vreg.gather [hbm4b:s1+s5], $0x80, v0, vm0, $0xb8;
	[tilespmem:$0x1E680] =	vst v63  }
0x8a: {  	v0 =	vld [tilespmem:$0xA0];
	_ =	sdelay $0x4  }
0x8b: {  	v62 =	vshll.u32 v0, $0x1  }
0x8c: {  	v0 =	vand.u32 $0x7, v0;
	v1 =	vand.u32 $0xFFFFFFF0, v62  }
0x8d: {  	v0 =	vor.u32 v0, v1  }
0x8e: {  	v1 =	vperm.xlane v0, v2;
	_ =	sdelay $0x1  }
0x8f: {  	v0 =	vperm.xlane v0, v4;
	v1 =	vadd.s32 v3, v1;
	_ =	sdelay $0x1  }
0x90: {  	v0 =	vadd.s32 v3, v0;
	_ =	sdelay $0x2  }
0x91: {  	[tilespmem:s13], [sflag:$0x2] =	stream.indirect_vreg.gather [hbm4b:s1+s5], $0x80, v1, vm0, $0xb8;
	[tilespmem:$0x1E680] =	vst v63  }
0x92: {  	_ = 	snop  }
0x93: {  	[tilespmem:s17], [sflag:$0x2] =	stream.indirect_vreg.gather [hbm4b:s1+s5], $0x80, v0, vm0, $0xb8;
	[tilespmem:$0x1E680] =	vst v63  }
0x94: {  	v0 =	vld [tilespmem:$0xB0];
	_ =	sdelay $0x4  }
0x95: {  	v63 =	vshll.u32 v0, $0x1  }
0x96: {  	v0 =	vand.u32 $0x7, v0;
	v1 =	vand.u32 $0xFFFFFFF0, v63  }
0x97: {  	v0 =	vor.u32 v0, v1  }
0x98: {  	v1 =	vperm.xlane v0, v2;
	_ =	sdelay $0x1  }
0x99: {  	v0 =	vperm.xlane v0, v4;
	v1 =	vadd.s32 v3, v1;
	_ =	sdelay $0x1  }
0x9a: {  	v0 =	vadd.s32 v3, v0;
	_ =	sdelay $0x2  }
0x9b: {  	[tilespmem:s3], [sflag:$0x2] =	stream.indirect_vreg.gather [hbm4b:s1+s5], $0x80, v1, vm0, $0xb8;
	[tilespmem:$0x1E680] =	vst v63  }
0x9c: {  	_ = 	snop  }
0x9d: {  	[tilespmem:s29], [sflag:$0x2] =	stream.indirect_vreg.gather [hbm4b:s1+s5], $0x80, v0, vm0, $0xb8;
	[tilespmem:$0x1E680] =	vst v63  }
0x9e: {  	_ =	swait.ge [sflag:s30], $0x4000  }
0x9f: {  	[sflag:s30] =	ssyncset.done $0x0  }
0xa0: {  	[sflag:s30] =	ssyncadd.s32 $0xFFFFC000  }
0xa1: {  	_ =	swait.ge [sflag:s31], $0x4000  }
0xa2: {  	[sflag:s31] =	ssyncset.done $0x0  }
0xa3: {  	[sflag:s31] =	ssyncadd.s32 $0xFFFFC000  }
.LBB2_3:
0xa4: {  	s6 =	sshll.u32 s5, $0x4  }
0xa5: {  	v0 =	vld [tilespmem:s6+$0x0]  }
0xa6: {  	s7 =	sshll.u32 s5, $0xC;
	v1 =	vld [tilespmem:s6+$0x80]  }
0xa7: {  	v29 =	vld [tilespmem:s7+$0x100]  }
0xa8: {  	v12 =	vld [tilespmem:s7+$0x4100]  }
0xa9: {  	v13 =	vld [tilespmem:s7+$0x110]  }
0xaa: {  	v14 =	vld [tilespmem:s7+$0x4110]  }
0xab: {  	v15 =	vld [tilespmem:s7+$0x120]  }
0xac: {  	v16 =	vld [tilespmem:s7+$0x4120]  }
0xad: {  	v30 =	vld [tilespmem:s7+$0x130]  }
0xae: {  	v17 =	vld [tilespmem:s7+$0x4130]  }
0xaf: {  	v31 =	vld [tilespmem:s7+$0x140]  }
0xb0: {  	v18 =	vld [tilespmem:s7+$0x4140]  }
0xb1: {  	v33 =	vld [tilespmem:s7+$0x150]  }
0xb2: {  	v34 =	vld [tilespmem:s7+$0x4150]  }
0xb3: {  	v35 =	vld [tilespmem:s7+$0x160]  }
0xb4: {  	v36 =	vld [tilespmem:s7+$0x4160]  }
0xb5: {  	v38 =	vld [tilespmem:s7+$0x170]  }
0xb6: {  	v39 =	vld [tilespmem:s7+$0x4170]  }
0xb7: {  	v41 =	vld [tilespmem:s7+$0x500]  }
0xb8: {  	v42 =	vld [tilespmem:s7+$0x4500]  }
0xb9: {  	v44 =	vld [tilespmem:s7+$0x510]  }
0xba: {  	v45 =	vld [tilespmem:s7+$0x4510]  }
0xbb: {  	v47 =	vld [tilespmem:s7+$0x520]  }
0xbc: {  	v48 =	vld [tilespmem:s7+$0x4520]  }
0xbd: {  	v50 =	vld [tilespmem:s7+$0x530]  }
0xbe: {  	v51 =	vld [tilespmem:s7+$0x4530]  }
0xbf: {  	v53 =	vld [tilespmem:s7+$0x540]  }
0xc0: {  	v54 =	vld [tilespmem:s7+$0x4540]  }
0xc1: {  	v56 =	vld [tilespmem:s7+$0x550]  }
0xc2: {  	v57 =	vld [tilespmem:s7+$0x4550]  }
0xc3: {  	v60 =	vld [tilespmem:s7+$0x560]  }
0xc4: {  	v62 =	vld [tilespmem:s7+$0x4560]  }
0xc5: {  	v59 =	vmul.f32 v51, v50;
	v50 =	vld [tilespmem:s7+$0x180]  }
0xc6: {  	v55 =	vmul.f32 v48, v47;
	v48 =	vld [tilespmem:s7+$0x190]  }
0xc7: {  	v40 =	vmul.f32 v34, v33;
	v33 =	vld [tilespmem:s7+$0x4190]  }
0xc8: {  	v43 =	vmul.f32 v36, v35;
	v36 =	vld [tilespmem:s7+$0x1B0]  }
0xc9: {  	v34 =	vld [tilespmem:s7+$0x41C0]  }
0xca: {  	v47 =	vld [tilespmem:s7+$0x1D0]  }
0xcb: {  	v52 =	vmul.f32 v45, v44;
	v44 =	vld [tilespmem:s7+$0x41D0]  }
0xcc: {  	v35 =	vld [tilespmem:s7+$0x4590]  }
0xcd: {  	v46 =	vmul.f32 v39, v38;
	v39 =	vld [tilespmem:s7+$0x5A0]  }
0xce: {  	v49 =	vmul.f32 v42, v41;
	v41 =	vld [tilespmem:s7+$0x5B0]  }
0xcf: {  	v42 =	vld [tilespmem:s7+$0x45B0]  }
0xd0: {  	v45 =	vld [tilespmem:s7+$0x5C0]  }
0xd1: {  	v2 =	vld.idx.msk [tilespmem:v0+s18+$0x0], $0xffff  }
0xd2: {  	v4 =	vld.idx.msk [tilespmem:v0+s21+$0x0], $0xffff  }
0xd3: {  	v22 =	vld.idx.msk [tilespmem:v1+s18+$0x0], $0xffff  }
0xd4: {  	v7 =	vld.idx.msk [tilespmem:v1+s21+$0x0], $0xffff  }
0xd5: {  	v51 =	vld [tilespmem:s7+$0x45C0]  }
0xd6: {  	v5 =	vld.idx.msk [tilespmem:v0+s22+$0x0], $0xffff  }
0xd7: {  	v8 =	vld.idx.msk [tilespmem:v1+s22+$0x0], $0xffff  }
0xd8: {  	v63 =	vmul.f32 v54, v53;
	v53 =	vld [tilespmem:s7+$0x45D0]  }
0xd9: {  	v54 =	vld [tilespmem:s7+$0x5E0];
	v25 =	vmax.f32 v2, v22;
	v22 =	vmin.f32 v4, v7  }
0xda: {  	v13 =	vmul.f32 v14, v13;
	v14 =	vld [tilespmem:s7+$0x240];
	v61 =	vsub.f32 v22, v25  }
0xdb: {  	v3 =	vld.idx.msk [tilespmem:v0+s20+$0x0], $0xffff  }
0xdc: {  	v37 =	vmul.f32 v18, v31;
	v31 =	vmin.f32 v5, v8;
	v5 =	vmax.f32 v61, $0.0e+00;
	v61 =	vld [tilespmem:s7+$0x45F0]  }
0xdd: {  	v19 =	vld.idx.msk [tilespmem:v0+s23+$0x0], $0xffff  }
0xde: {  	v20 =	vld.idx.msk [tilespmem:v0+s24+$0x0], $0xffff  }
0xdf: {  	v6 =	vld.idx.msk [tilespmem:v0+s25+$0x0], $0xffff  }
0xe0: {  	v21 =	vld.idx.msk [tilespmem:v0+s26+$0x0], $0xffff  }
0xe1: {  	[tilespmem:$0x1EC00] =	vst v61;
	v61 =	vld [tilespmem:s7+$0x42F0]  }
0xe2: {  	v0 =	vld.idx.msk [tilespmem:v0+s28+$0x0], $0xffff  }
0xe3: {  	v23 =	vld.idx.msk [tilespmem:v1+s20+$0x0], $0xffff  }
0xe4: {  	v9 =	vld.idx.msk [tilespmem:v1+s23+$0x0], $0xffff  }
0xe5: {  	v10 =	vld.idx.msk [tilespmem:v1+s24+$0x0], $0xffff  }
0xe6: {  	[tilespmem:$0x1EBE0] =	vst v61;
	v61 =	vld [tilespmem:s7+$0x46B0]  }
0xe7: {  	v11 =	vld.idx.msk [tilespmem:v1+s25+$0x0], $0xffff  }
0xe8: {  	v28 =	vld.idx.msk [tilespmem:v1+s26+$0x0], $0xffff  }
0xe9: {  	v1 =	vld.idx.msk [tilespmem:v1+s28+$0x0], $0xffff  }
0xea: {  	[tilespmem:$0x1EAB0] =	vst v45;
	v45 =	vld [tilespmem:s7+$0x270]  }
0xeb: {  	[tilespmem:$0x1ED00] =	vst v61;
	v61 =	vld [tilespmem:s7+$0x46F0]  }
0xec: {  	[tilespmem:$0x1EAA0] =	vst v42;
	v42 =	vld [tilespmem:s7+$0x4270]  }
0xed: {  	[tilespmem:$0x1EAC0] =	vst v51;
	v51 =	vld [tilespmem:s7+$0x4600]  }
0xee: {  	[tilespmem:$0x1EA60] =	vst v35;
	v35 =	vld [tilespmem:s7+$0x4660]  }
0xef: {  	[tilespmem:$0x1EA70] =	vst v39;
	v39 =	vld [tilespmem:s7+$0x670]  }
0xf0: {  	[tilespmem:$0x1EFE0] =	vst v61;
	v61 =	vld [tilespmem:s7+$0x340]  }
0xf1: {  	[tilespmem:$0x1EB50] =	vst v54;
	v54 =	vld [tilespmem:s7+$0x2D0]  }
0xf2: {  	[tilespmem:$0x1EA90] =	vst v41;
	v41 =	vld [tilespmem:s7+$0x2E0]  }
0xf3: {  	[tilespmem:$0x1EB00] =	vst v53;
	v53 =	vld [tilespmem:s7+$0x42E0]  }
0xf4: {  	[tilespmem:$0x1EDB0] =	vst v11;
	v11 =	vmul.f32 v12, v29;
	v12 =	vmul.f32 v17, v30;
	v30 =	vld [tilespmem:s7+$0x41B0]  }
0xf5: {  	[tilespmem:$0x1EC70] =	vst v61;
	v61 =	vld [tilespmem:s7+$0x4340]  }
0xf6: {  	[tilespmem:$0x1FF60] =	vst v0;
	v0 =	vmul.f32 v57, v56;
	v56 =	vld [tilespmem:s7+$0x1E0]  }
0xf7: {  	v17 =	vmul.f32 v62, v60;
	v60 =	vld [tilespmem:s7+$0x1F0]  }
0xf8: {  	v57 =	vld [tilespmem:s7+$0x41F0]  }
0xf9: {  	v29 =	vld [tilespmem:s7+$0x590]  }
0xfa: {  	[tilespmem:$0x1EC80] =	vst v61;
	v61 =	vld [tilespmem:s7+$0x350]  }
0xfb: {  	[tilespmem:$0x1FFB0] =	vst v1;
	v1 =	vld [tilespmem:s7+$0x200]  }
0xfc: {  	v38 =	vmax.f32 v3, v23;
	v3 =	vld [tilespmem:s7+$0x210]  }
0xfd: {  	v7 =	vld [tilespmem:s7+$0x220]  }
0xfe: {  	v62 =	vld [tilespmem:s7+$0x610]  }
0xff: {  	[tilespmem:$0x1ECD0] =	vst v61;
	v61 =	vld [tilespmem:s7+$0x4350]  }
0x100: {  	v18 =	vadd.f32 v10, v20;
	v8 =	vld [tilespmem:s7+$0x4610]  }
0x101: {  	v4 =	vld [tilespmem:s7+$0x4280]  }
0x102: {  	(erf) = vrcp.f32 v18;
	v18 =	vld [tilespmem:s7+$0x4250]  }
0x103: {  	[tilespmem:$0x1EC90] =	vst v39;
	v39 =	vld [tilespmem:s7+$0x42C0]  }
0x104: {  	[tilespmem:$0x1ECE0] =	vst v61;
	v61 =	vld [tilespmem:s7+$0x360]  }
0x105: {  	[tilespmem:$0x1EC40] =	vst v35;
	v35 =	vld [tilespmem:s7+$0x4690]  }
0x106: {  	[tilespmem:$0x1EB90] =	vst v41;
	v41 =	vld [tilespmem:s7+$0x6A0]  }
0x107: {  	v26 =	vmul.f32 v10, v9;
	[tilespmem:$0x1EBA0] =	vst v53;
	v53 =	vld [tilespmem:s7+$0x46A0]  }
0x108: {  	[tilespmem:$0x1EDA0] =	vst v6;
	v6 =	vsub.f32 v31, v38;
	v11 =	vadd.f32 $0.0e+00, v11;
	(erf) = vrcp.f32 v10;
	v10 =	vld [tilespmem:s7+$0x4230]  }
0x109: {  	[tilespmem:$0x1ED10] =	vst v61;
	v61 =	vld [tilespmem:s7+$0x4360]  }
0x10a: {  	v6 =	vmax.f32 v6, $0.0e+00;
	v11 =	vadd.f32 v13, v11;
	v13 =	vld [tilespmem:s7+$0x4570]  }
0x10b: {  	v5 =	vmul.f32 v6, v5;
	v6 =	vld [tilespmem:s7+$0x4220]  }
0x10c: {  	(erf) = vrcp.f32 v9;
	v9 =	vld [tilespmem:s7+$0x620]  }
0x10d: {  	[tilespmem:$0x1EA50] =	vst v29;
	v29 =	vld [tilespmem:s7+$0x260]  }
0x10e: {  	[tilespmem:$0x1ED20] =	vst v61;
	v61 =	vld [tilespmem:s7+$0x370]  }
0x10f: {  	v32 =	vmul.f32 v16, v15;
	[tilespmem:$0x1EAE0] =	vst v8;
	v8 =	vld [tilespmem:s7+$0x4290]  }
0x110: {  	[tilespmem:$0x1EAD0] =	vst v62;
	v62 =	vld [tilespmem:s7+$0x680]  }
0x111: {  	v11 =	vadd.f32 v32, v11;
	v32 =	vld [tilespmem:s7+$0x41A0]  }
0x112: {  	[tilespmem:$0x1EC60] =	vst v35;
	v35 =	vld [tilespmem:s7+$0x46D0]  }
0x113: {  	[tilespmem:$0x1ED60] =	vst v61;
	v61 =	vld [tilespmem:s7+$0x4370]  }
0x114: {  	[tilespmem:$0x1ECB0] =	vst v41;
	v41 =	vld [tilespmem:s7+$0x6E0]  }
0x115: {  	[tilespmem:$0x1ECC0] =	vst v53;
	v53 =	vld [tilespmem:s7+$0x46E0]  }
0x116: {  	v11 =	vadd.f32 v12, v11;
	v12 =	vld [tilespmem:s7+$0x570]  }
0x117: {  	[tilespmem:$0x1EB10] =	vst v9;
	v9 =	vld [tilespmem:s7+$0x290]  }
0x118: {  	[tilespmem:$0x1ED70] =	vst v61;
	v61 =	vld [tilespmem:s7+$0x700]  }
0x119: {  	[tilespmem:$0x1EDC0] =	vst v21;
	v11 =	vadd.f32 v37, v11;
	v37 =	vld [tilespmem:s7+$0x1C0]  }
0x11a: {  	[tilespmem:$0x1EC10] =	vst v62;
	v62 =	vld [tilespmem:s7+$0x6C0]  }
0x11b: {  	[tilespmem:$0x1FF70] =	vst v20;
	v21 =	vmul.f32 v20, v19;
	v20 =	vpop (erf);
	v11 =	vadd.f32 v40, v11;
	v40 =	vld [tilespmem:s7+$0x45A0]  }
0x11c: {  	[tilespmem:$0x1FEB0] =	vst v20;
	v20 =	vld [tilespmem:s7+$0x250]  }
0x11d: {  	[tilespmem:$0x1EE00] =	vst v61;
	v61 =	vld [tilespmem:s7+$0x4700]  }
0x11e: {  	[tilespmem:$0x1EEF0] =	vst v41;
	v41 =	vld [tilespmem:s7+$0x320]  }
0x11f: {  	[tilespmem:$0x1EE80] =	vst v35;
	v35 =	vld [tilespmem:s7+$0x4320]  }
0x120: {  	[tilespmem:$0x1EF00] =	vst v53;
	v53 =	vld [tilespmem:s7+$0x4330]  }
0x121: {  	[tilespmem:$0x1FF90] =	vst v19;
	v19 =	vmul.f32 v13, v12;
	v12 =	vld [tilespmem:s7+$0x4240]  }
0x122: {  	[tilespmem:$0x1EE10] =	vst v61;
	v61 =	vld [tilespmem:s7+$0x710]  }
0x123: {  	v23 =	vpop (erf);
	v13 =	vld [tilespmem:s7+$0x4620]  }
0x124: {  	[tilespmem:$0x1FF80] =	vst v23;
	v23 =	vld [tilespmem:s7+$0x650]  }
0x125: {  	v24 =	vpop (erf);
	v11 =	vadd.f32 v43, v11;
	v43 =	vld [tilespmem:s7+$0x1A0]  }
0x126: {  	[tilespmem:$0x1FFA0] =	vst v24;
	v24 =	vld [tilespmem:s7+$0x4650]  }
0x127: {  	[tilespmem:$0x1EE20] =	vst v61;
	v61 =	vld [tilespmem:s7+$0x4710]  }
0x128: {  	v11 =	vadd.f32 v46, v11;
	v46 =	vld [tilespmem:s7+$0x4180]  }
0x129: {  	[tilespmem:$0x1EA80] =	vst v40;
	v40 =	vld [tilespmem:s7+$0x4670]  }
0x12a: {  	v11 =	vadd.f32 v49, v11;
	v49 =	vld [tilespmem:s7+$0x41E0]  }
0x12b: {  	[tilespmem:$0x1EBB0] =	vst v23;
	v23 =	vld [tilespmem:s7+$0x690]  }
0x12c: {  	[tilespmem:$0x1EE30] =	vst v61;
	v61 =	vld [tilespmem:s7+$0x720]  }
0x12d: {  	[tilespmem:$0x1EB20] =	vst v13;
	v13 =	vld [tilespmem:s7+$0x4300]  }
0x12e: {  	[tilespmem:$0x1EBC0] =	vst v24;
	v24 =	vld [tilespmem:s7+$0x42B0];
	v11 =	vadd.f32 v52, v11  }
0x12f: {  	v52 =	vld [tilespmem:s7+$0x5D0]  }
0x130: {  	v58 =	vadd.f32 v55, v11;
	v55 =	vld [tilespmem:s7+$0x45E0]  }
0x131: {  	[tilespmem:$0x1EEB0] =	vst v61;
	v61 =	vld [tilespmem:s7+$0x4720]  }
0x132: {  	v11 =	vld [tilespmem:s7+$0x230]  }
0x133: {  	[tilespmem:$0x1ECA0] =	vst v40;
	v40 =	vld [tilespmem:s7+$0x2C0]  }
0x134: {  	[tilespmem:$0x1EC50] =	vst v23;
	v23 =	vld [tilespmem:s7+$0x6D0]  }
0x135: {  	v2 =	vadd.f32 v59, v58;
	v59 =	vld [tilespmem:s7+$0x4580]  }
0x136: {  	[tilespmem:$0x1EEC0] =	vst v61;
	v61 =	vld [tilespmem:s7+$0x730]  }
0x137: {  	v58 =	vld [tilespmem:s7+$0x5F0]  }
0x138: {  	v16 =	vadd.f32 v26, v21;
	[tilespmem:$0x1EAF0] =	vst v52;
	v52 =	vld [tilespmem:s7+$0x42D0]  }
0x139: {  	v15 =	vadd.f32 v63, v2;
	v63 =	vld [tilespmem:s7+$0x580]  }
0x13a: {  	v2 =	vsub.f32 v16, v5;
	v16 =	vld [tilespmem:s7+$0x4630]  }
0x13b: {  	[tilespmem:$0x1EF10] =	vst v61;
	v61 =	vld [tilespmem:s7+$0x4730]  }
0x13c: {  	[tilespmem:$0x1FF50] =	vst v5;
	v5 =	vld [tilespmem:s7+$0x280]  }
0x13d: {  	[tilespmem:$0x1EB60] =	vst v55;
	v55 =	vld [tilespmem:s7+$0x2F0]  }
0x13e: {  	v0 =	vadd.f32 v0, v15;
	v15 =	vld [tilespmem:s7+$0x630]  }
0x13f: {  	[tilespmem:$0x1EE70] =	vst v23;
	v23 =	vld [tilespmem:s7+$0x310]  }
0x140: {  	v2 =	vadd.f32 $9.999999930e-09, v2;
	[tilespmem:$0x1EF20] =	vst v61;
	v61 =	vld [tilespmem:s7+$0x740]  }
0x141: {  	[tilespmem:$0x1EBF0] =	vst v58;
	v58 =	vld [tilespmem:s7+$0x600]  }
0x142: {  	v0 =	vadd.f32 v17, v0;
	(erf) = vrcp.f32 v2;
	v2 =	vld [tilespmem:s7+$0x4210]  }
0x143: {  	[tilespmem:$0x1EDD0] =	vst v28;
	v17 =	vld [tilespmem:s7+$0x640]  }
0x144: {  	[tilespmem:$0x1ED30] =	vst v62;
	v0 =	vadd.f32 v19, v0;
	v19 =	vld [tilespmem:s7+$0x4640]  }
0x145: {  	[tilespmem:$0x1EF90] =	vst v61;
	v61 =	vld [tilespmem:s7+$0x4740]  }
0x146: {  	[tilespmem:$0x1EBD0] =	vst v55;
	v55 =	vld [tilespmem:s7+$0x6B0];
	(xrf2) =	vadd.scan.msk.f32 $0xffff, v0  }
0x147: {  	[tilespmem:$0x1EB40] =	vst v16;
	v16 =	vld [tilespmem:s7+$0x42A0]  }
0x148: {  	[tilespmem:$0x1EB30] =	vst v15;
	v15 =	vld [tilespmem:s7+$0x300]  }
0x149: {  	[tilespmem:$0x1EB80] =	vst v19;
	v19 =	vld [tilespmem:s7+$0x4680]  }
0x14a: {  	[tilespmem:$0x1EFA0] =	vst v61;
	v61 =	vld [tilespmem:s7+$0x750]  }
0x14b: {  	[tilespmem:$0x1ECF0] =	vst v55;
	v55 =	vld [tilespmem:s7+$0x6F0]  }
0x14c: {  	v0 =	vld [tilespmem:s7+$0x4200];
	[tilespmem:$0x1EB70] =	vst v17;
	v27 =	vpop (erf)  }
0x14d: {  	[tilespmem:$0x1FF40] =	vst v27;
	v27 =	vld [tilespmem:s7+$0x660]  }
0x14e: {  	[tilespmem:$0x1EC20] =	vst v19;
	v19 =	vld [tilespmem:s7+$0x46C0]  }
0x14f: {  	[tilespmem:$0x1F030] =	vst v61;
	v61 =	vld [tilespmem:s7+$0x4750]  }
0x150: {  	v17 =	vld [tilespmem:s7+$0x2A0];
	[tilespmem:$0x1EFD0] =	vst v55;
	v28, _, _ =	vpop (xrf2)  }
0x151: {  	v55 =	vld [tilespmem:s7+$0x330];
	[tilespmem:$0x1EE60] =	vst v28  }
0x152: {  	v28 =	vld [tilespmem:s7+$0x4260];
	[tilespmem:$0x1EC30] =	vst v27  }
0x153: {  	v27 =	vld [tilespmem:s7+$0x2B0];
	[tilespmem:$0x1ED40] =	vst v19  }
0x154: {  	v19 =	vld [tilespmem:s7+$0x4310];
	[tilespmem:$0x1F040] =	vst v61  }
0x155: {  	v62 =	vld [tilespmem:s7+$0x390];
	_ =	sdelay $0x4  }
0x156: {  	[tilespmem:$0x1ED80] =	vst v62;
	v62 =	vld [tilespmem:s7+$0x4390];
	_ =	sdelay $0x4  }
0x157: {  	[tilespmem:$0x1ED90] =	vst v62;
	v62 =	vld [tilespmem:s7+$0x3A0];
	_ =	sdelay $0x4  }
0x158: {  	[tilespmem:$0x1EDE0] =	vst v62;
	v62 =	vld [tilespmem:s7+$0x43A0];
	_ =	sdelay $0x4  }
0x159: {  	[tilespmem:$0x1EDF0] =	vst v62;
	v62 =	vld [tilespmem:s7+$0x3B0];
	_ =	sdelay $0x4  }
0x15a: {  	[tilespmem:$0x1EE40] =	vst v62;
	v62 =	vld [tilespmem:s7+$0x43B0];
	_ =	sdelay $0x4  }
0x15b: {  	[tilespmem:$0x1EE50] =	vst v62;
	v62 =	vld [tilespmem:s7+$0x3C0];
	_ =	sdelay $0x4  }
0x15c: {  	[tilespmem:$0x1EE90] =	vst v62;
	v62 =	vld [tilespmem:s7+$0x43C0];
	_ =	sdelay $0x4  }
0x15d: {  	[tilespmem:$0x1EEA0] =	vst v62;
	v62 =	vld [tilespmem:s7+$0x3D0];
	_ =	sdelay $0x4  }
0x15e: {  	[tilespmem:$0x1EED0] =	vst v62;
	v62 =	vld [tilespmem:s7+$0x43D0];
	_ =	sdelay $0x4  }
0x15f: {  	[tilespmem:$0x1EEE0] =	vst v62;
	v62 =	vld [tilespmem:s7+$0x3E0];
	_ =	sdelay $0x4  }
0x160: {  	[tilespmem:$0x1EF30] =	vst v62;
	v62 =	vld [tilespmem:s7+$0x43E0];
	_ =	sdelay $0x4  }
0x161: {  	[tilespmem:$0x1EF40] =	vst v62;
	v62 =	vld [tilespmem:s7+$0x3F0];
	_ =	sdelay $0x4  }
0x162: {  	[tilespmem:$0x1EF70] =	vst v62;
	v62 =	vld [tilespmem:s7+$0x43F0];
	_ =	sdelay $0x4  }
0x163: {  	[tilespmem:$0x1EF80] =	vst v62;
	v62 =	vld [tilespmem:s7+$0x780];
	_ =	sdelay $0x4  }
0x164: {  	[tilespmem:$0x1EFF0] =	vst v62;
	v62 =	vld [tilespmem:s7+$0x4780];
	_ =	sdelay $0x4  }
0x165: {  	[tilespmem:$0x1F000] =	vst v62;
	v62 =	vld [tilespmem:s7+$0x790];
	_ =	sdelay $0x4  }
0x166: {  	[tilespmem:$0x1F050] =	vst v62;
	v62 =	vld [tilespmem:s7+$0x4790];
	_ =	sdelay $0x4  }
0x167: {  	[tilespmem:$0x1F060] =	vst v62;
	v62 =	vld [tilespmem:s7+$0x7A0];
	_ =	sdelay $0x4  }
0x168: {  	[tilespmem:$0x1F0B0] =	vst v62;
	v62 =	vld [tilespmem:s7+$0x47A0];
	_ =	sdelay $0x4  }
0x169: {  	[tilespmem:$0x1F0C0] =	vst v62;
	v62 =	vld [tilespmem:s7+$0x7B0];
	_ =	sdelay $0x4  }
0x16a: {  	[tilespmem:$0x1F150] =	vst v62;
	v62 =	vld [tilespmem:s7+$0x47B0];
	_ =	sdelay $0x4  }
0x16b: {  	[tilespmem:$0x1F160] =	vst v62;
	v62 =	vld [tilespmem:s7+$0x7C0];
	_ =	sdelay $0x4  }
0x16c: {  	[tilespmem:$0x1F1D0] =	vst v62;
	v62 =	vld [tilespmem:s7+$0x47C0];
	_ =	sdelay $0x4  }
0x16d: {  	[tilespmem:$0x1F1E0] =	vst v62;
	v62 =	vld [tilespmem:s7+$0x7D0];
	_ =	sdelay $0x4  }
0x16e: {  	[tilespmem:$0x1F270] =	vst v62;
	v62 =	vld [tilespmem:s7+$0x47D0];
	_ =	sdelay $0x4  }
0x16f: {  	[tilespmem:$0x1F280] =	vst v62;
	v62 =	vld [tilespmem:s7+$0x7E0];
	_ =	sdelay $0x4  }
0x170: {  	[tilespmem:$0x1F2F0] =	vst v62;
	v62 =	vld [tilespmem:s7+$0x47E0];
	_ =	sdelay $0x4  }
0x171: {  	[tilespmem:$0x1F300] =	vst v62;
	v62 =	vld [tilespmem:s7+$0x7F0];
	_ =	sdelay $0x4  }
0x172: {  	[tilespmem:$0x1F3F0] =	vst v62;
	v62 =	vld [tilespmem:s7+$0x47F0];
	_ =	sdelay $0x4  }
0x173: {  	[tilespmem:$0x1F400] =	vst v62;
	v62 =	vld [tilespmem:s7+$0x400];
	_ =	sdelay $0x4  }
0x174: {  	[tilespmem:$0x1EF50] =	vst v62;
	v62 =	vld [tilespmem:s7+$0x4400];
	_ =	sdelay $0x4  }
0x175: {  	[tilespmem:$0x1EF60] =	vst v62;
	v62 =	vld [tilespmem:s7+$0x410];
	_ =	sdelay $0x4  }
0x176: {  	[tilespmem:$0x1EFB0] =	vst v62;
	v62 =	vld [tilespmem:s7+$0x4410];
	_ =	sdelay $0x4  }
0x177: {  	[tilespmem:$0x1EFC0] =	vst v62;
	v62 =	vld [tilespmem:s7+$0x420];
	_ =	sdelay $0x4  }
0x178: {  	[tilespmem:$0x1F010] =	vst v62;
	v62 =	vld [tilespmem:s7+$0x4420];
	_ =	sdelay $0x4  }
0x179: {  	[tilespmem:$0x1F020] =	vst v62;
	v62 =	vld [tilespmem:s7+$0x430];
	_ =	sdelay $0x4  }
0x17a: {  	[tilespmem:$0x1F070] =	vst v62;
	v62 =	vld [tilespmem:s7+$0x4430];
	_ =	sdelay $0x4  }
0x17b: {  	[tilespmem:$0x1F080] =	vst v62;
	v62 =	vld [tilespmem:s7+$0x440];
	_ =	sdelay $0x4  }
0x17c: {  	[tilespmem:$0x1F0D0] =	vst v62;
	v62 =	vld [tilespmem:s7+$0x4440];
	_ =	sdelay $0x4  }
0x17d: {  	[tilespmem:$0x1F0E0] =	vst v62;
	v62 =	vld [tilespmem:s7+$0x450];
	_ =	sdelay $0x4  }
0x17e: {  	[tilespmem:$0x1F130] =	vst v62;
	v62 =	vld [tilespmem:s7+$0x4450];
	_ =	sdelay $0x4  }
0x17f: {  	[tilespmem:$0x1F140] =	vst v62;
	v62 =	vld [tilespmem:s7+$0x460];
	_ =	sdelay $0x4  }
0x180: {  	[tilespmem:$0x1F190] =	vst v62;
	v62 =	vld [tilespmem:s7+$0x4460];
	_ =	sdelay $0x4  }
0x181: {  	[tilespmem:$0x1F1A0] =	vst v62;
	v62 =	vld [tilespmem:s7+$0x470];
	_ =	sdelay $0x4  }
0x182: {  	[tilespmem:$0x1F1F0] =	vst v62;
	v62 =	vld [tilespmem:s7+$0x4470];
	_ =	sdelay $0x4  }
0x183: {  	[tilespmem:$0x1F200] =	vst v62;
	v62 =	vld [tilespmem:s7+$0x800];
	_ =	sdelay $0x4  }
0x184: {  	[tilespmem:$0x1F250] =	vst v62;
	v62 =	vld [tilespmem:s7+$0x4800];
	_ =	sdelay $0x4  }
0x185: {  	[tilespmem:$0x1F260] =	vst v62;
	v62 =	vld [tilespmem:s7+$0x810];
	_ =	sdelay $0x4  }
0x186: {  	[tilespmem:$0x1F2B0] =	vst v62;
	v62 =	vld [tilespmem:s7+$0x4810];
	_ =	sdelay $0x4  }
0x187: {  	[tilespmem:$0x1F2C0] =	vst v62;
	v62 =	vld [tilespmem:s7+$0x820];
	_ =	sdelay $0x4  }
0x188: {  	[tilespmem:$0x1F330] =	vst v62;
	v62 =	vld [tilespmem:s7+$0x4820];
	_ =	sdelay $0x4  }
0x189: {  	[tilespmem:$0x1F340] =	vst v62;
	v62 =	vld [tilespmem:s7+$0x830];
	_ =	sdelay $0x4  }
0x18a: {  	[tilespmem:$0x1F3B0] =	vst v62;
	v62 =	vld [tilespmem:s7+$0x4830];
	_ =	sdelay $0x4  }
0x18b: {  	[tilespmem:$0x1F3C0] =	vst v62;
	v62 =	vld [tilespmem:s7+$0x840];
	_ =	sdelay $0x4  }
0x18c: {  	[tilespmem:$0x1F450] =	vst v62;
	v62 =	vld [tilespmem:s7+$0x4840];
	_ =	sdelay $0x4  }
0x18d: {  	[tilespmem:$0x1F460] =	vst v62;
	v62 =	vld [tilespmem:s7+$0x850];
	_ =	sdelay $0x4  }
0x18e: {  	[tilespmem:$0x1F4B0] =	vst v62;
	v62 =	vld [tilespmem:s7+$0x4850];
	_ =	sdelay $0x4  }
0x18f: {  	[tilespmem:$0x1F4C0] =	vst v62;
	v62 =	vld [tilespmem:s7+$0x860];
	_ =	sdelay $0x4  }
0x190: {  	[tilespmem:$0x1F510] =	vst v62;
	v62 =	vld [tilespmem:s7+$0x4860];
	_ =	sdelay $0x4  }
0x191: {  	[tilespmem:$0x1F520] =	vst v62;
	v62 =	vld [tilespmem:s7+$0x870];
	_ =	sdelay $0x4  }
0x192: {  	[tilespmem:$0x1F630] =	vst v62;
	v62 =	vld [tilespmem:s7+$0x4870];
	_ =	sdelay $0x4  }
0x193: {  	[tilespmem:$0x1F640] =	vst v62;
	v62 =	vld [tilespmem:s7+$0x480];
	_ =	sdelay $0x4  }
0x194: {  	[tilespmem:$0x1F090] =	vst v62;
	v62 =	vld [tilespmem:s7+$0x4480];
	_ =	sdelay $0x4  }
0x195: {  	[tilespmem:$0x1F0A0] =	vst v62;
	v62 =	vld [tilespmem:s7+$0x490];
	_ =	sdelay $0x4  }
0x196: {  	[tilespmem:$0x1F110] =	vst v62;
	v62 =	vld [tilespmem:s7+$0x4490];
	_ =	sdelay $0x4  }
0x197: {  	[tilespmem:$0x1F120] =	vst v62;
	v62 =	vld [tilespmem:s7+$0x4A0];
	_ =	sdelay $0x4  }
0x198: {  	[tilespmem:$0x1F170] =	vst v62;
	v62 =	vld [tilespmem:s7+$0x44A0];
	_ =	sdelay $0x4  }
0x199: {  	[tilespmem:$0x1F180] =	vst v62;
	v62 =	vld [tilespmem:s7+$0x4B0];
	_ =	sdelay $0x4  }
0x19a: {  	[tilespmem:$0x1F1B0] =	vst v62;
	v62 =	vld [tilespmem:s7+$0x44B0];
	_ =	sdelay $0x4  }
0x19b: {  	[tilespmem:$0x1F1C0] =	vst v62;
	v62 =	vld [tilespmem:s7+$0x4C0];
	_ =	sdelay $0x4  }
0x19c: {  	[tilespmem:$0x1F230] =	vst v62;
	v62 =	vld [tilespmem:s7+$0x44C0];
	_ =	sdelay $0x4  }
0x19d: {  	[tilespmem:$0x1F240] =	vst v62;
	v62 =	vld [tilespmem:s7+$0x4D0];
	_ =	sdelay $0x4  }
0x19e: {  	[tilespmem:$0x1F290] =	vst v62;
	v62 =	vld [tilespmem:s7+$0x44D0];
	_ =	sdelay $0x4  }
0x19f: {  	[tilespmem:$0x1F2A0] =	vst v62;
	v62 =	vld [tilespmem:s7+$0x4E0];
	_ =	sdelay $0x4  }
0x1a0: {  	[tilespmem:$0x1F2D0] =	vst v62;
	v62 =	vld [tilespmem:s7+$0x44E0];
	_ =	sdelay $0x4  }
0x1a1: {  	[tilespmem:$0x1F2E0] =	vst v62;
	v62 =	vld [tilespmem:s7+$0x4F0];
	_ =	sdelay $0x4  }
0x1a2: {  	[tilespmem:$0x1F350] =	vst v62;
	v62 =	vld [tilespmem:s7+$0x44F0];
	_ =	sdelay $0x4  }
0x1a3: {  	[tilespmem:$0x1F360] =	vst v62;
	v62 =	vld [tilespmem:s7+$0x880];
	_ =	sdelay $0x4  }
0x1a4: {  	[tilespmem:$0x1F390] =	vst v62;
	v62 =	vld [tilespmem:s7+$0x4880];
	_ =	sdelay $0x4  }
0x1a5: {  	[tilespmem:$0x1F3A0] =	vst v62;
	v62 =	vld [tilespmem:s7+$0x890];
	_ =	sdelay $0x4  }
0x1a6: {  	[tilespmem:$0x1F410] =	vst v62;
	v62 =	vld [tilespmem:s7+$0x4890];
	_ =	sdelay $0x4  }
0x1a7: {  	[tilespmem:$0x1F420] =	vst v62;
	v62 =	vld [tilespmem:s7+$0x8A0];
	_ =	sdelay $0x4  }
0x1a8: {  	[tilespmem:$0x1F470] =	vst v62;
	v62 =	vld [tilespmem:s7+$0x48A0];
	_ =	sdelay $0x4  }
0x1a9: {  	[tilespmem:$0x1F480] =	vst v62;
	v62 =	vld [tilespmem:s7+$0x8B0];
	_ =	sdelay $0x4  }
0x1aa: {  	[tilespmem:$0x1F4D0] =	vst v62;
	v62 =	vld [tilespmem:s7+$0x48B0];
	_ =	sdelay $0x4  }
0x1ab: {  	[tilespmem:$0x1F4E0] =	vst v62;
	v62 =	vld [tilespmem:s7+$0x8C0];
	_ =	sdelay $0x4  }
0x1ac: {  	[tilespmem:$0x1F570] =	vst v62;
	v62 =	vld [tilespmem:s7+$0x48C0];
	_ =	sdelay $0x4  }
0x1ad: {  	[tilespmem:$0x1F580] =	vst v62;
	v62 =	vld [tilespmem:s7+$0x8D0];
	_ =	sdelay $0x4  }
0x1ae: {  	[tilespmem:$0x1F5F0] =	vst v62;
	v62 =	vld [tilespmem:s7+$0x48D0];
	_ =	sdelay $0x4  }
0x1af: {  	[tilespmem:$0x1F600] =	vst v62;
	v62 =	vld [tilespmem:s7+$0x8E0];
	_ =	sdelay $0x4  }
0x1b0: {  	[tilespmem:$0x1F690] =	vst v62;
	v62 =	vld [tilespmem:s7+$0x48E0];
	_ =	sdelay $0x4  }
0x1b1: {  	[tilespmem:$0x1F6A0] =	vst v62;
	v62 =	vld [tilespmem:s7+$0x8F0];
	_ =	sdelay $0x4  }
0x1b2: {  	[tilespmem:$0x1F750] =	vst v62;
	v62 =	vld [tilespmem:s7+$0x48F0];
	_ =	sdelay $0x4  }
0x1b3: {  	[tilespmem:$0x1F760] =	vst v62;
	v62 =	vld [tilespmem:s7+$0x900];
	_ =	sdelay $0x4  }
0x1b4: {  	[tilespmem:$0x1F310] =	vst v62;
	v62 =	vld [tilespmem:s7+$0x4900];
	_ =	sdelay $0x4  }
0x1b5: {  	[tilespmem:$0x1F320] =	vst v62;
	v62 =	vld [tilespmem:s7+$0x910];
	_ =	sdelay $0x4  }
0x1b6: {  	[tilespmem:$0x1F370] =	vst v62;
	v62 =	vld [tilespmem:s7+$0x4910];
	_ =	sdelay $0x4  }
0x1b7: {  	[tilespmem:$0x1F380] =	vst v62;
	v62 =	vld [tilespmem:s7+$0x920];
	_ =	sdelay $0x4  }
0x1b8: {  	[tilespmem:$0x1F3D0] =	vst v62;
	v62 =	vld [tilespmem:s7+$0x4920];
	_ =	sdelay $0x4  }
0x1b9: {  	[tilespmem:$0x1F3E0] =	vst v62;
	v62 =	vld [tilespmem:s7+$0x930];
	_ =	sdelay $0x4  }
0x1ba: {  	[tilespmem:$0x1F430] =	vst v62;
	v62 =	vld [tilespmem:s7+$0x4930];
	_ =	sdelay $0x4  }
0x1bb: {  	[tilespmem:$0x1F440] =	vst v62;
	v62 =	vld [tilespmem:s7+$0x940];
	_ =	sdelay $0x4  }
0x1bc: {  	[tilespmem:$0x1F490] =	vst v62;
	v62 =	vld [tilespmem:s7+$0x4940];
	_ =	sdelay $0x4  }
0x1bd: {  	[tilespmem:$0x1F4A0] =	vst v62;
	v62 =	vld [tilespmem:s7+$0x950];
	_ =	sdelay $0x4  }
0x1be: {  	[tilespmem:$0x1F4F0] =	vst v62;
	v62 =	vld [tilespmem:s7+$0x4950];
	_ =	sdelay $0x4  }
0x1bf: {  	[tilespmem:$0x1F500] =	vst v62;
	v62 =	vld [tilespmem:s7+$0x960];
	_ =	sdelay $0x4  }
0x1c0: {  	[tilespmem:$0x1F550] =	vst v62;
	v62 =	vld [tilespmem:s7+$0x4960];
	_ =	sdelay $0x4  }
0x1c1: {  	[tilespmem:$0x1F560] =	vst v62;
	v62 =	vld [tilespmem:s7+$0x970];
	_ =	sdelay $0x4  }
0x1c2: {  	[tilespmem:$0x1F5B0] =	vst v62;
	v62 =	vld [tilespmem:s7+$0x4970];
	_ =	sdelay $0x4  }
0x1c3: {  	[tilespmem:$0x1F5C0] =	vst v62;
	v62 =	vld [tilespmem:s7+$0xD00];
	_ =	sdelay $0x4  }
0x1c4: {  	[tilespmem:$0x1F610] =	vst v62;
	v62 =	vld [tilespmem:s7+$0x4D00];
	_ =	sdelay $0x4  }
0x1c5: {  	[tilespmem:$0x1F620] =	vst v62;
	v62 =	vld [tilespmem:s7+$0xD10];
	_ =	sdelay $0x4  }
0x1c6: {  	[tilespmem:$0x1F670] =	vst v62;
	v62 =	vld [tilespmem:s7+$0x4D10];
	_ =	sdelay $0x4  }
0x1c7: {  	[tilespmem:$0x1F680] =	vst v62;
	v62 =	vld [tilespmem:s7+$0xD20];
	_ =	sdelay $0x4  }
0x1c8: {  	[tilespmem:$0x1F6D0] =	vst v62;
	v62 =	vld [tilespmem:s7+$0x4D20];
	_ =	sdelay $0x4  }
0x1c9: {  	[tilespmem:$0x1F6E0] =	vst v62;
	v62 =	vld [tilespmem:s7+$0xD30];
	_ =	sdelay $0x4  }
0x1ca: {  	[tilespmem:$0x1F710] =	vst v62;
	v62 =	vld [tilespmem:s7+$0x4D30];
	_ =	sdelay $0x4  }
0x1cb: {  	[tilespmem:$0x1F720] =	vst v62;
	v62 =	vld [tilespmem:s7+$0xD40];
	_ =	sdelay $0x4  }
0x1cc: {  	[tilespmem:$0x1F7B0] =	vst v62;
	v62 =	vld [tilespmem:s7+$0x4D40];
	_ =	sdelay $0x4  }
0x1cd: {  	[tilespmem:$0x1F7C0] =	vst v62;
	v62 =	vld [tilespmem:s7+$0xD50];
	_ =	sdelay $0x4  }
0x1ce: {  	[tilespmem:$0x1F830] =	vst v62;
	v62 =	vld [tilespmem:s7+$0x4D50];
	_ =	sdelay $0x4  }
0x1cf: {  	[tilespmem:$0x1F840] =	vst v62;
	v62 =	vld [tilespmem:s7+$0xD60];
	_ =	sdelay $0x4  }
0x1d0: {  	[tilespmem:$0x1F920] =	vst v62;
	v62 =	vld [tilespmem:s7+$0x4D60];
	_ =	sdelay $0x4  }
0x1d1: {  	[tilespmem:$0x1F930] =	vst v62;
	v62 =	vld [tilespmem:s7+$0xD70];
	_ =	sdelay $0x4  }
0x1d2: {  	[tilespmem:$0x1FA10] =	vst v62;
	v62 =	vld [tilespmem:s7+$0x4D70];
	_ =	sdelay $0x4  }
0x1d3: {  	[tilespmem:$0x1FA20] =	vst v62;
	v62 =	vld [tilespmem:s7+$0x980];
	_ =	sdelay $0x4  }
0x1d4: {  	[tilespmem:$0x1F530] =	vst v62;
	v62 =	vld [tilespmem:s7+$0x4980];
	_ =	sdelay $0x4  }
0x1d5: {  	[tilespmem:$0x1F540] =	vst v62;
	v62 =	vld [tilespmem:s7+$0x990];
	_ =	sdelay $0x4  }
0x1d6: {  	[tilespmem:$0x1F590] =	vst v62;
	v62 =	vld [tilespmem:s7+$0x4990];
	_ =	sdelay $0x4  }
0x1d7: {  	[tilespmem:$0x1F5A0] =	vst v62;
	v62 =	vld [tilespmem:s7+$0x9A0];
	_ =	sdelay $0x4  }
0x1d8: {  	[tilespmem:$0x1F5D0] =	vst v62;
	v62 =	vld [tilespmem:s7+$0x49A0];
	_ =	sdelay $0x4  }
0x1d9: {  	[tilespmem:$0x1F5E0] =	vst v62;
	v62 =	vld [tilespmem:s7+$0x9B0];
	_ =	sdelay $0x4  }
0x1da: {  	[tilespmem:$0x1F650] =	vst v62;
	v62 =	vld [tilespmem:s7+$0x49B0];
	_ =	sdelay $0x4  }
0x1db: {  	[tilespmem:$0x1F660] =	vst v62;
	v62 =	vld [tilespmem:s7+$0x9C0];
	_ =	sdelay $0x4  }
0x1dc: {  	[tilespmem:$0x1F6B0] =	vst v62;
	v62 =	vld [tilespmem:s7+$0x49C0];
	_ =	sdelay $0x4  }
0x1dd: {  	[tilespmem:$0x1F6C0] =	vst v62;
	v62 =	vld [tilespmem:s7+$0x9D0];
	_ =	sdelay $0x4  }
0x1de: {  	[tilespmem:$0x1F6F0] =	vst v62;
	v62 =	vld [tilespmem:s7+$0x49D0];
	_ =	sdelay $0x4  }
0x1df: {  	[tilespmem:$0x1F700] =	vst v62;
	v62 =	vld [tilespmem:s7+$0x9E0];
	_ =	sdelay $0x4  }
0x1e0: {  	[tilespmem:$0x1F770] =	vst v62;
	v62 =	vld [tilespmem:s7+$0x49E0];
	_ =	sdelay $0x4  }
0x1e1: {  	[tilespmem:$0x1F780] =	vst v62;
	v62 =	vld [tilespmem:s7+$0x9F0];
	_ =	sdelay $0x4  }
0x1e2: {  	[tilespmem:$0x1F7D0] =	vst v62;
	v62 =	vld [tilespmem:s7+$0x49F0];
	_ =	sdelay $0x4  }
0x1e3: {  	[tilespmem:$0x1F7E0] =	vst v62;
	v62 =	vld [tilespmem:s7+$0xD80];
	_ =	sdelay $0x4  }
0x1e4: {  	[tilespmem:$0x1F810] =	vst v62;
	v62 =	vld [tilespmem:s7+$0x4D80];
	_ =	sdelay $0x4  }
0x1e5: {  	[tilespmem:$0x1F820] =	vst v62;
	v62 =	vld [tilespmem:s7+$0xDD0];
	_ =	sdelay $0x4  }
0x1e6: {  	[tilespmem:$0x1FA70] =	vst v62;
	v62 =	vld [tilespmem:s7+$0xD90];
	_ =	sdelay $0x4  }
0x1e7: {  	[tilespmem:$0x1F870] =	vst v62;
	v62 =	vld [tilespmem:s7+$0x4D90];
	_ =	sdelay $0x4  }
0x1e8: {  	[tilespmem:$0x1F880] =	vst v62;
	v62 =	vld [tilespmem:s7+$0xDA0];
	_ =	sdelay $0x4  }
0x1e9: {  	[tilespmem:$0x1F8E0] =	vst v62;
	v62 =	vld [tilespmem:s7+$0x4DA0];
	_ =	sdelay $0x4  }
0x1ea: {  	[tilespmem:$0x1F8F0] =	vst v62;
	v62 =	vld [tilespmem:s7+$0xDB0];
	_ =	sdelay $0x4  }
0x1eb: {  	[tilespmem:$0x1F960] =	vst v62;
	v62 =	vld [tilespmem:s7+$0x4DB0];
	_ =	sdelay $0x4  }
0x1ec: {  	[tilespmem:$0x1F970] =	vst v62;
	v62 =	vld [tilespmem:s7+$0xDC0];
	_ =	sdelay $0x4  }
0x1ed: {  	[tilespmem:$0x1F9D0] =	vst v62;
	v62 =	vld [tilespmem:s7+$0x4A60];
	_ =	sdelay $0x4  }
0x1ee: {  	[tilespmem:$0x1F940] =	vst v62;
	v62 =	vld [tilespmem:s7+$0x4DC0];
	_ =	sdelay $0x4  }
0x1ef: {  	[tilespmem:$0x1F9E0] =	vst v62;
	v62 =	vld [tilespmem:s7+$0x4DD0];
	_ =	sdelay $0x4  }
0x1f0: {  	[tilespmem:$0x1FA80] =	vst v62;
	v62 =	vld [tilespmem:s7+$0xDE0];
	_ =	sdelay $0x4  }
0x1f1: {  	[tilespmem:$0x1FAE0] =	vst v62;
	v62 =	vld [tilespmem:s7+$0x4DE0];
	_ =	sdelay $0x4  }
0x1f2: {  	[tilespmem:$0x1FAF0] =	vst v62;
	v62 =	vld [tilespmem:s7+$0xDF0];
	_ =	sdelay $0x4  }
0x1f3: {  	[tilespmem:$0x1FB70] =	vst v62;
	v62 =	vld [tilespmem:s7+$0x4DF0];
	_ =	sdelay $0x4  }
0x1f4: {  	[tilespmem:$0x1FB80] =	vst v62;
	v62 =	vld [tilespmem:s7+$0xA00];
	_ =	sdelay $0x4  }
0x1f5: {  	[tilespmem:$0x1F730] =	vst v62;
	v62 =	vld [tilespmem:s7+$0x4A00];
	_ =	sdelay $0x4  }
0x1f6: {  	[tilespmem:$0x1F740] =	vst v62;
	v62 =	vld [tilespmem:s7+$0xA10];
	_ =	sdelay $0x4  }
0x1f7: {  	[tilespmem:$0x1F790] =	vst v62;
	v62 =	vld [tilespmem:s7+$0x4A10];
	_ =	sdelay $0x4  }
0x1f8: {  	[tilespmem:$0x1F7A0] =	vst v62;
	v62 =	vld [tilespmem:s7+$0xA20];
	_ =	sdelay $0x4  }
0x1f9: {  	[tilespmem:$0x1F7F0] =	vst v62;
	v62 =	vld [tilespmem:s7+$0x4A20];
	_ =	sdelay $0x4  }
0x1fa: {  	[tilespmem:$0x1F800] =	vst v62;
	v62 =	vld [tilespmem:s7+$0xA30];
	_ =	sdelay $0x4  }
0x1fb: {  	[tilespmem:$0x1F850] =	vst v62;
	v62 =	vld [tilespmem:s7+$0x4A30];
	_ =	sdelay $0x2  }
0x1fc: {  	v46 =	vmul.f32 v46, v50  }
0x1fd: {  	v61 =	vld [tilespmem:s7+$0x760]  }
0x1fe: {  	v33 =	vmul.f32 v33, v48;
	v46 =	vadd.f32 $0.0e+00, v46;
	[tilespmem:$0x1F860] =	vst v62;
	v62 =	vld [tilespmem:s7+$0x4E90]  }
0x1ff: {  	v50 =	vld [tilespmem:s7+$0xE30]  }
0x200: {  	v32 =	vmul.f32 v32, v43;
	v33 =	vadd.f32 v33, v46;
	v46 =	vld [tilespmem:s7+$0xE40]  }
0x201: {  	v48 =	vld [tilespmem:s7+$0x4E40]  }
0x202: {  	v30 =	vmul.f32 v30, v36;
	v32 =	vadd.f32 v32, v33;
	v43 =	vld [tilespmem:s7+$0xE60]  }
0x203: {  	[tilespmem:$0x1FB30] =	vst v62;
	v62 =	vld [tilespmem:s7+$0xA40]  }
0x204: {  	v30 =	vadd.f32 v30, v32;
	v32 =	vld [tilespmem:$0x1EA70]  }
0x205: {  	v33 =	vld [tilespmem:$0x1EA80]  }
0x206: {  	[tilespmem:$0x1F0F0] =	vst v61;
	v61 =	vld [tilespmem:s7+$0x4760]  }
0x207: {  	[tilespmem:$0x1FB00] =	vst v50;
	v50 =	vmul.f32 v34, v37;
	v34 =	vld [tilespmem:s7+$0x4E50]  }
0x208: {  	[tilespmem:$0x1F8A0] =	vst v62;
	v62 =	vld [tilespmem:s7+$0xE80]  }
0x209: {  	v37 =	vmul.f32 v44, v47;
	v44 =	vld [tilespmem:s7+$0x4E60]  }
0x20a: {  	v47 =	vld [tilespmem:s7+$0xE70]  }
0x20b: {  	[tilespmem:$0x1FB50] =	vst v46;
	v46 =	vmul.f32 v49, v56;
	v49 =	vld [tilespmem:s7+$0x4E70]  }
0x20c: {  	v56 =	vld [tilespmem:s7+$0xA80]  }
0x20d: {  	v0 =	vmul.f32 v0, v1;
	[tilespmem:$0x1FB20] =	vst v62;
	v62 =	vld [tilespmem:s7+$0x4A40]  }
0x20e: {  	v36 =	vadd.f32 v50, v30;
	v50 =	vmul.f32 v57, v60;
	v57 =	vmul.f32 v10, v11;
	v10 =	vld [tilespmem:s7+$0x4A80]  }
0x20f: {  	v2 =	vmul.f32 v2, v3;
	v0 =	vadd.f32 $0.0e+00, v0;
	v11 =	vld [tilespmem:s7+$0x4A90]  }
0x210: {  	v60 =	vmul.f32 v59, v63;
	v63 =	vmul.f32 v12, v14;
	v12 =	vld [tilespmem:$0x1EA50]  }
0x211: {  	v0 =	vadd.f32 v2, v0;
	[tilespmem:$0x1FB60] =	vst v48;
	v48 =	vmul.f32 v6, v7;
	v14 =	vld [tilespmem:$0x1EA60]  }
0x212: {  	[tilespmem:$0x1F8B0] =	vst v62;
	v62 =	vld [tilespmem:s7+$0xA50]  }
0x213: {  	v0 =	vadd.f32 v48, v0;
	v48 =	vld [tilespmem:s7+$0x4AC0]  }
0x214: {  	v59 =	vmul.f32 v16, v17;
	v17 =	vld [tilespmem:s7+$0xAF0]  }
0x215: {  	v30 =	vmul.f32 v18, v20;
	v18 =	vld [tilespmem:$0x1EAF0]  }
0x216: {  	v20 =	vld [tilespmem:$0x1EB00]  }
0x217: {  	[tilespmem:$0x1F900] =	vst v62;
	v62 =	vld [tilespmem:s7+$0x4A50]  }
0x218: {  	v16 =	vmul.f32 v24, v27;
	v24 =	vld [tilespmem:$0x1EB10]  }
0x219: {  	v27 =	vld [tilespmem:$0x1EB20]  }
0x21a: {  	v1 =	vadd.f32 v37, v36;
	v37 =	vld [tilespmem:s7+$0x4AB0]  }
0x21b: {  	v36 =	vmul.f32 v28, v29;
	v28 =	vld [tilespmem:s7+$0xAE0]  }
0x21c: {  	[tilespmem:$0x1F910] =	vst v62;
	v62 =	vld [tilespmem:s7+$0xA60]  }
0x21d: {  	v0 =	vadd.f32 v57, v0;
	v57 =	vld [tilespmem:$0x1EAB0]  }
0x21e: {  	v29 =	vld [tilespmem:s7+$0x4AF0]  }
0x21f: {  	[tilespmem:$0x1F100] =	vst v61;
	v61 =	vld [tilespmem:s7+$0x770]  }
0x220: {  	[tilespmem:$0x1FBD0] =	vst v34;
	v34 =	vld [tilespmem:s7+$0xAB0]  }
0x221: {  	[tilespmem:$0x1F950] =	vst v62;
	v62 =	vld [tilespmem:s7+$0xA70]  }
0x222: {  	[tilespmem:$0x1FC50] =	vst v44;
	v44 =	vld [tilespmem:$0x1EA90]  }
0x223: {  	[tilespmem:$0x1F890] =	vst v56;
	v56 =	vmul.f32 v51, v58;
	v58 =	vld [tilespmem:$0x1EAC0]  }
0x224: {  	[tilespmem:$0x1FD10] =	vst v49;
	v49 =	vmul.f32 v8, v9;
	v9 =	vld [tilespmem:s7+$0x4AE0]  }
0x225: {  	[tilespmem:$0x1FD00] =	vst v47;
	v47 =	vmul.f32 v42, v45;
	v42 =	vld [tilespmem:$0x1EB70]  }
0x226: {  	[tilespmem:$0x1F9A0] =	vst v62;
	v62 =	vld [tilespmem:s7+$0x4A70]  }
0x227: {  	v45 =	vld [tilespmem:s7+$0x4EA0]  }
0x228: {  	v51 =	vld [tilespmem:s7+$0x4EB0]  }
0x229: {  	v1 =	vadd.f32 v46, v1;
	v46 =	vld [tilespmem:$0x1EAA0]  }
0x22a: {  	v0 =	vadd.f32 v63, v0;
	v63 =	vld [tilespmem:$0x1EAE0]  }
0x22b: {  	[tilespmem:$0x1F9B0] =	vst v62;
	v62 =	vld [tilespmem:s7+$0x4E20]  }
0x22c: {  	[tilespmem:$0x1F8D0] =	vst v11;
	v11 =	vld [tilespmem:s7+$0xAA0]  }
0x22d: {  	v3 =	vmul.f32 v14, v12;
	v14 =	vld [tilespmem:s7+$0x4AA0]  }
0x22e: {  	v12 =	vld [tilespmem:s7+$0xAC0]  }
0x22f: {  	[tilespmem:$0x1F9C0] =	vst v48;
	v48 =	vld [tilespmem:s7+$0xEB0]  }
0x230: {  	[tilespmem:$0x1FAA0] =	vst v62;
	v62 =	vld [tilespmem:s7+$0xE20]  }
0x231: {  	[tilespmem:$0x1FAC0] =	vst v17;
	v17 =	vld [tilespmem:$0x1EC30]  }
0x232: {  	[tilespmem:$0x1FC40] =	vst v43;
	v43 =	vmul.f32 v4, v5;
	v5 =	vmul.f32 v20, v18;
	v18 =	vld [tilespmem:$0x1EC40]  }
0x233: {  	v20 =	vld [tilespmem:s7+$0x4ED0]  }
0x234: {  	v1 =	vadd.f32 v50, v1;
	v50 =	vld [tilespmem:s7+$0xAD0]  }
0x235: {  	[tilespmem:$0x1FAB0] =	vst v62;
	v62 =	vld [tilespmem:s7+$0xE00]  }
0x236: {  	v0 =	vadd.f32 v30, v0;
	v30 =	vmul.f32 v39, v40;
	v40 =	vld [tilespmem:s7+$0xEA0]  }
0x237: {  	v39 =	vmul.f32 v52, v54;
	v52 =	vld [tilespmem:$0x1EBB0]  }
0x238: {  	v54 =	vld [tilespmem:$0x1EBC0]  }
0x239: {  	[tilespmem:$0x1F990] =	vst v37;
	v37 =	vld [tilespmem:$0x1EB60]  }
0x23a: {  	[tilespmem:$0x1F9F0] =	vst v62;
	v62 =	vld [tilespmem:s7+$0x4E00]  }
0x23b: {  	[tilespmem:$0x1FAD0] =	vst v29;
	v29 =	vld [tilespmem:s7+$0xEE0]  }
0x23c: {  	[tilespmem:$0x1F210] =	vst v61;
	v61 =	vld [tilespmem:s7+$0x4770]  }
0x23d: {  	v1 =	vadd.f32 v60, v1;
	v60 =	vld [tilespmem:s7+$0x4AD0]  }
0x23e: {  	[tilespmem:$0x1F980] =	vst v34;
	v34 =	vld [tilespmem:s7+$0xE90]  }
0x23f: {  	[tilespmem:$0x1FA00] =	vst v62;
	v62 =	vld [tilespmem:s7+$0xE10]  }
0x240: {  	v0 =	vadd.f32 v36, v0;
	v36 =	vld [tilespmem:$0x1EB50]  }
0x241: {  	[tilespmem:$0x1FBA0] =	vst v45;
	v45 =	vld [tilespmem:$0x1ECF0]  }
0x242: {  	[tilespmem:$0x1FBF0] =	vst v51;
	v51 =	vld [tilespmem:s7+$0xB00]  }
0x243: {  	v4 =	vmul.f32 v46, v44;
	v46 =	vld [tilespmem:$0x1EB90]  }
0x244: {  	[tilespmem:$0x1FA50] =	vst v62;
	v62 =	vld [tilespmem:s7+$0x4E10]  }
0x245: {  	v44 =	vmul.f32 v13, v15;
	v13 =	vld [tilespmem:$0x1EC10]  }
0x246: {  	v15 =	vld [tilespmem:$0x1EC20]  }
0x247: {  	v1 =	vadd.f32 v3, v1;
	v3 =	vmul.f32 v33, v32;
	v32 =	vld [tilespmem:$0x1EB30]  }
0x248: {  	v33 =	vld [tilespmem:$0x1EB40]  }
0x249: {  	[tilespmem:$0x1FA60] =	vst v62;
	v62 =	vld [tilespmem:s7+$0x4E30]  }
0x24a: {  	v0 =	vadd.f32 v47, v0;
	v47 =	vld [tilespmem:$0x1EBA0]  }
0x24b: {  	[tilespmem:$0x1FBE0] =	vst v48;
	v48 =	vld [tilespmem:$0x1ED10]  }
0x24c: {  	v1 =	vadd.f32 v3, v1;
	v3 =	vadd.f32 $0.0e+00, v43;
	v43 =	vld [tilespmem:$0x1EB80]  }
0x24d: {  	v0 =	vadd.f32 v56, v0;
	v56 =	vld [tilespmem:$0x1EBD0]  }
0x24e: {  	[tilespmem:$0x1FB10] =	vst v62;
	v62 =	vld [tilespmem:s7+$0xE50]  }
0x24f: {  	[tilespmem:$0x1F220] =	vst v61;
	v61 =	vld [tilespmem:s7+$0x380]  }
0x250: {  	[tilespmem:$0x1FA40] =	vst v60;
	v60 =	vld [tilespmem:$0x1EC00]  }
0x251: {  	[tilespmem:$0x1FB40] =	vst v34;
	v34 =	vld [tilespmem:$0x1EC90]  }
0x252: {  	v1 =	vadd.f32 v4, v1;
	v4 =	vmul.f32 v58, v57;
	v57 =	vld [tilespmem:$0x1EBE0]  }
0x253: {  	[tilespmem:$0x1FBC0] =	vst v62;
	v62 =	vld [tilespmem:s7+$0xA90]  }
0x254: {  	v3 =	vadd.f32 v49, v3;
	v58 =	vld [tilespmem:s7+$0xEC0]  }
0x255: {  	v49 =	vmul.f32 v19, v23;
	v23 =	vld [tilespmem:$0x1EC50]  }
0x256: {  	v3 =	vadd.f32 v59, v3;
	v59 =	vld [tilespmem:$0x1EBF0]  }
0x257: {  	v1 =	vadd.f32 v4, v1;
	v4 =	vmul.f32 v47, v46;
	v46 =	vld [tilespmem:$0x1ED00]  }
0x258: {  	[tilespmem:$0x1F8C0] =	vst v62;
	v62 =	vld [tilespmem:$0x1EAD0]  }
0x259: {  	[tilespmem:$0x1ED50] =	vst v61;
	v61 =	vld [tilespmem:s7+$0x4380]  }
0x25a: {  	v3 =	vadd.f32 v16, v3;
	v16 =	vld [tilespmem:s7+$0xED0]  }
0x25b: {  	v1 =	vadd.f32 v5, v1;
	v5 =	vmul.f32 v37, v36;
	v36 =	vld [tilespmem:$0x1ECB0]  }
0x25c: {  	[tilespmem:$0x1FA90] =	vst v9;
	v37 =	vld [tilespmem:$0x1ECC0];
	v3 =	vadd.f32 v30, v3  }
0x25d: {  	[tilespmem:$0x1FC90] =	vst v20;
	v30 =	vld [tilespmem:$0x1EC70];
	v2 =	vmul.f32 v63, v62  }
0x25e: {  	[tilespmem:$0x1FA30] =	vst v50;
	v3 =	vadd.f32 v39, v3;
	v39 =	vld [tilespmem:s7+$0xEF0]  }
0x25f: {  	[tilespmem:$0x1FB90] =	vst v40;
	v40 =	vadd.f32 v22, v25;
	v63 =	vld [tilespmem:s7+$0x4EC0];
	v0 =	vadd.f32 v2, v0;
	v2 =	vmul.f32 v27, v24  }
0x260: {  	[tilespmem:$0x1FCD0] =	vst v29;
	v47 =	vadd.f32 v31, v38;
	v62 =	vmul.f32 v35, v41;
	v35 =	vld [tilespmem:$0x1ECA0]  }
0x261: {  	[tilespmem:$0x1FED0] =	vst v40;
	v41 =	vld [tilespmem:$0x1ECD0];
	v0 =	vadd.f32 v2, v0;
	v2 =	vmul.f32 v33, v32  }
0x262: {  	[tilespmem:$0x1FEF0] =	vst v47;
	v33 =	vld [tilespmem:s7+$0x4EE0]  }
0x263: {  	[tilespmem:$0x1FC10] =	vst v58;
	v0 =	vadd.f32 v2, v0;
	v2 =	vmul.f32 v43, v42;
	v43 =	vld [tilespmem:s7+$0x4EF0]  }
0x264: {  	v1 =	vadd.f32 v5, v1;
	v7 =	vmul.f32 v60, v59;
	[tilespmem:$0x1FC80] =	vst v16;
	v27 =	vld [tilespmem:s7+$0x4E80]  }
0x265: {  	[tilespmem:$0x1FD20] =	vst v39;
	v24 =	vld [tilespmem:$0x1EC60]  }
0x266: {  	v50 =	vadd.f32 $0.0e+00, v44;
	v1 =	vadd.f32 v7, v1;
	v32 =	vld [tilespmem:$0x1EC80];
	[tilespmem:$0x1FC20] =	vst v63  }
0x267: {  	v42 =	vld [tilespmem:$0x1ECE0];
	[tilespmem:$0x1FCC0] =	vst v33  }
0x268: {  	(xrf2) =	vadd.scan.msk.f32 $0xffff, v1;
	v0 =	vadd.f32 v2, v0;
	v2 =	vadd.f32 v49, v50;
	v49 =	vld [tilespmem:$0x1ED20];
	[tilespmem:$0x1FD30] =	vst v43  }
0x269: {  	v20 =	vld [tilespmem:s7+$0x4B00]  }
0x26a: {  	v3 =	vadd.f32 v4, v3;
	v4 =	vmul.f32 v57, v56;
	v56 =	vld [tilespmem:$0x1ED30]  }
0x26b: {  	v57 =	vld [tilespmem:$0x1ED40]  }
0x26c: {  	v58 =	vld [tilespmem:$0x1ED50]  }
0x26d: {  	v31 =	vld [tilespmem:s7+$0xB10]  }
0x26e: {  	v59 =	vld [tilespmem:$0x1ED60]  }
0x26f: {  	v60 =	vld [tilespmem:$0x1ED70]  }
0x270: {  	v2 =	vadd.f32 v62, v2;
	v62 =	vld [tilespmem:$0x1ED90]  }
0x271: {  	v43 =	vld [tilespmem:s7+$0x4B10]  }
0x272: {  	v63 =	vld [tilespmem:$0x1EDA0]  }
0x273: {  	v3 =	vadd.f32 v4, v3;
	v4 =	vmul.f32 v15, v13;
	v13 =	vld [tilespmem:$0x1EDB0]  }
0x274: {  	v6 =	vmul.f32 v54, v52;
	v19 =	vmul.f32 v53, v55;
	v53 =	vld [tilespmem:s7+$0xB20]  }
0x275: {  	v16 =	vld [tilespmem:$0x1EDC0]  }
0x276: {  	v0 =	vadd.f32 v6, v0;
	v6 =	vmul.f32 v18, v17;
	v18 =	vld [tilespmem:$0x1EDD0]  }
0x277: {  	v40 =	vld [tilespmem:s7+$0x4B20]  }
0x278: {  	v22 =	vld [tilespmem:$0x1EDE0]  }
0x279: {  	v3 =	vadd.f32 v4, v3;
	v4 =	vmul.f32 v24, v23;
	v23 =	vld [tilespmem:$0x1EDF0]  }
0x27a: {  	v25 =	vld [tilespmem:$0x1EE00]  }
0x27b: {  	v29 =	vld [tilespmem:$0x1EE10]  }
0x27c: {  	v5 =	vmul.f32 v32, v30;
	v30 =	vld [tilespmem:s7+$0x4B30]  }
0x27d: {  	v32 =	vld [tilespmem:$0x1EE20]  }
0x27e: {  	v33 =	vld [tilespmem:$0x1EE30]  }
0x27f: {  	v1 =	vmul.f32 v35, v34;
	v34 =	vld [tilespmem:$0x1EE40]  }
0x280: {  	v35 =	vld [tilespmem:$0x1EE50]  }
0x281: {  	v3 =	vadd.f32 v4, v3;
	v4 =	vmul.f32 v37, v36;
	v37 =	vld [tilespmem:s7+$0xB40]  }
0x282: {  	v38 =	vld [tilespmem:$0x1EE60]  }
0x283: {  	v39 =	vld [tilespmem:$0x1EE70]  }
0x284: {  	v44 =	vadd.f32 v4, v3;
	v3 =	vmul.f32 v46, v45;
	v45 =	vld [tilespmem:$0x1EEA0]  }
0x285: {  	v46 =	vld [tilespmem:s7+$0xB50]  }
0x286: {  	v47 =	vld [tilespmem:$0x1EEB0]  }
0x287: {  	v54 =	vld [tilespmem:s7+$0xB60]  }
0x288: {  	v55 =	vld [tilespmem:$0x1EEF0]  }
0x289: {  	v8 =	vld [tilespmem:$0x1EF50]  }
0x28a: {  	v9 =	vld [tilespmem:$0x1EF60]  }
0x28b: {  	v50 =	vadd.f32 v3, v44;
	v44 =	vld [tilespmem:$0x1EE90]  }
0x28c: {  	v2 =	vadd.f32 v19, v2;
	v4 =	vmul.f32 v49, v48;
	v48 =	vld [tilespmem:$0x1EEC0]  }
0x28d: {  	v49 =	vld [tilespmem:$0x1EED0]  }
0x28e: {  	v2 =	vadd.f32 v5, v2;
	v5 =	vmul.f32 v42, v41;
	v41 =	vld [tilespmem:s7+$0x4B40]  }
0x28f: {  	v42 =	vld [tilespmem:$0x1EE80];
	v3 =	vmul.f32 v61, v58  }
0x290: {  	v0 =	vadd.f32 v6, v0;
	v61 =	vld [tilespmem:$0x1ED80];
	v6 =	vmul.f32 v21, v63;
	v17 =	vmul.f32 v16, v21  }
0x291: {  	v19 =	vmul.f32 v26, v13;
	v21 =	vmul.f32 v18, v26;
	v26 =	vld [tilespmem:s7+$0xB30]  }
0x292: {  	v0 =	vadd.f32 v1, v0;
	v1 =	vmul.f32 v57, v56;
	v56 =	vld [tilespmem:$0x1EF00]  }
0x293: {  	v58 =	vld [tilespmem:s7+$0x4B60]  }
0x294: {  	v15 =	vsub.f32 v63, v13;
	v63 =	vld [tilespmem:s7+$0xB70]  }
0x295: {  	v13 =	vld [tilespmem:s7+$0x4B70]  }
0x296: {  	[tilespmem:$0x1FBB0] =	vst v30;
	v30 =	vld [tilespmem:$0x1F000]  }
0x297: {  	[tilespmem:$0x1FC00] =	vst v37;
	v37 =	vld [tilespmem:$0x1F040]  }
0x298: {  	[tilespmem:$0x1FC30] =	vst v46;
	v46 =	vld [tilespmem:$0x1F070]  }
0x299: {  	v2 =	vadd.f32 v5, v2;
	[tilespmem:$0x1FC60] =	vst v54;
	v54 =	vld [tilespmem:$0x1F0B0]  }
0x29a: {  	v43 =	vmul.f32 v43, v31;
	v31 =	vld [tilespmem:$0x1FB40]  }
0x29b: {  	v2 =	vadd.f32 v4, v2;
	v4 =	vmul.f32 v60, v59;
	v59 =	vld [tilespmem:$0x1EF10]  }
0x29c: {  	v60 =	vld [tilespmem:$0x1EF20]  }
0x29d: {  	(xrf2) =	vadd.scan.msk.f32 $0xffff, v0;
	v0 =	vadd.f32 v1, v50;
	v50 =	vld [tilespmem:$0x1EEE0]  }
0x29e: {  	[tilespmem:$0x1FEA0] =	vst v15;
	v15 =	vld [tilespmem:$0x1EF70]  }
0x29f: {  	[tilespmem:$0x1FF00] =	vst v6;
	v6 =	vsub.f32 v16, v18;
	v16 =	vld [tilespmem:$0x1EF80]  }
0x2a0: {  	[tilespmem:$0x1FF20] =	vst v17;
	v17 =	vld [tilespmem:s7+$0xF00]  }
0x2a1: {  	v18 =	vld [tilespmem:$0x1EF90]  }
0x2a2: {  	[tilespmem:$0x1FF10] =	vst v19;
	v19 =	vld [tilespmem:$0x1EFA0]  }
0x2a3: {  	[tilespmem:$0x1FF30] =	vst v21;
	v21 =	vld [tilespmem:$0x1EFB0]  }
0x2a4: {  	v7 =	vmul.f32 v42, v39;
	v39 =	vld [tilespmem:$0x1F060]  }
0x2a5: {  	v42 =	vld [tilespmem:s7+$0xF20]  }
0x2a6: {  	v24 =	vadd.f32 v4, v2;
	v2 =	vmul.f32 v29, v25;
	v25 =	vld [tilespmem:$0x1EFE0]  }
0x2a7: {  	v29 =	vld [tilespmem:$0x1EFF0]  }
0x2a8: {  	v4 =	vmul.f32 v33, v32;
	v32 =	vld [tilespmem:s7+$0xF10]  }
0x2a9: {  	v36, _, _ =	vpop (xrf2);
	v33 =	vld [tilespmem:$0x1F010]  }
0x2aa: {  	[tilespmem:$0x1FEE0] =	vst v6;
	v6 =	vbroadcast v36, $0xF;
	v36 =	vld [tilespmem:$0x1F030]  }
0x2ab: {  	v5 =	vmul.f32 v62, v61;
	v61 =	vld [tilespmem:$0x1EF30]  }
0x2ac: {  	v62 =	vld [tilespmem:$0x1EF40]  }
0x2ad: {  	v1 =	vadd.f32 v2, v24;
	v24 =	vld [tilespmem:$0x1EFD0]  }
0x2ae: {  	v2 =	vbroadcast v38, $0xF;
	v38 =	vld [tilespmem:$0x1F050]  }
0x2af: {  	v0 =	vadd.f32 v7, v0;
	v7 =	vmul.f32 v56, v55;
	v55 =	vld [tilespmem:$0x1F0C0]  }
0x2b0: {  	v56 =	vld [tilespmem:$0x1F0D0]  }
0x2b1: {  	[tilespmem:$0x1FC70] =	vst v58;
	v58 =	vld [tilespmem:s7+$0x4F30]  }
0x2b2: {  	v3 =	vadd.f32 $0.0e+00, v3;
	[tilespmem:$0x1FCA0] =	vst v63;
	v63 =	vld [tilespmem:s7+$0xF40]  }
0x2b3: {  	[tilespmem:$0x1FCB0] =	vst v13;
	v13 =	vld [tilespmem:s7+$0x4F40]  }
0x2b4: {  	v3 =	vadd.f32 v5, v3;
	v5 =	vmul.f32 v23, v22;
	v22 =	vld [tilespmem:$0x1EFC0]  }
0x2b5: {  	v23 =	vld [tilespmem:s7+$0x4F00]  }
0x2b6: {  	v1 =	vadd.f32 v4, v1;
	v4 =	vmul.f32 v48, v47;
	v47 =	vld [tilespmem:$0x1F080]  }
0x2b7: {  	v48 =	vld [tilespmem:s7+$0x4F20]  }
0x2b8: {  	v2 =	vsel vm1, v2, v6;
	v6 =	vmul.f32 v60, v59;
	v59 =	vld [tilespmem:$0x1F0F0]  }
0x2b9: {  	v60 =	vld [tilespmem:$0x1F100]  }
0x2ba: {  	[tilespmem:$0x1FCE0] =	vst v17;
	v17 =	vld [tilespmem:$0x1F170]  }
0x2bb: {  	[tilespmem:$0x1FD60] =	vst v42;
	v42 =	vld [tilespmem:s7+$0xF70]  }
0x2bc: {  	[tilespmem:$0x1FD40] =	vst v32;
	v32 =	vld [tilespmem:$0x1F1E0]  }
0x2bd: {  	v3 =	vadd.f32 v5, v3;
	v5 =	vmul.f32 v35, v34;
	v34 =	vld [tilespmem:$0x1F020]  }
0x2be: {  	v35 =	vld [tilespmem:s7+$0x4F10]  }
0x2bf: {  	v1 =	vadd.f32 v4, v1;
	v4 =	vmul.f32 v16, v15;
	v15 =	vld [tilespmem:$0x1F150]  }
0x2c0: {  	v52, _, _ =	vpop (xrf2);
	v16 =	vld [tilespmem:$0x1F160]  }
0x2c1: {  	v57 =	vbroadcast v52, $0xF;
	v52 =	vld [tilespmem:s7+$0xF30]  }
0x2c2: {  	v0 =	vadd.f32 v7, v0;
	v7 =	vmul.f32 v25, v24;
	v24 =	vld [tilespmem:$0x1F1B0]  }
0x2c3: {  	v25 =	vld [tilespmem:$0x1F1C0]  }
0x2c4: {  	[tilespmem:$0x1FD90] =	vst v58;
	v58 =	vld [tilespmem:$0x1F2D0]  }
0x2c5: {  	[tilespmem:$0x1FDA0] =	vst v63;
	v63 =	vld [tilespmem:$0x1F320]  }
0x2c6: {  	[tilespmem:$0x1FDB0] =	vst v13;
	v13 =	vld [tilespmem:$0x1F340]  }
0x2c7: {  	v3 =	vadd.f32 v5, v3;
	v5 =	vmul.f32 v45, v44;
	v45 =	vld [tilespmem:s7+$0x4B50]  }
0x2c8: {  	v2 =	vsel vm2, v2, v57;
	v57 =	vld [tilespmem:$0x1F0E0]  }
0x2c9: {  	v1 =	vadd.f32 v6, v1;
	v6 =	vmul.f32 v22, v21;
	v21 =	vld [tilespmem:$0x1F190]  }
0x2ca: {  	v22 =	vld [tilespmem:$0x1F1A0]  }
0x2cb: {  	[tilespmem:$0x1FCF0] =	vst v23;
	v23 =	vld [tilespmem:s7+$0x4F50]  }
0x2cc: {  	[tilespmem:$0x1FD70] =	vst v48;
	v48 =	vld [tilespmem:$0x1F270]  }
0x2cd: {  	[tilespmem:$0x1FE60] =	vst v42;
	v42 =	vld [tilespmem:s7+$0xBA0]  }
0x2ce: {  	v3 =	vadd.f32 v5, v3;
	v5 =	vmul.f32 v50, v49;
	v49 =	vld [tilespmem:$0x1F090]  }
0x2cf: {  	v50 =	vld [tilespmem:$0x1F0A0]  }
0x2d0: {  	[tilespmem:$0x1FEC0] =	vst v2;
	v2 =	vmul.f32 v9, v8;
	v8 =	vld [tilespmem:$0x1F130]  }
0x2d1: {  	v9 =	vld [tilespmem:$0x1F140]  }
0x2d2: {  	[tilespmem:$0x1FD50] =	vst v35;
	v35 =	vld [tilespmem:s7+$0x4F60]  }
0x2d3: {  	v3 =	vadd.f32 v5, v3;
	v5 =	vmul.f32 v62, v61;
	v61 =	vld [tilespmem:$0x1F110]  }
0x2d4: {  	v62 =	vld [tilespmem:$0x1F120]  }
0x2d5: {  	[tilespmem:$0x1FD80] =	vst v52;
	v52 =	vld [tilespmem:$0x1F2A0]  }
0x2d6: {  	v2 =	vadd.f32 $0.0e+00, v2;
	v3 =	vadd.f32 v5, v3;
	v5 =	vmul.f32 v19, v18;
	v18 =	vld [tilespmem:$0x1F180]  }
0x2d7: {  	v19 =	vld [tilespmem:s7+$0xF50]  }
0x2d8: {  	v2 =	vadd.f32 v6, v2;
	v6 =	vmul.f32 v37, v36;
	v36 =	vld [tilespmem:$0x1F210]  }
0x2d9: {  	v37 =	vld [tilespmem:$0x1F220]  }
0x2da: {  	[tilespmem:$0x1FDD0] =	vst v23;
	v23 =	vld [tilespmem:$0x1F3C0]  }
0x2db: {  	v3 =	vadd.f32 v4, v3;
	v4 =	vmul.f32 v30, v29;
	v30 =	vld [tilespmem:$0x1F1D0]  }
0x2dc: {  	v1 =	vadd.f32 v5, v1;
	v5 =	vmul.f32 v34, v33;
	v33 =	vld [tilespmem:$0x1F1F0]  }
0x2dd: {  	v34 =	vld [tilespmem:$0x1F200]  }
0x2de: {  	v0 =	vadd.f32 v7, v0;
	v7 =	vmul.f32 v62, v61;
	v61 =	vld [tilespmem:$0x1F300]  }
0x2df: {  	v62 =	vld [tilespmem:$0x1F310]  }
0x2e0: {  	v3 =	vadd.f32 v4, v3;
	v4 =	vmul.f32 v39, v38;
	v38 =	vld [tilespmem:$0x1F230]  }
0x2e1: {  	v39 =	vld [tilespmem:$0x1F240]  }
0x2e2: {  	v44 =	vadd.f32 v5, v2;
	v2 =	vmul.f32 v47, v46;
	v46 =	vld [tilespmem:$0x1F260]  }
0x2e3: {  	v47 =	vld [tilespmem:s7+$0x4F70]  }
0x2e4: {  	v5 =	vmul.f32 v55, v54;
	v54 =	vld [tilespmem:$0x1F2B0]  }
0x2e5: {  	v55 =	vld [tilespmem:$0x1F2C0]  }
0x2e6: {  	v1 =	vadd.f32 v6, v1;
	v6 =	vmul.f32 v60, v59;
	v59 =	vld [tilespmem:$0x1F2E0]  }
0x2e7: {  	v60 =	vld [tilespmem:$0x1F2F0]  }
0x2e8: {  	[tilespmem:$0x1FDC0] =	vst v19;
	v19 =	vld [tilespmem:$0x1F390]  }
0x2e9: {  	[tilespmem:$0x1FDE0] =	vst v0;
	v0 =	vadd.f32 v2, v44;
	v44 =	vld [tilespmem:$0x1F250]  }
0x2ea: {  	v3 =	vadd.f32 v4, v3;
	v4 =	vmul.f32 v50, v49;
	v49 =	vld [tilespmem:$0x1F280]  }
0x2eb: {  	v2 =	vmul.f32 v57, v56;
	v50 =	vld [tilespmem:$0x1F290]  }
0x2ec: {  	v1 =	vadd.f32 v6, v1;
	v6 =	vmul.f32 v32, v30;
	v32 =	vld [tilespmem:$0x1F3E0]  }
0x2ed: {  	v0 =	vadd.f32 v2, v0;
	v2 =	vmul.f32 v9, v8;
	v9 =	vld [tilespmem:$0x1F330]  }
0x2ee: {  	v3 =	vadd.f32 v5, v3;
	v5 =	vmul.f32 v16, v15;
	v15 =	vld [tilespmem:$0x1F350]  }
0x2ef: {  	v16 =	vld [tilespmem:$0x1F360]  }
0x2f0: {  	v4 =	vadd.f32 $0.0e+00, v4;
	v8 =	vld [tilespmem:$0x1F7F0]  }
0x2f1: {  	[tilespmem:$0x1FE70] =	vst v47;
	v47 =	vld [tilespmem:$0x1F440]  }
0x2f2: {  	v4 =	vadd.f32 v7, v4;
	v7 =	vmul.f32 v18, v17;
	v17 =	vld [tilespmem:$0x1F370]  }
0x2f3: {  	v18 =	vld [tilespmem:$0x1F380]  }
0x2f4: {  	v0 =	vadd.f32 v2, v0;
	v2 =	vmul.f32 v22, v21;
	v21 =	vld [tilespmem:$0x1F3A0]  }
0x2f5: {  	v22 =	vld [tilespmem:$0x1F3B0]  }
0x2f6: {  	v3 =	vadd.f32 v5, v3;
	v5 =	vmul.f32 v25, v24;
	v24 =	vld [tilespmem:$0x1F3D0]  }
0x2f7: {  	v0 =	vadd.f32 v2, v0;
	v2 =	vmul.f32 v34, v33;
	v34 =	vld [tilespmem:$0x1F3F0]  }
0x2f8: {  	v4 =	vadd.f32 v7, v4;
	v7 =	vmul.f32 v37, v36;
	v36 =	vld [tilespmem:$0x1F400]  }
0x2f9: {  	v3 =	vadd.f32 v6, v3;
	v6 =	vmul.f32 v49, v48;
	v48 =	vld [tilespmem:$0x1F450]  }
0x2fa: {  	v49 =	vld [tilespmem:$0x1F460]  }
0x2fb: {  	v4 =	vadd.f32 v5, v4;
	v5 =	vmul.f32 v39, v38;
	v39 =	vld [tilespmem:$0x1F410]  }
0x2fc: {  	v0 =	vadd.f32 v2, v0;
	v2 =	vmul.f32 v46, v44;
	v44 =	vld [tilespmem:$0x1F420]  }
0x2fd: {  	v46 =	vld [tilespmem:$0x1F430]  }
0x2fe: {  	v56 =	vadd.f32 v6, v3;
	v6 =	vmul.f32 v13, v9;
	v9 =	vld [tilespmem:$0x1F530]  }
0x2ff: {  	v13 =	vld [tilespmem:$0x1F540]  }
0x300: {  	v1 =	vadd.f32 v7, v1;
	v4 =	vadd.f32 v5, v4;
	v5 =	vmul.f32 v52, v50;
	v50 =	vld [tilespmem:$0x1F470]  }
0x301: {  	v52 =	vld [tilespmem:$0x1F480]  }
0x302: {  	[tilespmem:$0x1FE10] =	vst v1;
	v1 =	vmul.f32 v55, v54;
	v54 =	vld [tilespmem:$0x1F490]  }
0x303: {  	v55 =	vld [tilespmem:$0x1F4A0]  }
0x304: {  	v57 =	vadd.f32 v5, v4;
	v4 =	vmul.f32 v59, v58;
	v58 =	vld [tilespmem:$0x1F4D0]  }
0x305: {  	v59 =	vld [tilespmem:$0x1F4E0]  }
0x306: {  	v0 =	vadd.f32 v2, v0;
	v5 =	vmul.f32 v61, v60;
	v60 =	vld [tilespmem:$0x1F4F0]  }
0x307: {  	v61 =	vld [tilespmem:$0x1F500]  }
0x308: {  	v0 =	vadd.f32 v1, v0;
	v1 =	vmul.f32 v63, v62;
	v62 =	vld [tilespmem:$0x1F510]  }
0x309: {  	v63 =	vld [tilespmem:$0x1F520]  }
0x30a: {  	v2 =	vadd.f32 v5, v56;
	v56 =	vld [tilespmem:$0x1F4B0]  }
0x30b: {  	v3 =	vadd.f32 v4, v57;
	v57 =	vld [tilespmem:$0x1F4C0]  }
0x30c: {  	v4 =	vmul.f32 v16, v15;
	v15 =	vld [tilespmem:$0x1F550]  }
0x30d: {  	v16 =	vld [tilespmem:$0x1F560]  }
0x30e: {  	v5 =	vmul.f32 v18, v17;
	v17 =	vld [tilespmem:$0x1F570]  }
0x30f: {  	v18 =	vld [tilespmem:$0x1F580]  }
0x310: {  	v7 =	vmul.f32 v36, v34;
	v0 =	vadd.f32 v6, v0;
	v6 =	vmul.f32 v23, v22;
	v22 =	vld [tilespmem:$0x1F5B0]  }
0x311: {  	v23 =	vld [tilespmem:$0x1F5C0]  }
0x312: {  	v3 =	vadd.f32 v4, v3;
	v4 =	vmul.f32 v21, v19;
	v2 =	vadd.f32 v7, v2;
	v19 =	vld [tilespmem:$0x1F590]  }
0x313: {  	v1 =	vadd.f32 $0.0e+00, v1;
	v21 =	vld [tilespmem:$0x1F5A0]  }
0x314: {  	v0 =	vadd.f32 v6, v0;
	v6 =	vmul.f32 v49, v48;
	[tilespmem:$0x1FE20] =	vst v2;
	v2 =	vmul.f32 v55, v54;
	v54 =	vld [tilespmem:$0x1F5E0]  }
0x315: {  	v1 =	vadd.f32 v5, v1;
	v5 =	vmul.f32 v32, v24;
	v3 =	vadd.f32 v4, v3;
	v55 =	vld [tilespmem:$0x1F5F0]  }
0x316: {  	v4 =	vmul.f32 v44, v39;
	v0 =	vadd.f32 v6, v0;
	v6 =	vmul.f32 v13, v9;
	v9 =	vld [tilespmem:$0x1F670]  }
0x317: {  	v1 =	vadd.f32 v5, v1;
	v5 =	vmul.f32 v47, v46;
	v13 =	vld [tilespmem:$0x1F680]  }
0x318: {  	v3 =	vadd.f32 v4, v3;
	v4 =	vmul.f32 v52, v50;
	v50 =	vld [tilespmem:$0x1F5D0]  }
0x319: {  	v1 =	vadd.f32 v5, v1;
	v5 =	vmul.f32 v57, v56;
	v56 =	vld [tilespmem:$0x1F600]  }
0x31a: {  	v57 =	vld [tilespmem:$0x1F610]  }
0x31b: {  	v7 =	vmul.f32 v21, v19;
	v21 =	vld [tilespmem:$0x1F6D0]  }
0x31c: {  	v3 =	vadd.f32 v4, v3;
	v4 =	vmul.f32 v59, v58;
	v58 =	vld [tilespmem:$0x1F620]  }
0x31d: {  	v59 =	vld [tilespmem:$0x1F630]  }
0x31e: {  	v1 =	vadd.f32 v2, v1;
	v2 =	vmul.f32 v61, v60;
	v60 =	vld [tilespmem:$0x1F640]  }
0x31f: {  	v61 =	vld [tilespmem:$0x1F650]  }
0x320: {  	v0 =	vadd.f32 v5, v0;
	v5 =	vmul.f32 v63, v62;
	v63 =	vld [tilespmem:$0x1F660]  }
0x321: {  	v1 =	vadd.f32 v2, v1;
	v2 =	vmul.f32 v16, v15;
	v15 =	vld [tilespmem:$0x1F690]  }
0x322: {  	v16 =	vld [tilespmem:$0x1F6A0]  }
0x323: {  	v3 =	vadd.f32 v4, v3;
	v4 =	vmul.f32 v18, v17;
	v17 =	vld [tilespmem:$0x1F6B0]  }
0x324: {  	v6 =	vadd.f32 $0.0e+00, v6;
	v18 =	vld [tilespmem:$0x1F6C0]  }
0x325: {  	v0 =	vadd.f32 v5, v0;
	v5 =	vmul.f32 v54, v50;
	v54 =	vld [tilespmem:$0x1F700]  }
0x326: {  	v24 =	vadd.f32 v7, v6;
	v6 =	vmul.f32 v56, v55;
	v55 =	vld [tilespmem:$0x1F710]  }
0x327: {  	v56 =	vld [tilespmem:$0x1F720]  }
0x328: {  	v1 =	vadd.f32 v2, v1;
	v2 =	vmul.f32 v23, v22;
	v22 =	vld [tilespmem:$0x1F6E0]  }
0x329: {  	v3 =	vadd.f32 v4, v3;
	v4 =	vadd.f32 v5, v24;
	v24 =	vld [tilespmem:$0x1F6F0]  }
0x32a: {  	v7 =	vmul.f32 v60, v59;
	v59 =	vld [tilespmem:$0x1F730]  }
0x32b: {  	v5 =	vmul.f32 v63, v61;
	v3 =	vadd.f32 v6, v3;
	v6 =	vmul.f32 v16, v15;
	v15 =	vld [tilespmem:$0x1F760]  }
0x32c: {  	v1 =	vadd.f32 v2, v1;
	v16 =	vld [tilespmem:$0x1F770]  }
0x32d: {  	v2 =	vmul.f32 v58, v57;
	v4 =	vadd.f32 v5, v4;
	v5 =	vmul.f32 v18, v17;
	v17 =	vld [tilespmem:$0x1F780]  }
0x32e: {  	v18 =	vld [tilespmem:$0x1F790]  }
0x32f: {  	v1 =	vadd.f32 v2, v1;
	v2 =	vmul.f32 v13, v9;
	v9 =	vld [tilespmem:$0x1F740]  }
0x330: {  	v13 =	vld [tilespmem:$0x1F750]  }
0x331: {  	v19 =	vadd.f32 v2, v1;
	v1 =	vmul.f32 v22, v21;
	v21 =	vld [tilespmem:$0x1F7B0]  }
0x332: {  	v0 =	vadd.f32 v7, v0;
	v22 =	vld [tilespmem:$0x1F7C0]  }
0x333: {  	v23 =	vadd.f32 v5, v4;
	v4 =	vmul.f32 v54, v24;
	v24 =	vld [tilespmem:$0x1F7E0]  }
0x334: {  	[tilespmem:$0x1FE30] =	vst v0;
	v0 =	vadd.f32 v1, v19;
	v19 =	vld [tilespmem:$0x1F7A0]  }
0x335: {  	v2 =	vadd.f32 v6, v3;
	v3 =	vadd.f32 v4, v23;
	v23 =	vld [tilespmem:$0x1F7D0]  }
0x336: {  	v4 =	vmul.f32 v17, v16;
	v16 =	vld [tilespmem:s7+$0xFF0]  }
0x337: {  	v17 =	vld [tilespmem:$0x1F830]  }
0x338: {  	v5 =	vmul.f32 v9, v59;
	v9 =	vld [tilespmem:$0x1F800]  }
0x339: {  	v6 =	vmul.f32 v15, v13;
	v13 =	vld [tilespmem:$0x1F810]  }
0x33a: {  	v15 =	vld [tilespmem:$0x1F820]  }
0x33b: {  	v1 =	vmul.f32 v56, v55;
	v7 =	vmul.f32 v22, v21;
	v21 =	vld [tilespmem:$0x1F860]  }
0x33c: {  	v22 =	vld [tilespmem:s7+$0x4FF0]  }
0x33d: {  	v0 =	vadd.f32 v1, v0;
	v1 =	vmul.f32 v19, v18;
	v18 =	vld [tilespmem:$0x1F840]  }
0x33e: {  	v19 =	vld [tilespmem:$0x1F850]  }
0x33f: {  	v3 =	vadd.f32 v4, v3;
	v4 =	vmul.f32 v24, v23;
	v23 =	vld [tilespmem:$0x1F870]  }
0x340: {  	v2 =	vadd.f32 v6, v2;
	v24 =	vld [tilespmem:$0x1F880]  }
0x341: {  	v5 =	vadd.f32 $0.0e+00, v5;
	[tilespmem:$0x1FE80] =	vst v16;
	v16 =	vld [tilespmem:$0x1F920]  }
0x342: {  	[tilespmem:$0x1FE50] =	vst v2;
	v2 =	vmul.f32 v9, v8;
	v9 =	vld [tilespmem:$0x1F890]  }
0x343: {  	v1 =	vadd.f32 v1, v5;
	[tilespmem:$0x1FE90] =	vst v22;
	v22 =	vld [tilespmem:$0x1F8D0]  }
0x344: {  	v5 =	vmul.f32 v18, v17;
	v17 =	vld [tilespmem:$0x1F8A0]  }
0x345: {  	v1 =	vadd.f32 v2, v1;
	v2 =	vmul.f32 v21, v19;
	v19 =	vld [tilespmem:$0x1F8B0]  }
0x346: {  	v3 =	vadd.f32 v4, v3;
	v4 =	vmul.f32 v15, v13;
	v21 =	vld [tilespmem:$0x1F8C0]  }
0x347: {  	v15 =	vld [tilespmem:$0x1F910]  }
0x348: {  	v3 =	vadd.f32 v4, v3;
	v4 =	vmul.f32 v24, v23;
	v24 =	vld [tilespmem:$0x1F8E0]  }
0x349: {  	v6 =	vmul.f32 v10, v9;
	v9 =	vld [tilespmem:$0x1F8F0]  }
0x34a: {  	v13 =	vadd.f32 v2, v1;
	v1 =	vmul.f32 v19, v17;
	v19 =	vld [tilespmem:$0x1F930]  }
0x34b: {  	v2 =	vadd.f32 v4, v3;
	v23 =	vadd.f32 $0.0e+00, v6;
	v3 =	vmul.f32 v22, v21;
	v22 =	vld [tilespmem:$0x1F940]  }
0x34c: {  	v1 =	vadd.f32 v1, v13;
	v13 =	vld [tilespmem:$0x1F900]  }
0x34d: {  	v21 =	vmul.f32 v14, v11;
	v11 =	vld [tilespmem:$0x1F960];
	v3 =	vadd.f32 v3, v23  }
0x34e: {  	v23 =	vld [tilespmem:$0x1F950]  }
0x34f: {  	v3 =	vadd.f32 v21, v3;
	v21 =	vld [tilespmem:$0x1F9A0]  }
0x350: {  	v8 =	vmul.f32 v19, v16;
	v16 =	vld [tilespmem:$0x1F990]  }
0x351: {  	v0 =	vadd.f32 v7, v0;
	v7 =	vmul.f32 v15, v13;
	v13 =	vld [tilespmem:$0x1F970]  }
0x352: {  	v15 =	vld [tilespmem:$0x1F980]  }
0x353: {  	v6 =	vmul.f32 v9, v24;
	v24 =	vmul.f32 v22, v23;
	v23 =	vld [tilespmem:$0x1F9B0]  }
0x354: {  	v29 =	vld [tilespmem:s7+$0xF60]  }
0x355: {  	[tilespmem:$0x1FE00] =	vst v35;
	v35 =	vld [tilespmem:s7+$0x4BB0]  }
0x356: {  	v6 =	vadd.f32 v6, v2;
	v2 =	vadd.f32 v7, v1;
	v11 =	vmul.f32 v13, v11;
	v13 =	vld [tilespmem:$0x1F9C0]  }
0x357: {  	v4 =	vmul.f32 v16, v15;
	v16 =	vld [tilespmem:$0x1F9D0]  }
0x358: {  	v5 =	vadd.f32 v5, v0;
	v7 =	vadd.f32 v24, v2;
	v24 =	vmul.f32 v23, v21;
	v21 =	vld [tilespmem:$0x1F9E0]  }
0x359: {  	[tilespmem:$0x1FDF0] =	vst v29;
	v29 =	vld [tilespmem:s7+$0x4B80]  }
0x35a: {  	v5 =	vadd.f32 v8, v5;
	v8 =	vld [tilespmem:$0x1FA00]  }
0x35b: {  	v7 =	vadd.f32 v24, v7;
	v24 =	vld [tilespmem:$0x1F9F0]  }
0x35c: {  	v6 =	vadd.f32 v11, v6;
	v11 =	vmul.f32 v13, v12;
	v13 =	vld [tilespmem:$0x1FA10]  }
0x35d: {  	v12 =	vmul.f32 v21, v16;
	v21 =	vld [tilespmem:$0x1FA20]  }
0x35e: {  	v30 =	vld [tilespmem:s7+$0x4BA0]  }
0x35f: {  	v25 =	vld [tilespmem:s7+$0x4B90]  }
0x360: {  	v4 =	vadd.f32 v4, v3;
	v8 =	vmul.f32 v8, v24;
	v24 =	vld [tilespmem:$0x1FA30]  }
0x361: {  	v6 =	vadd.f32 v12, v6;
	v12 =	vld [tilespmem:$0x1FA60]  }
0x362: {  	v13 =	vmul.f32 v21, v13;
	v21 =	vadd.f32 v11, v4;
	v4 =	vld [tilespmem:$0x1FA40]  }
0x363: {  	v11 =	vld [tilespmem:$0x1FA50]  }
0x364: {  	v33 =	vld [tilespmem:s7+$0xB80]  }
0x365: {  	v37 =	vld [tilespmem:s7+$0xB90]  }
0x366: {  	v38 =	vld [tilespmem:s7+$0xBB0]  }
0x367: {  	v0 =	vmul.f32 v4, v24;
	v4 =	vld [tilespmem:$0x1FA70]  }
0x368: {  	v7 =	vadd.f32 v8, v7;
	v8 =	vmul.f32 v12, v11;
	v12 =	vld [tilespmem:$0x1FA80]  }
0x369: {  	v34 =	vld [tilespmem:s7+$0x4BD0]  }
0x36a: {  	v36 =	vld [tilespmem:s7+$0x4BE0]  }
0x36b: {  	v32 =	vld [tilespmem:s7+$0x4BC0]  }
0x36c: {  	v49 =	vld [tilespmem:s7+$0xBF0]  }
0x36d: {  	v1 =	vmul.f32 v12, v4;
	v4 =	vld [tilespmem:$0x1FA90]  }
0x36e: {  	v48 =	vld [tilespmem:s7+$0x4F80]  }
0x36f: {  	v39 =	vld [tilespmem:s7+$0xBC0]  }
0x370: {  	v44 =	vld [tilespmem:s7+$0xBD0]  }
0x371: {  	v12 =	vld [tilespmem:$0x1FAA0]  }
0x372: {  	v2 =	vadd.f32 v0, v21;
	v0 =	vmul.f32 v4, v28;
	v28 =	vadd.f32 v13, v5;
	v13 =	vld [tilespmem:$0x1FAB0]  }
0x373: {  	v47 =	vld [tilespmem:s7+$0xBE0]  }
0x374: {  	v3 =	vadd.f32 v1, v6;
	v6 =	vld [tilespmem:$0x1FAC0]  }
0x375: {  	v1 =	vld [tilespmem:$0x1FAE0]  }
0x376: {  	v4 =	vld [tilespmem:$0x1FAF0]  }
0x377: {  	v7 =	vadd.f32 v8, v7;
	v8 =	vmul.f32 v12, v13;
	v13 =	vld [tilespmem:$0x1FAD0]  }
0x378: {  	v46 =	vld [tilespmem:s7+$0x4BF0]  }
0x379: {  	v52 =	vld [tilespmem:s7+$0xF80]  }
0x37a: {  	v62 =	vld [tilespmem:s7+$0xF90]  }
0x37b: {  	v7 =	vadd.f32 v8, v7;
	v8 =	vmul.f32 v20, v51;
	v51 =	vld [tilespmem:$0x1FB10]  }
0x37c: {  	v0 =	vadd.f32 v0, v2;
	v2 =	vmul.f32 v13, v6;
	v6 =	vmul.f32 v4, v1;
	v1 =	vld [tilespmem:$0x1FB00]  }
0x37d: {  	v34 =	vmul.f32 v34, v44;
	v44 =	vld [tilespmem:s7+$0xC90]  }
0x37e: {  	v5 =	vld [tilespmem:$0x1FB20]  }
0x37f: {  	v50 =	vld [tilespmem:s7+$0x4F90];
	v8 =	vadd.f32 $0.0e+00, v8  }
0x380: {  	v4 =	vld [tilespmem:$0x1FB60]  }
0x381: {  	v8 =	vadd.f32 v43, v8;
	v43 =	vmul.f32 v40, v53;
	v53 =	vld [tilespmem:$0x1FB70];
	v1 =	vmul.f32 v51, v1  }
0x382: {  	v40 =	vld [tilespmem:$0x1FB80];
	v0 =	vadd.f32 v2, v0  }
0x383: {  	v2 =	vmul.f32 v27, v5;
	v27 =	vadd.f32 v6, v3;
	v3 =	vadd.f32 v1, v7;
	v1 =	vld [tilespmem:$0x1FB50]  }
0x384: {  	v60 =	vld [tilespmem:s7+$0xFA0]  }
0x385: {  	v63 =	vld [tilespmem:s7+$0x4FA0]  }
0x386: {  	v61 =	vld [tilespmem:s7+$0x4FB0]  }
0x387: {  	v7 =	vld [tilespmem:$0x1FB30]  }
0x388: {  	v1 =	vmul.f32 v4, v1;
	v4 =	vmul.f32 v40, v53;
	v53 =	vld [tilespmem:$0x1FB90]  }
0x389: {  	v40 =	vld [tilespmem:$0x1FBA0]  }
0x38a: {  	v58 =	vld [tilespmem:s7+$0xFB0]  }
0x38b: {  	v57 =	vld [tilespmem:s7+$0xFC0]  }
0x38c: {  	v54 =	vld [tilespmem:s7+$0xFE0];
	v0 =	vadd.f32 v2, v0;
	v2 =	vmul.f32 v7, v31  }
0x38d: {  	v5 =	vadd.f32 v1, v3;
	v1 =	vld [tilespmem:$0x1FBC0]  }
0x38e: {  	v0 =	vadd.f32 v2, v0;
	v2 =	vmul.f32 v40, v53;
	v53 =	vld [tilespmem:$0x1FBD0]  }
0x38f: {  	v55 =	vld [tilespmem:s7+$0xFD0]  }
0x390: {  	v56 =	vld [tilespmem:s7+$0x4FD0]  }
0x391: {  	v59 =	vld [tilespmem:s7+$0x4FC0]  }
0x392: {  	v2 =	vadd.f32 v2, v0;
	v0 =	vld [tilespmem:$0x1FBE0]  }
0x393: {  	v1 =	vmul.f32 v53, v1;
	v53 =	vld [tilespmem:$0x1FBF0]  }
0x394: {  	[tilespmem:$0x1FE40] =	vst v54;
	v54 =	vld [tilespmem:s7+$0x4FE0]  }
0x395: {  	v3 =	vadd.f32 v43, v8;
	v43 =	vld [tilespmem:$0x1FBB0]  }
0x396: {  	v18 =	vld [tilespmem:s7+$0xC00]  }
0x397: {  	v17 =	vld [tilespmem:s7+$0xC10]  }
0x398: {  	v0 =	vmul.f32 v53, v0;
	v53 =	vld [tilespmem:$0x1FC00]  }
0x399: {  	v14 =	vld [tilespmem:s7+$0x4C20]  }
0x39a: {  	v9 =	vld [tilespmem:s7+$0x4C10];
	v43 =	vmul.f32 v43, v26  }
0x39b: {  	v19 =	vld [tilespmem:s7+$0xC20]  }
0x39c: {  	v3 =	vadd.f32 v43, v3;
	v43 =	vld [tilespmem:$0x1FC10]  }
0x39d: {  	v27 =	vadd.f32 v4, v27;
	v4 =	vmul.f32 v41, v53;
	v53 =	vld [tilespmem:$0x1FC20]  }
0x39e: {  	v10 =	vld [tilespmem:s7+$0x4C00]  }
0x39f: {  	v9 =	vmul.f32 v9, v17;
	v17 =	vld [tilespmem:s7+$0x4CA0]  }
0x3a0: {  	v22 =	vld [tilespmem:s7+$0xC30]  }
0x3a1: {  	v36 =	vmul.f32 v36, v47;
	v47 =	vmul.f32 v14, v19;
	v14 =	vld [tilespmem:s7+$0x4CB0]  }
0x3a2: {  	v1 =	vadd.f32 v1, v5;
	v5 =	vmul.f32 v29, v33;
	v29 =	vmul.f32 v53, v43;
	v43 =	vld [tilespmem:$0x1FC30]  }
0x3a3: {  	v15 =	vld [tilespmem:s7+$0x4C30]  }
0x3a4: {  	v23 =	vld [tilespmem:s7+$0xC40]  }
0x3a5: {  	v16 =	vld [tilespmem:s7+$0x4C40]  }
0x3a6: {  	v53 =	vld [tilespmem:$0x1FC50]  }
0x3a7: {  	v3 =	vadd.f32 v4, v3;
	v4 =	vmul.f32 v45, v43;
	v43 =	vld [tilespmem:$0x1FC40]  }
0x3a8: {  	v24 =	vld [tilespmem:s7+$0xC50]  }
0x3a9: {  	v11 =	vld [tilespmem:s7+$0x4C50];
	v0 =	vadd.f32 v0, v2  }
0x3aa: {  	v21 =	vld [tilespmem:s7+$0xC60]  }
0x3ab: {  	v25 =	vmul.f32 v25, v37;
	v37 =	vadd.f32 v29, v0;
	v29 =	vld [tilespmem:$0x1FC70]  }
0x3ac: {  	v43 =	vmul.f32 v53, v43;
	v53 =	vld [tilespmem:$0x1FC60]  }
0x3ad: {  	v12 =	vld [tilespmem:s7+$0x4C60]  }
0x3ae: {  	v6 =	vld [tilespmem:s7+$0x5000]  }
0x3af: {  	v51 =	vld [tilespmem:s7+$0x1000]  }
0x3b0: {  	v0 =	vadd.f32 v4, v3;
	v4 =	vld [tilespmem:$0x1FC80]  }
0x3b1: {  	v3 =	vmul.f32 v29, v53;
	v53 =	vld [tilespmem:$0x1FC90]  }
0x3b2: {  	v20 =	vld [tilespmem:s7+$0x4C70]  }
0x3b3: {  	v13 =	vld [tilespmem:s7+$0xC70]  }
0x3b4: {  	v6 =	vmul.f32 v6, v51;
	v51 =	vld [tilespmem:s7+$0x5090]  }
0x3b5: {  	v30 =	vmul.f32 v30, v42;
	v42 =	vadd.f32 v43, v1;
	v43 =	vld [tilespmem:$0x1FCB0]  }
0x3b6: {  	v5 =	vadd.f32 $0.0e+00, v5;
	v4 =	vmul.f32 v53, v4;
	v53 =	vld [tilespmem:$0x1FCA0]  }
0x3b7: {  	v31 =	vld [tilespmem:s7+$0x1010]  }
0x3b8: {  	v7 =	vld [tilespmem:s7+$0x5010];
	v25 =	vadd.f32 v25, v5  }
0x3b9: {  	v8 =	vld [tilespmem:s7+$0x5020]  }
0x3ba: {  	v25 =	vadd.f32 v30, v25;
	v30 =	vmul.f32 v35, v38;
	v35 =	vld [tilespmem:$0x1FCC0]  }
0x3bb: {  	v43 =	vmul.f32 v43, v53;
	v53 =	vld [tilespmem:$0x1FCD0]  }
0x3bc: {  	v40 =	vld [tilespmem:s7+$0x1020]  }
0x3bd: {  	v26 =	vld [tilespmem:s7+$0x1030];
	v1 =	vadd.f32 v3, v0  }
0x3be: {  	v33 =	vld [tilespmem:s7+$0x5040]  }
0x3bf: {  	v4 =	vadd.f32 v4, v37;
	v37 =	vadd.f32 v43, v1;
	v43 =	vld [tilespmem:$0x1FCF0]  }
0x3c0: {  	v35 =	vmul.f32 v35, v53;
	v53 =	vld [tilespmem:$0x1FCE0]  }
0x3c1: {  	v5 =	vld [tilespmem:s7+$0x1060]  }
0x3c2: {  	v2 =	vld [tilespmem:s7+$0x1040]  }
0x3c3: {  	v41 =	vld [tilespmem:s7+$0x5030];
	v25 =	vadd.f32 v30, v25;
	v30 =	vmul.f32 v32, v39  }
0x3c4: {  	v32 =	vld [tilespmem:s7+$0xC80]  }
0x3c5: {  	v30 =	vadd.f32 v30, v25;
	v38 =	vmul.f32 v43, v53;
	v43 =	vld [tilespmem:$0x1FD00]  }
0x3c6: {  	v53 =	vld [tilespmem:$0x1FD10]  }
0x3c7: {  	v39 =	vld [tilespmem:$0x1FD40];
	v30 =	vadd.f32 v34, v30  }
0x3c8: {  	v34 =	vld [tilespmem:s7+$0xCA0]  }
0x3c9: {  	v30 =	vadd.f32 v36, v30;
	v36 =	vld [tilespmem:s7+$0xCC0]  }
0x3ca: {  	v4 =	vadd.f32 v35, v4;
	v35 =	vld [tilespmem:$0x1FD20]  }
0x3cb: {  	v43 =	vmul.f32 v53, v43;
	v53 =	vld [tilespmem:$0x1FD30]  }
0x3cc: {  	v45 =	vld [tilespmem:s7+$0x1050]  }
0x3cd: {  	v29 =	vld [tilespmem:s7+$0x5050]  }
0x3ce: {  	v37 =	vadd.f32 v38, v37;
	v38 =	vld [tilespmem:s7+$0x4C80]  }
0x3cf: {  	v0 =	vld [tilespmem:s7+$0x5060]  }
0x3d0: {  	v35 =	vmul.f32 v53, v35;
	v53 =	vld [tilespmem:$0x1FD50]  }
0x3d1: {  	v3 =	vld [tilespmem:s7+$0x1070]  }
0x3d2: {  	v1 =	vld [tilespmem:s7+$0x5070]  }
0x3d3: {  	v42 =	vadd.f32 v43, v42;
	v43 =	vld [tilespmem:$0x1FD70];
	v32 =	vmul.f32 v38, v32  }
0x3d4: {  	v38 =	vmul.f32 v15, v22;
	v25 =	vadd.f32 v35, v4;
	v4 =	vmul.f32 v10, v18;
	v10 =	vld [tilespmem:s7+$0x4C90]  }
0x3d5: {  	v22 =	vmul.f32 v59, v57;
	v57 =	vld [tilespmem:$0x1FE80];
	v39 =	vmul.f32 v53, v39  }
0x3d6: {  	v53 =	vld [tilespmem:$0x1FD60]  }
0x3d7: {  	v4 =	vadd.f32 $0.0e+00, v4;
	v18 =	vadd.f32 v39, v37;
	v37 =	vld [tilespmem:s7+$0xCB0]  }
0x3d8: {  	v39 =	vld [tilespmem:s7+$0x4CC0]  }
0x3d9: {  	v4 =	vadd.f32 v9, v4;
	v10 =	vmul.f32 v10, v44;
	v44 =	vmul.f32 v48, v52;
	v48 =	vld [tilespmem:$0x1FDA0]  }
0x3da: {  	v52 =	vld [tilespmem:s7+$0xCE0]  }
0x3db: {  	v4 =	vadd.f32 v47, v4;
	v47 =	vld [tilespmem:s7+$0x4CD0]  }
0x3dc: {  	v32 =	vadd.f32 $0.0e+00, v32;
	v35 =	vmul.f32 v43, v53;
	v53 =	vld [tilespmem:$0x1FD80]  }
0x3dd: {  	v43 =	vld [tilespmem:$0x1FD90]  }
0x3de: {  	v17 =	vmul.f32 v17, v34;
	v10 =	vadd.f32 v10, v32;
	v32 =	vmul.f32 v50, v62;
	v62 =	vld [tilespmem:s7+$0x50A0]  }
0x3df: {  	v14 =	vmul.f32 v14, v37;
	v37 =	vld [tilespmem:s7+$0x4CF0]  }
0x3e0: {  	v10 =	vadd.f32 v17, v10;
	v34 =	vmul.f32 v39, v36;
	v39 =	vld [tilespmem:s7+$0x1080]  }
0x3e1: {  	v36 =	vmul.f32 v12, v21;
	v21 =	vld [tilespmem:s7+$0x10B0]  }
0x3e2: {  	v18 =	vadd.f32 v35, v18;
	v10 =	vadd.f32 v14, v10;
	v35 =	vmul.f32 v43, v53;
	v43 =	vld [tilespmem:s7+$0xCD0]  }
0x3e3: {  	v53 =	vmul.f32 v46, v49;
	v49 =	vld [tilespmem:$0x1FDB0]  }
0x3e4: {  	v10 =	vadd.f32 v34, v10;
	v34 =	vld [tilespmem:s7+$0x10C0]  }
0x3e5: {  	v4 =	vadd.f32 v38, v4;
	v46 =	vmul.f32 v16, v23;
	v19 =	vadd.f32 v53, v30;
	v30 =	vld [tilespmem:s7+$0x4CE0]  }
0x3e6: {  	v18 =	vadd.f32 v35, v18;
	v35 =	vld [tilespmem:s7+$0xCF0]  }
0x3e7: {  	v4 =	vadd.f32 v46, v4;
	v46 =	vld [tilespmem:s7+$0x5080]  }
0x3e8: {  	v53 =	vmul.f32 v11, v24;
	v24 =	vld [tilespmem:s7+$0x50B0]  }
0x3e9: {  	v38 =	vmul.f32 v47, v43;
	v47 =	vld [tilespmem:$0x1FDC0]  }
0x3ea: {  	v19 =	vadd.f32 v44, v19;
	v23 =	vmul.f32 v49, v48;
	v48 =	vld [tilespmem:$0x1FDD0]  }
0x3eb: {  	v4 =	vadd.f32 v53, v4;
	v49 =	vld [tilespmem:s7+$0x1090]  }
0x3ec: {  	v19 =	vadd.f32 v32, v19;
	v32 =	vld [tilespmem:$0x1FE00]  }
0x3ed: {  	v4 =	vadd.f32 v36, v4;
	v36 =	vmul.f32 v41, v26;
	v26 =	vld [tilespmem:$0x1FF10]  }
0x3ee: {  	v11 =	vmul.f32 v30, v52;
	v52 =	vmul.f32 v61, v58;
	v58 =	vld [tilespmem:s7+$0x10A0]  }
0x3ef: {  	v30 =	vld [tilespmem:$0x1FDE0]  }
0x3f0: {  	v61 =	vmul.f32 v7, v31;
	v31 =	vld [tilespmem:$0x1FDF0]  }
0x3f1: {  	v53 =	vmul.f32 v37, v35;
	v37 =	vld [tilespmem:s7+$0x50C0]  }
0x3f2: {  	v43 =	vmul.f32 v63, v60;
	v63 =	vmul.f32 v46, v39;
	v39 =	vld [tilespmem:s7+$0x10D0]  }
0x3f3: {  	v18 =	vadd.f32 v23, v18;
	v23 =	vmul.f32 v8, v40;
	v40 =	vld [tilespmem:$0x1FE10]  }
0x3f4: {  	v44 =	vmul.f32 v20, v13;
	v46 =	vld [tilespmem:s7+$0x10E0]  }
0x3f5: {  	v10 =	vadd.f32 v38, v10;
	v38 =	vmul.f32 v56, v55;
	v55 =	vld [tilespmem:s7+$0x10F0]  }
0x3f6: {  	v56 =	vld [tilespmem:s7+$0x50F0];
	v4 =	vadd.f32 v44, v4  }
0x3f7: {  	v50 =	vadd.f32 v43, v19;
	v43 =	vld [tilespmem:s7+$0x50D0];
	v10 =	vadd.f32 v11, v10  }
0x3f8: {  	v44 =	vld [tilespmem:$0x1FE20];
	v4 =	vadd.f32 v6, v4  }
0x3f9: {  	v20 =	vmul.f32 v48, v47;
	v47 =	vld [tilespmem:$0x1FE30];
	v10 =	vadd.f32 v53, v10  }
0x3fa: {  	v2 =	vmul.f32 v33, v2;
	v48 =	vld [tilespmem:$0x1FE40];
	v4 =	vadd.f32 v61, v4  }
0x3fb: {  	v0 =	vmul.f32 v0, v5;
	v9 =	vmul.f32 v51, v49;
	v51 =	vld [tilespmem:$0x1FE50];
	v10 =	vadd.f32 v63, v10  }
0x3fc: {  	v1 =	vmul.f32 v1, v3;
	v17 =	vadd.f32 v52, v50;
	v52 =	vld [tilespmem:$0x1FE60];
	v4 =	vadd.f32 v23, v4  }
0x3fd: {  	v8 =	vmul.f32 v24, v21;
	v53 =	vld [tilespmem:$0x1FE70];
	(xrf2) =	vadd.scan.msk.f32 $0xffff, v30;
	v7 =	vmul.f32 v62, v58;
	v9 =	vadd.f32 v9, v10  }
0x3fe: {  	v49 =	vmul.f32 v29, v45;
	v35 =	vadd.f32 v22, v17;
	v58 =	vld [tilespmem:$0x1FE90];
	(xrf2) =	vadd.scan.msk.f32 $0xffff, v40;
	v4 =	vadd.f32 v36, v4  }
0x3ff: {  	v21 =	vld [tilespmem:$0x1FED0];
	v60 =	vadd.f32 v20, v18;
	v18 =	vmul.f32 v32, v31;
	(xrf2) =	vadd.scan.msk.f32 $0xffff, v44;
	v7 =	vadd.f32 v7, v9  }
0x400: {  	v50 =	vld [tilespmem:s7+$0x50E0];
	v6 =	vmul.f32 v43, v39;
	v14 =	vadd.f32 v38, v35;
	(xrf2) =	vadd.scan.msk.f32 $0xffff, v47;
	v2 =	vadd.f32 v2, v4  }
0x401: {  	v24 =	vld [tilespmem:$0x1FEF0];
	v13 =	vmul.f32 v54, v48;
	v54 =	vmul.f32 v37, v34;
	(xrf2) =	vadd.scan.msk.f32 $0xffff, v51;
	v7 =	vadd.f32 v8, v7  }
0x402: {  	v39 =	vld [tilespmem:$0x1FFF0];
	v41 =	vadd.f32 v18, v60;
	v17 =	vmul.f32 v53, v52;
	(xrf2) =	vadd.scan.msk.f32 $0xffff, v28;
	v2 =	vadd.f32 v49, v2  }
0x403: {  	v29 =	vld [tilespmem:$0x1FF20];
	v13 =	vadd.f32 v13, v14;
	(xrf2) =	vadd.scan.msk.f32 $0xffff, v27;
	v4 =	vmul.f32 v58, v57;
	v59 =	vadd.f32 v54, v7  }
0x404: {  	v16 =	vmov s6;
	v9 =	vld [tilespmem:$0x1FEA0];
	v60 =	vadd.f32 v17, v41;
	(xrf2) =	vadd.scan.msk.f32 $0xffff, v42;
	v0 =	vadd.f32 v0, v2  }
0x405: {  	v18 =	vld [tilespmem:$0x1FEC0];
	v63 =	vmul.f32 v50, v46;
	(xrf2) =	vadd.scan.msk.f32 $0xffff, v25;
	v61 =	vadd.f32 v4, v13;
	v62 =	vadd.f32 v6, v59  }
0x406: {  	v4 =	vshll.u32 v16, $0x3;
	v25 =	vld [tilespmem:$0x1FF00];
	(xrf2) =	vadd.scan.msk.f32 $0xffff, v60;
	v0 =	vadd.f32 v1, v0  }
0x407: {  	v11 =	vmul.f32 v56, v55;
	v30 =	vld [tilespmem:$0x1FF30];
	v46 =	vor.u32 v39, v4;
	v8, _, _ =	vpop (xrf2);
	(xrf2) =	vadd.scan.msk.f32 $0xffff, v61;
	v10 =	vadd.f32 v63, v62  }
0x408: {  	v33 =	vld [tilespmem:$0x1FF40];
	v7 =	vmul.f32 $5.000000000e-01, v21;
	v48 =	vor.u32 $0x1, v46;
	v5 =	vbroadcast v8, $0xF;
	v19, _, _ =	vpop (xrf2);
	(xrf2) =	vadd.scan.msk.f32 $0xffff, v0  }
0x409: {  	v1 =	vadd.f32 v9, v9;
	v20, _, _ =	vpop (xrf2);
	v6 =	vbroadcast v19, $0xF;
	v2 =	vadd.f32 v11, v10  }
0x40a: {  	v9 =	vmul.f32 $5.000000000e-01, v24;
	v5 =	vsel vm3, v18, v5;
	v22, _, _ =	vpop (xrf2);
	v0 =	vbroadcast v20, $0xF  }
0x40b: {  	v5 =	vsel vm4, v5, v6;
	v3 =	vbroadcast v22, $0xF;
	v27, _, _ =	vpop (xrf2);
	v10 =	vadd.f32 v26, v25;
	(xrf2) =	vadd.scan.msk.f32 $0xffff, v2  }
0x40c: {  	v55 =	vld [tilespmem:$0x1FF70];
	v28, _, _ =	vpop (xrf2);
	v11 =	vadd.f32 v30, v29;
	v31 =	vbroadcast v27, $0xF;
	v0 =	vsel vm5, v5, v0  }
0x40d: {  	v56 =	vld [tilespmem:$0x1FF80];
	v32, _, _ =	vpop (xrf2);
	v10 =	vmul.f32 v33, v10;
	v0 =	vsel vm6, v0, v3;
	v2 =	vbroadcast v28, $0xF  }
0x40e: {  	v23 =	vld [tilespmem:$0x1FEE0];
	v34, _, _ =	vpop (xrf2);
	v11 =	vmul.f32 v33, v11;
	v35 =	vbroadcast v32, $0xF;
	v0 =	vsel vm7, v0, v31  }
0x40f: {  	v53 =	vld [tilespmem:$0x1FF60];
	v36, _, _ =	vpop (xrf2);
	v37 =	vbroadcast v34, $0xF;
	v7 =	vsub.f32 v7, v10;
	v0 =	vsel vm8, v0, v2  }
0x410: {  	v17 =	vld [tilespmem:$0x1FEB0];
	v38, _, _ =	vpop (xrf2);
	v9 =	vsub.f32 v9, v11;
	v40 =	vbroadcast v36, $0xF;
	v0 =	vsel vm9, v0, v35  }
0x411: {  	v49 =	vld [tilespmem:$0x1FF50];
	v41, _, _ =	vpop (xrf2);
	v42 =	vbroadcast v38, $0xF;
	v7 =	vmul.f32 v7, v7;
	v0 =	vsel vm10, v0, v37  }
0x412: {  	v58 =	vld [tilespmem:$0x1FF90];
	v9 =	vmul.f32 v9, v9;
	v44 =	vbroadcast v41, $0xF;
	v0 =	vsel vm11, v0, v40;
	v43, _, _ =	vpop (xrf2)  }
0x413: {  	v60 =	vld [tilespmem:$0x1FFB0];
	v51 =	vor.u32 $0x2, v46;
	v0 =	vsel vm12, v0, v42;
	v45 =	vbroadcast v43, $0xF  }
0x414: {  	v52 =	vor.u32 $0x3, v46;
	v59 =	vld [tilespmem:$0x1FFA0];
	v47 =	vadd.f32 v9, v7;
	v0 =	vsel vm13, v0, v44  }
0x415: {  	v8 =	vadd.f32 v23, v23;
	v1 =	vmul.f32 v1, v17;
	v0 =	vsel vm14, v0, v45;
	v50, _, _ =	vpop (xrf2)  }
0x416: {  	v6 =	vmul.f32 v33, v49;
	v4 =	vmul.f32 v47, v33;
	v0 =	vsel vm15, v0, v50  }
0x417: {  	v54 =	vor.u32 $0x4, v46;
	v8 =	vmul.f32 v8, v17;
	v0 =	vmul.f32 v0, v53  }
0x418: {  	v57 =	vor.u32 $0x5, v46;
	[tilespmem:v46+s0+$0x0] =	vst.idx.msk $0xffff, v1;
	v10 =	vmul.f32 v56, v55;
	v4 =	vsub.f32 v4, v6  }
0x419: {  	v61 =	vor.u32 $0x6, v46;
	[tilespmem:v48+s0+$0x0] =	vst.idx.msk $0xffff, v8;
	v6 =	vmul.f32 v59, v58;
	v0 =	vmul.f32 v0, v60  }
0x41a: {  	p0 =	sne.s32 s5, $0x3;
	v3 =	vor.u32 $0x7, v46;
	[tilespmem:v51+s0+$0x0] =	vst.idx.msk $0xffff, v10;
	v4 =	vadd.f32 $1.000000000e+00, v4  }
.Ltmp0:
0x41b: {  	[tilespmem:v52+s0+$0x0] =	vst.idx.msk $0xffff, v6;
	v0 =	vsub.f32 $1.000000000e+00, v0;
	(pc) =	sbr.rel @p0 .LBB2_3-.Ltmp0, $4  }
0x41c: {  	[tilespmem:v54+s0+$0x0] =	vst.idx.msk $0xffff, v4  }
0x41d: {  	v62 =	vimm.f32 $0.0e+00;
	[tilespmem:v57+s0+$0x0] =	vst.idx.msk $0xffff, v0  }
0x41e: {  	v63 =	vimm.f32 $0.0e+00;
	[tilespmem:v61+s0+$0x0] =	vst.idx.msk $0xffff, v62  }
0x41f: {  	s5 =	sadd.s32 $0x1, s5;
	[tilespmem:v3+s0+$0x0] =	vst.idx.msk $0xffff, v63  }
0x420: {  	s10 =	sadd.s32 $0x1, s10  }
0x421: {  	s5 =	rddreg [dreg:$0x2];
	p0 =	sne.s32 s10, $0xA2  }
.Ltmp1:
0x422: {  	s2 =	sadd.s32 s5, s2;
	(pc) =	sbr.rel @p0 .LBB2_2-.Ltmp1, $4  }
0x423: {  	[hbm4b:s2+s4] =	stream.linear.scatter [tilespmem:s0], [sflag:$0x3], $0x200, $0x38;
	[tilespmem:$0x1E680] =	vst v63  }
0x424: {  	_ =	swait.ge [sflag:s19], $0x200  }
0x425: {  	[sflag:s19] =	ssyncset.done $0x0  }
0x426: {  	[sflag:s19] =	ssyncadd.s32 $0xFFFFFE00  }
0x427: {  	s5 =	rddreg [dreg:$0xd]  }
0x428: {  	s2 =	rddreg [dreg:$0xc];
	s5 =	sadd.s32 $0x1, s5  }
0x429: {  	p0 =	sne.s32 s5, s2  }
.Ltmp2:
0x42a: {  	_ = 	snop;
	(pc) =	sbr.rel @p0 .LBB2_1-.Ltmp2, $1  }
0x42b: {  	_ =	sdelay $0x3  }
0x42c: {  	_ =	sfence.sel $0x180000  }
0x42d: {  	[bflag:$0x0] =	sbarrier.arrive $0xFFFF  }
0x42e: {  	_ =	strace $0x90000047  }
0x42f: {  	s0 =	stileid.u32;
	[bflag:$0x2] =	sbarrier.arrive $0xFFFF  }
0x430: {  	p0 =	sne.s32 s0, $0x0;
	s0 =	rddreg [dreg:$0x3]  }
0x431: {  	s0 =	sadd.s32 @!p0 $0x100000, s0  }
0x432: {  	[sflag:s0] =	ssyncadd.tile.s32 @!p0 $0x1;
	_ =	shalt  }
.Lfunc_end2:
_tile_overlayer_lowered:
.L_overlay_start_2:
0x433: {  	(tag) =	ssettag $0x2  }
0x434: {  	s0 =	rddreg [dreg:$0x0];
	s2 =	stileid.u32  }
0x435: {  	s1 =	rddreg [dreg:$0x1];
	p0 =	sne.s32 s2, $0x0  }
0x436: {  	s3 =	rddreg [dreg:$0x2];
	[bflag:$0x3] =	sbarrier.arrive $0xFFFF;
	s2 =	simm.s32 @!p0 $0x1C03  }
0x437: {  	[timem:s3], [sflag:s2] =	dma.local @!p0 [hbm:s0], s1  }
0x438: {  	s0 =	simm.s32 @!p0 $0x3  }
0x439: {  	_ =	swait.ge @!p0 [sflag:s0], s1  }
0x43a: {  	s1 =	ssub.s32 @!p0 $0x0, s1;
	[sflag:s0] =	ssyncset.done @!p0 $0x0  }
0x43b: {  	[sflag:s0] =	ssyncadd.s32 @!p0 s1  }
0x43c: {  	[bflag:$0x3] =	sbarrier.arrive $0xFFFF  }
0x43d: {  	_ =	shalt  }

</sc_bundles>
